<compile_context>
chip_gen: v7x
topology: tpu7x:2x2x1
jax: 0.10.2.dev20260603
libtpu: 0.0.44.dev20260713+nightly
codegen_flags: <defaults>
</compile_context>

<pallas_src>
import jax
import jax.numpy as jnp
import numpy as np
from jax import lax
from jax.experimental import pallas as pl
from jax.experimental.pallas import tpu as pltpu
from jax.experimental.pallas import tpu_sc as plsc

NC, NS, L = 2, 16, 16
NW = NC * NS

VOCAB = 100000
BATCH, SEQ = 4096, 200
EMBED, HIDDEN = 128, 128
EMBED_W = EMBED // 2
SEQ_HALF = SEQ // 2
ROWS_PER_W = BATCH // NW
NCHUNK = EMBED // L

VROWS_PER_W = VOCAB // NW
VBLK = 125


def _pack16(x32f_lo, x32f_hi):
    ulo = lax.bitcast_convert_type(x32f_lo, jnp.int32)
    uhi = lax.bitcast_convert_type(x32f_hi, jnp.int32)
    lo16 = lax.shift_right_logical(ulo + 0x8000, 16)
    hi16 = jnp.bitwise_and(uhi + 0x8000, jnp.int32(-65536))
    return jnp.bitwise_or(lo16, hi16)


def _conv_body(table_hbm, out_hbm, in_v, out_v, isem0, isem1, osem0, osem1):
    wid = lax.axis_index("s") * NC + lax.axis_index("c")
    base = wid * VROWS_PER_W
    isems = (isem0, isem1)
    osems = (osem0, osem1)

    def issue(slot, t):
        pltpu.async_copy(table_hbm.at[pl.ds(base + VBLK * t, VBLK)],
                         in_v.at[slot], isems[slot])

    def wait_in(slot, t):
        pltpu.make_async_copy(table_hbm.at[pl.ds(base + VBLK * t, VBLK)],
                              in_v.at[slot], isems[slot]).wait()

    issue(0, 0)

    def block_step(t2, carry):
        for sub in range(2):
            t = 2 * t2 + sub
            slot = sub

            @pl.when(t + 1 < VROWS_PER_W // VBLK)
            def _():
                issue(1 - slot, t + 1)

            wait_in(slot, t)

            def row_step(r5, c2):
                for rr in range(5):
                    r = 5 * r5 + rr
                    for c in range(EMBED_W // L):
                        lo = in_v[slot, r, pl.ds(L * c, L)]
                        hi = in_v[slot, r, pl.ds(EMBED_W + L * c, L)]
                        out_v[slot, r, pl.ds(L * c, L)] = _pack16(lo, hi)
                return c2

            lax.fori_loop(0, VBLK // 5, row_step, 0)

            @pl.when(t2 > 0)
            def _():
                pltpu.make_async_copy(
                    out_v.at[slot],
                    out_hbm.at[pl.ds(base + VBLK * t, VBLK)],
                    osems[slot]).wait()

            pltpu.async_copy(out_v.at[slot],
                             out_hbm.at[pl.ds(base + VBLK * t, VBLK)],
                             osems[slot])
        return carry

    nblk = VROWS_PER_W // VBLK
    lax.fori_loop(0, nblk // 2, block_step, 0)
    t = nblk - 1
    wait_in(0, t)

    def row_step_t(r5, c2):
        for rr in range(5):
            r = 5 * r5 + rr
            for c in range(EMBED_W // L):
                lo = in_v[0, r, pl.ds(L * c, L)]
                hi = in_v[0, r, pl.ds(EMBED_W + L * c, L)]
                out_v[0, r, pl.ds(L * c, L)] = _pack16(lo, hi)
        return c2

    lax.fori_loop(0, VBLK // 5, row_step_t, 0)
    pltpu.make_async_copy(out_v.at[0],
                          out_hbm.at[pl.ds(base + VBLK * (t - 2), VBLK)],
                          osems[0]).wait()
    pltpu.make_async_copy(out_v.at[1],
                          out_hbm.at[pl.ds(base + VBLK * (t - 1), VBLK)],
                          osems[1]).wait()
    pltpu.async_copy(out_v.at[0], out_hbm.at[pl.ds(base + VBLK * t, VBLK)],
                     osems[0])
    pltpu.make_async_copy(out_v.at[0],
                          out_hbm.at[pl.ds(base + VBLK * t, VBLK)],
                          osems[0]).wait()


_conv = pl.kernel(
    _conv_body,
    out_type=jax.ShapeDtypeStruct((VOCAB, EMBED_W), jnp.int32),
    mesh=plsc.VectorSubcoreMesh(core_axis_name="c", subcore_axis_name="s",
                                num_cores=NC, num_subcores=NS),
    compiler_params=pltpu.CompilerParams(use_tc_tiling_on_sc=False),
    scratch_types=[
        pltpu.VMEM((2, VBLK, EMBED), jnp.float32),
        pltpu.VMEM((2, VBLK, EMBED_W), jnp.int32),
        pltpu.SemaphoreType.DMA,
        pltpu.SemaphoreType.DMA,
        pltpu.SemaphoreType.DMA,
        pltpu.SemaphoreType.DMA,
    ],
)


def _pool_body(ids_hbm, table_hbm, out_hbm, idx_all, rows_v, acc_v,
               s00, s01, s10, s11, s20, s21, s30, s31,
               osem0, osem1, osem2, osem3):
    wid = lax.axis_index("s") * NC + lax.axis_index("c")
    base = wid * ROWS_PER_W
    sems = ((s00, s01), (s10, s11), (s20, s21), (s30, s31))
    osems = (osem0, osem1, osem2, osem3)

    pltpu.sync_copy(ids_hbm.at[pl.ds(base, ROWS_PER_W)], idx_all)

    def issue(slot, r):
        for j in range(2):
            pltpu.async_copy(table_hbm.at[idx_all.at[r, j]],
                             rows_v.at[slot, j], sems[slot][j])

    def wait(slot, r, j):
        pltpu.make_async_copy(table_hbm.at[idx_all.at[r, j]],
                              rows_v.at[slot, j], sems[slot][j]).wait()

    def chunk_reduce(slot, j, acc0):
        def seq_step(s, acc):
            acc = list(acc)
            for u in range(2):
                for k2 in range(NCHUNK // 2):
                    x32 = rows_v[slot, j, 2 * s + u, pl.ds(L * k2, L)]
                    a = lax.bitcast_convert_type(
                        lax.shift_left(x32, 16), jnp.float32)
                    bb = lax.bitcast_convert_type(
                        jnp.bitwise_and(x32, jnp.int32(-65536)),
                        jnp.float32)
                    acc[2 * k2] = acc[2 * k2] + a
                    acc[2 * k2 + 1] = acc[2 * k2 + 1] + bb
            return tuple(acc)

        return lax.fori_loop(0, SEQ_HALF // 2, seq_step, acc0)

    def reduce_store(slot, r, i):
        wait(slot, r, 0)
        acc = chunk_reduce(
            slot, 0, tuple(jnp.zeros((L,), jnp.float32)
                           for _ in range(NCHUNK)))
        wait(slot, r, 1)
        acc = chunk_reduce(slot, 1, acc)

        @pl.when(i > 0)
        def _():
            pltpu.make_async_copy(acc_v.at[slot], out_hbm.at[base + r],
                                  osems[slot]).wait()

        for k in range(NCHUNK):
            acc_v[slot, pl.ds(L * k, L)] = acc[k] * (1.0 / SEQ)
        pltpu.async_copy(acc_v.at[slot], out_hbm.at[base + r], osems[slot])

    issue(0, 0)
    issue(1, 1)

    def quad_step(i, carry):
        r0 = 4 * i
        issue(2, r0 + 2)
        issue(3, r0 + 3)
        reduce_store(0, r0, i)
        reduce_store(1, r0 + 1, i)

        @pl.when(r0 + 4 < ROWS_PER_W)
        def _():
            issue(0, r0 + 4)
            issue(1, r0 + 5)

        reduce_store(2, r0 + 2, i)
        reduce_store(3, r0 + 3, i)
        return carry

    lax.fori_loop(0, ROWS_PER_W // 4, quad_step, 0)

    last = ROWS_PER_W - 4
    for slot in range(4):
        pltpu.make_async_copy(acc_v.at[slot], out_hbm.at[base + last + slot],
                              osems[slot]).wait()


_pool = pl.kernel(
    _pool_body,
    out_type=jax.ShapeDtypeStruct((BATCH, EMBED), jnp.float32),
    mesh=plsc.VectorSubcoreMesh(core_axis_name="c", subcore_axis_name="s",
                                num_cores=NC, num_subcores=NS),
    compiler_params=pltpu.CompilerParams(use_tc_tiling_on_sc=False),
    scratch_types=[
        pltpu.VMEM((ROWS_PER_W, 2, SEQ_HALF), jnp.int32),
        pltpu.VMEM((4, 2, SEQ_HALF, EMBED_W), jnp.int32),
        pltpu.VMEM((4, EMBED), jnp.float32),
    ] + [pltpu.SemaphoreType.DMA] * 12,
)


def _linear_body(p_ref, w_ref, b_ref, o_ref):
    o_ref[...] = lax.dot_general(
        p_ref[...], w_ref[...], (((1,), (1,)), ((), ())),
        preferred_element_type=jnp.float32) + b_ref[...]


_PERM = np.concatenate(
    [np.concatenate([16 * k2 + np.arange(16),
                     64 + 16 * k2 + np.arange(16)])
     for k2 in range(4)]).astype(np.int32)


def kernel(input_ids, table, W, b):
    ids2 = input_ids.astype(jnp.int32).reshape(BATCH, 2, SEQ_HALF)
    packed = _conv(table)
    pooled = _pool(ids2, packed)
    out = pl.pallas_call(
        _linear_body,
        out_shape=jax.ShapeDtypeStruct((BATCH, HIDDEN), jnp.float32),
        grid=(BATCH // 1024,),
        in_specs=[
            pl.BlockSpec((1024, EMBED), lambda i: (i, 0)),
            pl.BlockSpec((HIDDEN, EMBED), lambda i: (0, 0)),
            pl.BlockSpec((1, HIDDEN), lambda i: (0, 0)),
        ],
        out_specs=pl.BlockSpec((1024, HIDDEN), lambda i: (i, 0)),
    )(pooled, W[:, _PERM], b.reshape(1, HIDDEN))
    return out

# --- scband reference (transcript-rebuilt; emitter-appended) ---
"""Pipeline reference for scband-simple-encoder-13451837571249 (READ-ONLY COPY).

The authoritative reference and input builder live on the scoring server;
editing this copy changes nothing except your own understanding.
"""

import jax, jax.numpy as jnp
import numpy as np

VOCAB = 100000
EMBED = 128
HIDDEN = 128
BATCH = 4096
SEQ = 200

def setup_inputs(seed: int = 0) -> dict:
    key = jax.random.key(seed)
    k_ids, k_tab, k_w, k_b = jax.random.split(key, 4)
    input_ids = jax.random.randint(k_ids, (BATCH, SEQ), 0, VOCAB, dtype=jnp.int64 if jax.config.read('jax_enable_x64') else jnp.int32)
    table = jax.random.normal(k_tab, (VOCAB, EMBED), dtype=jnp.float32)
    # torch Linear default init: uniform(-1/sqrt(fan_in), 1/sqrt(fan_in))
    bound = 1.0 / np.sqrt(EMBED)
    W = jax.random.uniform(k_w, (HIDDEN, EMBED), minval=-bound, maxval=bound, dtype=jnp.float32)
    b = jax.random.uniform(k_b, (HIDDEN,), minval=-bound, maxval=bound, dtype=jnp.float32)
    return {"input_ids": input_ids, "table": table, "W": W, "b": b}

def reference(input_ids, table, W, b):
    # embedding lookup (gather)
    embedded = jnp.take(table, input_ids, axis=0)          # [B, S, E]
    pooled = jnp.mean(embedded, axis=1)                     # [B, E]
    output = pooled @ W.T + b                               # [B, H]
    return output

if __name__ == "__main__":
    import jax
    _d = setup_inputs()
    print(jax.jit(kernel)(*tuple(_d.values())))

</pallas_src>

<mosaic_0001>
#map = affine_map<(d0, d1) -> (0, 0, 0)>
#map1 = affine_map<(d0, d1) -> (0, 0)>
module attributes {stable_mosaic.version = 14 : i64} {
  func.func @_pool_body(%arg0: i32, %arg1: i32, %arg2: memref<4096x2x100xi32, #tpu.memory_space<hbm>>, %arg3: memref<100000x64xi32, #tpu.memory_space<hbm>>, %arg4: memref<4096x128xf32, #tpu.memory_space<hbm>>, %arg5: memref<128x2x100xi32, #tpu.memory_space<vmem>>, %arg6: memref<4x2x100x64xi32, #tpu.memory_space<vmem>>, %arg7: memref<4x128xf32, #tpu.memory_space<vmem>>, %arg8: memref<!tpu.dma_semaphore, #tpu.memory_space<semaphore_mem>>, %arg9: memref<!tpu.dma_semaphore, #tpu.memory_space<semaphore_mem>>, %arg10: memref<!tpu.dma_semaphore, #tpu.memory_space<semaphore_mem>>, %arg11: memref<!tpu.dma_semaphore, #tpu.memory_space<semaphore_mem>>, %arg12: memref<!tpu.dma_semaphore, #tpu.memory_space<semaphore_mem>>, %arg13: memref<!tpu.dma_semaphore, #tpu.memory_space<semaphore_mem>>, %arg14: memref<!tpu.dma_semaphore, #tpu.memory_space<semaphore_mem>>, %arg15: memref<!tpu.dma_semaphore, #tpu.memory_space<semaphore_mem>>, %arg16: memref<!tpu.dma_semaphore, #tpu.memory_space<semaphore_mem>>, %arg17: memref<!tpu.dma_semaphore, #tpu.memory_space<semaphore_mem>>, %arg18: memref<!tpu.dma_semaphore, #tpu.memory_space<semaphore_mem>>, %arg19: memref<!tpu.dma_semaphore, #tpu.memory_space<semaphore_mem>>) attributes {dimension_semantics = [#tpu.dimension_semantics<core_parallel>, #tpu.dimension_semantics<subcore_parallel>], iteration_bounds = array<i64: 2, 16>, scalar_prefetch = 0 : i64, scratch_operands = 15 : i64, tpu.core_type = #tpu.core_type<sc_vector_subcore>, window_params = [{transform_indices = #map}, {transform_indices = #map1}, {transform_indices = #map1}]} {
    %mul3A = arith.constant 2 : i32
    %mul3A_0 = arith.muli %arg1, %mul3A : i32
    %add3A = arith.addi %mul3A_0, %arg0 : i32
    %mul3A_1 = arith.constant 128 : i32
    %mul3A_2 = arith.muli %add3A, %mul3A_1 : i32
    "tpu.region"() ({
      %run_scoped3A = tpu.sem_alloc : memref<!tpu.dma_semaphore, #tpu.memory_space<semaphore_mem>>
      %dma_start3A_130 = arith.constant 0 : i32
      %dma_start3A_131 = arith.constant 0 : i32
      %dma_start3A_132 = tpu.memref_slice %arg2[%mul3A_2, %dma_start3A_130, %dma_start3A_131] : memref<4096x2x100xi32, #tpu.memory_space<hbm>> -> memref<128x2x100xi32, #tpu.memory_space<hbm>>
      %dma_start3A_133 = arith.constant 0 : i32
      %dma_start3A_134 = arith.constant 0 : i32
      %dma_start3A_135 = tpu.memref_slice %arg2[%mul3A_2, %dma_start3A_133, %dma_start3A_134] : memref<4096x2x100xi32, #tpu.memory_space<hbm>> -> memref<128x2x100xi32, #tpu.memory_space<hbm>>
      tpu.enqueue_dma source(%dma_start3A_135 : memref<128x2x100xi32, #tpu.memory_space<hbm>>) target(%arg5 : memref<128x2x100xi32, #tpu.memory_space<vmem>>) target_semaphore(%run_scoped3A : memref<!tpu.dma_semaphore, #tpu.memory_space<semaphore_mem>>)
      %dma_wait3A_136 = arith.constant 0 : i32
      %dma_wait3A_137 = arith.constant 0 : i32
      %dma_wait3A_138 = tpu.memref_slice %arg2[%mul3A_2, %dma_wait3A_136, %dma_wait3A_137] : memref<4096x2x100xi32, #tpu.memory_space<hbm>> -> memref<128x2x100xi32, #tpu.memory_space<hbm>>
      %dma_wait3A_139 = arith.constant 0 : i32
      %dma_wait3A_140 = arith.constant 0 : i32
      %dma_wait3A_141 = tpu.memref_slice %arg2[%mul3A_2, %dma_wait3A_139, %dma_wait3A_140] : memref<4096x2x100xi32, #tpu.memory_space<hbm>> -> memref<128x2x100xi32, #tpu.memory_space<hbm>>
      tpu.wait_dma2 semaphore(%run_scoped3A : memref<!tpu.dma_semaphore, #tpu.memory_space<semaphore_mem>>) src(%dma_wait3A_141 : memref<128x2x100xi32, #tpu.memory_space<hbm>>) dst(%arg5 : memref<128x2x100xi32, #tpu.memory_space<vmem>>)
      tpu.yield
    }) : () -> ()
    %dma_start3A = arith.constant 0 : i32
    %dma_start3A_3 = arith.constant 0 : i32
    %dma_start3A_4 = arith.constant 0 : i32
    %dma_start3A_5 = arith.constant 0 : i32
    %dma_start3A_6 = arith.constant 0 : i32
    %dma_start3A_7 = arith.constant 0 : i32
    %dma_start3A_8 = tpu.memref_slice %arg6[%dma_start3A_4, %dma_start3A_5, %dma_start3A_6, %dma_start3A_7] : memref<4x2x100x64xi32, #tpu.memory_space<vmem>> -> memref<1x1x100x64xi32, #tpu.memory_space<vmem>>
    %dma_start3A_9 = tpu.memref_squeeze %dma_start3A_8 : memref<1x1x100x64xi32, #tpu.memory_space<vmem>> -> memref<100x64xi32, #tpu.memory_space<vmem>>
    %dma_start3A_10 = arith.constant 0 : i32
    %dma_start3A_11 = tpu.memref_slice %arg5[%dma_start3A, %dma_start3A_3, %dma_start3A_10] : memref<128x2x100xi32, #tpu.memory_space<vmem>> -> memref<1x1x100xi32, #tpu.memory_space<vmem>>
    %dma_start3A_12 = tpu.memref_squeeze %dma_start3A_11 : memref<1x1x100xi32, #tpu.memory_space<vmem>> -> memref<100xi32, #tpu.memory_space<vmem>>
    %dma_start3A_13 = arith.constant 0 : i32
    %dma_start3A_14 = arith.constant 0 : i32
    %dma_start3A_15 = tpu.memref_slice %arg3[%dma_start3A_13, %dma_start3A_14] : memref<100000x64xi32, #tpu.memory_space<hbm>> -> memref<100000x64xi32, #tpu.memory_space<hbm>>
    tpu.enqueue_indirect_dma source(%dma_start3A_15 : memref<100000x64xi32, #tpu.memory_space<hbm>>) target(%dma_start3A_9 : memref<100x64xi32, #tpu.memory_space<vmem>>) offsets(%dma_start3A_12 : memref<100xi32, #tpu.memory_space<vmem>>) semaphore(%arg8 : memref<!tpu.dma_semaphore, #tpu.memory_space<semaphore_mem>>)
    %dma_start3A_16 = arith.constant 0 : i32
    %dma_start3A_17 = arith.constant 1 : i32
    %dma_start3A_18 = arith.constant 0 : i32
    %dma_start3A_19 = arith.constant 1 : i32
    %dma_start3A_20 = arith.constant 0 : i32
    %dma_start3A_21 = arith.constant 0 : i32
    %dma_start3A_22 = tpu.memref_slice %arg6[%dma_start3A_18, %dma_start3A_19, %dma_start3A_20, %dma_start3A_21] : memref<4x2x100x64xi32, #tpu.memory_space<vmem>> -> memref<1x1x100x64xi32, #tpu.memory_space<vmem>>
    %dma_start3A_23 = tpu.memref_squeeze %dma_start3A_22 : memref<1x1x100x64xi32, #tpu.memory_space<vmem>> -> memref<100x64xi32, #tpu.memory_space<vmem>>
    %dma_start3A_24 = arith.constant 0 : i32
    %dma_start3A_25 = tpu.memref_slice %arg5[%dma_start3A_16, %dma_start3A_17, %dma_start3A_24] : memref<128x2x100xi32, #tpu.memory_space<vmem>> -> memref<1x1x100xi32, #tpu.memory_space<vmem>>
    %dma_start3A_26 = tpu.memref_squeeze %dma_start3A_25 : memref<1x1x100xi32, #tpu.memory_space<vmem>> -> memref<100xi32, #tpu.memory_space<vmem>>
    %dma_start3A_27 = arith.constant 0 : i32
    %dma_start3A_28 = arith.constant 0 : i32
    %dma_start3A_29 = tpu.memref_slice %arg3[%dma_start3A_27, %dma_start3A_28] : memref<100000x64xi32, #tpu.memory_space<hbm>> -> memref<100000x64xi32, #tpu.memory_space<hbm>>
    tpu.enqueue_indirect_dma source(%dma_start3A_29 : memref<100000x64xi32, #tpu.memory_space<hbm>>) target(%dma_start3A_23 : memref<100x64xi32, #tpu.memory_space<vmem>>) offsets(%dma_start3A_26 : memref<100xi32, #tpu.memory_space<vmem>>) semaphore(%arg9 : memref<!tpu.dma_semaphore, #tpu.memory_space<semaphore_mem>>)
    %dma_start3A_30 = arith.constant 1 : i32
    %dma_start3A_31 = arith.constant 0 : i32
    %dma_start3A_32 = arith.constant 1 : i32
    %dma_start3A_33 = arith.constant 0 : i32
    %dma_start3A_34 = arith.constant 0 : i32
    %dma_start3A_35 = arith.constant 0 : i32
    %dma_start3A_36 = tpu.memref_slice %arg6[%dma_start3A_32, %dma_start3A_33, %dma_start3A_34, %dma_start3A_35] : memref<4x2x100x64xi32, #tpu.memory_space<vmem>> -> memref<1x1x100x64xi32, #tpu.memory_space<vmem>>
    %dma_start3A_37 = tpu.memref_squeeze %dma_start3A_36 : memref<1x1x100x64xi32, #tpu.memory_space<vmem>> -> memref<100x64xi32, #tpu.memory_space<vmem>>
    %dma_start3A_38 = arith.constant 0 : i32
    %dma_start3A_39 = tpu.memref_slice %arg5[%dma_start3A_30, %dma_start3A_31, %dma_start3A_38] : memref<128x2x100xi32, #tpu.memory_space<vmem>> -> memref<1x1x100xi32, #tpu.memory_space<vmem>>
    %dma_start3A_40 = tpu.memref_squeeze %dma_start3A_39 : memref<1x1x100xi32, #tpu.memory_space<vmem>> -> memref<100xi32, #tpu.memory_space<vmem>>
    %dma_start3A_41 = arith.constant 0 : i32
    %dma_start3A_42 = arith.constant 0 : i32
    %dma_start3A_43 = tpu.memref_slice %arg3[%dma_start3A_41, %dma_start3A_42] : memref<100000x64xi32, #tpu.memory_space<hbm>> -> memref<100000x64xi32, #tpu.memory_space<hbm>>
    tpu.enqueue_indirect_dma source(%dma_start3A_43 : memref<100000x64xi32, #tpu.memory_space<hbm>>) target(%dma_start3A_37 : memref<100x64xi32, #tpu.memory_space<vmem>>) offsets(%dma_start3A_40 : memref<100xi32, #tpu.memory_space<vmem>>) semaphore(%arg10 : memref<!tpu.dma_semaphore, #tpu.memory_space<semaphore_mem>>)
    %dma_start3A_44 = arith.constant 1 : i32
    %dma_start3A_45 = arith.constant 1 : i32
    %dma_start3A_46 = arith.constant 1 : i32
    %dma_start3A_47 = arith.constant 1 : i32
    %dma_start3A_48 = arith.constant 0 : i32
    %dma_start3A_49 = arith.constant 0 : i32
    %dma_start3A_50 = tpu.memref_slice %arg6[%dma_start3A_46, %dma_start3A_47, %dma_start3A_48, %dma_start3A_49] : memref<4x2x100x64xi32, #tpu.memory_space<vmem>> -> memref<1x1x100x64xi32, #tpu.memory_space<vmem>>
    %dma_start3A_51 = tpu.memref_squeeze %dma_start3A_50 : memref<1x1x100x64xi32, #tpu.memory_space<vmem>> -> memref<100x64xi32, #tpu.memory_space<vmem>>
    %dma_start3A_52 = arith.constant 0 : i32
    %dma_start3A_53 = tpu.memref_slice %arg5[%dma_start3A_44, %dma_start3A_45, %dma_start3A_52] : memref<128x2x100xi32, #tpu.memory_space<vmem>> -> memref<1x1x100xi32, #tpu.memory_space<vmem>>
    %dma_start3A_54 = tpu.memref_squeeze %dma_start3A_53 : memref<1x1x100xi32, #tpu.memory_space<vmem>> -> memref<100xi32, #tpu.memory_space<vmem>>
    %dma_start3A_55 = arith.constant 0 : i32
    %dma_start3A_56 = arith.constant 0 : i32
    %dma_start3A_57 = tpu.memref_slice %arg3[%dma_start3A_55, %dma_start3A_56] : memref<100000x64xi32, #tpu.memory_space<hbm>> -> memref<100000x64xi32, #tpu.memory_space<hbm>>
    tpu.enqueue_indirect_dma source(%dma_start3A_57 : memref<100000x64xi32, #tpu.memory_space<hbm>>) target(%dma_start3A_51 : memref<100x64xi32, #tpu.memory_space<vmem>>) offsets(%dma_start3A_54 : memref<100xi32, #tpu.memory_space<vmem>>) semaphore(%arg11 : memref<!tpu.dma_semaphore, #tpu.memory_space<semaphore_mem>>)
    %scan3A = arith.constant 0 : i32
    %scan3A_58 = arith.constant 0 : i32
    %scan3A_59 = arith.constant 32 : i32
    %scan3A_60 = arith.addi %scan3A_58, %scan3A_59 : i32
    %scan3A_61 = arith.constant 1 : i32
    scf.for %scan3A_130 = %scan3A_58 to %scan3A_60 step %scan3A_61  : i32 {
      %mul3A_131 = arith.constant 4 : i32
      %mul3A_132 = arith.muli %mul3A_131, %scan3A_130 : i32
      %add3A_133 = arith.constant 2 : i32
      %add3A_134 = arith.addi %mul3A_132, %add3A_133 : i32
      %dma_start3A_135 = arith.constant 0 : i32
      %dma_start3A_136 = arith.constant 2 : i32
      %dma_start3A_137 = arith.constant 0 : i32
      %dma_start3A_138 = arith.constant 0 : i32
      %dma_start3A_139 = arith.constant 0 : i32
      %dma_start3A_140 = tpu.memref_slice %arg6[%dma_start3A_136, %dma_start3A_137, %dma_start3A_138, %dma_start3A_139] : memref<4x2x100x64xi32, #tpu.memory_space<vmem>> -> memref<1x1x100x64xi32, #tpu.memory_space<vmem>>
      %dma_start3A_141 = tpu.memref_squeeze %dma_start3A_140 : memref<1x1x100x64xi32, #tpu.memory_space<vmem>> -> memref<100x64xi32, #tpu.memory_space<vmem>>
      %dma_start3A_142 = arith.constant 0 : i32
      %dma_start3A_143 = tpu.memref_slice %arg5[%add3A_134, %dma_start3A_135, %dma_start3A_142] : memref<128x2x100xi32, #tpu.memory_space<vmem>> -> memref<1x1x100xi32, #tpu.memory_space<vmem>>
      %dma_start3A_144 = tpu.memref_squeeze %dma_start3A_143 : memref<1x1x100xi32, #tpu.memory_space<vmem>> -> memref<100xi32, #tpu.memory_space<vmem>>
      %dma_start3A_145 = arith.constant 0 : i32
      %dma_start3A_146 = arith.constant 0 : i32
      %dma_start3A_147 = tpu.memref_slice %arg3[%dma_start3A_145, %dma_start3A_146] : memref<100000x64xi32, #tpu.memory_space<hbm>> -> memref<100000x64xi32, #tpu.memory_space<hbm>>
      tpu.enqueue_indirect_dma source(%dma_start3A_147 : memref<100000x64xi32, #tpu.memory_space<hbm>>) target(%dma_start3A_141 : memref<100x64xi32, #tpu.memory_space<vmem>>) offsets(%dma_start3A_144 : memref<100xi32, #tpu.memory_space<vmem>>) semaphore(%arg12 : memref<!tpu.dma_semaphore, #tpu.memory_space<semaphore_mem>>)
      %dma_start3A_148 = arith.constant 1 : i32
      %dma_start3A_149 = arith.constant 2 : i32
      %dma_start3A_150 = arith.constant 1 : i32
      %dma_start3A_151 = arith.constant 0 : i32
      %dma_start3A_152 = arith.constant 0 : i32
      %dma_start3A_153 = tpu.memref_slice %arg6[%dma_start3A_149, %dma_start3A_150, %dma_start3A_151, %dma_start3A_152] : memref<4x2x100x64xi32, #tpu.memory_space<vmem>> -> memref<1x1x100x64xi32, #tpu.memory_space<vmem>>
      %dma_start3A_154 = tpu.memref_squeeze %dma_start3A_153 : memref<1x1x100x64xi32, #tpu.memory_space<vmem>> -> memref<100x64xi32, #tpu.memory_space<vmem>>
      %dma_start3A_155 = arith.constant 0 : i32
      %dma_start3A_156 = tpu.memref_slice %arg5[%add3A_134, %dma_start3A_148, %dma_start3A_155] : memref<128x2x100xi32, #tpu.memory_space<vmem>> -> memref<1x1x100xi32, #tpu.memory_space<vmem>>
      %dma_start3A_157 = tpu.memref_squeeze %dma_start3A_156 : memref<1x1x100xi32, #tpu.memory_space<vmem>> -> memref<100xi32, #tpu.memory_space<vmem>>
      %dma_start3A_158 = arith.constant 0 : i32
      %dma_start3A_159 = arith.constant 0 : i32
      %dma_start3A_160 = tpu.memref_slice %arg3[%dma_start3A_158, %dma_start3A_159] : memref<100000x64xi32, #tpu.memory_space<hbm>> -> memref<100000x64xi32, #tpu.memory_space<hbm>>
      tpu.enqueue_indirect_dma source(%dma_start3A_160 : memref<100000x64xi32, #tpu.memory_space<hbm>>) target(%dma_start3A_154 : memref<100x64xi32, #tpu.memory_space<vmem>>) offsets(%dma_start3A_157 : memref<100xi32, #tpu.memory_space<vmem>>) semaphore(%arg13 : memref<!tpu.dma_semaphore, #tpu.memory_space<semaphore_mem>>)
      %add3A_161 = arith.constant 3 : i32
      %add3A_162 = arith.addi %mul3A_132, %add3A_161 : i32
      %dma_start3A_163 = arith.constant 0 : i32
      %dma_start3A_164 = arith.constant 3 : i32
      %dma_start3A_165 = arith.constant 0 : i32
      %dma_start3A_166 = arith.constant 0 : i32
      %dma_start3A_167 = arith.constant 0 : i32
      %dma_start3A_168 = tpu.memref_slice %arg6[%dma_start3A_164, %dma_start3A_165, %dma_start3A_166, %dma_start3A_167] : memref<4x2x100x64xi32, #tpu.memory_space<vmem>> -> memref<1x1x100x64xi32, #tpu.memory_space<vmem>>
      %dma_start3A_169 = tpu.memref_squeeze %dma_start3A_168 : memref<1x1x100x64xi32, #tpu.memory_space<vmem>> -> memref<100x64xi32, #tpu.memory_space<vmem>>
      %dma_start3A_170 = arith.constant 0 : i32
      %dma_start3A_171 = tpu.memref_slice %arg5[%add3A_162, %dma_start3A_163, %dma_start3A_170] : memref<128x2x100xi32, #tpu.memory_space<vmem>> -> memref<1x1x100xi32, #tpu.memory_space<vmem>>
      %dma_start3A_172 = tpu.memref_squeeze %dma_start3A_171 : memref<1x1x100xi32, #tpu.memory_space<vmem>> -> memref<100xi32, #tpu.memory_space<vmem>>
      %dma_start3A_173 = arith.constant 0 : i32
      %dma_start3A_174 = arith.constant 0 : i32
      %dma_start3A_175 = tpu.memref_slice %arg3[%dma_start3A_173, %dma_start3A_174] : memref<100000x64xi32, #tpu.memory_space<hbm>> -> memref<100000x64xi32, #tpu.memory_space<hbm>>
      tpu.enqueue_indirect_dma source(%dma_start3A_175 : memref<100000x64xi32, #tpu.memory_space<hbm>>) target(%dma_start3A_169 : memref<100x64xi32, #tpu.memory_space<vmem>>) offsets(%dma_start3A_172 : memref<100xi32, #tpu.memory_space<vmem>>) semaphore(%arg14 : memref<!tpu.dma_semaphore, #tpu.memory_space<semaphore_mem>>)
      %dma_start3A_176 = arith.constant 1 : i32
      %dma_start3A_177 = arith.constant 3 : i32
      %dma_start3A_178 = arith.constant 1 : i32
      %dma_start3A_179 = arith.constant 0 : i32
      %dma_start3A_180 = arith.constant 0 : i32
      %dma_start3A_181 = tpu.memref_slice %arg6[%dma_start3A_177, %dma_start3A_178, %dma_start3A_179, %dma_start3A_180] : memref<4x2x100x64xi32, #tpu.memory_space<vmem>> -> memref<1x1x100x64xi32, #tpu.memory_space<vmem>>
      %dma_start3A_182 = tpu.memref_squeeze %dma_start3A_181 : memref<1x1x100x64xi32, #tpu.memory_space<vmem>> -> memref<100x64xi32, #tpu.memory_space<vmem>>
      %dma_start3A_183 = arith.constant 0 : i32
      %dma_start3A_184 = tpu.memref_slice %arg5[%add3A_162, %dma_start3A_176, %dma_start3A_183] : memref<128x2x100xi32, #tpu.memory_space<vmem>> -> memref<1x1x100xi32, #tpu.memory_space<vmem>>
      %dma_start3A_185 = tpu.memref_squeeze %dma_start3A_184 : memref<1x1x100xi32, #tpu.memory_space<vmem>> -> memref<100xi32, #tpu.memory_space<vmem>>
      %dma_start3A_186 = arith.constant 0 : i32
      %dma_start3A_187 = arith.constant 0 : i32
      %dma_start3A_188 = tpu.memref_slice %arg3[%dma_start3A_186, %dma_start3A_187] : memref<100000x64xi32, #tpu.memory_space<hbm>> -> memref<100000x64xi32, #tpu.memory_space<hbm>>
      tpu.enqueue_indirect_dma source(%dma_start3A_188 : memref<100000x64xi32, #tpu.memory_space<hbm>>) target(%dma_start3A_182 : memref<100x64xi32, #tpu.memory_space<vmem>>) offsets(%dma_start3A_185 : memref<100xi32, #tpu.memory_space<vmem>>) semaphore(%arg15 : memref<!tpu.dma_semaphore, #tpu.memory_space<semaphore_mem>>)
      %dma_wait3A_189 = arith.constant 0 : i32
      %dma_wait3A_190 = arith.constant 0 : i32
      %dma_wait3A_191 = arith.constant 0 : i32
      %dma_wait3A_192 = arith.constant 0 : i32
      %dma_wait3A_193 = arith.constant 0 : i32
      %dma_wait3A_194 = tpu.memref_slice %arg6[%dma_wait3A_190, %dma_wait3A_191, %dma_wait3A_192, %dma_wait3A_193] : memref<4x2x100x64xi32, #tpu.memory_space<vmem>> -> memref<1x1x100x64xi32, #tpu.memory_space<vmem>>
      %dma_wait3A_195 = tpu.memref_squeeze %dma_wait3A_194 : memref<1x1x100x64xi32, #tpu.memory_space<vmem>> -> memref<100x64xi32, #tpu.memory_space<vmem>>
      %dma_wait3A_196 = arith.constant 0 : i32
      %dma_wait3A_197 = tpu.memref_slice %arg5[%mul3A_132, %dma_wait3A_189, %dma_wait3A_196] : memref<128x2x100xi32, #tpu.memory_space<vmem>> -> memref<1x1x100xi32, #tpu.memory_space<vmem>>
      %dma_wait3A_198 = tpu.memref_squeeze %dma_wait3A_197 : memref<1x1x100xi32, #tpu.memory_space<vmem>> -> memref<100xi32, #tpu.memory_space<vmem>>
      %dma_wait3A_199 = arith.constant 0 : i32
      %dma_wait3A_200 = arith.constant 0 : i32
      %dma_wait3A_201 = tpu.memref_slice %arg3[%dma_wait3A_199, %dma_wait3A_200] : memref<100000x64xi32, #tpu.memory_space<hbm>> -> memref<100000x64xi32, #tpu.memory_space<hbm>>
      tpu.wait_indirect_dma semaphore(%arg8 : memref<!tpu.dma_semaphore, #tpu.memory_space<semaphore_mem>>) src(%dma_wait3A_201 : memref<100000x64xi32, #tpu.memory_space<hbm>>) dst(%dma_wait3A_195 : memref<100x64xi32, #tpu.memory_space<vmem>>)
      %broadcast_in_dim3A = arith.constant 0.000000e+00 : f32
      %broadcast_in_dim3A_202 = vector.broadcast %broadcast_in_dim3A : f32 to vector<16xf32>
      %broadcast_in_dim3A_203 = arith.constant 0.000000e+00 : f32
      %broadcast_in_dim3A_204 = vector.broadcast %broadcast_in_dim3A_203 : f32 to vector<16xf32>
      %broadcast_in_dim3A_205 = arith.constant 0.000000e+00 : f32
      %broadcast_in_dim3A_206 = vector.broadcast %broadcast_in_dim3A_205 : f32 to vector<16xf32>
      %broadcast_in_dim3A_207 = arith.constant 0.000000e+00 : f32
      %broadcast_in_dim3A_208 = vector.broadcast %broadcast_in_dim3A_207 : f32 to vector<16xf32>
      %broadcast_in_dim3A_209 = arith.constant 0.000000e+00 : f32
      %broadcast_in_dim3A_210 = vector.broadcast %broadcast_in_dim3A_209 : f32 to vector<16xf32>
      %broadcast_in_dim3A_211 = arith.constant 0.000000e+00 : f32
      %broadcast_in_dim3A_212 = vector.broadcast %broadcast_in_dim3A_211 : f32 to vector<16xf32>
      %broadcast_in_dim3A_213 = arith.constant 0.000000e+00 : f32
      %broadcast_in_dim3A_214 = vector.broadcast %broadcast_in_dim3A_213 : f32 to vector<16xf32>
      %broadcast_in_dim3A_215 = arith.constant 0.000000e+00 : f32
      %broadcast_in_dim3A_216 = vector.broadcast %broadcast_in_dim3A_215 : f32 to vector<16xf32>
      %scan3A_217 = arith.constant 0 : i32
      %scan3A_218 = arith.constant 50 : i32
      %scan3A_219 = arith.addi %scan3A_217, %scan3A_218 : i32
      %scan3A_220 = arith.constant 1 : i32
      %scan3A_221:8 = scf.for %scan3A_776 = %scan3A_217 to %scan3A_219 step %scan3A_220 iter_args(%scan3A_777 = %broadcast_in_dim3A_202, %scan3A_778 = %broadcast_in_dim3A_204, %scan3A_779 = %broadcast_in_dim3A_206, %scan3A_780 = %broadcast_in_dim3A_208, %scan3A_781 = %broadcast_in_dim3A_210, %scan3A_782 = %broadcast_in_dim3A_212, %scan3A_783 = %broadcast_in_dim3A_214, %scan3A_784 = %broadcast_in_dim3A_216) -> (vector<16xf32>, vector<16xf32>, vector<16xf32>, vector<16xf32>, vector<16xf32>, vector<16xf32>, vector<16xf32>, vector<16xf32>)  : i32 {
        %mul3A_785 = arith.constant 2 : i32
        %mul3A_786 = arith.muli %mul3A_785, %scan3A_776 : i32
        %add3A_787 = arith.constant 0 : i32
        %add3A_788 = arith.addi %mul3A_786, %add3A_787 : i32
        %get3A = arith.constant 0 : i32
        %get3A_789 = arith.constant 0 : i32
        %get3A_790 = arith.index_cast %get3A : i32 to index
        %get3A_791 = arith.index_cast %get3A_789 : i32 to index
        %get3A_792 = arith.index_cast %add3A_788 : i32 to index
        %get3A_793 = arith.constant 0 : index
        %get3A_794 = tpu.vector_load %arg6[%get3A_790, %get3A_791, %get3A_792, %get3A_793] {strides = array<i32>} : memref<4x2x100x64xi32, #tpu.memory_space<vmem>>, vector<1x1x1x16xi32>,
        %get3A_795 = vector.shape_cast %get3A_794 : vector<1x1x1x16xi32> to vector<16xi32>
        %shift_left3A = arith.constant 16 : i32
        %shift_left3A_796 = vector.broadcast %shift_left3A : i32 to vector<16xi32>
        %shift_left3A_797 = arith.shli %get3A_795, %shift_left3A_796 : vector<16xi32>
        %bitcast_convert_type3A = tpu.bitcast %shift_left3A_797 : vector<16xi32> -> vector<16xf32>
        %and3A = arith.constant -65536 : i32
        %and3A_798 = vector.broadcast %and3A : i32 to vector<16xi32>
        %and3A_799 = arith.andi %get3A_795, %and3A_798 : vector<16xi32>
        %bitcast_convert_type3A_800 = tpu.bitcast %and3A_799 : vector<16xi32> -> vector<16xf32>
        %add3A_801 = arith.addf %scan3A_777, %bitcast_convert_type3A : vector<16xf32>
        %add3A_802 = arith.addf %scan3A_778, %bitcast_convert_type3A_800 : vector<16xf32>
        %mul3A_803 = arith.constant 2 : i32
        %mul3A_804 = arith.muli %mul3A_803, %scan3A_776 : i32
        %add3A_805 = arith.constant 0 : i32
        %add3A_806 = arith.addi %mul3A_804, %add3A_805 : i32
        %get3A_807 = arith.constant 0 : i32
        %get3A_808 = arith.constant 0 : i32
        %get3A_809 = arith.index_cast %get3A_807 : i32 to index
        %get3A_810 = arith.index_cast %get3A_808 : i32 to index
        %get3A_811 = arith.index_cast %add3A_806 : i32 to index
        %get3A_812 = arith.constant 16 : index
        %get3A_813 = tpu.vector_load %arg6[%get3A_809, %get3A_810, %get3A_811, %get3A_812] {strides = array<i32>} : memref<4x2x100x64xi32, #tpu.memory_space<vmem>>, vector<1x1x1x16xi32>,
        %get3A_814 = vector.shape_cast %get3A_813 : vector<1x1x1x16xi32> to vector<16xi32>
        %shift_left3A_815 = arith.constant 16 : i32
        %shift_left3A_816 = vector.broadcast %shift_left3A_815 : i32 to vector<16xi32>
        %shift_left3A_817 = arith.shli %get3A_814, %shift_left3A_816 : vector<16xi32>
        %bitcast_convert_type3A_818 = tpu.bitcast %shift_left3A_817 : vector<16xi32> -> vector<16xf32>
        %and3A_819 = arith.constant -65536 : i32
        %and3A_820 = vector.broadcast %and3A_819 : i32 to vector<16xi32>
        %and3A_821 = arith.andi %get3A_814, %and3A_820 : vector<16xi32>
        %bitcast_convert_type3A_822 = tpu.bitcast %and3A_821 : vector<16xi32> -> vector<16xf32>
        %add3A_823 = arith.addf %scan3A_779, %bitcast_convert_type3A_818 : vector<16xf32>
        %add3A_824 = arith.addf %scan3A_780, %bitcast_convert_type3A_822 : vector<16xf32>
        %mul3A_825 = arith.constant 2 : i32
        %mul3A_826 = arith.muli %mul3A_825, %scan3A_776 : i32
        %add3A_827 = arith.constant 0 : i32
        %add3A_828 = arith.addi %mul3A_826, %add3A_827 : i32
        %get3A_829 = arith.constant 0 : i32
        %get3A_830 = arith.constant 0 : i32
        %get3A_831 = arith.index_cast %get3A_829 : i32 to index
        %get3A_832 = arith.index_cast %get3A_830 : i32 to index
        %get3A_833 = arith.index_cast %add3A_828 : i32 to index
        %get3A_834 = arith.constant 32 : index
        %get3A_835 = tpu.vector_load %arg6[%get3A_831, %get3A_832, %get3A_833, %get3A_834] {strides = array<i32>} : memref<4x2x100x64xi32, #tpu.memory_space<vmem>>, vector<1x1x1x16xi32>,
        %get3A_836 = vector.shape_cast %get3A_835 : vector<1x1x1x16xi32> to vector<16xi32>
        %shift_left3A_837 = arith.constant 16 : i32
        %shift_left3A_838 = vector.broadcast %shift_left3A_837 : i32 to vector<16xi32>
        %shift_left3A_839 = arith.shli %get3A_836, %shift_left3A_838 : vector<16xi32>
        %bitcast_convert_type3A_840 = tpu.bitcast %shift_left3A_839 : vector<16xi32> -> vector<16xf32>
        %and3A_841 = arith.constant -65536 : i32
        %and3A_842 = vector.broadcast %and3A_841 : i32 to vector<16xi32>
        %and3A_843 = arith.andi %get3A_836, %and3A_842 : vector<16xi32>
        %bitcast_convert_type3A_844 = tpu.bitcast %and3A_843 : vector<16xi32> -> vector<16xf32>
        %add3A_845 = arith.addf %scan3A_781, %bitcast_convert_type3A_840 : vector<16xf32>
        %add3A_846 = arith.addf %scan3A_782, %bitcast_convert_type3A_844 : vector<16xf32>
        %mul3A_847 = arith.constant 2 : i32
        %mul3A_848 = arith.muli %mul3A_847, %scan3A_776 : i32
        %add3A_849 = arith.constant 0 : i32
        %add3A_850 = arith.addi %mul3A_848, %add3A_849 : i32
        %get3A_851 = arith.constant 0 : i32
        %get3A_852 = arith.constant 0 : i32
        %get3A_853 = arith.index_cast %get3A_851 : i32 to index
        %get3A_854 = arith.index_cast %get3A_852 : i32 to index
        %get3A_855 = arith.index_cast %add3A_850 : i32 to index
        %get3A_856 = arith.constant 48 : index
        %get3A_857 = tpu.vector_load %arg6[%get3A_853, %get3A_854, %get3A_855, %get3A_856] {strides = array<i32>} : memref<4x2x100x64xi32, #tpu.memory_space<vmem>>, vector<1x1x1x16xi32>,
        %get3A_858 = vector.shape_cast %get3A_857 : vector<1x1x1x16xi32> to vector<16xi32>
        %shift_left3A_859 = arith.constant 16 : i32
        %shift_left3A_860 = vector.broadcast %shift_left3A_859 : i32 to vector<16xi32>
        %shift_left3A_861 = arith.shli %get3A_858, %shift_left3A_860 : vector<16xi32>
        %bitcast_convert_type3A_862 = tpu.bitcast %shift_left3A_861 : vector<16xi32> -> vector<16xf32>
        %and3A_863 = arith.constant -65536 : i32
        %and3A_864 = vector.broadcast %and3A_863 : i32 to vector<16xi32>
        %and3A_865 = arith.andi %get3A_858, %and3A_864 : vector<16xi32>
        %bitcast_convert_type3A_866 = tpu.bitcast %and3A_865 : vector<16xi32> -> vector<16xf32>
        %add3A_867 = arith.addf %scan3A_783, %bitcast_convert_type3A_862 : vector<16xf32>
        %add3A_868 = arith.addf %scan3A_784, %bitcast_convert_type3A_866 : vector<16xf32>
        %mul3A_869 = arith.constant 2 : i32
        %mul3A_870 = arith.muli %mul3A_869, %scan3A_776 : i32
        %add3A_871 = arith.constant 1 : i32
        %add3A_872 = arith.addi %mul3A_870, %add3A_871 : i32
        %get3A_873 = arith.constant 0 : i32
        %get3A_874 = arith.constant 0 : i32
        %get3A_875 = arith.index_cast %get3A_873 : i32 to index
        %get3A_876 = arith.index_cast %get3A_874 : i32 to index
        %get3A_877 = arith.index_cast %add3A_872 : i32 to index
        %get3A_878 = arith.constant 0 : index
        %get3A_879 = tpu.vector_load %arg6[%get3A_875, %get3A_876, %get3A_877, %get3A_878] {strides = array<i32>} : memref<4x2x100x64xi32, #tpu.memory_space<vmem>>, vector<1x1x1x16xi32>,
        %get3A_880 = vector.shape_cast %get3A_879 : vector<1x1x1x16xi32> to vector<16xi32>
        %shift_left3A_881 = arith.constant 16 : i32
        %shift_left3A_882 = vector.broadcast %shift_left3A_881 : i32 to vector<16xi32>
        %shift_left3A_883 = arith.shli %get3A_880, %shift_left3A_882 : vector<16xi32>
        %bitcast_convert_type3A_884 = tpu.bitcast %shift_left3A_883 : vector<16xi32> -> vector<16xf32>
        %and3A_885 = arith.constant -65536 : i32
        %and3A_886 = vector.broadcast %and3A_885 : i32 to vector<16xi32>
        %and3A_887 = arith.andi %get3A_880, %and3A_886 : vector<16xi32>
        %bitcast_convert_type3A_888 = tpu.bitcast %and3A_887 : vector<16xi32> -> vector<16xf32>
        %add3A_889 = arith.addf %add3A_801, %bitcast_convert_type3A_884 : vector<16xf32>
        %add3A_890 = arith.addf %add3A_802, %bitcast_convert_type3A_888 : vector<16xf32>
        %mul3A_891 = arith.constant 2 : i32
        %mul3A_892 = arith.muli %mul3A_891, %scan3A_776 : i32
        %add3A_893 = arith.constant 1 : i32
        %add3A_894 = arith.addi %mul3A_892, %add3A_893 : i32
        %get3A_895 = arith.constant 0 : i32
        %get3A_896 = arith.constant 0 : i32
        %get3A_897 = arith.index_cast %get3A_895 : i32 to index
        %get3A_898 = arith.index_cast %get3A_896 : i32 to index
        %get3A_899 = arith.index_cast %add3A_894 : i32 to index
        %get3A_900 = arith.constant 16 : index
        %get3A_901 = tpu.vector_load %arg6[%get3A_897, %get3A_898, %get3A_899, %get3A_900] {strides = array<i32>} : memref<4x2x100x64xi32, #tpu.memory_space<vmem>>, vector<1x1x1x16xi32>,
        %get3A_902 = vector.shape_cast %get3A_901 : vector<1x1x1x16xi32> to vector<16xi32>
        %shift_left3A_903 = arith.constant 16 : i32
        %shift_left3A_904 = vector.broadcast %shift_left3A_903 : i32 to vector<16xi32>
        %shift_left3A_905 = arith.shli %get3A_902, %shift_left3A_904 : vector<16xi32>
        %bitcast_convert_type3A_906 = tpu.bitcast %shift_left3A_905 : vector<16xi32> -> vector<16xf32>
        %and3A_907 = arith.constant -65536 : i32
        %and3A_908 = vector.broadcast %and3A_907 : i32 to vector<16xi32>
        %and3A_909 = arith.andi %get3A_902, %and3A_908 : vector<16xi32>
        %bitcast_convert_type3A_910 = tpu.bitcast %and3A_909 : vector<16xi32> -> vector<16xf32>
        %add3A_911 = arith.addf %add3A_823, %bitcast_convert_type3A_906 : vector<16xf32>
        %add3A_912 = arith.addf %add3A_824, %bitcast_convert_type3A_910 : vector<16xf32>
        %mul3A_913 = arith.constant 2 : i32
        %mul3A_914 = arith.muli %mul3A_913, %scan3A_776 : i32
        %add3A_915 = arith.constant 1 : i32
        %add3A_916 = arith.addi %mul3A_914, %add3A_915 : i32
        %get3A_917 = arith.constant 0 : i32
        %get3A_918 = arith.constant 0 : i32
        %get3A_919 = arith.index_cast %get3A_917 : i32 to index
        %get3A_920 = arith.index_cast %get3A_918 : i32 to index
        %get3A_921 = arith.index_cast %add3A_916 : i32 to index
        %get3A_922 = arith.constant 32 : index
        %get3A_923 = tpu.vector_load %arg6[%get3A_919, %get3A_920, %get3A_921, %get3A_922] {strides = array<i32>} : memref<4x2x100x64xi32, #tpu.memory_space<vmem>>, vector<1x1x1x16xi32>,
        %get3A_924 = vector.shape_cast %get3A_923 : vector<1x1x1x16xi32> to vector<16xi32>
        %shift_left3A_925 = arith.constant 16 : i32
        %shift_left3A_926 = vector.broadcast %shift_left3A_925 : i32 to vector<16xi32>
        %shift_left3A_927 = arith.shli %get3A_924, %shift_left3A_926 : vector<16xi32>
        %bitcast_convert_type3A_928 = tpu.bitcast %shift_left3A_927 : vector<16xi32> -> vector<16xf32>
        %and3A_929 = arith.constant -65536 : i32
        %and3A_930 = vector.broadcast %and3A_929 : i32 to vector<16xi32>
        %and3A_931 = arith.andi %get3A_924, %and3A_930 : vector<16xi32>
        %bitcast_convert_type3A_932 = tpu.bitcast %and3A_931 : vector<16xi32> -> vector<16xf32>
        %add3A_933 = arith.addf %add3A_845, %bitcast_convert_type3A_928 : vector<16xf32>
        %add3A_934 = arith.addf %add3A_846, %bitcast_convert_type3A_932 : vector<16xf32>
        %mul3A_935 = arith.constant 2 : i32
        %mul3A_936 = arith.muli %mul3A_935, %scan3A_776 : i32
        %add3A_937 = arith.constant 1 : i32
        %add3A_938 = arith.addi %mul3A_936, %add3A_937 : i32
        %get3A_939 = arith.constant 0 : i32
        %get3A_940 = arith.constant 0 : i32
        %get3A_941 = arith.index_cast %get3A_939 : i32 to index
        %get3A_942 = arith.index_cast %get3A_940 : i32 to index
        %get3A_943 = arith.index_cast %add3A_938 : i32 to index
        %get3A_944 = arith.constant 48 : index
        %get3A_945 = tpu.vector_load %arg6[%get3A_941, %get3A_942, %get3A_943, %get3A_944] {strides = array<i32>} : memref<4x2x100x64xi32, #tpu.memory_space<vmem>>, vector<1x1x1x16xi32>,
        %get3A_946 = vector.shape_cast %get3A_945 : vector<1x1x1x16xi32> to vector<16xi32>
        %shift_left3A_947 = arith.constant 16 : i32
        %shift_left3A_948 = vector.broadcast %shift_left3A_947 : i32 to vector<16xi32>
        %shift_left3A_949 = arith.shli %get3A_946, %shift_left3A_948 : vector<16xi32>
        %bitcast_convert_type3A_950 = tpu.bitcast %shift_left3A_949 : vector<16xi32> -> vector<16xf32>
        %and3A_951 = arith.constant -65536 : i32
        %and3A_952 = vector.broadcast %and3A_951 : i32 to vector<16xi32>
        %and3A_953 = arith.andi %get3A_946, %and3A_952 : vector<16xi32>
        %bitcast_convert_type3A_954 = tpu.bitcast %and3A_953 : vector<16xi32> -> vector<16xf32>
        %add3A_955 = arith.addf %add3A_867, %bitcast_convert_type3A_950 : vector<16xf32>
        %add3A_956 = arith.addf %add3A_868, %bitcast_convert_type3A_954 : vector<16xf32>
        scf.yield %add3A_889, %add3A_890, %add3A_911, %add3A_912, %add3A_933, %add3A_934, %add3A_955, %add3A_956 : vector<16xf32>, vector<16xf32>, vector<16xf32>, vector<16xf32>, vector<16xf32>, vector<16xf32>, vector<16xf32>, vector<16xf32>
      }
      %scan3A_222 = arith.constant 50 : i32
      %dma_wait3A_223 = arith.constant 1 : i32
      %dma_wait3A_224 = arith.constant 0 : i32
      %dma_wait3A_225 = arith.constant 1 : i32
      %dma_wait3A_226 = arith.constant 0 : i32
      %dma_wait3A_227 = arith.constant 0 : i32
      %dma_wait3A_228 = tpu.memref_slice %arg6[%dma_wait3A_224, %dma_wait3A_225, %dma_wait3A_226, %dma_wait3A_227] : memref<4x2x100x64xi32, #tpu.memory_space<vmem>> -> memref<1x1x100x64xi32, #tpu.memory_space<vmem>>
      %dma_wait3A_229 = tpu.memref_squeeze %dma_wait3A_228 : memref<1x1x100x64xi32, #tpu.memory_space<vmem>> -> memref<100x64xi32, #tpu.memory_space<vmem>>
      %dma_wait3A_230 = arith.constant 0 : i32
      %dma_wait3A_231 = tpu.memref_slice %arg5[%mul3A_132, %dma_wait3A_223, %dma_wait3A_230] : memref<128x2x100xi32, #tpu.memory_space<vmem>> -> memref<1x1x100xi32, #tpu.memory_space<vmem>>
      %dma_wait3A_232 = tpu.memref_squeeze %dma_wait3A_231 : memref<1x1x100xi32, #tpu.memory_space<vmem>> -> memref<100xi32, #tpu.memory_space<vmem>>
      %dma_wait3A_233 = arith.constant 0 : i32
      %dma_wait3A_234 = arith.constant 0 : i32
      %dma_wait3A_235 = tpu.memref_slice %arg3[%dma_wait3A_233, %dma_wait3A_234] : memref<100000x64xi32, #tpu.memory_space<hbm>> -> memref<100000x64xi32, #tpu.memory_space<hbm>>
      tpu.wait_indirect_dma semaphore(%arg9 : memref<!tpu.dma_semaphore, #tpu.memory_space<semaphore_mem>>) src(%dma_wait3A_235 : memref<100000x64xi32, #tpu.memory_space<hbm>>) dst(%dma_wait3A_229 : memref<100x64xi32, #tpu.memory_space<vmem>>)
      %scan3A_236 = arith.constant 0 : i32
      %scan3A_237 = arith.constant 50 : i32
      %scan3A_238 = arith.addi %scan3A_236, %scan3A_237 : i32
      %scan3A_239 = arith.constant 1 : i32
      %scan3A_240:8 = scf.for %scan3A_776 = %scan3A_236 to %scan3A_238 step %scan3A_239 iter_args(%scan3A_777 = %scan3A_221#0, %scan3A_778 = %scan3A_221#1, %scan3A_779 = %scan3A_221#2, %scan3A_780 = %scan3A_221#3, %scan3A_781 = %scan3A_221#4, %scan3A_782 = %scan3A_221#5, %scan3A_783 = %scan3A_221#6, %scan3A_784 = %scan3A_221#7) -> (vector<16xf32>, vector<16xf32>, vector<16xf32>, vector<16xf32>, vector<16xf32>, vector<16xf32>, vector<16xf32>, vector<16xf32>)  : i32 {
        %mul3A_785 = arith.constant 2 : i32
        %mul3A_786 = arith.muli %mul3A_785, %scan3A_776 : i32
        %add3A_787 = arith.constant 0 : i32
        %add3A_788 = arith.addi %mul3A_786, %add3A_787 : i32
        %get3A = arith.constant 0 : i32
        %get3A_789 = arith.constant 1 : i32
        %get3A_790 = arith.index_cast %get3A : i32 to index
        %get3A_791 = arith.index_cast %get3A_789 : i32 to index
        %get3A_792 = arith.index_cast %add3A_788 : i32 to index
        %get3A_793 = arith.constant 0 : index
        %get3A_794 = tpu.vector_load %arg6[%get3A_790, %get3A_791, %get3A_792, %get3A_793] {strides = array<i32>} : memref<4x2x100x64xi32, #tpu.memory_space<vmem>>, vector<1x1x1x16xi32>,
        %get3A_795 = vector.shape_cast %get3A_794 : vector<1x1x1x16xi32> to vector<16xi32>
        %shift_left3A = arith.constant 16 : i32
        %shift_left3A_796 = vector.broadcast %shift_left3A : i32 to vector<16xi32>
        %shift_left3A_797 = arith.shli %get3A_795, %shift_left3A_796 : vector<16xi32>
        %bitcast_convert_type3A = tpu.bitcast %shift_left3A_797 : vector<16xi32> -> vector<16xf32>
        %and3A = arith.constant -65536 : i32
        %and3A_798 = vector.broadcast %and3A : i32 to vector<16xi32>
        %and3A_799 = arith.andi %get3A_795, %and3A_798 : vector<16xi32>
        %bitcast_convert_type3A_800 = tpu.bitcast %and3A_799 : vector<16xi32> -> vector<16xf32>
        %add3A_801 = arith.addf %scan3A_777, %bitcast_convert_type3A : vector<16xf32>
        %add3A_802 = arith.addf %scan3A_778, %bitcast_convert_type3A_800 : vector<16xf32>
        %mul3A_803 = arith.constant 2 : i32
        %mul3A_804 = arith.muli %mul3A_803, %scan3A_776 : i32
        %add3A_805 = arith.constant 0 : i32
        %add3A_806 = arith.addi %mul3A_804, %add3A_805 : i32
        %get3A_807 = arith.constant 0 : i32
        %get3A_808 = arith.constant 1 : i32
        %get3A_809 = arith.index_cast %get3A_807 : i32 to index
        %get3A_810 = arith.index_cast %get3A_808 : i32 to index
        %get3A_811 = arith.index_cast %add3A_806 : i32 to index
        %get3A_812 = arith.constant 16 : index
        %get3A_813 = tpu.vector_load %arg6[%get3A_809, %get3A_810, %get3A_811, %get3A_812] {strides = array<i32>} : memref<4x2x100x64xi32, #tpu.memory_space<vmem>>, vector<1x1x1x16xi32>,
        %get3A_814 = vector.shape_cast %get3A_813 : vector<1x1x1x16xi32> to vector<16xi32>
        %shift_left3A_815 = arith.constant 16 : i32
        %shift_left3A_816 = vector.broadcast %shift_left3A_815 : i32 to vector<16xi32>
        %shift_left3A_817 = arith.shli %get3A_814, %shift_left3A_816 : vector<16xi32>
        %bitcast_convert_type3A_818 = tpu.bitcast %shift_left3A_817 : vector<16xi32> -> vector<16xf32>
        %and3A_819 = arith.constant -65536 : i32
        %and3A_820 = vector.broadcast %and3A_819 : i32 to vector<16xi32>
        %and3A_821 = arith.andi %get3A_814, %and3A_820 : vector<16xi32>
        %bitcast_convert_type3A_822 = tpu.bitcast %and3A_821 : vector<16xi32> -> vector<16xf32>
        %add3A_823 = arith.addf %scan3A_779, %bitcast_convert_type3A_818 : vector<16xf32>
        %add3A_824 = arith.addf %scan3A_780, %bitcast_convert_type3A_822 : vector<16xf32>
        %mul3A_825 = arith.constant 2 : i32
        %mul3A_826 = arith.muli %mul3A_825, %scan3A_776 : i32
        %add3A_827 = arith.constant 0 : i32
        %add3A_828 = arith.addi %mul3A_826, %add3A_827 : i32
        %get3A_829 = arith.constant 0 : i32
        %get3A_830 = arith.constant 1 : i32
        %get3A_831 = arith.index_cast %get3A_829 : i32 to index
        %get3A_832 = arith.index_cast %get3A_830 : i32 to index
        %get3A_833 = arith.index_cast %add3A_828 : i32 to index
        %get3A_834 = arith.constant 32 : index
        %get3A_835 = tpu.vector_load %arg6[%get3A_831, %get3A_832, %get3A_833, %get3A_834] {strides = array<i32>} : memref<4x2x100x64xi32, #tpu.memory_space<vmem>>, vector<1x1x1x16xi32>,
        %get3A_836 = vector.shape_cast %get3A_835 : vector<1x1x1x16xi32> to vector<16xi32>
        %shift_left3A_837 = arith.constant 16 : i32
        %shift_left3A_838 = vector.broadcast %shift_left3A_837 : i32 to vector<16xi32>
        %shift_left3A_839 = arith.shli %get3A_836, %shift_left3A_838 : vector<16xi32>
        %bitcast_convert_type3A_840 = tpu.bitcast %shift_left3A_839 : vector<16xi32> -> vector<16xf32>
        %and3A_841 = arith.constant -65536 : i32
        %and3A_842 = vector.broadcast %and3A_841 : i32 to vector<16xi32>
        %and3A_843 = arith.andi %get3A_836, %and3A_842 : vector<16xi32>
        %bitcast_convert_type3A_844 = tpu.bitcast %and3A_843 : vector<16xi32> -> vector<16xf32>
        %add3A_845 = arith.addf %scan3A_781, %bitcast_convert_type3A_840 : vector<16xf32>
        %add3A_846 = arith.addf %scan3A_782, %bitcast_convert_type3A_844 : vector<16xf32>
        %mul3A_847 = arith.constant 2 : i32
        %mul3A_848 = arith.muli %mul3A_847, %scan3A_776 : i32
        %add3A_849 = arith.constant 0 : i32
        %add3A_850 = arith.addi %mul3A_848, %add3A_849 : i32
        %get3A_851 = arith.constant 0 : i32
        %get3A_852 = arith.constant 1 : i32
        %get3A_853 = arith.index_cast %get3A_851 : i32 to index
        %get3A_854 = arith.index_cast %get3A_852 : i32 to index
        %get3A_855 = arith.index_cast %add3A_850 : i32 to index
        %get3A_856 = arith.constant 48 : index
        %get3A_857 = tpu.vector_load %arg6[%get3A_853, %get3A_854, %get3A_855, %get3A_856] {strides = array<i32>} : memref<4x2x100x64xi32, #tpu.memory_space<vmem>>, vector<1x1x1x16xi32>,
        %get3A_858 = vector.shape_cast %get3A_857 : vector<1x1x1x16xi32> to vector<16xi32>
        %shift_left3A_859 = arith.constant 16 : i32
        %shift_left3A_860 = vector.broadcast %shift_left3A_859 : i32 to vector<16xi32>
        %shift_left3A_861 = arith.shli %get3A_858, %shift_left3A_860 : vector<16xi32>
        %bitcast_convert_type3A_862 = tpu.bitcast %shift_left3A_861 : vector<16xi32> -> vector<16xf32>
        %and3A_863 = arith.constant -65536 : i32
        %and3A_864 = vector.broadcast %and3A_863 : i32 to vector<16xi32>
        %and3A_865 = arith.andi %get3A_858, %and3A_864 : vector<16xi32>
        %bitcast_convert_type3A_866 = tpu.bitcast %and3A_865 : vector<16xi32> -> vector<16xf32>
        %add3A_867 = arith.addf %scan3A_783, %bitcast_convert_type3A_862 : vector<16xf32>
        %add3A_868 = arith.addf %scan3A_784, %bitcast_convert_type3A_866 : vector<16xf32>
        %mul3A_869 = arith.constant 2 : i32
        %mul3A_870 = arith.muli %mul3A_869, %scan3A_776 : i32
        %add3A_871 = arith.constant 1 : i32
        %add3A_872 = arith.addi %mul3A_870, %add3A_871 : i32
        %get3A_873 = arith.constant 0 : i32
        %get3A_874 = arith.constant 1 : i32
        %get3A_875 = arith.index_cast %get3A_873 : i32 to index
        %get3A_876 = arith.index_cast %get3A_874 : i32 to index
        %get3A_877 = arith.index_cast %add3A_872 : i32 to index
        %get3A_878 = arith.constant 0 : index
        %get3A_879 = tpu.vector_load %arg6[%get3A_875, %get3A_876, %get3A_877, %get3A_878] {strides = array<i32>} : memref<4x2x100x64xi32, #tpu.memory_space<vmem>>, vector<1x1x1x16xi32>,
        %get3A_880 = vector.shape_cast %get3A_879 : vector<1x1x1x16xi32> to vector<16xi32>
        %shift_left3A_881 = arith.constant 16 : i32
        %shift_left3A_882 = vector.broadcast %shift_left3A_881 : i32 to vector<16xi32>
        %shift_left3A_883 = arith.shli %get3A_880, %shift_left3A_882 : vector<16xi32>
        %bitcast_convert_type3A_884 = tpu.bitcast %shift_left3A_883 : vector<16xi32> -> vector<16xf32>
        %and3A_885 = arith.constant -65536 : i32
        %and3A_886 = vector.broadcast %and3A_885 : i32 to vector<16xi32>
        %and3A_887 = arith.andi %get3A_880, %and3A_886 : vector<16xi32>
        %bitcast_convert_type3A_888 = tpu.bitcast %and3A_887 : vector<16xi32> -> vector<16xf32>
        %add3A_889 = arith.addf %add3A_801, %bitcast_convert_type3A_884 : vector<16xf32>
        %add3A_890 = arith.addf %add3A_802, %bitcast_convert_type3A_888 : vector<16xf32>
        %mul3A_891 = arith.constant 2 : i32
        %mul3A_892 = arith.muli %mul3A_891, %scan3A_776 : i32
        %add3A_893 = arith.constant 1 : i32
        %add3A_894 = arith.addi %mul3A_892, %add3A_893 : i32
        %get3A_895 = arith.constant 0 : i32
        %get3A_896 = arith.constant 1 : i32
        %get3A_897 = arith.index_cast %get3A_895 : i32 to index
        %get3A_898 = arith.index_cast %get3A_896 : i32 to index
        %get3A_899 = arith.index_cast %add3A_894 : i32 to index
        %get3A_900 = arith.constant 16 : index
        %get3A_901 = tpu.vector_load %arg6[%get3A_897, %get3A_898, %get3A_899, %get3A_900] {strides = array<i32>} : memref<4x2x100x64xi32, #tpu.memory_space<vmem>>, vector<1x1x1x16xi32>,
        %get3A_902 = vector.shape_cast %get3A_901 : vector<1x1x1x16xi32> to vector<16xi32>
        %shift_left3A_903 = arith.constant 16 : i32
        %shift_left3A_904 = vector.broadcast %shift_left3A_903 : i32 to vector<16xi32>
        %shift_left3A_905 = arith.shli %get3A_902, %shift_left3A_904 : vector<16xi32>
        %bitcast_convert_type3A_906 = tpu.bitcast %shift_left3A_905 : vector<16xi32> -> vector<16xf32>
        %and3A_907 = arith.constant -65536 : i32
        %and3A_908 = vector.broadcast %and3A_907 : i32 to vector<16xi32>
        %and3A_909 = arith.andi %get3A_902, %and3A_908 : vector<16xi32>
        %bitcast_convert_type3A_910 = tpu.bitcast %and3A_909 : vector<16xi32> -> vector<16xf32>
        %add3A_911 = arith.addf %add3A_823, %bitcast_convert_type3A_906 : vector<16xf32>
        %add3A_912 = arith.addf %add3A_824, %bitcast_convert_type3A_910 : vector<16xf32>
        %mul3A_913 = arith.constant 2 : i32
        %mul3A_914 = arith.muli %mul3A_913, %scan3A_776 : i32
        %add3A_915 = arith.constant 1 : i32
        %add3A_916 = arith.addi %mul3A_914, %add3A_915 : i32
        %get3A_917 = arith.constant 0 : i32
        %get3A_918 = arith.constant 1 : i32
        %get3A_919 = arith.index_cast %get3A_917 : i32 to index
        %get3A_920 = arith.index_cast %get3A_918 : i32 to index
        %get3A_921 = arith.index_cast %add3A_916 : i32 to index
        %get3A_922 = arith.constant 32 : index
        %get3A_923 = tpu.vector_load %arg6[%get3A_919, %get3A_920, %get3A_921, %get3A_922] {strides = array<i32>} : memref<4x2x100x64xi32, #tpu.memory_space<vmem>>, vector<1x1x1x16xi32>,
        %get3A_924 = vector.shape_cast %get3A_923 : vector<1x1x1x16xi32> to vector<16xi32>
        %shift_left3A_925 = arith.constant 16 : i32
        %shift_left3A_926 = vector.broadcast %shift_left3A_925 : i32 to vector<16xi32>
        %shift_left3A_927 = arith.shli %get3A_924, %shift_left3A_926 : vector<16xi32>
        %bitcast_convert_type3A_928 = tpu.bitcast %shift_left3A_927 : vector<16xi32> -> vector<16xf32>
        %and3A_929 = arith.constant -65536 : i32
        %and3A_930 = vector.broadcast %and3A_929 : i32 to vector<16xi32>
        %and3A_931 = arith.andi %get3A_924, %and3A_930 : vector<16xi32>
        %bitcast_convert_type3A_932 = tpu.bitcast %and3A_931 : vector<16xi32> -> vector<16xf32>
        %add3A_933 = arith.addf %add3A_845, %bitcast_convert_type3A_928 : vector<16xf32>
        %add3A_934 = arith.addf %add3A_846, %bitcast_convert_type3A_932 : vector<16xf32>
        %mul3A_935 = arith.constant 2 : i32
        %mul3A_936 = arith.muli %mul3A_935, %scan3A_776 : i32
        %add3A_937 = arith.constant 1 : i32
        %add3A_938 = arith.addi %mul3A_936, %add3A_937 : i32
        %get3A_939 = arith.constant 0 : i32
        %get3A_940 = arith.constant 1 : i32
        %get3A_941 = arith.index_cast %get3A_939 : i32 to index
        %get3A_942 = arith.index_cast %get3A_940 : i32 to index
        %get3A_943 = arith.index_cast %add3A_938 : i32 to index
        %get3A_944 = arith.constant 48 : index
        %get3A_945 = tpu.vector_load %arg6[%get3A_941, %get3A_942, %get3A_943, %get3A_944] {strides = array<i32>} : memref<4x2x100x64xi32, #tpu.memory_space<vmem>>, vector<1x1x1x16xi32>,
        %get3A_946 = vector.shape_cast %get3A_945 : vector<1x1x1x16xi32> to vector<16xi32>
        %shift_left3A_947 = arith.constant 16 : i32
        %shift_left3A_948 = vector.broadcast %shift_left3A_947 : i32 to vector<16xi32>
        %shift_left3A_949 = arith.shli %get3A_946, %shift_left3A_948 : vector<16xi32>
        %bitcast_convert_type3A_950 = tpu.bitcast %shift_left3A_949 : vector<16xi32> -> vector<16xf32>
        %and3A_951 = arith.constant -65536 : i32
        %and3A_952 = vector.broadcast %and3A_951 : i32 to vector<16xi32>
        %and3A_953 = arith.andi %get3A_946, %and3A_952 : vector<16xi32>
        %bitcast_convert_type3A_954 = tpu.bitcast %and3A_953 : vector<16xi32> -> vector<16xf32>
        %add3A_955 = arith.addf %add3A_867, %bitcast_convert_type3A_950 : vector<16xf32>
        %add3A_956 = arith.addf %add3A_868, %bitcast_convert_type3A_954 : vector<16xf32>
        scf.yield %add3A_889, %add3A_890, %add3A_911, %add3A_912, %add3A_933, %add3A_934, %add3A_955, %add3A_956 : vector<16xf32>, vector<16xf32>, vector<16xf32>, vector<16xf32>, vector<16xf32>, vector<16xf32>, vector<16xf32>, vector<16xf32>
      }
      %scan3A_241 = arith.constant 50 : i32
      %gt3A = arith.constant 0 : i32
      %gt3A_242 = arith.cmpi sgt, %scan3A_130, %gt3A : i32
      %convert_element_type3A = arith.extui %gt3A_242 : i1 to i32
      %cond3A = arith.constant 0 : i32
      %cond3A_243 = arith.cmpi ne, %convert_element_type3A, %cond3A : i32
      scf.if %cond3A_243 {
        %add3A_776 = arith.addi %mul3A_2, %mul3A_132 : i32
        %dma_wait3A_777 = arith.constant 0 : i32
        %dma_wait3A_778 = arith.constant 0 : i32
        %dma_wait3A_779 = tpu.memref_slice %arg7[%dma_wait3A_777, %dma_wait3A_778] : memref<4x128xf32, #tpu.memory_space<vmem>> -> memref<1x128xf32, #tpu.memory_space<vmem>>
        %dma_wait3A_780 = tpu.memref_squeeze %dma_wait3A_779 : memref<1x128xf32, #tpu.memory_space<vmem>> -> memref<128xf32, #tpu.memory_space<vmem>>
        %dma_wait3A_781 = arith.constant 0 : i32
        %dma_wait3A_782 = tpu.memref_slice %arg4[%add3A_776, %dma_wait3A_781] : memref<4096x128xf32, #tpu.memory_space<hbm>> -> memref<1x128xf32, #tpu.memory_space<hbm>>
        %dma_wait3A_783 = tpu.memref_squeeze %dma_wait3A_782 : memref<1x128xf32, #tpu.memory_space<hbm>> -> memref<128xf32, #tpu.memory_space<hbm>>
        %dma_wait3A_784 = arith.constant 0 : i32
        %dma_wait3A_785 = tpu.memref_slice %arg4[%add3A_776, %dma_wait3A_784] : memref<4096x128xf32, #tpu.memory_space<hbm>> -> memref<1x128xf32, #tpu.memory_space<hbm>>
        %dma_wait3A_786 = tpu.memref_squeeze %dma_wait3A_785 : memref<1x128xf32, #tpu.memory_space<hbm>> -> memref<128xf32, #tpu.memory_space<hbm>>
        %dma_wait3A_787 = arith.constant 0 : i32
        %dma_wait3A_788 = tpu.memref_slice %arg7[%dma_wait3A_777, %dma_wait3A_787] : memref<4x128xf32, #tpu.memory_space<vmem>> -> memref<1x128xf32, #tpu.memory_space<vmem>>
        %dma_wait3A_789 = tpu.memref_squeeze %dma_wait3A_788 : memref<1x128xf32, #tpu.memory_space<vmem>> -> memref<128xf32, #tpu.memory_space<vmem>>
        tpu.wait_dma2 semaphore(%arg16 : memref<!tpu.dma_semaphore, #tpu.memory_space<semaphore_mem>>) src(%dma_wait3A_789 : memref<128xf32, #tpu.memory_space<vmem>>) dst(%dma_wait3A_786 : memref<128xf32, #tpu.memory_space<hbm>>)
      } else {
      }
      %mul3A_244 = arith.constant 5.000000e-03 : f32
      %mul3A_245 = vector.broadcast %mul3A_244 : f32 to vector<16xf32>
      %mul3A_246 = arith.mulf %scan3A_240#0, %mul3A_245 : vector<16xf32>
      %swap3A = arith.constant 0 : i32
      %swap3A_247 = arith.index_cast %swap3A : i32 to index
      %swap3A_248 = arith.constant 0 : index
      %swap3A_249 = tpu.vector_load %arg7[%swap3A_247, %swap3A_248] {strides = array<i32>} : memref<4x128xf32, #tpu.memory_space<vmem>>, vector<1x16xf32>,
      %swap3A_250 = vector.shape_cast %swap3A_249 : vector<1x16xf32> to vector<16xf32>
      %swap3A_251 = vector.shape_cast %mul3A_246 : vector<16xf32> to vector<1x16xf32>
      tpu.vector_store %arg7[%swap3A_247, %swap3A_248], %swap3A_251 {strides = array<i32>} : memref<4x128xf32, #tpu.memory_space<vmem>>, vector<1x16xf32>,
      %mul3A_252 = arith.constant 5.000000e-03 : f32
      %mul3A_253 = vector.broadcast %mul3A_252 : f32 to vector<16xf32>
      %mul3A_254 = arith.mulf %scan3A_240#1, %mul3A_253 : vector<16xf32>
      %swap3A_255 = arith.constant 0 : i32
      %swap3A_256 = arith.index_cast %swap3A_255 : i32 to index
      %swap3A_257 = arith.constant 16 : index
      %swap3A_258 = tpu.vector_load %arg7[%swap3A_256, %swap3A_257] {strides = array<i32>} : memref<4x128xf32, #tpu.memory_space<vmem>>, vector<1x16xf32>,
      %swap3A_259 = vector.shape_cast %swap3A_258 : vector<1x16xf32> to vector<16xf32>
      %swap3A_260 = vector.shape_cast %mul3A_254 : vector<16xf32> to vector<1x16xf32>
      tpu.vector_store %arg7[%swap3A_256, %swap3A_257], %swap3A_260 {strides = array<i32>} : memref<4x128xf32, #tpu.memory_space<vmem>>, vector<1x16xf32>,
      %mul3A_261 = arith.constant 5.000000e-03 : f32
      %mul3A_262 = vector.broadcast %mul3A_261 : f32 to vector<16xf32>
      %mul3A_263 = arith.mulf %scan3A_240#2, %mul3A_262 : vector<16xf32>
      %swap3A_264 = arith.constant 0 : i32
      %swap3A_265 = arith.index_cast %swap3A_264 : i32 to index
      %swap3A_266 = arith.constant 32 : index
      %swap3A_267 = tpu.vector_load %arg7[%swap3A_265, %swap3A_266] {strides = array<i32>} : memref<4x128xf32, #tpu.memory_space<vmem>>, vector<1x16xf32>,
      %swap3A_268 = vector.shape_cast %swap3A_267 : vector<1x16xf32> to vector<16xf32>
      %swap3A_269 = vector.shape_cast %mul3A_263 : vector<16xf32> to vector<1x16xf32>
      tpu.vector_store %arg7[%swap3A_265, %swap3A_266], %swap3A_269 {strides = array<i32>} : memref<4x128xf32, #tpu.memory_space<vmem>>, vector<1x16xf32>,
      %mul3A_270 = arith.constant 5.000000e-03 : f32
      %mul3A_271 = vector.broadcast %mul3A_270 : f32 to vector<16xf32>
      %mul3A_272 = arith.mulf %scan3A_240#3, %mul3A_271 : vector<16xf32>
      %swap3A_273 = arith.constant 0 : i32
      %swap3A_274 = arith.index_cast %swap3A_273 : i32 to index
      %swap3A_275 = arith.constant 48 : index
      %swap3A_276 = tpu.vector_load %arg7[%swap3A_274, %swap3A_275] {strides = array<i32>} : memref<4x128xf32, #tpu.memory_space<vmem>>, vector<1x16xf32>,
      %swap3A_277 = vector.shape_cast %swap3A_276 : vector<1x16xf32> to vector<16xf32>
      %swap3A_278 = vector.shape_cast %mul3A_272 : vector<16xf32> to vector<1x16xf32>
      tpu.vector_store %arg7[%swap3A_274, %swap3A_275], %swap3A_278 {strides = array<i32>} : memref<4x128xf32, #tpu.memory_space<vmem>>, vector<1x16xf32>,
      %mul3A_279 = arith.constant 5.000000e-03 : f32
      %mul3A_280 = vector.broadcast %mul3A_279 : f32 to vector<16xf32>
      %mul3A_281 = arith.mulf %scan3A_240#4, %mul3A_280 : vector<16xf32>
      %swap3A_282 = arith.constant 0 : i32
      %swap3A_283 = arith.index_cast %swap3A_282 : i32 to index
      %swap3A_284 = arith.constant 64 : index
      %swap3A_285 = tpu.vector_load %arg7[%swap3A_283, %swap3A_284] {strides = array<i32>} : memref<4x128xf32, #tpu.memory_space<vmem>>, vector<1x16xf32>,
      %swap3A_286 = vector.shape_cast %swap3A_285 : vector<1x16xf32> to vector<16xf32>
      %swap3A_287 = vector.shape_cast %mul3A_281 : vector<16xf32> to vector<1x16xf32>
      tpu.vector_store %arg7[%swap3A_283, %swap3A_284], %swap3A_287 {strides = array<i32>} : memref<4x128xf32, #tpu.memory_space<vmem>>, vector<1x16xf32>,
      %mul3A_288 = arith.constant 5.000000e-03 : f32
      %mul3A_289 = vector.broadcast %mul3A_288 : f32 to vector<16xf32>
      %mul3A_290 = arith.mulf %scan3A_240#5, %mul3A_289 : vector<16xf32>
      %swap3A_291 = arith.constant 0 : i32
      %swap3A_292 = arith.index_cast %swap3A_291 : i32 to index
      %swap3A_293 = arith.constant 80 : index
      %swap3A_294 = tpu.vector_load %arg7[%swap3A_292, %swap3A_293] {strides = array<i32>} : memref<4x128xf32, #tpu.memory_space<vmem>>, vector<1x16xf32>,
      %swap3A_295 = vector.shape_cast %swap3A_294 : vector<1x16xf32> to vector<16xf32>
      %swap3A_296 = vector.shape_cast %mul3A_290 : vector<16xf32> to vector<1x16xf32>
      tpu.vector_store %arg7[%swap3A_292, %swap3A_293], %swap3A_296 {strides = array<i32>} : memref<4x128xf32, #tpu.memory_space<vmem>>, vector<1x16xf32>,
      %mul3A_297 = arith.constant 5.000000e-03 : f32
      %mul3A_298 = vector.broadcast %mul3A_297 : f32 to vector<16xf32>
      %mul3A_299 = arith.mulf %scan3A_240#6, %mul3A_298 : vector<16xf32>
      %swap3A_300 = arith.constant 0 : i32
      %swap3A_301 = arith.index_cast %swap3A_300 : i32 to index
      %swap3A_302 = arith.constant 96 : index
      %swap3A_303 = tpu.vector_load %arg7[%swap3A_301, %swap3A_302] {strides = array<i32>} : memref<4x128xf32, #tpu.memory_space<vmem>>, vector<1x16xf32>,
      %swap3A_304 = vector.shape_cast %swap3A_303 : vector<1x16xf32> to vector<16xf32>
      %swap3A_305 = vector.shape_cast %mul3A_299 : vector<16xf32> to vector<1x16xf32>
      tpu.vector_store %arg7[%swap3A_301, %swap3A_302], %swap3A_305 {strides = array<i32>} : memref<4x128xf32, #tpu.memory_space<vmem>>, vector<1x16xf32>,
      %mul3A_306 = arith.constant 5.000000e-03 : f32
      %mul3A_307 = vector.broadcast %mul3A_306 : f32 to vector<16xf32>
      %mul3A_308 = arith.mulf %scan3A_240#7, %mul3A_307 : vector<16xf32>
      %swap3A_309 = arith.constant 0 : i32
      %swap3A_310 = arith.index_cast %swap3A_309 : i32 to index
      %swap3A_311 = arith.constant 112 : index
      %swap3A_312 = tpu.vector_load %arg7[%swap3A_310, %swap3A_311] {strides = array<i32>} : memref<4x128xf32, #tpu.memory_space<vmem>>, vector<1x16xf32>,
      %swap3A_313 = vector.shape_cast %swap3A_312 : vector<1x16xf32> to vector<16xf32>
      %swap3A_314 = vector.shape_cast %mul3A_308 : vector<16xf32> to vector<1x16xf32>
      tpu.vector_store %arg7[%swap3A_310, %swap3A_311], %swap3A_314 {strides = array<i32>} : memref<4x128xf32, #tpu.memory_space<vmem>>, vector<1x16xf32>,
      %add3A_315 = arith.addi %mul3A_2, %mul3A_132 : i32
      %dma_start3A_316 = arith.constant 0 : i32
      %dma_start3A_317 = arith.constant 0 : i32
      %dma_start3A_318 = tpu.memref_slice %arg7[%dma_start3A_316, %dma_start3A_317] : memref<4x128xf32, #tpu.memory_space<vmem>> -> memref<1x128xf32, #tpu.memory_space<vmem>>
      %dma_start3A_319 = tpu.memref_squeeze %dma_start3A_318 : memref<1x128xf32, #tpu.memory_space<vmem>> -> memref<128xf32, #tpu.memory_space<vmem>>
      %dma_start3A_320 = arith.constant 0 : i32
      %dma_start3A_321 = tpu.memref_slice %arg4[%add3A_315, %dma_start3A_320] : memref<4096x128xf32, #tpu.memory_space<hbm>> -> memref<1x128xf32, #tpu.memory_space<hbm>>
      %dma_start3A_322 = tpu.memref_squeeze %dma_start3A_321 : memref<1x128xf32, #tpu.memory_space<hbm>> -> memref<128xf32, #tpu.memory_space<hbm>>
      %dma_start3A_323 = arith.constant 0 : i32
      %dma_start3A_324 = tpu.memref_slice %arg4[%add3A_315, %dma_start3A_323] : memref<4096x128xf32, #tpu.memory_space<hbm>> -> memref<1x128xf32, #tpu.memory_space<hbm>>
      %dma_start3A_325 = tpu.memref_squeeze %dma_start3A_324 : memref<1x128xf32, #tpu.memory_space<hbm>> -> memref<128xf32, #tpu.memory_space<hbm>>
      %dma_start3A_326 = arith.constant 0 : i32
      %dma_start3A_327 = tpu.memref_slice %arg7[%dma_start3A_316, %dma_start3A_326] : memref<4x128xf32, #tpu.memory_space<vmem>> -> memref<1x128xf32, #tpu.memory_space<vmem>>
      %dma_start3A_328 = tpu.memref_squeeze %dma_start3A_327 : memref<1x128xf32, #tpu.memory_space<vmem>> -> memref<128xf32, #tpu.memory_space<vmem>>
      tpu.enqueue_dma source(%dma_start3A_328 : memref<128xf32, #tpu.memory_space<vmem>>) target(%dma_start3A_325 : memref<128xf32, #tpu.memory_space<hbm>>) target_semaphore(%arg16 : memref<!tpu.dma_semaphore, #tpu.memory_space<semaphore_mem>>)
      %add3A_329 = arith.constant 1 : i32
      %add3A_330 = arith.addi %mul3A_132, %add3A_329 : i32
      %dma_wait3A_331 = arith.constant 0 : i32
      %dma_wait3A_332 = arith.constant 1 : i32
      %dma_wait3A_333 = arith.constant 0 : i32
      %dma_wait3A_334 = arith.constant 0 : i32
      %dma_wait3A_335 = arith.constant 0 : i32
      %dma_wait3A_336 = tpu.memref_slice %arg6[%dma_wait3A_332, %dma_wait3A_333, %dma_wait3A_334, %dma_wait3A_335] : memref<4x2x100x64xi32, #tpu.memory_space<vmem>> -> memref<1x1x100x64xi32, #tpu.memory_space<vmem>>
      %dma_wait3A_337 = tpu.memref_squeeze %dma_wait3A_336 : memref<1x1x100x64xi32, #tpu.memory_space<vmem>> -> memref<100x64xi32, #tpu.memory_space<vmem>>
      %dma_wait3A_338 = arith.constant 0 : i32
      %dma_wait3A_339 = tpu.memref_slice %arg5[%add3A_330, %dma_wait3A_331, %dma_wait3A_338] : memref<128x2x100xi32, #tpu.memory_space<vmem>> -> memref<1x1x100xi32, #tpu.memory_space<vmem>>
      %dma_wait3A_340 = tpu.memref_squeeze %dma_wait3A_339 : memref<1x1x100xi32, #tpu.memory_space<vmem>> -> memref<100xi32, #tpu.memory_space<vmem>>
      %dma_wait3A_341 = arith.constant 0 : i32
      %dma_wait3A_342 = arith.constant 0 : i32
      %dma_wait3A_343 = tpu.memref_slice %arg3[%dma_wait3A_341, %dma_wait3A_342] : memref<100000x64xi32, #tpu.memory_space<hbm>> -> memref<100000x64xi32, #tpu.memory_space<hbm>>
      tpu.wait_indirect_dma semaphore(%arg10 : memref<!tpu.dma_semaphore, #tpu.memory_space<semaphore_mem>>) src(%dma_wait3A_343 : memref<100000x64xi32, #tpu.memory_space<hbm>>) dst(%dma_wait3A_337 : memref<100x64xi32, #tpu.memory_space<vmem>>)
      %broadcast_in_dim3A_344 = arith.constant 0.000000e+00 : f32
      %broadcast_in_dim3A_345 = vector.broadcast %broadcast_in_dim3A_344 : f32 to vector<16xf32>
      %broadcast_in_dim3A_346 = arith.constant 0.000000e+00 : f32
      %broadcast_in_dim3A_347 = vector.broadcast %broadcast_in_dim3A_346 : f32 to vector<16xf32>
      %broadcast_in_dim3A_348 = arith.constant 0.000000e+00 : f32
      %broadcast_in_dim3A_349 = vector.broadcast %broadcast_in_dim3A_348 : f32 to vector<16xf32>
      %broadcast_in_dim3A_350 = arith.constant 0.000000e+00 : f32
      %broadcast_in_dim3A_351 = vector.broadcast %broadcast_in_dim3A_350 : f32 to vector<16xf32>
      %broadcast_in_dim3A_352 = arith.constant 0.000000e+00 : f32
      %broadcast_in_dim3A_353 = vector.broadcast %broadcast_in_dim3A_352 : f32 to vector<16xf32>
      %broadcast_in_dim3A_354 = arith.constant 0.000000e+00 : f32
      %broadcast_in_dim3A_355 = vector.broadcast %broadcast_in_dim3A_354 : f32 to vector<16xf32>
      %broadcast_in_dim3A_356 = arith.constant 0.000000e+00 : f32
      %broadcast_in_dim3A_357 = vector.broadcast %broadcast_in_dim3A_356 : f32 to vector<16xf32>
      %broadcast_in_dim3A_358 = arith.constant 0.000000e+00 : f32
      %broadcast_in_dim3A_359 = vector.broadcast %broadcast_in_dim3A_358 : f32 to vector<16xf32>
      %scan3A_360 = arith.constant 0 : i32
      %scan3A_361 = arith.constant 50 : i32
      %scan3A_362 = arith.addi %scan3A_360, %scan3A_361 : i32
      %scan3A_363 = arith.constant 1 : i32
      %scan3A_364:8 = scf.for %scan3A_776 = %scan3A_360 to %scan3A_362 step %scan3A_363 iter_args(%scan3A_777 = %broadcast_in_dim3A_345, %scan3A_778 = %broadcast_in_dim3A_347, %scan3A_779 = %broadcast_in_dim3A_349, %scan3A_780 = %broadcast_in_dim3A_351, %scan3A_781 = %broadcast_in_dim3A_353, %scan3A_782 = %broadcast_in_dim3A_355, %scan3A_783 = %broadcast_in_dim3A_357, %scan3A_784 = %broadcast_in_dim3A_359) -> (vector<16xf32>, vector<16xf32>, vector<16xf32>, vector<16xf32>, vector<16xf32>, vector<16xf32>, vector<16xf32>, vector<16xf32>)  : i32 {
        %mul3A_785 = arith.constant 2 : i32
        %mul3A_786 = arith.muli %mul3A_785, %scan3A_776 : i32
        %add3A_787 = arith.constant 0 : i32
        %add3A_788 = arith.addi %mul3A_786, %add3A_787 : i32
        %get3A = arith.constant 1 : i32
        %get3A_789 = arith.constant 0 : i32
        %get3A_790 = arith.index_cast %get3A : i32 to index
        %get3A_791 = arith.index_cast %get3A_789 : i32 to index
        %get3A_792 = arith.index_cast %add3A_788 : i32 to index
        %get3A_793 = arith.constant 0 : index
        %get3A_794 = tpu.vector_load %arg6[%get3A_790, %get3A_791, %get3A_792, %get3A_793] {strides = array<i32>} : memref<4x2x100x64xi32, #tpu.memory_space<vmem>>, vector<1x1x1x16xi32>,
        %get3A_795 = vector.shape_cast %get3A_794 : vector<1x1x1x16xi32> to vector<16xi32>
        %shift_left3A = arith.constant 16 : i32
        %shift_left3A_796 = vector.broadcast %shift_left3A : i32 to vector<16xi32>
        %shift_left3A_797 = arith.shli %get3A_795, %shift_left3A_796 : vector<16xi32>
        %bitcast_convert_type3A = tpu.bitcast %shift_left3A_797 : vector<16xi32> -> vector<16xf32>
        %and3A = arith.constant -65536 : i32
        %and3A_798 = vector.broadcast %and3A : i32 to vector<16xi32>
        %and3A_799 = arith.andi %get3A_795, %and3A_798 : vector<16xi32>
        %bitcast_convert_type3A_800 = tpu.bitcast %and3A_799 : vector<16xi32> -> vector<16xf32>
        %add3A_801 = arith.addf %scan3A_777, %bitcast_convert_type3A : vector<16xf32>
        %add3A_802 = arith.addf %scan3A_778, %bitcast_convert_type3A_800 : vector<16xf32>
        %mul3A_803 = arith.constant 2 : i32
        %mul3A_804 = arith.muli %mul3A_803, %scan3A_776 : i32
        %add3A_805 = arith.constant 0 : i32
        %add3A_806 = arith.addi %mul3A_804, %add3A_805 : i32
        %get3A_807 = arith.constant 1 : i32
        %get3A_808 = arith.constant 0 : i32
        %get3A_809 = arith.index_cast %get3A_807 : i32 to index
        %get3A_810 = arith.index_cast %get3A_808 : i32 to index
        %get3A_811 = arith.index_cast %add3A_806 : i32 to index
        %get3A_812 = arith.constant 16 : index
        %get3A_813 = tpu.vector_load %arg6[%get3A_809, %get3A_810, %get3A_811, %get3A_812] {strides = array<i32>} : memref<4x2x100x64xi32, #tpu.memory_space<vmem>>, vector<1x1x1x16xi32>,
        %get3A_814 = vector.shape_cast %get3A_813 : vector<1x1x1x16xi32> to vector<16xi32>
        %shift_left3A_815 = arith.constant 16 : i32
        %shift_left3A_816 = vector.broadcast %shift_left3A_815 : i32 to vector<16xi32>
        %shift_left3A_817 = arith.shli %get3A_814, %shift_left3A_816 : vector<16xi32>
        %bitcast_convert_type3A_818 = tpu.bitcast %shift_left3A_817 : vector<16xi32> -> vector<16xf32>
        %and3A_819 = arith.constant -65536 : i32
        %and3A_820 = vector.broadcast %and3A_819 : i32 to vector<16xi32>
        %and3A_821 = arith.andi %get3A_814, %and3A_820 : vector<16xi32>
        %bitcast_convert_type3A_822 = tpu.bitcast %and3A_821 : vector<16xi32> -> vector<16xf32>
        %add3A_823 = arith.addf %scan3A_779, %bitcast_convert_type3A_818 : vector<16xf32>
        %add3A_824 = arith.addf %scan3A_780, %bitcast_convert_type3A_822 : vector<16xf32>
        %mul3A_825 = arith.constant 2 : i32
        %mul3A_826 = arith.muli %mul3A_825, %scan3A_776 : i32
        %add3A_827 = arith.constant 0 : i32
        %add3A_828 = arith.addi %mul3A_826, %add3A_827 : i32
        %get3A_829 = arith.constant 1 : i32
        %get3A_830 = arith.constant 0 : i32
        %get3A_831 = arith.index_cast %get3A_829 : i32 to index
        %get3A_832 = arith.index_cast %get3A_830 : i32 to index
        %get3A_833 = arith.index_cast %add3A_828 : i32 to index
        %get3A_834 = arith.constant 32 : index
        %get3A_835 = tpu.vector_load %arg6[%get3A_831, %get3A_832, %get3A_833, %get3A_834] {strides = array<i32>} : memref<4x2x100x64xi32, #tpu.memory_space<vmem>>, vector<1x1x1x16xi32>,
        %get3A_836 = vector.shape_cast %get3A_835 : vector<1x1x1x16xi32> to vector<16xi32>
        %shift_left3A_837 = arith.constant 16 : i32
        %shift_left3A_838 = vector.broadcast %shift_left3A_837 : i32 to vector<16xi32>
        %shift_left3A_839 = arith.shli %get3A_836, %shift_left3A_838 : vector<16xi32>
        %bitcast_convert_type3A_840 = tpu.bitcast %shift_left3A_839 : vector<16xi32> -> vector<16xf32>
        %and3A_841 = arith.constant -65536 : i32
        %and3A_842 = vector.broadcast %and3A_841 : i32 to vector<16xi32>
        %and3A_843 = arith.andi %get3A_836, %and3A_842 : vector<16xi32>
        %bitcast_convert_type3A_844 = tpu.bitcast %and3A_843 : vector<16xi32> -> vector<16xf32>
        %add3A_845 = arith.addf %scan3A_781, %bitcast_convert_type3A_840 : vector<16xf32>
        %add3A_846 = arith.addf %scan3A_782, %bitcast_convert_type3A_844 : vector<16xf32>
        %mul3A_847 = arith.constant 2 : i32
        %mul3A_848 = arith.muli %mul3A_847, %scan3A_776 : i32
        %add3A_849 = arith.constant 0 : i32
        %add3A_850 = arith.addi %mul3A_848, %add3A_849 : i32
        %get3A_851 = arith.constant 1 : i32
        %get3A_852 = arith.constant 0 : i32
        %get3A_853 = arith.index_cast %get3A_851 : i32 to index
        %get3A_854 = arith.index_cast %get3A_852 : i32 to index
        %get3A_855 = arith.index_cast %add3A_850 : i32 to index
        %get3A_856 = arith.constant 48 : index
        %get3A_857 = tpu.vector_load %arg6[%get3A_853, %get3A_854, %get3A_855, %get3A_856] {strides = array<i32>} : memref<4x2x100x64xi32, #tpu.memory_space<vmem>>, vector<1x1x1x16xi32>,
        %get3A_858 = vector.shape_cast %get3A_857 : vector<1x1x1x16xi32> to vector<16xi32>
        %shift_left3A_859 = arith.constant 16 : i32
        %shift_left3A_860 = vector.broadcast %shift_left3A_859 : i32 to vector<16xi32>
        %shift_left3A_861 = arith.shli %get3A_858, %shift_left3A_860 : vector<16xi32>
        %bitcast_convert_type3A_862 = tpu.bitcast %shift_left3A_861 : vector<16xi32> -> vector<16xf32>
        %and3A_863 = arith.constant -65536 : i32
        %and3A_864 = vector.broadcast %and3A_863 : i32 to vector<16xi32>
        %and3A_865 = arith.andi %get3A_858, %and3A_864 : vector<16xi32>
        %bitcast_convert_type3A_866 = tpu.bitcast %and3A_865 : vector<16xi32> -> vector<16xf32>
        %add3A_867 = arith.addf %scan3A_783, %bitcast_convert_type3A_862 : vector<16xf32>
        %add3A_868 = arith.addf %scan3A_784, %bitcast_convert_type3A_866 : vector<16xf32>
        %mul3A_869 = arith.constant 2 : i32
        %mul3A_870 = arith.muli %mul3A_869, %scan3A_776 : i32
        %add3A_871 = arith.constant 1 : i32
        %add3A_872 = arith.addi %mul3A_870, %add3A_871 : i32
        %get3A_873 = arith.constant 1 : i32
        %get3A_874 = arith.constant 0 : i32
        %get3A_875 = arith.index_cast %get3A_873 : i32 to index
        %get3A_876 = arith.index_cast %get3A_874 : i32 to index
        %get3A_877 = arith.index_cast %add3A_872 : i32 to index
        %get3A_878 = arith.constant 0 : index
        %get3A_879 = tpu.vector_load %arg6[%get3A_875, %get3A_876, %get3A_877, %get3A_878] {strides = array<i32>} : memref<4x2x100x64xi32, #tpu.memory_space<vmem>>, vector<1x1x1x16xi32>,
        %get3A_880 = vector.shape_cast %get3A_879 : vector<1x1x1x16xi32> to vector<16xi32>
        %shift_left3A_881 = arith.constant 16 : i32
        %shift_left3A_882 = vector.broadcast %shift_left3A_881 : i32 to vector<16xi32>
        %shift_left3A_883 = arith.shli %get3A_880, %shift_left3A_882 : vector<16xi32>
        %bitcast_convert_type3A_884 = tpu.bitcast %shift_left3A_883 : vector<16xi32> -> vector<16xf32>
        %and3A_885 = arith.constant -65536 : i32
        %and3A_886 = vector.broadcast %and3A_885 : i32 to vector<16xi32>
        %and3A_887 = arith.andi %get3A_880, %and3A_886 : vector<16xi32>
        %bitcast_convert_type3A_888 = tpu.bitcast %and3A_887 : vector<16xi32> -> vector<16xf32>
        %add3A_889 = arith.addf %add3A_801, %bitcast_convert_type3A_884 : vector<16xf32>
        %add3A_890 = arith.addf %add3A_802, %bitcast_convert_type3A_888 : vector<16xf32>
        %mul3A_891 = arith.constant 2 : i32
        %mul3A_892 = arith.muli %mul3A_891, %scan3A_776 : i32
        %add3A_893 = arith.constant 1 : i32
        %add3A_894 = arith.addi %mul3A_892, %add3A_893 : i32
        %get3A_895 = arith.constant 1 : i32
        %get3A_896 = arith.constant 0 : i32
        %get3A_897 = arith.index_cast %get3A_895 : i32 to index
        %get3A_898 = arith.index_cast %get3A_896 : i32 to index
        %get3A_899 = arith.index_cast %add3A_894 : i32 to index
        %get3A_900 = arith.constant 16 : index
        %get3A_901 = tpu.vector_load %arg6[%get3A_897, %get3A_898, %get3A_899, %get3A_900] {strides = array<i32>} : memref<4x2x100x64xi32, #tpu.memory_space<vmem>>, vector<1x1x1x16xi32>,
        %get3A_902 = vector.shape_cast %get3A_901 : vector<1x1x1x16xi32> to vector<16xi32>
        %shift_left3A_903 = arith.constant 16 : i32
        %shift_left3A_904 = vector.broadcast %shift_left3A_903 : i32 to vector<16xi32>
        %shift_left3A_905 = arith.shli %get3A_902, %shift_left3A_904 : vector<16xi32>
        %bitcast_convert_type3A_906 = tpu.bitcast %shift_left3A_905 : vector<16xi32> -> vector<16xf32>
        %and3A_907 = arith.constant -65536 : i32
        %and3A_908 = vector.broadcast %and3A_907 : i32 to vector<16xi32>
        %and3A_909 = arith.andi %get3A_902, %and3A_908 : vector<16xi32>
        %bitcast_convert_type3A_910 = tpu.bitcast %and3A_909 : vector<16xi32> -> vector<16xf32>
        %add3A_911 = arith.addf %add3A_823, %bitcast_convert_type3A_906 : vector<16xf32>
        %add3A_912 = arith.addf %add3A_824, %bitcast_convert_type3A_910 : vector<16xf32>
        %mul3A_913 = arith.constant 2 : i32
        %mul3A_914 = arith.muli %mul3A_913, %scan3A_776 : i32
        %add3A_915 = arith.constant 1 : i32
        %add3A_916 = arith.addi %mul3A_914, %add3A_915 : i32
        %get3A_917 = arith.constant 1 : i32
        %get3A_918 = arith.constant 0 : i32
        %get3A_919 = arith.index_cast %get3A_917 : i32 to index
        %get3A_920 = arith.index_cast %get3A_918 : i32 to index
        %get3A_921 = arith.index_cast %add3A_916 : i32 to index
        %get3A_922 = arith.constant 32 : index
        %get3A_923 = tpu.vector_load %arg6[%get3A_919, %get3A_920, %get3A_921, %get3A_922] {strides = array<i32>} : memref<4x2x100x64xi32, #tpu.memory_space<vmem>>, vector<1x1x1x16xi32>,
        %get3A_924 = vector.shape_cast %get3A_923 : vector<1x1x1x16xi32> to vector<16xi32>
        %shift_left3A_925 = arith.constant 16 : i32
        %shift_left3A_926 = vector.broadcast %shift_left3A_925 : i32 to vector<16xi32>
        %shift_left3A_927 = arith.shli %get3A_924, %shift_left3A_926 : vector<16xi32>
        %bitcast_convert_type3A_928 = tpu.bitcast %shift_left3A_927 : vector<16xi32> -> vector<16xf32>
        %and3A_929 = arith.constant -65536 : i32
        %and3A_930 = vector.broadcast %and3A_929 : i32 to vector<16xi32>
        %and3A_931 = arith.andi %get3A_924, %and3A_930 : vector<16xi32>
        %bitcast_convert_type3A_932 = tpu.bitcast %and3A_931 : vector<16xi32> -> vector<16xf32>
        %add3A_933 = arith.addf %add3A_845, %bitcast_convert_type3A_928 : vector<16xf32>
        %add3A_934 = arith.addf %add3A_846, %bitcast_convert_type3A_932 : vector<16xf32>
        %mul3A_935 = arith.constant 2 : i32
        %mul3A_936 = arith.muli %mul3A_935, %scan3A_776 : i32
        %add3A_937 = arith.constant 1 : i32
        %add3A_938 = arith.addi %mul3A_936, %add3A_937 : i32
        %get3A_939 = arith.constant 1 : i32
        %get3A_940 = arith.constant 0 : i32
        %get3A_941 = arith.index_cast %get3A_939 : i32 to index
        %get3A_942 = arith.index_cast %get3A_940 : i32 to index
        %get3A_943 = arith.index_cast %add3A_938 : i32 to index
        %get3A_944 = arith.constant 48 : index
        %get3A_945 = tpu.vector_load %arg6[%get3A_941, %get3A_942, %get3A_943, %get3A_944] {strides = array<i32>} : memref<4x2x100x64xi32, #tpu.memory_space<vmem>>, vector<1x1x1x16xi32>,
        %get3A_946 = vector.shape_cast %get3A_945 : vector<1x1x1x16xi32> to vector<16xi32>
        %shift_left3A_947 = arith.constant 16 : i32
        %shift_left3A_948 = vector.broadcast %shift_left3A_947 : i32 to vector<16xi32>
        %shift_left3A_949 = arith.shli %get3A_946, %shift_left3A_948 : vector<16xi32>
        %bitcast_convert_type3A_950 = tpu.bitcast %shift_left3A_949 : vector<16xi32> -> vector<16xf32>
        %and3A_951 = arith.constant -65536 : i32
        %and3A_952 = vector.broadcast %and3A_951 : i32 to vector<16xi32>
        %and3A_953 = arith.andi %get3A_946, %and3A_952 : vector<16xi32>
        %bitcast_convert_type3A_954 = tpu.bitcast %and3A_953 : vector<16xi32> -> vector<16xf32>
        %add3A_955 = arith.addf %add3A_867, %bitcast_convert_type3A_950 : vector<16xf32>
        %add3A_956 = arith.addf %add3A_868, %bitcast_convert_type3A_954 : vector<16xf32>
        scf.yield %add3A_889, %add3A_890, %add3A_911, %add3A_912, %add3A_933, %add3A_934, %add3A_955, %add3A_956 : vector<16xf32>, vector<16xf32>, vector<16xf32>, vector<16xf32>, vector<16xf32>, vector<16xf32>, vector<16xf32>, vector<16xf32>
      }
      %scan3A_365 = arith.constant 50 : i32
      %dma_wait3A_366 = arith.constant 1 : i32
      %dma_wait3A_367 = arith.constant 1 : i32
      %dma_wait3A_368 = arith.constant 1 : i32
      %dma_wait3A_369 = arith.constant 0 : i32
      %dma_wait3A_370 = arith.constant 0 : i32
      %dma_wait3A_371 = tpu.memref_slice %arg6[%dma_wait3A_367, %dma_wait3A_368, %dma_wait3A_369, %dma_wait3A_370] : memref<4x2x100x64xi32, #tpu.memory_space<vmem>> -> memref<1x1x100x64xi32, #tpu.memory_space<vmem>>
      %dma_wait3A_372 = tpu.memref_squeeze %dma_wait3A_371 : memref<1x1x100x64xi32, #tpu.memory_space<vmem>> -> memref<100x64xi32, #tpu.memory_space<vmem>>
      %dma_wait3A_373 = arith.constant 0 : i32
      %dma_wait3A_374 = tpu.memref_slice %arg5[%add3A_330, %dma_wait3A_366, %dma_wait3A_373] : memref<128x2x100xi32, #tpu.memory_space<vmem>> -> memref<1x1x100xi32, #tpu.memory_space<vmem>>
      %dma_wait3A_375 = tpu.memref_squeeze %dma_wait3A_374 : memref<1x1x100xi32, #tpu.memory_space<vmem>> -> memref<100xi32, #tpu.memory_space<vmem>>
      %dma_wait3A_376 = arith.constant 0 : i32
      %dma_wait3A_377 = arith.constant 0 : i32
      %dma_wait3A_378 = tpu.memref_slice %arg3[%dma_wait3A_376, %dma_wait3A_377] : memref<100000x64xi32, #tpu.memory_space<hbm>> -> memref<100000x64xi32, #tpu.memory_space<hbm>>
      tpu.wait_indirect_dma semaphore(%arg11 : memref<!tpu.dma_semaphore, #tpu.memory_space<semaphore_mem>>) src(%dma_wait3A_378 : memref<100000x64xi32, #tpu.memory_space<hbm>>) dst(%dma_wait3A_372 : memref<100x64xi32, #tpu.memory_space<vmem>>)
      %scan3A_379 = arith.constant 0 : i32
      %scan3A_380 = arith.constant 50 : i32
      %scan3A_381 = arith.addi %scan3A_379, %scan3A_380 : i32
      %scan3A_382 = arith.constant 1 : i32
      %scan3A_383:8 = scf.for %scan3A_776 = %scan3A_379 to %scan3A_381 step %scan3A_382 iter_args(%scan3A_777 = %scan3A_364#0, %scan3A_778 = %scan3A_364#1, %scan3A_779 = %scan3A_364#2, %scan3A_780 = %scan3A_364#3, %scan3A_781 = %scan3A_364#4, %scan3A_782 = %scan3A_364#5, %scan3A_783 = %scan3A_364#6, %scan3A_784 = %scan3A_364#7) -> (vector<16xf32>, vector<16xf32>, vector<16xf32>, vector<16xf32>, vector<16xf32>, vector<16xf32>, vector<16xf32>, vector<16xf32>)  : i32 {
        %mul3A_785 = arith.constant 2 : i32
        %mul3A_786 = arith.muli %mul3A_785, %scan3A_776 : i32
        %add3A_787 = arith.constant 0 : i32
        %add3A_788 = arith.addi %mul3A_786, %add3A_787 : i32
        %get3A = arith.constant 1 : i32
        %get3A_789 = arith.constant 1 : i32
        %get3A_790 = arith.index_cast %get3A : i32 to index
        %get3A_791 = arith.index_cast %get3A_789 : i32 to index
        %get3A_792 = arith.index_cast %add3A_788 : i32 to index
        %get3A_793 = arith.constant 0 : index
        %get3A_794 = tpu.vector_load %arg6[%get3A_790, %get3A_791, %get3A_792, %get3A_793] {strides = array<i32>} : memref<4x2x100x64xi32, #tpu.memory_space<vmem>>, vector<1x1x1x16xi32>,
        %get3A_795 = vector.shape_cast %get3A_794 : vector<1x1x1x16xi32> to vector<16xi32>
        %shift_left3A = arith.constant 16 : i32
        %shift_left3A_796 = vector.broadcast %shift_left3A : i32 to vector<16xi32>
        %shift_left3A_797 = arith.shli %get3A_795, %shift_left3A_796 : vector<16xi32>
        %bitcast_convert_type3A = tpu.bitcast %shift_left3A_797 : vector<16xi32> -> vector<16xf32>
        %and3A = arith.constant -65536 : i32
        %and3A_798 = vector.broadcast %and3A : i32 to vector<16xi32>
        %and3A_799 = arith.andi %get3A_795, %and3A_798 : vector<16xi32>
        %bitcast_convert_type3A_800 = tpu.bitcast %and3A_799 : vector<16xi32> -> vector<16xf32>
        %add3A_801 = arith.addf %scan3A_777, %bitcast_convert_type3A : vector<16xf32>
        %add3A_802 = arith.addf %scan3A_778, %bitcast_convert_type3A_800 : vector<16xf32>
        %mul3A_803 = arith.constant 2 : i32
        %mul3A_804 = arith.muli %mul3A_803, %scan3A_776 : i32
        %add3A_805 = arith.constant 0 : i32
        %add3A_806 = arith.addi %mul3A_804, %add3A_805 : i32
        %get3A_807 = arith.constant 1 : i32
        %get3A_808 = arith.constant 1 : i32
        %get3A_809 = arith.index_cast %get3A_807 : i32 to index
        %get3A_810 = arith.index_cast %get3A_808 : i32 to index
        %get3A_811 = arith.index_cast %add3A_806 : i32 to index
        %get3A_812 = arith.constant 16 : index
        %get3A_813 = tpu.vector_load %arg6[%get3A_809, %get3A_810, %get3A_811, %get3A_812] {strides = array<i32>} : memref<4x2x100x64xi32, #tpu.memory_space<vmem>>, vector<1x1x1x16xi32>,
        %get3A_814 = vector.shape_cast %get3A_813 : vector<1x1x1x16xi32> to vector<16xi32>
        %shift_left3A_815 = arith.constant 16 : i32
        %shift_left3A_816 = vector.broadcast %shift_left3A_815 : i32 to vector<16xi32>
        %shift_left3A_817 = arith.shli %get3A_814, %shift_left3A_816 : vector<16xi32>
        %bitcast_convert_type3A_818 = tpu.bitcast %shift_left3A_817 : vector<16xi32> -> vector<16xf32>
        %and3A_819 = arith.constant -65536 : i32
        %and3A_820 = vector.broadcast %and3A_819 : i32 to vector<16xi32>
        %and3A_821 = arith.andi %get3A_814, %and3A_820 : vector<16xi32>
        %bitcast_convert_type3A_822 = tpu.bitcast %and3A_821 : vector<16xi32> -> vector<16xf32>
        %add3A_823 = arith.addf %scan3A_779, %bitcast_convert_type3A_818 : vector<16xf32>
        %add3A_824 = arith.addf %scan3A_780, %bitcast_convert_type3A_822 : vector<16xf32>
        %mul3A_825 = arith.constant 2 : i32
        %mul3A_826 = arith.muli %mul3A_825, %scan3A_776 : i32
        %add3A_827 = arith.constant 0 : i32
        %add3A_828 = arith.addi %mul3A_826, %add3A_827 : i32
        %get3A_829 = arith.constant 1 : i32
        %get3A_830 = arith.constant 1 : i32
        %get3A_831 = arith.index_cast %get3A_829 : i32 to index
        %get3A_832 = arith.index_cast %get3A_830 : i32 to index
        %get3A_833 = arith.index_cast %add3A_828 : i32 to index
        %get3A_834 = arith.constant 32 : index
        %get3A_835 = tpu.vector_load %arg6[%get3A_831, %get3A_832, %get3A_833, %get3A_834] {strides = array<i32>} : memref<4x2x100x64xi32, #tpu.memory_space<vmem>>, vector<1x1x1x16xi32>,
        %get3A_836 = vector.shape_cast %get3A_835 : vector<1x1x1x16xi32> to vector<16xi32>
        %shift_left3A_837 = arith.constant 16 : i32
        %shift_left3A_838 = vector.broadcast %shift_left3A_837 : i32 to vector<16xi32>
        %shift_left3A_839 = arith.shli %get3A_836, %shift_left3A_838 : vector<16xi32>
        %bitcast_convert_type3A_840 = tpu.bitcast %shift_left3A_839 : vector<16xi32> -> vector<16xf32>
        %and3A_841 = arith.constant -65536 : i32
        %and3A_842 = vector.broadcast %and3A_841 : i32 to vector<16xi32>
        %and3A_843 = arith.andi %get3A_836, %and3A_842 : vector<16xi32>
        %bitcast_convert_type3A_844 = tpu.bitcast %and3A_843 : vector<16xi32> -> vector<16xf32>
        %add3A_845 = arith.addf %scan3A_781, %bitcast_convert_type3A_840 : vector<16xf32>
        %add3A_846 = arith.addf %scan3A_782, %bitcast_convert_type3A_844 : vector<16xf32>
        %mul3A_847 = arith.constant 2 : i32
        %mul3A_848 = arith.muli %mul3A_847, %scan3A_776 : i32
        %add3A_849 = arith.constant 0 : i32
        %add3A_850 = arith.addi %mul3A_848, %add3A_849 : i32
        %get3A_851 = arith.constant 1 : i32
        %get3A_852 = arith.constant 1 : i32
        %get3A_853 = arith.index_cast %get3A_851 : i32 to index
        %get3A_854 = arith.index_cast %get3A_852 : i32 to index
        %get3A_855 = arith.index_cast %add3A_850 : i32 to index
        %get3A_856 = arith.constant 48 : index
        %get3A_857 = tpu.vector_load %arg6[%get3A_853, %get3A_854, %get3A_855, %get3A_856] {strides = array<i32>} : memref<4x2x100x64xi32, #tpu.memory_space<vmem>>, vector<1x1x1x16xi32>,
        %get3A_858 = vector.shape_cast %get3A_857 : vector<1x1x1x16xi32> to vector<16xi32>
        %shift_left3A_859 = arith.constant 16 : i32
        %shift_left3A_860 = vector.broadcast %shift_left3A_859 : i32 to vector<16xi32>
        %shift_left3A_861 = arith.shli %get3A_858, %shift_left3A_860 : vector<16xi32>
        %bitcast_convert_type3A_862 = tpu.bitcast %shift_left3A_861 : vector<16xi32> -> vector<16xf32>
        %and3A_863 = arith.constant -65536 : i32
        %and3A_864 = vector.broadcast %and3A_863 : i32 to vector<16xi32>
        %and3A_865 = arith.andi %get3A_858, %and3A_864 : vector<16xi32>
        %bitcast_convert_type3A_866 = tpu.bitcast %and3A_865 : vector<16xi32> -> vector<16xf32>
        %add3A_867 = arith.addf %scan3A_783, %bitcast_convert_type3A_862 : vector<16xf32>
        %add3A_868 = arith.addf %scan3A_784, %bitcast_convert_type3A_866 : vector<16xf32>
        %mul3A_869 = arith.constant 2 : i32
        %mul3A_870 = arith.muli %mul3A_869, %scan3A_776 : i32
        %add3A_871 = arith.constant 1 : i32
        %add3A_872 = arith.addi %mul3A_870, %add3A_871 : i32
        %get3A_873 = arith.constant 1 : i32
        %get3A_874 = arith.constant 1 : i32
        %get3A_875 = arith.index_cast %get3A_873 : i32 to index
        %get3A_876 = arith.index_cast %get3A_874 : i32 to index
        %get3A_877 = arith.index_cast %add3A_872 : i32 to index
        %get3A_878 = arith.constant 0 : index
        %get3A_879 = tpu.vector_load %arg6[%get3A_875, %get3A_876, %get3A_877, %get3A_878] {strides = array<i32>} : memref<4x2x100x64xi32, #tpu.memory_space<vmem>>, vector<1x1x1x16xi32>,
        %get3A_880 = vector.shape_cast %get3A_879 : vector<1x1x1x16xi32> to vector<16xi32>
        %shift_left3A_881 = arith.constant 16 : i32
        %shift_left3A_882 = vector.broadcast %shift_left3A_881 : i32 to vector<16xi32>
        %shift_left3A_883 = arith.shli %get3A_880, %shift_left3A_882 : vector<16xi32>
        %bitcast_convert_type3A_884 = tpu.bitcast %shift_left3A_883 : vector<16xi32> -> vector<16xf32>
        %and3A_885 = arith.constant -65536 : i32
        %and3A_886 = vector.broadcast %and3A_885 : i32 to vector<16xi32>
        %and3A_887 = arith.andi %get3A_880, %and3A_886 : vector<16xi32>
        %bitcast_convert_type3A_888 = tpu.bitcast %and3A_887 : vector<16xi32> -> vector<16xf32>
        %add3A_889 = arith.addf %add3A_801, %bitcast_convert_type3A_884 : vector<16xf32>
        %add3A_890 = arith.addf %add3A_802, %bitcast_convert_type3A_888 : vector<16xf32>
        %mul3A_891 = arith.constant 2 : i32
        %mul3A_892 = arith.muli %mul3A_891, %scan3A_776 : i32
        %add3A_893 = arith.constant 1 : i32
        %add3A_894 = arith.addi %mul3A_892, %add3A_893 : i32
        %get3A_895 = arith.constant 1 : i32
        %get3A_896 = arith.constant 1 : i32
        %get3A_897 = arith.index_cast %get3A_895 : i32 to index
        %get3A_898 = arith.index_cast %get3A_896 : i32 to index
        %get3A_899 = arith.index_cast %add3A_894 : i32 to index
        %get3A_900 = arith.constant 16 : index
        %get3A_901 = tpu.vector_load %arg6[%get3A_897, %get3A_898, %get3A_899, %get3A_900] {strides = array<i32>} : memref<4x2x100x64xi32, #tpu.memory_space<vmem>>, vector<1x1x1x16xi32>,
        %get3A_902 = vector.shape_cast %get3A_901 : vector<1x1x1x16xi32> to vector<16xi32>
        %shift_left3A_903 = arith.constant 16 : i32
        %shift_left3A_904 = vector.broadcast %shift_left3A_903 : i32 to vector<16xi32>
        %shift_left3A_905 = arith.shli %get3A_902, %shift_left3A_904 : vector<16xi32>
        %bitcast_convert_type3A_906 = tpu.bitcast %shift_left3A_905 : vector<16xi32> -> vector<16xf32>
        %and3A_907 = arith.constant -65536 : i32
        %and3A_908 = vector.broadcast %and3A_907 : i32 to vector<16xi32>
        %and3A_909 = arith.andi %get3A_902, %and3A_908 : vector<16xi32>
        %bitcast_convert_type3A_910 = tpu.bitcast %and3A_909 : vector<16xi32> -> vector<16xf32>
        %add3A_911 = arith.addf %add3A_823, %bitcast_convert_type3A_906 : vector<16xf32>
        %add3A_912 = arith.addf %add3A_824, %bitcast_convert_type3A_910 : vector<16xf32>
        %mul3A_913 = arith.constant 2 : i32
        %mul3A_914 = arith.muli %mul3A_913, %scan3A_776 : i32
        %add3A_915 = arith.constant 1 : i32
        %add3A_916 = arith.addi %mul3A_914, %add3A_915 : i32
        %get3A_917 = arith.constant 1 : i32
        %get3A_918 = arith.constant 1 : i32
        %get3A_919 = arith.index_cast %get3A_917 : i32 to index
        %get3A_920 = arith.index_cast %get3A_918 : i32 to index
        %get3A_921 = arith.index_cast %add3A_916 : i32 to index
        %get3A_922 = arith.constant 32 : index
        %get3A_923 = tpu.vector_load %arg6[%get3A_919, %get3A_920, %get3A_921, %get3A_922] {strides = array<i32>} : memref<4x2x100x64xi32, #tpu.memory_space<vmem>>, vector<1x1x1x16xi32>,
        %get3A_924 = vector.shape_cast %get3A_923 : vector<1x1x1x16xi32> to vector<16xi32>
        %shift_left3A_925 = arith.constant 16 : i32
        %shift_left3A_926 = vector.broadcast %shift_left3A_925 : i32 to vector<16xi32>
        %shift_left3A_927 = arith.shli %get3A_924, %shift_left3A_926 : vector<16xi32>
        %bitcast_convert_type3A_928 = tpu.bitcast %shift_left3A_927 : vector<16xi32> -> vector<16xf32>
        %and3A_929 = arith.constant -65536 : i32
        %and3A_930 = vector.broadcast %and3A_929 : i32 to vector<16xi32>
        %and3A_931 = arith.andi %get3A_924, %and3A_930 : vector<16xi32>
        %bitcast_convert_type3A_932 = tpu.bitcast %and3A_931 : vector<16xi32> -> vector<16xf32>
        %add3A_933 = arith.addf %add3A_845, %bitcast_convert_type3A_928 : vector<16xf32>
        %add3A_934 = arith.addf %add3A_846, %bitcast_convert_type3A_932 : vector<16xf32>
        %mul3A_935 = arith.constant 2 : i32
        %mul3A_936 = arith.muli %mul3A_935, %scan3A_776 : i32
        %add3A_937 = arith.constant 1 : i32
        %add3A_938 = arith.addi %mul3A_936, %add3A_937 : i32
        %get3A_939 = arith.constant 1 : i32
        %get3A_940 = arith.constant 1 : i32
        %get3A_941 = arith.index_cast %get3A_939 : i32 to index
        %get3A_942 = arith.index_cast %get3A_940 : i32 to index
        %get3A_943 = arith.index_cast %add3A_938 : i32 to index
        %get3A_944 = arith.constant 48 : index
        %get3A_945 = tpu.vector_load %arg6[%get3A_941, %get3A_942, %get3A_943, %get3A_944] {strides = array<i32>} : memref<4x2x100x64xi32, #tpu.memory_space<vmem>>, vector<1x1x1x16xi32>,
        %get3A_946 = vector.shape_cast %get3A_945 : vector<1x1x1x16xi32> to vector<16xi32>
        %shift_left3A_947 = arith.constant 16 : i32
        %shift_left3A_948 = vector.broadcast %shift_left3A_947 : i32 to vector<16xi32>
        %shift_left3A_949 = arith.shli %get3A_946, %shift_left3A_948 : vector<16xi32>
        %bitcast_convert_type3A_950 = tpu.bitcast %shift_left3A_949 : vector<16xi32> -> vector<16xf32>
        %and3A_951 = arith.constant -65536 : i32
        %and3A_952 = vector.broadcast %and3A_951 : i32 to vector<16xi32>
        %and3A_953 = arith.andi %get3A_946, %and3A_952 : vector<16xi32>
        %bitcast_convert_type3A_954 = tpu.bitcast %and3A_953 : vector<16xi32> -> vector<16xf32>
        %add3A_955 = arith.addf %add3A_867, %bitcast_convert_type3A_950 : vector<16xf32>
        %add3A_956 = arith.addf %add3A_868, %bitcast_convert_type3A_954 : vector<16xf32>
        scf.yield %add3A_889, %add3A_890, %add3A_911, %add3A_912, %add3A_933, %add3A_934, %add3A_955, %add3A_956 : vector<16xf32>, vector<16xf32>, vector<16xf32>, vector<16xf32>, vector<16xf32>, vector<16xf32>, vector<16xf32>, vector<16xf32>
      }
      %scan3A_384 = arith.constant 50 : i32
      %gt3A_385 = arith.constant 0 : i32
      %gt3A_386 = arith.cmpi sgt, %scan3A_130, %gt3A_385 : i32
      %convert_element_type3A_387 = arith.extui %gt3A_386 : i1 to i32
      %cond3A_388 = arith.constant 0 : i32
      %cond3A_389 = arith.cmpi ne, %convert_element_type3A_387, %cond3A_388 : i32
      scf.if %cond3A_389 {
        %add3A_776 = arith.addi %mul3A_2, %add3A_330 : i32
        %dma_wait3A_777 = arith.constant 1 : i32
        %dma_wait3A_778 = arith.constant 0 : i32
        %dma_wait3A_779 = tpu.memref_slice %arg7[%dma_wait3A_777, %dma_wait3A_778] : memref<4x128xf32, #tpu.memory_space<vmem>> -> memref<1x128xf32, #tpu.memory_space<vmem>>
        %dma_wait3A_780 = tpu.memref_squeeze %dma_wait3A_779 : memref<1x128xf32, #tpu.memory_space<vmem>> -> memref<128xf32, #tpu.memory_space<vmem>>
        %dma_wait3A_781 = arith.constant 0 : i32
        %dma_wait3A_782 = tpu.memref_slice %arg4[%add3A_776, %dma_wait3A_781] : memref<4096x128xf32, #tpu.memory_space<hbm>> -> memref<1x128xf32, #tpu.memory_space<hbm>>
        %dma_wait3A_783 = tpu.memref_squeeze %dma_wait3A_782 : memref<1x128xf32, #tpu.memory_space<hbm>> -> memref<128xf32, #tpu.memory_space<hbm>>
        %dma_wait3A_784 = arith.constant 0 : i32
        %dma_wait3A_785 = tpu.memref_slice %arg4[%add3A_776, %dma_wait3A_784] : memref<4096x128xf32, #tpu.memory_space<hbm>> -> memref<1x128xf32, #tpu.memory_space<hbm>>
        %dma_wait3A_786 = tpu.memref_squeeze %dma_wait3A_785 : memref<1x128xf32, #tpu.memory_space<hbm>> -> memref<128xf32, #tpu.memory_space<hbm>>
        %dma_wait3A_787 = arith.constant 0 : i32
        %dma_wait3A_788 = tpu.memref_slice %arg7[%dma_wait3A_777, %dma_wait3A_787] : memref<4x128xf32, #tpu.memory_space<vmem>> -> memref<1x128xf32, #tpu.memory_space<vmem>>
        %dma_wait3A_789 = tpu.memref_squeeze %dma_wait3A_788 : memref<1x128xf32, #tpu.memory_space<vmem>> -> memref<128xf32, #tpu.memory_space<vmem>>
        tpu.wait_dma2 semaphore(%arg17 : memref<!tpu.dma_semaphore, #tpu.memory_space<semaphore_mem>>) src(%dma_wait3A_789 : memref<128xf32, #tpu.memory_space<vmem>>) dst(%dma_wait3A_786 : memref<128xf32, #tpu.memory_space<hbm>>)
      } else {
      }
      %mul3A_390 = arith.constant 5.000000e-03 : f32
      %mul3A_391 = vector.broadcast %mul3A_390 : f32 to vector<16xf32>
      %mul3A_392 = arith.mulf %scan3A_383#0, %mul3A_391 : vector<16xf32>
      %swap3A_393 = arith.constant 1 : i32
      %swap3A_394 = arith.index_cast %swap3A_393 : i32 to index
      %swap3A_395 = arith.constant 0 : index
      %swap3A_396 = tpu.vector_load %arg7[%swap3A_394, %swap3A_395] {strides = array<i32>} : memref<4x128xf32, #tpu.memory_space<vmem>>, vector<1x16xf32>,
      %swap3A_397 = vector.shape_cast %swap3A_396 : vector<1x16xf32> to vector<16xf32>
      %swap3A_398 = vector.shape_cast %mul3A_392 : vector<16xf32> to vector<1x16xf32>
      tpu.vector_store %arg7[%swap3A_394, %swap3A_395], %swap3A_398 {strides = array<i32>} : memref<4x128xf32, #tpu.memory_space<vmem>>, vector<1x16xf32>,
      %mul3A_399 = arith.constant 5.000000e-03 : f32
      %mul3A_400 = vector.broadcast %mul3A_399 : f32 to vector<16xf32>
      %mul3A_401 = arith.mulf %scan3A_383#1, %mul3A_400 : vector<16xf32>
      %swap3A_402 = arith.constant 1 : i32
      %swap3A_403 = arith.index_cast %swap3A_402 : i32 to index
      %swap3A_404 = arith.constant 16 : index
      %swap3A_405 = tpu.vector_load %arg7[%swap3A_403, %swap3A_404] {strides = array<i32>} : memref<4x128xf32, #tpu.memory_space<vmem>>, vector<1x16xf32>,
      %swap3A_406 = vector.shape_cast %swap3A_405 : vector<1x16xf32> to vector<16xf32>
      %swap3A_407 = vector.shape_cast %mul3A_401 : vector<16xf32> to vector<1x16xf32>
      tpu.vector_store %arg7[%swap3A_403, %swap3A_404], %swap3A_407 {strides = array<i32>} : memref<4x128xf32, #tpu.memory_space<vmem>>, vector<1x16xf32>,
      %mul3A_408 = arith.constant 5.000000e-03 : f32
      %mul3A_409 = vector.broadcast %mul3A_408 : f32 to vector<16xf32>
      %mul3A_410 = arith.mulf %scan3A_383#2, %mul3A_409 : vector<16xf32>
      %swap3A_411 = arith.constant 1 : i32
      %swap3A_412 = arith.index_cast %swap3A_411 : i32 to index
      %swap3A_413 = arith.constant 32 : index
      %swap3A_414 = tpu.vector_load %arg7[%swap3A_412, %swap3A_413] {strides = array<i32>} : memref<4x128xf32, #tpu.memory_space<vmem>>, vector<1x16xf32>,
      %swap3A_415 = vector.shape_cast %swap3A_414 : vector<1x16xf32> to vector<16xf32>
      %swap3A_416 = vector.shape_cast %mul3A_410 : vector<16xf32> to vector<1x16xf32>
      tpu.vector_store %arg7[%swap3A_412, %swap3A_413], %swap3A_416 {strides = array<i32>} : memref<4x128xf32, #tpu.memory_space<vmem>>, vector<1x16xf32>,
      %mul3A_417 = arith.constant 5.000000e-03 : f32
      %mul3A_418 = vector.broadcast %mul3A_417 : f32 to vector<16xf32>
      %mul3A_419 = arith.mulf %scan3A_383#3, %mul3A_418 : vector<16xf32>
      %swap3A_420 = arith.constant 1 : i32
      %swap3A_421 = arith.index_cast %swap3A_420 : i32 to index
      %swap3A_422 = arith.constant 48 : index
      %swap3A_423 = tpu.vector_load %arg7[%swap3A_421, %swap3A_422] {strides = array<i32>} : memref<4x128xf32, #tpu.memory_space<vmem>>, vector<1x16xf32>,
      %swap3A_424 = vector.shape_cast %swap3A_423 : vector<1x16xf32> to vector<16xf32>
      %swap3A_425 = vector.shape_cast %mul3A_419 : vector<16xf32> to vector<1x16xf32>
      tpu.vector_store %arg7[%swap3A_421, %swap3A_422], %swap3A_425 {strides = array<i32>} : memref<4x128xf32, #tpu.memory_space<vmem>>, vector<1x16xf32>,
      %mul3A_426 = arith.constant 5.000000e-03 : f32
      %mul3A_427 = vector.broadcast %mul3A_426 : f32 to vector<16xf32>
      %mul3A_428 = arith.mulf %scan3A_383#4, %mul3A_427 : vector<16xf32>
      %swap3A_429 = arith.constant 1 : i32
      %swap3A_430 = arith.index_cast %swap3A_429 : i32 to index
      %swap3A_431 = arith.constant 64 : index
      %swap3A_432 = tpu.vector_load %arg7[%swap3A_430, %swap3A_431] {strides = array<i32>} : memref<4x128xf32, #tpu.memory_space<vmem>>, vector<1x16xf32>,
      %swap3A_433 = vector.shape_cast %swap3A_432 : vector<1x16xf32> to vector<16xf32>
      %swap3A_434 = vector.shape_cast %mul3A_428 : vector<16xf32> to vector<1x16xf32>
      tpu.vector_store %arg7[%swap3A_430, %swap3A_431], %swap3A_434 {strides = array<i32>} : memref<4x128xf32, #tpu.memory_space<vmem>>, vector<1x16xf32>,
      %mul3A_435 = arith.constant 5.000000e-03 : f32
      %mul3A_436 = vector.broadcast %mul3A_435 : f32 to vector<16xf32>
      %mul3A_437 = arith.mulf %scan3A_383#5, %mul3A_436 : vector<16xf32>
      %swap3A_438 = arith.constant 1 : i32
      %swap3A_439 = arith.index_cast %swap3A_438 : i32 to index
      %swap3A_440 = arith.constant 80 : index
      %swap3A_441 = tpu.vector_load %arg7[%swap3A_439, %swap3A_440] {strides = array<i32>} : memref<4x128xf32, #tpu.memory_space<vmem>>, vector<1x16xf32>,
      %swap3A_442 = vector.shape_cast %swap3A_441 : vector<1x16xf32> to vector<16xf32>
      %swap3A_443 = vector.shape_cast %mul3A_437 : vector<16xf32> to vector<1x16xf32>
      tpu.vector_store %arg7[%swap3A_439, %swap3A_440], %swap3A_443 {strides = array<i32>} : memref<4x128xf32, #tpu.memory_space<vmem>>, vector<1x16xf32>,
      %mul3A_444 = arith.constant 5.000000e-03 : f32
      %mul3A_445 = vector.broadcast %mul3A_444 : f32 to vector<16xf32>
      %mul3A_446 = arith.mulf %scan3A_383#6, %mul3A_445 : vector<16xf32>
      %swap3A_447 = arith.constant 1 : i32
      %swap3A_448 = arith.index_cast %swap3A_447 : i32 to index
      %swap3A_449 = arith.constant 96 : index
      %swap3A_450 = tpu.vector_load %arg7[%swap3A_448, %swap3A_449] {strides = array<i32>} : memref<4x128xf32, #tpu.memory_space<vmem>>, vector<1x16xf32>,
      %swap3A_451 = vector.shape_cast %swap3A_450 : vector<1x16xf32> to vector<16xf32>
      %swap3A_452 = vector.shape_cast %mul3A_446 : vector<16xf32> to vector<1x16xf32>
      tpu.vector_store %arg7[%swap3A_448, %swap3A_449], %swap3A_452 {strides = array<i32>} : memref<4x128xf32, #tpu.memory_space<vmem>>, vector<1x16xf32>,
      %mul3A_453 = arith.constant 5.000000e-03 : f32
      %mul3A_454 = vector.broadcast %mul3A_453 : f32 to vector<16xf32>
      %mul3A_455 = arith.mulf %scan3A_383#7, %mul3A_454 : vector<16xf32>
      %swap3A_456 = arith.constant 1 : i32
      %swap3A_457 = arith.index_cast %swap3A_456 : i32 to index
      %swap3A_458 = arith.constant 112 : index
      %swap3A_459 = tpu.vector_load %arg7[%swap3A_457, %swap3A_458] {strides = array<i32>} : memref<4x128xf32, #tpu.memory_space<vmem>>, vector<1x16xf32>,
      %swap3A_460 = vector.shape_cast %swap3A_459 : vector<1x16xf32> to vector<16xf32>
      %swap3A_461 = vector.shape_cast %mul3A_455 : vector<16xf32> to vector<1x16xf32>
      tpu.vector_store %arg7[%swap3A_457, %swap3A_458], %swap3A_461 {strides = array<i32>} : memref<4x128xf32, #tpu.memory_space<vmem>>, vector<1x16xf32>,
      %add3A_462 = arith.addi %mul3A_2, %add3A_330 : i32
      %dma_start3A_463 = arith.constant 1 : i32
      %dma_start3A_464 = arith.constant 0 : i32
      %dma_start3A_465 = tpu.memref_slice %arg7[%dma_start3A_463, %dma_start3A_464] : memref<4x128xf32, #tpu.memory_space<vmem>> -> memref<1x128xf32, #tpu.memory_space<vmem>>
      %dma_start3A_466 = tpu.memref_squeeze %dma_start3A_465 : memref<1x128xf32, #tpu.memory_space<vmem>> -> memref<128xf32, #tpu.memory_space<vmem>>
      %dma_start3A_467 = arith.constant 0 : i32
      %dma_start3A_468 = tpu.memref_slice %arg4[%add3A_462, %dma_start3A_467] : memref<4096x128xf32, #tpu.memory_space<hbm>> -> memref<1x128xf32, #tpu.memory_space<hbm>>
      %dma_start3A_469 = tpu.memref_squeeze %dma_start3A_468 : memref<1x128xf32, #tpu.memory_space<hbm>> -> memref<128xf32, #tpu.memory_space<hbm>>
      %dma_start3A_470 = arith.constant 0 : i32
      %dma_start3A_471 = tpu.memref_slice %arg4[%add3A_462, %dma_start3A_470] : memref<4096x128xf32, #tpu.memory_space<hbm>> -> memref<1x128xf32, #tpu.memory_space<hbm>>
      %dma_start3A_472 = tpu.memref_squeeze %dma_start3A_471 : memref<1x128xf32, #tpu.memory_space<hbm>> -> memref<128xf32, #tpu.memory_space<hbm>>
      %dma_start3A_473 = arith.constant 0 : i32
      %dma_start3A_474 = tpu.memref_slice %arg7[%dma_start3A_463, %dma_start3A_473] : memref<4x128xf32, #tpu.memory_space<vmem>> -> memref<1x128xf32, #tpu.memory_space<vmem>>
      %dma_start3A_475 = tpu.memref_squeeze %dma_start3A_474 : memref<1x128xf32, #tpu.memory_space<vmem>> -> memref<128xf32, #tpu.memory_space<vmem>>
      tpu.enqueue_dma source(%dma_start3A_475 : memref<128xf32, #tpu.memory_space<vmem>>) target(%dma_start3A_472 : memref<128xf32, #tpu.memory_space<hbm>>) target_semaphore(%arg17 : memref<!tpu.dma_semaphore, #tpu.memory_space<semaphore_mem>>)
      %add3A_476 = arith.constant 4 : i32
      %add3A_477 = arith.addi %mul3A_132, %add3A_476 : i32
      %lt3A = arith.constant 128 : i32
      %lt3A_478 = arith.cmpi slt, %add3A_477, %lt3A : i32
      %convert_element_type3A_479 = arith.extui %lt3A_478 : i1 to i32
      %cond3A_480 = arith.constant 0 : i32
      %cond3A_481 = arith.cmpi ne, %convert_element_type3A_479, %cond3A_480 : i32
      scf.if %cond3A_481 {
        %add3A_776 = arith.constant 4 : i32
        %add3A_777 = arith.addi %mul3A_132, %add3A_776 : i32
        %dma_start3A_778 = arith.constant 0 : i32
        %dma_start3A_779 = arith.constant 0 : i32
        %dma_start3A_780 = arith.constant 0 : i32
        %dma_start3A_781 = arith.constant 0 : i32
        %dma_start3A_782 = arith.constant 0 : i32
        %dma_start3A_783 = tpu.memref_slice %arg6[%dma_start3A_779, %dma_start3A_780, %dma_start3A_781, %dma_start3A_782] : memref<4x2x100x64xi32, #tpu.memory_space<vmem>> -> memref<1x1x100x64xi32, #tpu.memory_space<vmem>>
        %dma_start3A_784 = tpu.memref_squeeze %dma_start3A_783 : memref<1x1x100x64xi32, #tpu.memory_space<vmem>> -> memref<100x64xi32, #tpu.memory_space<vmem>>
        %dma_start3A_785 = arith.constant 0 : i32
        %dma_start3A_786 = tpu.memref_slice %arg5[%add3A_777, %dma_start3A_778, %dma_start3A_785] : memref<128x2x100xi32, #tpu.memory_space<vmem>> -> memref<1x1x100xi32, #tpu.memory_space<vmem>>
        %dma_start3A_787 = tpu.memref_squeeze %dma_start3A_786 : memref<1x1x100xi32, #tpu.memory_space<vmem>> -> memref<100xi32, #tpu.memory_space<vmem>>
        %dma_start3A_788 = arith.constant 0 : i32
        %dma_start3A_789 = arith.constant 0 : i32
        %dma_start3A_790 = tpu.memref_slice %arg3[%dma_start3A_788, %dma_start3A_789] : memref<100000x64xi32, #tpu.memory_space<hbm>> -> memref<100000x64xi32, #tpu.memory_space<hbm>>
        tpu.enqueue_indirect_dma source(%dma_start3A_790 : memref<100000x64xi32, #tpu.memory_space<hbm>>) target(%dma_start3A_784 : memref<100x64xi32, #tpu.memory_space<vmem>>) offsets(%dma_start3A_787 : memref<100xi32, #tpu.memory_space<vmem>>) semaphore(%arg8 : memref<!tpu.dma_semaphore, #tpu.memory_space<semaphore_mem>>)
        %dma_start3A_791 = arith.constant 1 : i32
        %dma_start3A_792 = arith.constant 0 : i32
        %dma_start3A_793 = arith.constant 1 : i32
        %dma_start3A_794 = arith.constant 0 : i32
        %dma_start3A_795 = arith.constant 0 : i32
        %dma_start3A_796 = tpu.memref_slice %arg6[%dma_start3A_792, %dma_start3A_793, %dma_start3A_794, %dma_start3A_795] : memref<4x2x100x64xi32, #tpu.memory_space<vmem>> -> memref<1x1x100x64xi32, #tpu.memory_space<vmem>>
        %dma_start3A_797 = tpu.memref_squeeze %dma_start3A_796 : memref<1x1x100x64xi32, #tpu.memory_space<vmem>> -> memref<100x64xi32, #tpu.memory_space<vmem>>
        %dma_start3A_798 = arith.constant 0 : i32
        %dma_start3A_799 = tpu.memref_slice %arg5[%add3A_777, %dma_start3A_791, %dma_start3A_798] : memref<128x2x100xi32, #tpu.memory_space<vmem>> -> memref<1x1x100xi32, #tpu.memory_space<vmem>>
        %dma_start3A_800 = tpu.memref_squeeze %dma_start3A_799 : memref<1x1x100xi32, #tpu.memory_space<vmem>> -> memref<100xi32, #tpu.memory_space<vmem>>
        %dma_start3A_801 = arith.constant 0 : i32
        %dma_start3A_802 = arith.constant 0 : i32
        %dma_start3A_803 = tpu.memref_slice %arg3[%dma_start3A_801, %dma_start3A_802] : memref<100000x64xi32, #tpu.memory_space<hbm>> -> memref<100000x64xi32, #tpu.memory_space<hbm>>
        tpu.enqueue_indirect_dma source(%dma_start3A_803 : memref<100000x64xi32, #tpu.memory_space<hbm>>) target(%dma_start3A_797 : memref<100x64xi32, #tpu.memory_space<vmem>>) offsets(%dma_start3A_800 : memref<100xi32, #tpu.memory_space<vmem>>) semaphore(%arg9 : memref<!tpu.dma_semaphore, #tpu.memory_space<semaphore_mem>>)
        %add3A_804 = arith.constant 5 : i32
        %add3A_805 = arith.addi %mul3A_132, %add3A_804 : i32
        %dma_start3A_806 = arith.constant 0 : i32
        %dma_start3A_807 = arith.constant 1 : i32
        %dma_start3A_808 = arith.constant 0 : i32
        %dma_start3A_809 = arith.constant 0 : i32
        %dma_start3A_810 = arith.constant 0 : i32
        %dma_start3A_811 = tpu.memref_slice %arg6[%dma_start3A_807, %dma_start3A_808, %dma_start3A_809, %dma_start3A_810] : memref<4x2x100x64xi32, #tpu.memory_space<vmem>> -> memref<1x1x100x64xi32, #tpu.memory_space<vmem>>
        %dma_start3A_812 = tpu.memref_squeeze %dma_start3A_811 : memref<1x1x100x64xi32, #tpu.memory_space<vmem>> -> memref<100x64xi32, #tpu.memory_space<vmem>>
        %dma_start3A_813 = arith.constant 0 : i32
        %dma_start3A_814 = tpu.memref_slice %arg5[%add3A_805, %dma_start3A_806, %dma_start3A_813] : memref<128x2x100xi32, #tpu.memory_space<vmem>> -> memref<1x1x100xi32, #tpu.memory_space<vmem>>
        %dma_start3A_815 = tpu.memref_squeeze %dma_start3A_814 : memref<1x1x100xi32, #tpu.memory_space<vmem>> -> memref<100xi32, #tpu.memory_space<vmem>>
        %dma_start3A_816 = arith.constant 0 : i32
        %dma_start3A_817 = arith.constant 0 : i32
        %dma_start3A_818 = tpu.memref_slice %arg3[%dma_start3A_816, %dma_start3A_817] : memref<100000x64xi32, #tpu.memory_space<hbm>> -> memref<100000x64xi32, #tpu.memory_space<hbm>>
        tpu.enqueue_indirect_dma source(%dma_start3A_818 : memref<100000x64xi32, #tpu.memory_space<hbm>>) target(%dma_start3A_812 : memref<100x64xi32, #tpu.memory_space<vmem>>) offsets(%dma_start3A_815 : memref<100xi32, #tpu.memory_space<vmem>>) semaphore(%arg10 : memref<!tpu.dma_semaphore, #tpu.memory_space<semaphore_mem>>)
        %dma_start3A_819 = arith.constant 1 : i32
        %dma_start3A_820 = arith.constant 1 : i32
        %dma_start3A_821 = arith.constant 1 : i32
        %dma_start3A_822 = arith.constant 0 : i32
        %dma_start3A_823 = arith.constant 0 : i32
        %dma_start3A_824 = tpu.memref_slice %arg6[%dma_start3A_820, %dma_start3A_821, %dma_start3A_822, %dma_start3A_823] : memref<4x2x100x64xi32, #tpu.memory_space<vmem>> -> memref<1x1x100x64xi32, #tpu.memory_space<vmem>>
        %dma_start3A_825 = tpu.memref_squeeze %dma_start3A_824 : memref<1x1x100x64xi32, #tpu.memory_space<vmem>> -> memref<100x64xi32, #tpu.memory_space<vmem>>
        %dma_start3A_826 = arith.constant 0 : i32
        %dma_start3A_827 = tpu.memref_slice %arg5[%add3A_805, %dma_start3A_819, %dma_start3A_826] : memref<128x2x100xi32, #tpu.memory_space<vmem>> -> memref<1x1x100xi32, #tpu.memory_space<vmem>>
        %dma_start3A_828 = tpu.memref_squeeze %dma_start3A_827 : memref<1x1x100xi32, #tpu.memory_space<vmem>> -> memref<100xi32, #tpu.memory_space<vmem>>
        %dma_start3A_829 = arith.constant 0 : i32
        %dma_start3A_830 = arith.constant 0 : i32
        %dma_start3A_831 = tpu.memref_slice %arg3[%dma_start3A_829, %dma_start3A_830] : memref<100000x64xi32, #tpu.memory_space<hbm>> -> memref<100000x64xi32, #tpu.memory_space<hbm>>
        tpu.enqueue_indirect_dma source(%dma_start3A_831 : memref<100000x64xi32, #tpu.memory_space<hbm>>) target(%dma_start3A_825 : memref<100x64xi32, #tpu.memory_space<vmem>>) offsets(%dma_start3A_828 : memref<100xi32, #tpu.memory_space<vmem>>) semaphore(%arg11 : memref<!tpu.dma_semaphore, #tpu.memory_space<semaphore_mem>>)
      } else {
      }
      %add3A_482 = arith.constant 2 : i32
      %add3A_483 = arith.addi %mul3A_132, %add3A_482 : i32
      %dma_wait3A_484 = arith.constant 0 : i32
      %dma_wait3A_485 = arith.constant 2 : i32
      %dma_wait3A_486 = arith.constant 0 : i32
      %dma_wait3A_487 = arith.constant 0 : i32
      %dma_wait3A_488 = arith.constant 0 : i32
      %dma_wait3A_489 = tpu.memref_slice %arg6[%dma_wait3A_485, %dma_wait3A_486, %dma_wait3A_487, %dma_wait3A_488] : memref<4x2x100x64xi32, #tpu.memory_space<vmem>> -> memref<1x1x100x64xi32, #tpu.memory_space<vmem>>
      %dma_wait3A_490 = tpu.memref_squeeze %dma_wait3A_489 : memref<1x1x100x64xi32, #tpu.memory_space<vmem>> -> memref<100x64xi32, #tpu.memory_space<vmem>>
      %dma_wait3A_491 = arith.constant 0 : i32
      %dma_wait3A_492 = tpu.memref_slice %arg5[%add3A_483, %dma_wait3A_484, %dma_wait3A_491] : memref<128x2x100xi32, #tpu.memory_space<vmem>> -> memref<1x1x100xi32, #tpu.memory_space<vmem>>
      %dma_wait3A_493 = tpu.memref_squeeze %dma_wait3A_492 : memref<1x1x100xi32, #tpu.memory_space<vmem>> -> memref<100xi32, #tpu.memory_space<vmem>>
      %dma_wait3A_494 = arith.constant 0 : i32
      %dma_wait3A_495 = arith.constant 0 : i32
      %dma_wait3A_496 = tpu.memref_slice %arg3[%dma_wait3A_494, %dma_wait3A_495] : memref<100000x64xi32, #tpu.memory_space<hbm>> -> memref<100000x64xi32, #tpu.memory_space<hbm>>
      tpu.wait_indirect_dma semaphore(%arg12 : memref<!tpu.dma_semaphore, #tpu.memory_space<semaphore_mem>>) src(%dma_wait3A_496 : memref<100000x64xi32, #tpu.memory_space<hbm>>) dst(%dma_wait3A_490 : memref<100x64xi32, #tpu.memory_space<vmem>>)
      %broadcast_in_dim3A_497 = arith.constant 0.000000e+00 : f32
      %broadcast_in_dim3A_498 = vector.broadcast %broadcast_in_dim3A_497 : f32 to vector<16xf32>
      %broadcast_in_dim3A_499 = arith.constant 0.000000e+00 : f32
      %broadcast_in_dim3A_500 = vector.broadcast %broadcast_in_dim3A_499 : f32 to vector<16xf32>
      %broadcast_in_dim3A_501 = arith.constant 0.000000e+00 : f32
      %broadcast_in_dim3A_502 = vector.broadcast %broadcast_in_dim3A_501 : f32 to vector<16xf32>
      %broadcast_in_dim3A_503 = arith.constant 0.000000e+00 : f32
      %broadcast_in_dim3A_504 = vector.broadcast %broadcast_in_dim3A_503 : f32 to vector<16xf32>
      %broadcast_in_dim3A_505 = arith.constant 0.000000e+00 : f32
      %broadcast_in_dim3A_506 = vector.broadcast %broadcast_in_dim3A_505 : f32 to vector<16xf32>
      %broadcast_in_dim3A_507 = arith.constant 0.000000e+00 : f32
      %broadcast_in_dim3A_508 = vector.broadcast %broadcast_in_dim3A_507 : f32 to vector<16xf32>
      %broadcast_in_dim3A_509 = arith.constant 0.000000e+00 : f32
      %broadcast_in_dim3A_510 = vector.broadcast %broadcast_in_dim3A_509 : f32 to vector<16xf32>
      %broadcast_in_dim3A_511 = arith.constant 0.000000e+00 : f32
      %broadcast_in_dim3A_512 = vector.broadcast %broadcast_in_dim3A_511 : f32 to vector<16xf32>
      %scan3A_513 = arith.constant 0 : i32
      %scan3A_514 = arith.constant 50 : i32
      %scan3A_515 = arith.addi %scan3A_513, %scan3A_514 : i32
      %scan3A_516 = arith.constant 1 : i32
      %scan3A_517:8 = scf.for %scan3A_776 = %scan3A_513 to %scan3A_515 step %scan3A_516 iter_args(%scan3A_777 = %broadcast_in_dim3A_498, %scan3A_778 = %broadcast_in_dim3A_500, %scan3A_779 = %broadcast_in_dim3A_502, %scan3A_780 = %broadcast_in_dim3A_504, %scan3A_781 = %broadcast_in_dim3A_506, %scan3A_782 = %broadcast_in_dim3A_508, %scan3A_783 = %broadcast_in_dim3A_510, %scan3A_784 = %broadcast_in_dim3A_512) -> (vector<16xf32>, vector<16xf32>, vector<16xf32>, vector<16xf32>, vector<16xf32>, vector<16xf32>, vector<16xf32>, vector<16xf32>)  : i32 {
        %mul3A_785 = arith.constant 2 : i32
        %mul3A_786 = arith.muli %mul3A_785, %scan3A_776 : i32
        %add3A_787 = arith.constant 0 : i32
        %add3A_788 = arith.addi %mul3A_786, %add3A_787 : i32
        %get3A = arith.constant 2 : i32
        %get3A_789 = arith.constant 0 : i32
        %get3A_790 = arith.index_cast %get3A : i32 to index
        %get3A_791 = arith.index_cast %get3A_789 : i32 to index
        %get3A_792 = arith.index_cast %add3A_788 : i32 to index
        %get3A_793 = arith.constant 0 : index
        %get3A_794 = tpu.vector_load %arg6[%get3A_790, %get3A_791, %get3A_792, %get3A_793] {strides = array<i32>} : memref<4x2x100x64xi32, #tpu.memory_space<vmem>>, vector<1x1x1x16xi32>,
        %get3A_795 = vector.shape_cast %get3A_794 : vector<1x1x1x16xi32> to vector<16xi32>
        %shift_left3A = arith.constant 16 : i32
        %shift_left3A_796 = vector.broadcast %shift_left3A : i32 to vector<16xi32>
        %shift_left3A_797 = arith.shli %get3A_795, %shift_left3A_796 : vector<16xi32>
        %bitcast_convert_type3A = tpu.bitcast %shift_left3A_797 : vector<16xi32> -> vector<16xf32>
        %and3A = arith.constant -65536 : i32
        %and3A_798 = vector.broadcast %and3A : i32 to vector<16xi32>
        %and3A_799 = arith.andi %get3A_795, %and3A_798 : vector<16xi32>
        %bitcast_convert_type3A_800 = tpu.bitcast %and3A_799 : vector<16xi32> -> vector<16xf32>
        %add3A_801 = arith.addf %scan3A_777, %bitcast_convert_type3A : vector<16xf32>
        %add3A_802 = arith.addf %scan3A_778, %bitcast_convert_type3A_800 : vector<16xf32>
        %mul3A_803 = arith.constant 2 : i32
        %mul3A_804 = arith.muli %mul3A_803, %scan3A_776 : i32
        %add3A_805 = arith.constant 0 : i32
        %add3A_806 = arith.addi %mul3A_804, %add3A_805 : i32
        %get3A_807 = arith.constant 2 : i32
        %get3A_808 = arith.constant 0 : i32
        %get3A_809 = arith.index_cast %get3A_807 : i32 to index
        %get3A_810 = arith.index_cast %get3A_808 : i32 to index
        %get3A_811 = arith.index_cast %add3A_806 : i32 to index
        %get3A_812 = arith.constant 16 : index
        %get3A_813 = tpu.vector_load %arg6[%get3A_809, %get3A_810, %get3A_811, %get3A_812] {strides = array<i32>} : memref<4x2x100x64xi32, #tpu.memory_space<vmem>>, vector<1x1x1x16xi32>,
        %get3A_814 = vector.shape_cast %get3A_813 : vector<1x1x1x16xi32> to vector<16xi32>
        %shift_left3A_815 = arith.constant 16 : i32
        %shift_left3A_816 = vector.broadcast %shift_left3A_815 : i32 to vector<16xi32>
        %shift_left3A_817 = arith.shli %get3A_814, %shift_left3A_816 : vector<16xi32>
        %bitcast_convert_type3A_818 = tpu.bitcast %shift_left3A_817 : vector<16xi32> -> vector<16xf32>
        %and3A_819 = arith.constant -65536 : i32
        %and3A_820 = vector.broadcast %and3A_819 : i32 to vector<16xi32>
        %and3A_821 = arith.andi %get3A_814, %and3A_820 : vector<16xi32>
        %bitcast_convert_type3A_822 = tpu.bitcast %and3A_821 : vector<16xi32> -> vector<16xf32>
        %add3A_823 = arith.addf %scan3A_779, %bitcast_convert_type3A_818 : vector<16xf32>
        %add3A_824 = arith.addf %scan3A_780, %bitcast_convert_type3A_822 : vector<16xf32>
        %mul3A_825 = arith.constant 2 : i32
        %mul3A_826 = arith.muli %mul3A_825, %scan3A_776 : i32
        %add3A_827 = arith.constant 0 : i32
        %add3A_828 = arith.addi %mul3A_826, %add3A_827 : i32
        %get3A_829 = arith.constant 2 : i32
        %get3A_830 = arith.constant 0 : i32
        %get3A_831 = arith.index_cast %get3A_829 : i32 to index
        %get3A_832 = arith.index_cast %get3A_830 : i32 to index
        %get3A_833 = arith.index_cast %add3A_828 : i32 to index
        %get3A_834 = arith.constant 32 : index
        %get3A_835 = tpu.vector_load %arg6[%get3A_831, %get3A_832, %get3A_833, %get3A_834] {strides = array<i32>} : memref<4x2x100x64xi32, #tpu.memory_space<vmem>>, vector<1x1x1x16xi32>,
        %get3A_836 = vector.shape_cast %get3A_835 : vector<1x1x1x16xi32> to vector<16xi32>
        %shift_left3A_837 = arith.constant 16 : i32
        %shift_left3A_838 = vector.broadcast %shift_left3A_837 : i32 to vector<16xi32>
        %shift_left3A_839 = arith.shli %get3A_836, %shift_left3A_838 : vector<16xi32>
        %bitcast_convert_type3A_840 = tpu.bitcast %shift_left3A_839 : vector<16xi32> -> vector<16xf32>
        %and3A_841 = arith.constant -65536 : i32
        %and3A_842 = vector.broadcast %and3A_841 : i32 to vector<16xi32>
        %and3A_843 = arith.andi %get3A_836, %and3A_842 : vector<16xi32>
        %bitcast_convert_type3A_844 = tpu.bitcast %and3A_843 : vector<16xi32> -> vector<16xf32>
        %add3A_845 = arith.addf %scan3A_781, %bitcast_convert_type3A_840 : vector<16xf32>
        %add3A_846 = arith.addf %scan3A_782, %bitcast_convert_type3A_844 : vector<16xf32>
        %mul3A_847 = arith.constant 2 : i32
        %mul3A_848 = arith.muli %mul3A_847, %scan3A_776 : i32
        %add3A_849 = arith.constant 0 : i32
        %add3A_850 = arith.addi %mul3A_848, %add3A_849 : i32
        %get3A_851 = arith.constant 2 : i32
        %get3A_852 = arith.constant 0 : i32
        %get3A_853 = arith.index_cast %get3A_851 : i32 to index
        %get3A_854 = arith.index_cast %get3A_852 : i32 to index
        %get3A_855 = arith.index_cast %add3A_850 : i32 to index
        %get3A_856 = arith.constant 48 : index
        %get3A_857 = tpu.vector_load %arg6[%get3A_853, %get3A_854, %get3A_855, %get3A_856] {strides = array<i32>} : memref<4x2x100x64xi32, #tpu.memory_space<vmem>>, vector<1x1x1x16xi32>,
        %get3A_858 = vector.shape_cast %get3A_857 : vector<1x1x1x16xi32> to vector<16xi32>
        %shift_left3A_859 = arith.constant 16 : i32
        %shift_left3A_860 = vector.broadcast %shift_left3A_859 : i32 to vector<16xi32>
        %shift_left3A_861 = arith.shli %get3A_858, %shift_left3A_860 : vector<16xi32>
        %bitcast_convert_type3A_862 = tpu.bitcast %shift_left3A_861 : vector<16xi32> -> vector<16xf32>
        %and3A_863 = arith.constant -65536 : i32
        %and3A_864 = vector.broadcast %and3A_863 : i32 to vector<16xi32>
        %and3A_865 = arith.andi %get3A_858, %and3A_864 : vector<16xi32>
        %bitcast_convert_type3A_866 = tpu.bitcast %and3A_865 : vector<16xi32> -> vector<16xf32>
        %add3A_867 = arith.addf %scan3A_783, %bitcast_convert_type3A_862 : vector<16xf32>
        %add3A_868 = arith.addf %scan3A_784, %bitcast_convert_type3A_866 : vector<16xf32>
        %mul3A_869 = arith.constant 2 : i32
        %mul3A_870 = arith.muli %mul3A_869, %scan3A_776 : i32
        %add3A_871 = arith.constant 1 : i32
        %add3A_872 = arith.addi %mul3A_870, %add3A_871 : i32
        %get3A_873 = arith.constant 2 : i32
        %get3A_874 = arith.constant 0 : i32
        %get3A_875 = arith.index_cast %get3A_873 : i32 to index
        %get3A_876 = arith.index_cast %get3A_874 : i32 to index
        %get3A_877 = arith.index_cast %add3A_872 : i32 to index
        %get3A_878 = arith.constant 0 : index
        %get3A_879 = tpu.vector_load %arg6[%get3A_875, %get3A_876, %get3A_877, %get3A_878] {strides = array<i32>} : memref<4x2x100x64xi32, #tpu.memory_space<vmem>>, vector<1x1x1x16xi32>,
        %get3A_880 = vector.shape_cast %get3A_879 : vector<1x1x1x16xi32> to vector<16xi32>
        %shift_left3A_881 = arith.constant 16 : i32
        %shift_left3A_882 = vector.broadcast %shift_left3A_881 : i32 to vector<16xi32>
        %shift_left3A_883 = arith.shli %get3A_880, %shift_left3A_882 : vector<16xi32>
        %bitcast_convert_type3A_884 = tpu.bitcast %shift_left3A_883 : vector<16xi32> -> vector<16xf32>
        %and3A_885 = arith.constant -65536 : i32
        %and3A_886 = vector.broadcast %and3A_885 : i32 to vector<16xi32>
        %and3A_887 = arith.andi %get3A_880, %and3A_886 : vector<16xi32>
        %bitcast_convert_type3A_888 = tpu.bitcast %and3A_887 : vector<16xi32> -> vector<16xf32>
        %add3A_889 = arith.addf %add3A_801, %bitcast_convert_type3A_884 : vector<16xf32>
        %add3A_890 = arith.addf %add3A_802, %bitcast_convert_type3A_888 : vector<16xf32>
        %mul3A_891 = arith.constant 2 : i32
        %mul3A_892 = arith.muli %mul3A_891, %scan3A_776 : i32
        %add3A_893 = arith.constant 1 : i32
        %add3A_894 = arith.addi %mul3A_892, %add3A_893 : i32
        %get3A_895 = arith.constant 2 : i32
        %get3A_896 = arith.constant 0 : i32
        %get3A_897 = arith.index_cast %get3A_895 : i32 to index
        %get3A_898 = arith.index_cast %get3A_896 : i32 to index
        %get3A_899 = arith.index_cast %add3A_894 : i32 to index
        %get3A_900 = arith.constant 16 : index
        %get3A_901 = tpu.vector_load %arg6[%get3A_897, %get3A_898, %get3A_899, %get3A_900] {strides = array<i32>} : memref<4x2x100x64xi32, #tpu.memory_space<vmem>>, vector<1x1x1x16xi32>,
        %get3A_902 = vector.shape_cast %get3A_901 : vector<1x1x1x16xi32> to vector<16xi32>
        %shift_left3A_903 = arith.constant 16 : i32
        %shift_left3A_904 = vector.broadcast %shift_left3A_903 : i32 to vector<16xi32>
        %shift_left3A_905 = arith.shli %get3A_902, %shift_left3A_904 : vector<16xi32>
        %bitcast_convert_type3A_906 = tpu.bitcast %shift_left3A_905 : vector<16xi32> -> vector<16xf32>
        %and3A_907 = arith.constant -65536 : i32
        %and3A_908 = vector.broadcast %and3A_907 : i32 to vector<16xi32>
        %and3A_909 = arith.andi %get3A_902, %and3A_908 : vector<16xi32>
        %bitcast_convert_type3A_910 = tpu.bitcast %and3A_909 : vector<16xi32> -> vector<16xf32>
        %add3A_911 = arith.addf %add3A_823, %bitcast_convert_type3A_906 : vector<16xf32>
        %add3A_912 = arith.addf %add3A_824, %bitcast_convert_type3A_910 : vector<16xf32>
        %mul3A_913 = arith.constant 2 : i32
        %mul3A_914 = arith.muli %mul3A_913, %scan3A_776 : i32
        %add3A_915 = arith.constant 1 : i32
        %add3A_916 = arith.addi %mul3A_914, %add3A_915 : i32
        %get3A_917 = arith.constant 2 : i32
        %get3A_918 = arith.constant 0 : i32
        %get3A_919 = arith.index_cast %get3A_917 : i32 to index
        %get3A_920 = arith.index_cast %get3A_918 : i32 to index
        %get3A_921 = arith.index_cast %add3A_916 : i32 to index
        %get3A_922 = arith.constant 32 : index
        %get3A_923 = tpu.vector_load %arg6[%get3A_919, %get3A_920, %get3A_921, %get3A_922] {strides = array<i32>} : memref<4x2x100x64xi32, #tpu.memory_space<vmem>>, vector<1x1x1x16xi32>,
        %get3A_924 = vector.shape_cast %get3A_923 : vector<1x1x1x16xi32> to vector<16xi32>
        %shift_left3A_925 = arith.constant 16 : i32
        %shift_left3A_926 = vector.broadcast %shift_left3A_925 : i32 to vector<16xi32>
        %shift_left3A_927 = arith.shli %get3A_924, %shift_left3A_926 : vector<16xi32>
        %bitcast_convert_type3A_928 = tpu.bitcast %shift_left3A_927 : vector<16xi32> -> vector<16xf32>
        %and3A_929 = arith.constant -65536 : i32
        %and3A_930 = vector.broadcast %and3A_929 : i32 to vector<16xi32>
        %and3A_931 = arith.andi %get3A_924, %and3A_930 : vector<16xi32>
        %bitcast_convert_type3A_932 = tpu.bitcast %and3A_931 : vector<16xi32> -> vector<16xf32>
        %add3A_933 = arith.addf %add3A_845, %bitcast_convert_type3A_928 : vector<16xf32>
        %add3A_934 = arith.addf %add3A_846, %bitcast_convert_type3A_932 : vector<16xf32>
        %mul3A_935 = arith.constant 2 : i32
        %mul3A_936 = arith.muli %mul3A_935, %scan3A_776 : i32
        %add3A_937 = arith.constant 1 : i32
        %add3A_938 = arith.addi %mul3A_936, %add3A_937 : i32
        %get3A_939 = arith.constant 2 : i32
        %get3A_940 = arith.constant 0 : i32
        %get3A_941 = arith.index_cast %get3A_939 : i32 to index
        %get3A_942 = arith.index_cast %get3A_940 : i32 to index
        %get3A_943 = arith.index_cast %add3A_938 : i32 to index
        %get3A_944 = arith.constant 48 : index
        %get3A_945 = tpu.vector_load %arg6[%get3A_941, %get3A_942, %get3A_943, %get3A_944] {strides = array<i32>} : memref<4x2x100x64xi32, #tpu.memory_space<vmem>>, vector<1x1x1x16xi32>,
        %get3A_946 = vector.shape_cast %get3A_945 : vector<1x1x1x16xi32> to vector<16xi32>
        %shift_left3A_947 = arith.constant 16 : i32
        %shift_left3A_948 = vector.broadcast %shift_left3A_947 : i32 to vector<16xi32>
        %shift_left3A_949 = arith.shli %get3A_946, %shift_left3A_948 : vector<16xi32>
        %bitcast_convert_type3A_950 = tpu.bitcast %shift_left3A_949 : vector<16xi32> -> vector<16xf32>
        %and3A_951 = arith.constant -65536 : i32
        %and3A_952 = vector.broadcast %and3A_951 : i32 to vector<16xi32>
        %and3A_953 = arith.andi %get3A_946, %and3A_952 : vector<16xi32>
        %bitcast_convert_type3A_954 = tpu.bitcast %and3A_953 : vector<16xi32> -> vector<16xf32>
        %add3A_955 = arith.addf %add3A_867, %bitcast_convert_type3A_950 : vector<16xf32>
        %add3A_956 = arith.addf %add3A_868, %bitcast_convert_type3A_954 : vector<16xf32>
        scf.yield %add3A_889, %add3A_890, %add3A_911, %add3A_912, %add3A_933, %add3A_934, %add3A_955, %add3A_956 : vector<16xf32>, vector<16xf32>, vector<16xf32>, vector<16xf32>, vector<16xf32>, vector<16xf32>, vector<16xf32>, vector<16xf32>
      }
      %scan3A_518 = arith.constant 50 : i32
      %dma_wait3A_519 = arith.constant 1 : i32
      %dma_wait3A_520 = arith.constant 2 : i32
      %dma_wait3A_521 = arith.constant 1 : i32
      %dma_wait3A_522 = arith.constant 0 : i32
      %dma_wait3A_523 = arith.constant 0 : i32
      %dma_wait3A_524 = tpu.memref_slice %arg6[%dma_wait3A_520, %dma_wait3A_521, %dma_wait3A_522, %dma_wait3A_523] : memref<4x2x100x64xi32, #tpu.memory_space<vmem>> -> memref<1x1x100x64xi32, #tpu.memory_space<vmem>>
      %dma_wait3A_525 = tpu.memref_squeeze %dma_wait3A_524 : memref<1x1x100x64xi32, #tpu.memory_space<vmem>> -> memref<100x64xi32, #tpu.memory_space<vmem>>
      %dma_wait3A_526 = arith.constant 0 : i32
      %dma_wait3A_527 = tpu.memref_slice %arg5[%add3A_483, %dma_wait3A_519, %dma_wait3A_526] : memref<128x2x100xi32, #tpu.memory_space<vmem>> -> memref<1x1x100xi32, #tpu.memory_space<vmem>>
      %dma_wait3A_528 = tpu.memref_squeeze %dma_wait3A_527 : memref<1x1x100xi32, #tpu.memory_space<vmem>> -> memref<100xi32, #tpu.memory_space<vmem>>
      %dma_wait3A_529 = arith.constant 0 : i32
      %dma_wait3A_530 = arith.constant 0 : i32
      %dma_wait3A_531 = tpu.memref_slice %arg3[%dma_wait3A_529, %dma_wait3A_530] : memref<100000x64xi32, #tpu.memory_space<hbm>> -> memref<100000x64xi32, #tpu.memory_space<hbm>>
      tpu.wait_indirect_dma semaphore(%arg13 : memref<!tpu.dma_semaphore, #tpu.memory_space<semaphore_mem>>) src(%dma_wait3A_531 : memref<100000x64xi32, #tpu.memory_space<hbm>>) dst(%dma_wait3A_525 : memref<100x64xi32, #tpu.memory_space<vmem>>)
      %scan3A_532 = arith.constant 0 : i32
      %scan3A_533 = arith.constant 50 : i32
      %scan3A_534 = arith.addi %scan3A_532, %scan3A_533 : i32
      %scan3A_535 = arith.constant 1 : i32
      %scan3A_536:8 = scf.for %scan3A_776 = %scan3A_532 to %scan3A_534 step %scan3A_535 iter_args(%scan3A_777 = %scan3A_517#0, %scan3A_778 = %scan3A_517#1, %scan3A_779 = %scan3A_517#2, %scan3A_780 = %scan3A_517#3, %scan3A_781 = %scan3A_517#4, %scan3A_782 = %scan3A_517#5, %scan3A_783 = %scan3A_517#6, %scan3A_784 = %scan3A_517#7) -> (vector<16xf32>, vector<16xf32>, vector<16xf32>, vector<16xf32>, vector<16xf32>, vector<16xf32>, vector<16xf32>, vector<16xf32>)  : i32 {
        %mul3A_785 = arith.constant 2 : i32
        %mul3A_786 = arith.muli %mul3A_785, %scan3A_776 : i32
        %add3A_787 = arith.constant 0 : i32
        %add3A_788 = arith.addi %mul3A_786, %add3A_787 : i32
        %get3A = arith.constant 2 : i32
        %get3A_789 = arith.constant 1 : i32
        %get3A_790 = arith.index_cast %get3A : i32 to index
        %get3A_791 = arith.index_cast %get3A_789 : i32 to index
        %get3A_792 = arith.index_cast %add3A_788 : i32 to index
        %get3A_793 = arith.constant 0 : index
        %get3A_794 = tpu.vector_load %arg6[%get3A_790, %get3A_791, %get3A_792, %get3A_793] {strides = array<i32>} : memref<4x2x100x64xi32, #tpu.memory_space<vmem>>, vector<1x1x1x16xi32>,
        %get3A_795 = vector.shape_cast %get3A_794 : vector<1x1x1x16xi32> to vector<16xi32>
        %shift_left3A = arith.constant 16 : i32
        %shift_left3A_796 = vector.broadcast %shift_left3A : i32 to vector<16xi32>
        %shift_left3A_797 = arith.shli %get3A_795, %shift_left3A_796 : vector<16xi32>
        %bitcast_convert_type3A = tpu.bitcast %shift_left3A_797 : vector<16xi32> -> vector<16xf32>
        %and3A = arith.constant -65536 : i32
        %and3A_798 = vector.broadcast %and3A : i32 to vector<16xi32>
        %and3A_799 = arith.andi %get3A_795, %and3A_798 : vector<16xi32>
        %bitcast_convert_type3A_800 = tpu.bitcast %and3A_799 : vector<16xi32> -> vector<16xf32>
        %add3A_801 = arith.addf %scan3A_777, %bitcast_convert_type3A : vector<16xf32>
        %add3A_802 = arith.addf %scan3A_778, %bitcast_convert_type3A_800 : vector<16xf32>
        %mul3A_803 = arith.constant 2 : i32
        %mul3A_804 = arith.muli %mul3A_803, %scan3A_776 : i32
        %add3A_805 = arith.constant 0 : i32
        %add3A_806 = arith.addi %mul3A_804, %add3A_805 : i32
        %get3A_807 = arith.constant 2 : i32
        %get3A_808 = arith.constant 1 : i32
        %get3A_809 = arith.index_cast %get3A_807 : i32 to index
        %get3A_810 = arith.index_cast %get3A_808 : i32 to index
        %get3A_811 = arith.index_cast %add3A_806 : i32 to index
        %get3A_812 = arith.constant 16 : index
        %get3A_813 = tpu.vector_load %arg6[%get3A_809, %get3A_810, %get3A_811, %get3A_812] {strides = array<i32>} : memref<4x2x100x64xi32, #tpu.memory_space<vmem>>, vector<1x1x1x16xi32>,
        %get3A_814 = vector.shape_cast %get3A_813 : vector<1x1x1x16xi32> to vector<16xi32>
        %shift_left3A_815 = arith.constant 16 : i32
        %shift_left3A_816 = vector.broadcast %shift_left3A_815 : i32 to vector<16xi32>
        %shift_left3A_817 = arith.shli %get3A_814, %shift_left3A_816 : vector<16xi32>
        %bitcast_convert_type3A_818 = tpu.bitcast %shift_left3A_817 : vector<16xi32> -> vector<16xf32>
        %and3A_819 = arith.constant -65536 : i32
        %and3A_820 = vector.broadcast %and3A_819 : i32 to vector<16xi32>
        %and3A_821 = arith.andi %get3A_814, %and3A_820 : vector<16xi32>
        %bitcast_convert_type3A_822 = tpu.bitcast %and3A_821 : vector<16xi32> -> vector<16xf32>
        %add3A_823 = arith.addf %scan3A_779, %bitcast_convert_type3A_818 : vector<16xf32>
        %add3A_824 = arith.addf %scan3A_780, %bitcast_convert_type3A_822 : vector<16xf32>
        %mul3A_825 = arith.constant 2 : i32
        %mul3A_826 = arith.muli %mul3A_825, %scan3A_776 : i32
        %add3A_827 = arith.constant 0 : i32
        %add3A_828 = arith.addi %mul3A_826, %add3A_827 : i32
        %get3A_829 = arith.constant 2 : i32
        %get3A_830 = arith.constant 1 : i32
        %get3A_831 = arith.index_cast %get3A_829 : i32 to index
        %get3A_832 = arith.index_cast %get3A_830 : i32 to index
        %get3A_833 = arith.index_cast %add3A_828 : i32 to index
        %get3A_834 = arith.constant 32 : index
        %get3A_835 = tpu.vector_load %arg6[%get3A_831, %get3A_832, %get3A_833, %get3A_834] {strides = array<i32>} : memref<4x2x100x64xi32, #tpu.memory_space<vmem>>, vector<1x1x1x16xi32>,
        %get3A_836 = vector.shape_cast %get3A_835 : vector<1x1x1x16xi32> to vector<16xi32>
        %shift_left3A_837 = arith.constant 16 : i32
        %shift_left3A_838 = vector.broadcast %shift_left3A_837 : i32 to vector<16xi32>
        %shift_left3A_839 = arith.shli %get3A_836, %shift_left3A_838 : vector<16xi32>
        %bitcast_convert_type3A_840 = tpu.bitcast %shift_left3A_839 : vector<16xi32> -> vector<16xf32>
        %and3A_841 = arith.constant -65536 : i32
        %and3A_842 = vector.broadcast %and3A_841 : i32 to vector<16xi32>
        %and3A_843 = arith.andi %get3A_836, %and3A_842 : vector<16xi32>
        %bitcast_convert_type3A_844 = tpu.bitcast %and3A_843 : vector<16xi32> -> vector<16xf32>
        %add3A_845 = arith.addf %scan3A_781, %bitcast_convert_type3A_840 : vector<16xf32>
        %add3A_846 = arith.addf %scan3A_782, %bitcast_convert_type3A_844 : vector<16xf32>
        %mul3A_847 = arith.constant 2 : i32
        %mul3A_848 = arith.muli %mul3A_847, %scan3A_776 : i32
        %add3A_849 = arith.constant 0 : i32
        %add3A_850 = arith.addi %mul3A_848, %add3A_849 : i32
        %get3A_851 = arith.constant 2 : i32
        %get3A_852 = arith.constant 1 : i32
        %get3A_853 = arith.index_cast %get3A_851 : i32 to index
        %get3A_854 = arith.index_cast %get3A_852 : i32 to index
        %get3A_855 = arith.index_cast %add3A_850 : i32 to index
        %get3A_856 = arith.constant 48 : index
        %get3A_857 = tpu.vector_load %arg6[%get3A_853, %get3A_854, %get3A_855, %get3A_856] {strides = array<i32>} : memref<4x2x100x64xi32, #tpu.memory_space<vmem>>, vector<1x1x1x16xi32>,
        %get3A_858 = vector.shape_cast %get3A_857 : vector<1x1x1x16xi32> to vector<16xi32>
        %shift_left3A_859 = arith.constant 16 : i32
        %shift_left3A_860 = vector.broadcast %shift_left3A_859 : i32 to vector<16xi32>
        %shift_left3A_861 = arith.shli %get3A_858, %shift_left3A_860 : vector<16xi32>
        %bitcast_convert_type3A_862 = tpu.bitcast %shift_left3A_861 : vector<16xi32> -> vector<16xf32>
        %and3A_863 = arith.constant -65536 : i32
        %and3A_864 = vector.broadcast %and3A_863 : i32 to vector<16xi32>
        %and3A_865 = arith.andi %get3A_858, %and3A_864 : vector<16xi32>
        %bitcast_convert_type3A_866 = tpu.bitcast %and3A_865 : vector<16xi32> -> vector<16xf32>
        %add3A_867 = arith.addf %scan3A_783, %bitcast_convert_type3A_862 : vector<16xf32>
        %add3A_868 = arith.addf %scan3A_784, %bitcast_convert_type3A_866 : vector<16xf32>
        %mul3A_869 = arith.constant 2 : i32
        %mul3A_870 = arith.muli %mul3A_869, %scan3A_776 : i32
        %add3A_871 = arith.constant 1 : i32
        %add3A_872 = arith.addi %mul3A_870, %add3A_871 : i32
        %get3A_873 = arith.constant 2 : i32
        %get3A_874 = arith.constant 1 : i32
        %get3A_875 = arith.index_cast %get3A_873 : i32 to index
        %get3A_876 = arith.index_cast %get3A_874 : i32 to index
        %get3A_877 = arith.index_cast %add3A_872 : i32 to index
        %get3A_878 = arith.constant 0 : index
        %get3A_879 = tpu.vector_load %arg6[%get3A_875, %get3A_876, %get3A_877, %get3A_878] {strides = array<i32>} : memref<4x2x100x64xi32, #tpu.memory_space<vmem>>, vector<1x1x1x16xi32>,
        %get3A_880 = vector.shape_cast %get3A_879 : vector<1x1x1x16xi32> to vector<16xi32>
        %shift_left3A_881 = arith.constant 16 : i32
        %shift_left3A_882 = vector.broadcast %shift_left3A_881 : i32 to vector<16xi32>
        %shift_left3A_883 = arith.shli %get3A_880, %shift_left3A_882 : vector<16xi32>
        %bitcast_convert_type3A_884 = tpu.bitcast %shift_left3A_883 : vector<16xi32> -> vector<16xf32>
        %and3A_885 = arith.constant -65536 : i32
        %and3A_886 = vector.broadcast %and3A_885 : i32 to vector<16xi32>
        %and3A_887 = arith.andi %get3A_880, %and3A_886 : vector<16xi32>
        %bitcast_convert_type3A_888 = tpu.bitcast %and3A_887 : vector<16xi32> -> vector<16xf32>
        %add3A_889 = arith.addf %add3A_801, %bitcast_convert_type3A_884 : vector<16xf32>
        %add3A_890 = arith.addf %add3A_802, %bitcast_convert_type3A_888 : vector<16xf32>
        %mul3A_891 = arith.constant 2 : i32
        %mul3A_892 = arith.muli %mul3A_891, %scan3A_776 : i32
        %add3A_893 = arith.constant 1 : i32
        %add3A_894 = arith.addi %mul3A_892, %add3A_893 : i32
        %get3A_895 = arith.constant 2 : i32
        %get3A_896 = arith.constant 1 : i32
        %get3A_897 = arith.index_cast %get3A_895 : i32 to index
        %get3A_898 = arith.index_cast %get3A_896 : i32 to index
        %get3A_899 = arith.index_cast %add3A_894 : i32 to index
        %get3A_900 = arith.constant 16 : index
        %get3A_901 = tpu.vector_load %arg6[%get3A_897, %get3A_898, %get3A_899, %get3A_900] {strides = array<i32>} : memref<4x2x100x64xi32, #tpu.memory_space<vmem>>, vector<1x1x1x16xi32>,
        %get3A_902 = vector.shape_cast %get3A_901 : vector<1x1x1x16xi32> to vector<16xi32>
        %shift_left3A_903 = arith.constant 16 : i32
        %shift_left3A_904 = vector.broadcast %shift_left3A_903 : i32 to vector<16xi32>
        %shift_left3A_905 = arith.shli %get3A_902, %shift_left3A_904 : vector<16xi32>
        %bitcast_convert_type3A_906 = tpu.bitcast %shift_left3A_905 : vector<16xi32> -> vector<16xf32>
        %and3A_907 = arith.constant -65536 : i32
        %and3A_908 = vector.broadcast %and3A_907 : i32 to vector<16xi32>
        %and3A_909 = arith.andi %get3A_902, %and3A_908 : vector<16xi32>
        %bitcast_convert_type3A_910 = tpu.bitcast %and3A_909 : vector<16xi32> -> vector<16xf32>
        %add3A_911 = arith.addf %add3A_823, %bitcast_convert_type3A_906 : vector<16xf32>
        %add3A_912 = arith.addf %add3A_824, %bitcast_convert_type3A_910 : vector<16xf32>
        %mul3A_913 = arith.constant 2 : i32
        %mul3A_914 = arith.muli %mul3A_913, %scan3A_776 : i32
        %add3A_915 = arith.constant 1 : i32
        %add3A_916 = arith.addi %mul3A_914, %add3A_915 : i32
        %get3A_917 = arith.constant 2 : i32
        %get3A_918 = arith.constant 1 : i32
        %get3A_919 = arith.index_cast %get3A_917 : i32 to index
        %get3A_920 = arith.index_cast %get3A_918 : i32 to index
        %get3A_921 = arith.index_cast %add3A_916 : i32 to index
        %get3A_922 = arith.constant 32 : index
        %get3A_923 = tpu.vector_load %arg6[%get3A_919, %get3A_920, %get3A_921, %get3A_922] {strides = array<i32>} : memref<4x2x100x64xi32, #tpu.memory_space<vmem>>, vector<1x1x1x16xi32>,
        %get3A_924 = vector.shape_cast %get3A_923 : vector<1x1x1x16xi32> to vector<16xi32>
        %shift_left3A_925 = arith.constant 16 : i32
        %shift_left3A_926 = vector.broadcast %shift_left3A_925 : i32 to vector<16xi32>
        %shift_left3A_927 = arith.shli %get3A_924, %shift_left3A_926 : vector<16xi32>
        %bitcast_convert_type3A_928 = tpu.bitcast %shift_left3A_927 : vector<16xi32> -> vector<16xf32>
        %and3A_929 = arith.constant -65536 : i32
        %and3A_930 = vector.broadcast %and3A_929 : i32 to vector<16xi32>
        %and3A_931 = arith.andi %get3A_924, %and3A_930 : vector<16xi32>
        %bitcast_convert_type3A_932 = tpu.bitcast %and3A_931 : vector<16xi32> -> vector<16xf32>
        %add3A_933 = arith.addf %add3A_845, %bitcast_convert_type3A_928 : vector<16xf32>
        %add3A_934 = arith.addf %add3A_846, %bitcast_convert_type3A_932 : vector<16xf32>
        %mul3A_935 = arith.constant 2 : i32
        %mul3A_936 = arith.muli %mul3A_935, %scan3A_776 : i32
        %add3A_937 = arith.constant 1 : i32
        %add3A_938 = arith.addi %mul3A_936, %add3A_937 : i32
        %get3A_939 = arith.constant 2 : i32
        %get3A_940 = arith.constant 1 : i32
        %get3A_941 = arith.index_cast %get3A_939 : i32 to index
        %get3A_942 = arith.index_cast %get3A_940 : i32 to index
        %get3A_943 = arith.index_cast %add3A_938 : i32 to index
        %get3A_944 = arith.constant 48 : index
        %get3A_945 = tpu.vector_load %arg6[%get3A_941, %get3A_942, %get3A_943, %get3A_944] {strides = array<i32>} : memref<4x2x100x64xi32, #tpu.memory_space<vmem>>, vector<1x1x1x16xi32>,
        %get3A_946 = vector.shape_cast %get3A_945 : vector<1x1x1x16xi32> to vector<16xi32>
        %shift_left3A_947 = arith.constant 16 : i32
        %shift_left3A_948 = vector.broadcast %shift_left3A_947 : i32 to vector<16xi32>
        %shift_left3A_949 = arith.shli %get3A_946, %shift_left3A_948 : vector<16xi32>
        %bitcast_convert_type3A_950 = tpu.bitcast %shift_left3A_949 : vector<16xi32> -> vector<16xf32>
        %and3A_951 = arith.constant -65536 : i32
        %and3A_952 = vector.broadcast %and3A_951 : i32 to vector<16xi32>
        %and3A_953 = arith.andi %get3A_946, %and3A_952 : vector<16xi32>
        %bitcast_convert_type3A_954 = tpu.bitcast %and3A_953 : vector<16xi32> -> vector<16xf32>
        %add3A_955 = arith.addf %add3A_867, %bitcast_convert_type3A_950 : vector<16xf32>
        %add3A_956 = arith.addf %add3A_868, %bitcast_convert_type3A_954 : vector<16xf32>
        scf.yield %add3A_889, %add3A_890, %add3A_911, %add3A_912, %add3A_933, %add3A_934, %add3A_955, %add3A_956 : vector<16xf32>, vector<16xf32>, vector<16xf32>, vector<16xf32>, vector<16xf32>, vector<16xf32>, vector<16xf32>, vector<16xf32>
      }
      %scan3A_537 = arith.constant 50 : i32
      %gt3A_538 = arith.constant 0 : i32
      %gt3A_539 = arith.cmpi sgt, %scan3A_130, %gt3A_538 : i32
      %convert_element_type3A_540 = arith.extui %gt3A_539 : i1 to i32
      %cond3A_541 = arith.constant 0 : i32
      %cond3A_542 = arith.cmpi ne, %convert_element_type3A_540, %cond3A_541 : i32
      scf.if %cond3A_542 {
        %add3A_776 = arith.addi %mul3A_2, %add3A_483 : i32
        %dma_wait3A_777 = arith.constant 2 : i32
        %dma_wait3A_778 = arith.constant 0 : i32
        %dma_wait3A_779 = tpu.memref_slice %arg7[%dma_wait3A_777, %dma_wait3A_778] : memref<4x128xf32, #tpu.memory_space<vmem>> -> memref<1x128xf32, #tpu.memory_space<vmem>>
        %dma_wait3A_780 = tpu.memref_squeeze %dma_wait3A_779 : memref<1x128xf32, #tpu.memory_space<vmem>> -> memref<128xf32, #tpu.memory_space<vmem>>
        %dma_wait3A_781 = arith.constant 0 : i32
        %dma_wait3A_782 = tpu.memref_slice %arg4[%add3A_776, %dma_wait3A_781] : memref<4096x128xf32, #tpu.memory_space<hbm>> -> memref<1x128xf32, #tpu.memory_space<hbm>>
        %dma_wait3A_783 = tpu.memref_squeeze %dma_wait3A_782 : memref<1x128xf32, #tpu.memory_space<hbm>> -> memref<128xf32, #tpu.memory_space<hbm>>
        %dma_wait3A_784 = arith.constant 0 : i32
        %dma_wait3A_785 = tpu.memref_slice %arg4[%add3A_776, %dma_wait3A_784] : memref<4096x128xf32, #tpu.memory_space<hbm>> -> memref<1x128xf32, #tpu.memory_space<hbm>>
        %dma_wait3A_786 = tpu.memref_squeeze %dma_wait3A_785 : memref<1x128xf32, #tpu.memory_space<hbm>> -> memref<128xf32, #tpu.memory_space<hbm>>
        %dma_wait3A_787 = arith.constant 0 : i32
        %dma_wait3A_788 = tpu.memref_slice %arg7[%dma_wait3A_777, %dma_wait3A_787] : memref<4x128xf32, #tpu.memory_space<vmem>> -> memref<1x128xf32, #tpu.memory_space<vmem>>
        %dma_wait3A_789 = tpu.memref_squeeze %dma_wait3A_788 : memref<1x128xf32, #tpu.memory_space<vmem>> -> memref<128xf32, #tpu.memory_space<vmem>>
        tpu.wait_dma2 semaphore(%arg18 : memref<!tpu.dma_semaphore, #tpu.memory_space<semaphore_mem>>) src(%dma_wait3A_789 : memref<128xf32, #tpu.memory_space<vmem>>) dst(%dma_wait3A_786 : memref<128xf32, #tpu.memory_space<hbm>>)
      } else {
      }
      %mul3A_543 = arith.constant 5.000000e-03 : f32
      %mul3A_544 = vector.broadcast %mul3A_543 : f32 to vector<16xf32>
      %mul3A_545 = arith.mulf %scan3A_536#0, %mul3A_544 : vector<16xf32>
      %swap3A_546 = arith.constant 2 : i32
      %swap3A_547 = arith.index_cast %swap3A_546 : i32 to index
      %swap3A_548 = arith.constant 0 : index
      %swap3A_549 = tpu.vector_load %arg7[%swap3A_547, %swap3A_548] {strides = array<i32>} : memref<4x128xf32, #tpu.memory_space<vmem>>, vector<1x16xf32>,
      %swap3A_550 = vector.shape_cast %swap3A_549 : vector<1x16xf32> to vector<16xf32>
      %swap3A_551 = vector.shape_cast %mul3A_545 : vector<16xf32> to vector<1x16xf32>
      tpu.vector_store %arg7[%swap3A_547, %swap3A_548], %swap3A_551 {strides = array<i32>} : memref<4x128xf32, #tpu.memory_space<vmem>>, vector<1x16xf32>,
      %mul3A_552 = arith.constant 5.000000e-03 : f32
      %mul3A_553 = vector.broadcast %mul3A_552 : f32 to vector<16xf32>
      %mul3A_554 = arith.mulf %scan3A_536#1, %mul3A_553 : vector<16xf32>
      %swap3A_555 = arith.constant 2 : i32
      %swap3A_556 = arith.index_cast %swap3A_555 : i32 to index
      %swap3A_557 = arith.constant 16 : index
      %swap3A_558 = tpu.vector_load %arg7[%swap3A_556, %swap3A_557] {strides = array<i32>} : memref<4x128xf32, #tpu.memory_space<vmem>>, vector<1x16xf32>,
      %swap3A_559 = vector.shape_cast %swap3A_558 : vector<1x16xf32> to vector<16xf32>
      %swap3A_560 = vector.shape_cast %mul3A_554 : vector<16xf32> to vector<1x16xf32>
      tpu.vector_store %arg7[%swap3A_556, %swap3A_557], %swap3A_560 {strides = array<i32>} : memref<4x128xf32, #tpu.memory_space<vmem>>, vector<1x16xf32>,
      %mul3A_561 = arith.constant 5.000000e-03 : f32
      %mul3A_562 = vector.broadcast %mul3A_561 : f32 to vector<16xf32>
      %mul3A_563 = arith.mulf %scan3A_536#2, %mul3A_562 : vector<16xf32>
      %swap3A_564 = arith.constant 2 : i32
      %swap3A_565 = arith.index_cast %swap3A_564 : i32 to index
      %swap3A_566 = arith.constant 32 : index
      %swap3A_567 = tpu.vector_load %arg7[%swap3A_565, %swap3A_566] {strides = array<i32>} : memref<4x128xf32, #tpu.memory_space<vmem>>, vector<1x16xf32>,
      %swap3A_568 = vector.shape_cast %swap3A_567 : vector<1x16xf32> to vector<16xf32>
      %swap3A_569 = vector.shape_cast %mul3A_563 : vector<16xf32> to vector<1x16xf32>
      tpu.vector_store %arg7[%swap3A_565, %swap3A_566], %swap3A_569 {strides = array<i32>} : memref<4x128xf32, #tpu.memory_space<vmem>>, vector<1x16xf32>,
      %mul3A_570 = arith.constant 5.000000e-03 : f32
      %mul3A_571 = vector.broadcast %mul3A_570 : f32 to vector<16xf32>
      %mul3A_572 = arith.mulf %scan3A_536#3, %mul3A_571 : vector<16xf32>
      %swap3A_573 = arith.constant 2 : i32
      %swap3A_574 = arith.index_cast %swap3A_573 : i32 to index
      %swap3A_575 = arith.constant 48 : index
      %swap3A_576 = tpu.vector_load %arg7[%swap3A_574, %swap3A_575] {strides = array<i32>} : memref<4x128xf32, #tpu.memory_space<vmem>>, vector<1x16xf32>,
      %swap3A_577 = vector.shape_cast %swap3A_576 : vector<1x16xf32> to vector<16xf32>
      %swap3A_578 = vector.shape_cast %mul3A_572 : vector<16xf32> to vector<1x16xf32>
      tpu.vector_store %arg7[%swap3A_574, %swap3A_575], %swap3A_578 {strides = array<i32>} : memref<4x128xf32, #tpu.memory_space<vmem>>, vector<1x16xf32>,
      %mul3A_579 = arith.constant 5.000000e-03 : f32
      %mul3A_580 = vector.broadcast %mul3A_579 : f32 to vector<16xf32>
      %mul3A_581 = arith.mulf %scan3A_536#4, %mul3A_580 : vector<16xf32>
      %swap3A_582 = arith.constant 2 : i32
      %swap3A_583 = arith.index_cast %swap3A_582 : i32 to index
      %swap3A_584 = arith.constant 64 : index
      %swap3A_585 = tpu.vector_load %arg7[%swap3A_583, %swap3A_584] {strides = array<i32>} : memref<4x128xf32, #tpu.memory_space<vmem>>, vector<1x16xf32>,
      %swap3A_586 = vector.shape_cast %swap3A_585 : vector<1x16xf32> to vector<16xf32>
      %swap3A_587 = vector.shape_cast %mul3A_581 : vector<16xf32> to vector<1x16xf32>
      tpu.vector_store %arg7[%swap3A_583, %swap3A_584], %swap3A_587 {strides = array<i32>} : memref<4x128xf32, #tpu.memory_space<vmem>>, vector<1x16xf32>,
      %mul3A_588 = arith.constant 5.000000e-03 : f32
      %mul3A_589 = vector.broadcast %mul3A_588 : f32 to vector<16xf32>
      %mul3A_590 = arith.mulf %scan3A_536#5, %mul3A_589 : vector<16xf32>
      %swap3A_591 = arith.constant 2 : i32
      %swap3A_592 = arith.index_cast %swap3A_591 : i32 to index
      %swap3A_593 = arith.constant 80 : index
      %swap3A_594 = tpu.vector_load %arg7[%swap3A_592, %swap3A_593] {strides = array<i32>} : memref<4x128xf32, #tpu.memory_space<vmem>>, vector<1x16xf32>,
      %swap3A_595 = vector.shape_cast %swap3A_594 : vector<1x16xf32> to vector<16xf32>
      %swap3A_596 = vector.shape_cast %mul3A_590 : vector<16xf32> to vector<1x16xf32>
      tpu.vector_store %arg7[%swap3A_592, %swap3A_593], %swap3A_596 {strides = array<i32>} : memref<4x128xf32, #tpu.memory_space<vmem>>, vector<1x16xf32>,
      %mul3A_597 = arith.constant 5.000000e-03 : f32
      %mul3A_598 = vector.broadcast %mul3A_597 : f32 to vector<16xf32>
      %mul3A_599 = arith.mulf %scan3A_536#6, %mul3A_598 : vector<16xf32>
      %swap3A_600 = arith.constant 2 : i32
      %swap3A_601 = arith.index_cast %swap3A_600 : i32 to index
      %swap3A_602 = arith.constant 96 : index
      %swap3A_603 = tpu.vector_load %arg7[%swap3A_601, %swap3A_602] {strides = array<i32>} : memref<4x128xf32, #tpu.memory_space<vmem>>, vector<1x16xf32>,
      %swap3A_604 = vector.shape_cast %swap3A_603 : vector<1x16xf32> to vector<16xf32>
      %swap3A_605 = vector.shape_cast %mul3A_599 : vector<16xf32> to vector<1x16xf32>
      tpu.vector_store %arg7[%swap3A_601, %swap3A_602], %swap3A_605 {strides = array<i32>} : memref<4x128xf32, #tpu.memory_space<vmem>>, vector<1x16xf32>,
      %mul3A_606 = arith.constant 5.000000e-03 : f32
      %mul3A_607 = vector.broadcast %mul3A_606 : f32 to vector<16xf32>
      %mul3A_608 = arith.mulf %scan3A_536#7, %mul3A_607 : vector<16xf32>
      %swap3A_609 = arith.constant 2 : i32
      %swap3A_610 = arith.index_cast %swap3A_609 : i32 to index
      %swap3A_611 = arith.constant 112 : index
      %swap3A_612 = tpu.vector_load %arg7[%swap3A_610, %swap3A_611] {strides = array<i32>} : memref<4x128xf32, #tpu.memory_space<vmem>>, vector<1x16xf32>,
      %swap3A_613 = vector.shape_cast %swap3A_612 : vector<1x16xf32> to vector<16xf32>
      %swap3A_614 = vector.shape_cast %mul3A_608 : vector<16xf32> to vector<1x16xf32>
      tpu.vector_store %arg7[%swap3A_610, %swap3A_611], %swap3A_614 {strides = array<i32>} : memref<4x128xf32, #tpu.memory_space<vmem>>, vector<1x16xf32>,
      %add3A_615 = arith.addi %mul3A_2, %add3A_483 : i32
      %dma_start3A_616 = arith.constant 2 : i32
      %dma_start3A_617 = arith.constant 0 : i32
      %dma_start3A_618 = tpu.memref_slice %arg7[%dma_start3A_616, %dma_start3A_617] : memref<4x128xf32, #tpu.memory_space<vmem>> -> memref<1x128xf32, #tpu.memory_space<vmem>>
      %dma_start3A_619 = tpu.memref_squeeze %dma_start3A_618 : memref<1x128xf32, #tpu.memory_space<vmem>> -> memref<128xf32, #tpu.memory_space<vmem>>
      %dma_start3A_620 = arith.constant 0 : i32
      %dma_start3A_621 = tpu.memref_slice %arg4[%add3A_615, %dma_start3A_620] : memref<4096x128xf32, #tpu.memory_space<hbm>> -> memref<1x128xf32, #tpu.memory_space<hbm>>
      %dma_start3A_622 = tpu.memref_squeeze %dma_start3A_621 : memref<1x128xf32, #tpu.memory_space<hbm>> -> memref<128xf32, #tpu.memory_space<hbm>>
      %dma_start3A_623 = arith.constant 0 : i32
      %dma_start3A_624 = tpu.memref_slice %arg4[%add3A_615, %dma_start3A_623] : memref<4096x128xf32, #tpu.memory_space<hbm>> -> memref<1x128xf32, #tpu.memory_space<hbm>>
      %dma_start3A_625 = tpu.memref_squeeze %dma_start3A_624 : memref<1x128xf32, #tpu.memory_space<hbm>> -> memref<128xf32, #tpu.memory_space<hbm>>
      %dma_start3A_626 = arith.constant 0 : i32
      %dma_start3A_627 = tpu.memref_slice %arg7[%dma_start3A_616, %dma_start3A_626] : memref<4x128xf32, #tpu.memory_space<vmem>> -> memref<1x128xf32, #tpu.memory_space<vmem>>
      %dma_start3A_628 = tpu.memref_squeeze %dma_start3A_627 : memref<1x128xf32, #tpu.memory_space<vmem>> -> memref<128xf32, #tpu.memory_space<vmem>>
      tpu.enqueue_dma source(%dma_start3A_628 : memref<128xf32, #tpu.memory_space<vmem>>) target(%dma_start3A_625 : memref<128xf32, #tpu.memory_space<hbm>>) target_semaphore(%arg18 : memref<!tpu.dma_semaphore, #tpu.memory_space<semaphore_mem>>)
      %add3A_629 = arith.constant 3 : i32
      %add3A_630 = arith.addi %mul3A_132, %add3A_629 : i32
      %dma_wait3A_631 = arith.constant 0 : i32
      %dma_wait3A_632 = arith.constant 3 : i32
      %dma_wait3A_633 = arith.constant 0 : i32
      %dma_wait3A_634 = arith.constant 0 : i32
      %dma_wait3A_635 = arith.constant 0 : i32
      %dma_wait3A_636 = tpu.memref_slice %arg6[%dma_wait3A_632, %dma_wait3A_633, %dma_wait3A_634, %dma_wait3A_635] : memref<4x2x100x64xi32, #tpu.memory_space<vmem>> -> memref<1x1x100x64xi32, #tpu.memory_space<vmem>>
      %dma_wait3A_637 = tpu.memref_squeeze %dma_wait3A_636 : memref<1x1x100x64xi32, #tpu.memory_space<vmem>> -> memref<100x64xi32, #tpu.memory_space<vmem>>
      %dma_wait3A_638 = arith.constant 0 : i32
      %dma_wait3A_639 = tpu.memref_slice %arg5[%add3A_630, %dma_wait3A_631, %dma_wait3A_638] : memref<128x2x100xi32, #tpu.memory_space<vmem>> -> memref<1x1x100xi32, #tpu.memory_space<vmem>>
      %dma_wait3A_640 = tpu.memref_squeeze %dma_wait3A_639 : memref<1x1x100xi32, #tpu.memory_space<vmem>> -> memref<100xi32, #tpu.memory_space<vmem>>
      %dma_wait3A_641 = arith.constant 0 : i32
      %dma_wait3A_642 = arith.constant 0 : i32
      %dma_wait3A_643 = tpu.memref_slice %arg3[%dma_wait3A_641, %dma_wait3A_642] : memref<100000x64xi32, #tpu.memory_space<hbm>> -> memref<100000x64xi32, #tpu.memory_space<hbm>>
      tpu.wait_indirect_dma semaphore(%arg14 : memref<!tpu.dma_semaphore, #tpu.memory_space<semaphore_mem>>) src(%dma_wait3A_643 : memref<100000x64xi32, #tpu.memory_space<hbm>>) dst(%dma_wait3A_637 : memref<100x64xi32, #tpu.memory_space<vmem>>)
      %broadcast_in_dim3A_644 = arith.constant 0.000000e+00 : f32
      %broadcast_in_dim3A_645 = vector.broadcast %broadcast_in_dim3A_644 : f32 to vector<16xf32>
      %broadcast_in_dim3A_646 = arith.constant 0.000000e+00 : f32
      %broadcast_in_dim3A_647 = vector.broadcast %broadcast_in_dim3A_646 : f32 to vector<16xf32>
      %broadcast_in_dim3A_648 = arith.constant 0.000000e+00 : f32
      %broadcast_in_dim3A_649 = vector.broadcast %broadcast_in_dim3A_648 : f32 to vector<16xf32>
      %broadcast_in_dim3A_650 = arith.constant 0.000000e+00 : f32
      %broadcast_in_dim3A_651 = vector.broadcast %broadcast_in_dim3A_650 : f32 to vector<16xf32>
      %broadcast_in_dim3A_652 = arith.constant 0.000000e+00 : f32
      %broadcast_in_dim3A_653 = vector.broadcast %broadcast_in_dim3A_652 : f32 to vector<16xf32>
      %broadcast_in_dim3A_654 = arith.constant 0.000000e+00 : f32
      %broadcast_in_dim3A_655 = vector.broadcast %broadcast_in_dim3A_654 : f32 to vector<16xf32>
      %broadcast_in_dim3A_656 = arith.constant 0.000000e+00 : f32
      %broadcast_in_dim3A_657 = vector.broadcast %broadcast_in_dim3A_656 : f32 to vector<16xf32>
      %broadcast_in_dim3A_658 = arith.constant 0.000000e+00 : f32
      %broadcast_in_dim3A_659 = vector.broadcast %broadcast_in_dim3A_658 : f32 to vector<16xf32>
      %scan3A_660 = arith.constant 0 : i32
      %scan3A_661 = arith.constant 50 : i32
      %scan3A_662 = arith.addi %scan3A_660, %scan3A_661 : i32
      %scan3A_663 = arith.constant 1 : i32
      %scan3A_664:8 = scf.for %scan3A_776 = %scan3A_660 to %scan3A_662 step %scan3A_663 iter_args(%scan3A_777 = %broadcast_in_dim3A_645, %scan3A_778 = %broadcast_in_dim3A_647, %scan3A_779 = %broadcast_in_dim3A_649, %scan3A_780 = %broadcast_in_dim3A_651, %scan3A_781 = %broadcast_in_dim3A_653, %scan3A_782 = %broadcast_in_dim3A_655, %scan3A_783 = %broadcast_in_dim3A_657, %scan3A_784 = %broadcast_in_dim3A_659) -> (vector<16xf32>, vector<16xf32>, vector<16xf32>, vector<16xf32>, vector<16xf32>, vector<16xf32>, vector<16xf32>, vector<16xf32>)  : i32 {
        %mul3A_785 = arith.constant 2 : i32
        %mul3A_786 = arith.muli %mul3A_785, %scan3A_776 : i32
        %add3A_787 = arith.constant 0 : i32
        %add3A_788 = arith.addi %mul3A_786, %add3A_787 : i32
        %get3A = arith.constant 3 : i32
        %get3A_789 = arith.constant 0 : i32
        %get3A_790 = arith.index_cast %get3A : i32 to index
        %get3A_791 = arith.index_cast %get3A_789 : i32 to index
        %get3A_792 = arith.index_cast %add3A_788 : i32 to index
        %get3A_793 = arith.constant 0 : index
        %get3A_794 = tpu.vector_load %arg6[%get3A_790, %get3A_791, %get3A_792, %get3A_793] {strides = array<i32>} : memref<4x2x100x64xi32, #tpu.memory_space<vmem>>, vector<1x1x1x16xi32>,
        %get3A_795 = vector.shape_cast %get3A_794 : vector<1x1x1x16xi32> to vector<16xi32>
        %shift_left3A = arith.constant 16 : i32
        %shift_left3A_796 = vector.broadcast %shift_left3A : i32 to vector<16xi32>
        %shift_left3A_797 = arith.shli %get3A_795, %shift_left3A_796 : vector<16xi32>
        %bitcast_convert_type3A = tpu.bitcast %shift_left3A_797 : vector<16xi32> -> vector<16xf32>
        %and3A = arith.constant -65536 : i32
        %and3A_798 = vector.broadcast %and3A : i32 to vector<16xi32>
        %and3A_799 = arith.andi %get3A_795, %and3A_798 : vector<16xi32>
        %bitcast_convert_type3A_800 = tpu.bitcast %and3A_799 : vector<16xi32> -> vector<16xf32>
        %add3A_801 = arith.addf %scan3A_777, %bitcast_convert_type3A : vector<16xf32>
        %add3A_802 = arith.addf %scan3A_778, %bitcast_convert_type3A_800 : vector<16xf32>
        %mul3A_803 = arith.constant 2 : i32
        %mul3A_804 = arith.muli %mul3A_803, %scan3A_776 : i32
        %add3A_805 = arith.constant 0 : i32
        %add3A_806 = arith.addi %mul3A_804, %add3A_805 : i32
        %get3A_807 = arith.constant 3 : i32
        %get3A_808 = arith.constant 0 : i32
        %get3A_809 = arith.index_cast %get3A_807 : i32 to index
        %get3A_810 = arith.index_cast %get3A_808 : i32 to index
        %get3A_811 = arith.index_cast %add3A_806 : i32 to index
        %get3A_812 = arith.constant 16 : index
        %get3A_813 = tpu.vector_load %arg6[%get3A_809, %get3A_810, %get3A_811, %get3A_812] {strides = array<i32>} : memref<4x2x100x64xi32, #tpu.memory_space<vmem>>, vector<1x1x1x16xi32>,
        %get3A_814 = vector.shape_cast %get3A_813 : vector<1x1x1x16xi32> to vector<16xi32>
        %shift_left3A_815 = arith.constant 16 : i32
        %shift_left3A_816 = vector.broadcast %shift_left3A_815 : i32 to vector<16xi32>
        %shift_left3A_817 = arith.shli %get3A_814, %shift_left3A_816 : vector<16xi32>
        %bitcast_convert_type3A_818 = tpu.bitcast %shift_left3A_817 : vector<16xi32> -> vector<16xf32>
        %and3A_819 = arith.constant -65536 : i32
        %and3A_820 = vector.broadcast %and3A_819 : i32 to vector<16xi32>
        %and3A_821 = arith.andi %get3A_814, %and3A_820 : vector<16xi32>
        %bitcast_convert_type3A_822 = tpu.bitcast %and3A_821 : vector<16xi32> -> vector<16xf32>
        %add3A_823 = arith.addf %scan3A_779, %bitcast_convert_type3A_818 : vector<16xf32>
        %add3A_824 = arith.addf %scan3A_780, %bitcast_convert_type3A_822 : vector<16xf32>
        %mul3A_825 = arith.constant 2 : i32
        %mul3A_826 = arith.muli %mul3A_825, %scan3A_776 : i32
        %add3A_827 = arith.constant 0 : i32
        %add3A_828 = arith.addi %mul3A_826, %add3A_827 : i32
        %get3A_829 = arith.constant 3 : i32
        %get3A_830 = arith.constant 0 : i32
        %get3A_831 = arith.index_cast %get3A_829 : i32 to index
        %get3A_832 = arith.index_cast %get3A_830 : i32 to index
        %get3A_833 = arith.index_cast %add3A_828 : i32 to index
        %get3A_834 = arith.constant 32 : index
        %get3A_835 = tpu.vector_load %arg6[%get3A_831, %get3A_832, %get3A_833, %get3A_834] {strides = array<i32>} : memref<4x2x100x64xi32, #tpu.memory_space<vmem>>, vector<1x1x1x16xi32>,
        %get3A_836 = vector.shape_cast %get3A_835 : vector<1x1x1x16xi32> to vector<16xi32>
        %shift_left3A_837 = arith.constant 16 : i32
        %shift_left3A_838 = vector.broadcast %shift_left3A_837 : i32 to vector<16xi32>
        %shift_left3A_839 = arith.shli %get3A_836, %shift_left3A_838 : vector<16xi32>
        %bitcast_convert_type3A_840 = tpu.bitcast %shift_left3A_839 : vector<16xi32> -> vector<16xf32>
        %and3A_841 = arith.constant -65536 : i32
        %and3A_842 = vector.broadcast %and3A_841 : i32 to vector<16xi32>
        %and3A_843 = arith.andi %get3A_836, %and3A_842 : vector<16xi32>
        %bitcast_convert_type3A_844 = tpu.bitcast %and3A_843 : vector<16xi32> -> vector<16xf32>
        %add3A_845 = arith.addf %scan3A_781, %bitcast_convert_type3A_840 : vector<16xf32>
        %add3A_846 = arith.addf %scan3A_782, %bitcast_convert_type3A_844 : vector<16xf32>
        %mul3A_847 = arith.constant 2 : i32
        %mul3A_848 = arith.muli %mul3A_847, %scan3A_776 : i32
        %add3A_849 = arith.constant 0 : i32
        %add3A_850 = arith.addi %mul3A_848, %add3A_849 : i32
        %get3A_851 = arith.constant 3 : i32
        %get3A_852 = arith.constant 0 : i32
        %get3A_853 = arith.index_cast %get3A_851 : i32 to index
        %get3A_854 = arith.index_cast %get3A_852 : i32 to index
        %get3A_855 = arith.index_cast %add3A_850 : i32 to index
        %get3A_856 = arith.constant 48 : index
        %get3A_857 = tpu.vector_load %arg6[%get3A_853, %get3A_854, %get3A_855, %get3A_856] {strides = array<i32>} : memref<4x2x100x64xi32, #tpu.memory_space<vmem>>, vector<1x1x1x16xi32>,
        %get3A_858 = vector.shape_cast %get3A_857 : vector<1x1x1x16xi32> to vector<16xi32>
        %shift_left3A_859 = arith.constant 16 : i32
        %shift_left3A_860 = vector.broadcast %shift_left3A_859 : i32 to vector<16xi32>
        %shift_left3A_861 = arith.shli %get3A_858, %shift_left3A_860 : vector<16xi32>
        %bitcast_convert_type3A_862 = tpu.bitcast %shift_left3A_861 : vector<16xi32> -> vector<16xf32>
        %and3A_863 = arith.constant -65536 : i32
        %and3A_864 = vector.broadcast %and3A_863 : i32 to vector<16xi32>
        %and3A_865 = arith.andi %get3A_858, %and3A_864 : vector<16xi32>
        %bitcast_convert_type3A_866 = tpu.bitcast %and3A_865 : vector<16xi32> -> vector<16xf32>
        %add3A_867 = arith.addf %scan3A_783, %bitcast_convert_type3A_862 : vector<16xf32>
        %add3A_868 = arith.addf %scan3A_784, %bitcast_convert_type3A_866 : vector<16xf32>
        %mul3A_869 = arith.constant 2 : i32
        %mul3A_870 = arith.muli %mul3A_869, %scan3A_776 : i32
        %add3A_871 = arith.constant 1 : i32
        %add3A_872 = arith.addi %mul3A_870, %add3A_871 : i32
        %get3A_873 = arith.constant 3 : i32
        %get3A_874 = arith.constant 0 : i32
        %get3A_875 = arith.index_cast %get3A_873 : i32 to index
        %get3A_876 = arith.index_cast %get3A_874 : i32 to index
        %get3A_877 = arith.index_cast %add3A_872 : i32 to index
        %get3A_878 = arith.constant 0 : index
        %get3A_879 = tpu.vector_load %arg6[%get3A_875, %get3A_876, %get3A_877, %get3A_878] {strides = array<i32>} : memref<4x2x100x64xi32, #tpu.memory_space<vmem>>, vector<1x1x1x16xi32>,
        %get3A_880 = vector.shape_cast %get3A_879 : vector<1x1x1x16xi32> to vector<16xi32>
        %shift_left3A_881 = arith.constant 16 : i32
        %shift_left3A_882 = vector.broadcast %shift_left3A_881 : i32 to vector<16xi32>
        %shift_left3A_883 = arith.shli %get3A_880, %shift_left3A_882 : vector<16xi32>
        %bitcast_convert_type3A_884 = tpu.bitcast %shift_left3A_883 : vector<16xi32> -> vector<16xf32>
        %and3A_885 = arith.constant -65536 : i32
        %and3A_886 = vector.broadcast %and3A_885 : i32 to vector<16xi32>
        %and3A_887 = arith.andi %get3A_880, %and3A_886 : vector<16xi32>
        %bitcast_convert_type3A_888 = tpu.bitcast %and3A_887 : vector<16xi32> -> vector<16xf32>
        %add3A_889 = arith.addf %add3A_801, %bitcast_convert_type3A_884 : vector<16xf32>
        %add3A_890 = arith.addf %add3A_802, %bitcast_convert_type3A_888 : vector<16xf32>
        %mul3A_891 = arith.constant 2 : i32
        %mul3A_892 = arith.muli %mul3A_891, %scan3A_776 : i32
        %add3A_893 = arith.constant 1 : i32
        %add3A_894 = arith.addi %mul3A_892, %add3A_893 : i32
        %get3A_895 = arith.constant 3 : i32
        %get3A_896 = arith.constant 0 : i32
        %get3A_897 = arith.index_cast %get3A_895 : i32 to index
        %get3A_898 = arith.index_cast %get3A_896 : i32 to index
        %get3A_899 = arith.index_cast %add3A_894 : i32 to index
        %get3A_900 = arith.constant 16 : index
        %get3A_901 = tpu.vector_load %arg6[%get3A_897, %get3A_898, %get3A_899, %get3A_900] {strides = array<i32>} : memref<4x2x100x64xi32, #tpu.memory_space<vmem>>, vector<1x1x1x16xi32>,
        %get3A_902 = vector.shape_cast %get3A_901 : vector<1x1x1x16xi32> to vector<16xi32>
        %shift_left3A_903 = arith.constant 16 : i32
        %shift_left3A_904 = vector.broadcast %shift_left3A_903 : i32 to vector<16xi32>
        %shift_left3A_905 = arith.shli %get3A_902, %shift_left3A_904 : vector<16xi32>
        %bitcast_convert_type3A_906 = tpu.bitcast %shift_left3A_905 : vector<16xi32> -> vector<16xf32>
        %and3A_907 = arith.constant -65536 : i32
        %and3A_908 = vector.broadcast %and3A_907 : i32 to vector<16xi32>
        %and3A_909 = arith.andi %get3A_902, %and3A_908 : vector<16xi32>
        %bitcast_convert_type3A_910 = tpu.bitcast %and3A_909 : vector<16xi32> -> vector<16xf32>
        %add3A_911 = arith.addf %add3A_823, %bitcast_convert_type3A_906 : vector<16xf32>
        %add3A_912 = arith.addf %add3A_824, %bitcast_convert_type3A_910 : vector<16xf32>
        %mul3A_913 = arith.constant 2 : i32
        %mul3A_914 = arith.muli %mul3A_913, %scan3A_776 : i32
        %add3A_915 = arith.constant 1 : i32
        %add3A_916 = arith.addi %mul3A_914, %add3A_915 : i32
        %get3A_917 = arith.constant 3 : i32
        %get3A_918 = arith.constant 0 : i32
        %get3A_919 = arith.index_cast %get3A_917 : i32 to index
        %get3A_920 = arith.index_cast %get3A_918 : i32 to index
        %get3A_921 = arith.index_cast %add3A_916 : i32 to index
        %get3A_922 = arith.constant 32 : index
        %get3A_923 = tpu.vector_load %arg6[%get3A_919, %get3A_920, %get3A_921, %get3A_922] {strides = array<i32>} : memref<4x2x100x64xi32, #tpu.memory_space<vmem>>, vector<1x1x1x16xi32>,
        %get3A_924 = vector.shape_cast %get3A_923 : vector<1x1x1x16xi32> to vector<16xi32>
        %shift_left3A_925 = arith.constant 16 : i32
        %shift_left3A_926 = vector.broadcast %shift_left3A_925 : i32 to vector<16xi32>
        %shift_left3A_927 = arith.shli %get3A_924, %shift_left3A_926 : vector<16xi32>
        %bitcast_convert_type3A_928 = tpu.bitcast %shift_left3A_927 : vector<16xi32> -> vector<16xf32>
        %and3A_929 = arith.constant -65536 : i32
        %and3A_930 = vector.broadcast %and3A_929 : i32 to vector<16xi32>
        %and3A_931 = arith.andi %get3A_924, %and3A_930 : vector<16xi32>
        %bitcast_convert_type3A_932 = tpu.bitcast %and3A_931 : vector<16xi32> -> vector<16xf32>
        %add3A_933 = arith.addf %add3A_845, %bitcast_convert_type3A_928 : vector<16xf32>
        %add3A_934 = arith.addf %add3A_846, %bitcast_convert_type3A_932 : vector<16xf32>
        %mul3A_935 = arith.constant 2 : i32
        %mul3A_936 = arith.muli %mul3A_935, %scan3A_776 : i32
        %add3A_937 = arith.constant 1 : i32
        %add3A_938 = arith.addi %mul3A_936, %add3A_937 : i32
        %get3A_939 = arith.constant 3 : i32
        %get3A_940 = arith.constant 0 : i32
        %get3A_941 = arith.index_cast %get3A_939 : i32 to index
        %get3A_942 = arith.index_cast %get3A_940 : i32 to index
        %get3A_943 = arith.index_cast %add3A_938 : i32 to index
        %get3A_944 = arith.constant 48 : index
        %get3A_945 = tpu.vector_load %arg6[%get3A_941, %get3A_942, %get3A_943, %get3A_944] {strides = array<i32>} : memref<4x2x100x64xi32, #tpu.memory_space<vmem>>, vector<1x1x1x16xi32>,
        %get3A_946 = vector.shape_cast %get3A_945 : vector<1x1x1x16xi32> to vector<16xi32>
        %shift_left3A_947 = arith.constant 16 : i32
        %shift_left3A_948 = vector.broadcast %shift_left3A_947 : i32 to vector<16xi32>
        %shift_left3A_949 = arith.shli %get3A_946, %shift_left3A_948 : vector<16xi32>
        %bitcast_convert_type3A_950 = tpu.bitcast %shift_left3A_949 : vector<16xi32> -> vector<16xf32>
        %and3A_951 = arith.constant -65536 : i32
        %and3A_952 = vector.broadcast %and3A_951 : i32 to vector<16xi32>
        %and3A_953 = arith.andi %get3A_946, %and3A_952 : vector<16xi32>
        %bitcast_convert_type3A_954 = tpu.bitcast %and3A_953 : vector<16xi32> -> vector<16xf32>
        %add3A_955 = arith.addf %add3A_867, %bitcast_convert_type3A_950 : vector<16xf32>
        %add3A_956 = arith.addf %add3A_868, %bitcast_convert_type3A_954 : vector<16xf32>
        scf.yield %add3A_889, %add3A_890, %add3A_911, %add3A_912, %add3A_933, %add3A_934, %add3A_955, %add3A_956 : vector<16xf32>, vector<16xf32>, vector<16xf32>, vector<16xf32>, vector<16xf32>, vector<16xf32>, vector<16xf32>, vector<16xf32>
      }
      %scan3A_665 = arith.constant 50 : i32
      %dma_wait3A_666 = arith.constant 1 : i32
      %dma_wait3A_667 = arith.constant 3 : i32
      %dma_wait3A_668 = arith.constant 1 : i32
      %dma_wait3A_669 = arith.constant 0 : i32
      %dma_wait3A_670 = arith.constant 0 : i32
      %dma_wait3A_671 = tpu.memref_slice %arg6[%dma_wait3A_667, %dma_wait3A_668, %dma_wait3A_669, %dma_wait3A_670] : memref<4x2x100x64xi32, #tpu.memory_space<vmem>> -> memref<1x1x100x64xi32, #tpu.memory_space<vmem>>
      %dma_wait3A_672 = tpu.memref_squeeze %dma_wait3A_671 : memref<1x1x100x64xi32, #tpu.memory_space<vmem>> -> memref<100x64xi32, #tpu.memory_space<vmem>>
      %dma_wait3A_673 = arith.constant 0 : i32
      %dma_wait3A_674 = tpu.memref_slice %arg5[%add3A_630, %dma_wait3A_666, %dma_wait3A_673] : memref<128x2x100xi32, #tpu.memory_space<vmem>> -> memref<1x1x100xi32, #tpu.memory_space<vmem>>
      %dma_wait3A_675 = tpu.memref_squeeze %dma_wait3A_674 : memref<1x1x100xi32, #tpu.memory_space<vmem>> -> memref<100xi32, #tpu.memory_space<vmem>>
      %dma_wait3A_676 = arith.constant 0 : i32
      %dma_wait3A_677 = arith.constant 0 : i32
      %dma_wait3A_678 = tpu.memref_slice %arg3[%dma_wait3A_676, %dma_wait3A_677] : memref<100000x64xi32, #tpu.memory_space<hbm>> -> memref<100000x64xi32, #tpu.memory_space<hbm>>
      tpu.wait_indirect_dma semaphore(%arg15 : memref<!tpu.dma_semaphore, #tpu.memory_space<semaphore_mem>>) src(%dma_wait3A_678 : memref<100000x64xi32, #tpu.memory_space<hbm>>) dst(%dma_wait3A_672 : memref<100x64xi32, #tpu.memory_space<vmem>>)
      %scan3A_679 = arith.constant 0 : i32
      %scan3A_680 = arith.constant 50 : i32
      %scan3A_681 = arith.addi %scan3A_679, %scan3A_680 : i32
      %scan3A_682 = arith.constant 1 : i32
      %scan3A_683:8 = scf.for %scan3A_776 = %scan3A_679 to %scan3A_681 step %scan3A_682 iter_args(%scan3A_777 = %scan3A_664#0, %scan3A_778 = %scan3A_664#1, %scan3A_779 = %scan3A_664#2, %scan3A_780 = %scan3A_664#3, %scan3A_781 = %scan3A_664#4, %scan3A_782 = %scan3A_664#5, %scan3A_783 = %scan3A_664#6, %scan3A_784 = %scan3A_664#7) -> (vector<16xf32>, vector<16xf32>, vector<16xf32>, vector<16xf32>, vector<16xf32>, vector<16xf32>, vector<16xf32>, vector<16xf32>)  : i32 {
        %mul3A_785 = arith.constant 2 : i32
        %mul3A_786 = arith.muli %mul3A_785, %scan3A_776 : i32
        %add3A_787 = arith.constant 0 : i32
        %add3A_788 = arith.addi %mul3A_786, %add3A_787 : i32
        %get3A = arith.constant 3 : i32
        %get3A_789 = arith.constant 1 : i32
        %get3A_790 = arith.index_cast %get3A : i32 to index
        %get3A_791 = arith.index_cast %get3A_789 : i32 to index
        %get3A_792 = arith.index_cast %add3A_788 : i32 to index
        %get3A_793 = arith.constant 0 : index
        %get3A_794 = tpu.vector_load %arg6[%get3A_790, %get3A_791, %get3A_792, %get3A_793] {strides = array<i32>} : memref<4x2x100x64xi32, #tpu.memory_space<vmem>>, vector<1x1x1x16xi32>,
        %get3A_795 = vector.shape_cast %get3A_794 : vector<1x1x1x16xi32> to vector<16xi32>
        %shift_left3A = arith.constant 16 : i32
        %shift_left3A_796 = vector.broadcast %shift_left3A : i32 to vector<16xi32>
        %shift_left3A_797 = arith.shli %get3A_795, %shift_left3A_796 : vector<16xi32>
        %bitcast_convert_type3A = tpu.bitcast %shift_left3A_797 : vector<16xi32> -> vector<16xf32>
        %and3A = arith.constant -65536 : i32
        %and3A_798 = vector.broadcast %and3A : i32 to vector<16xi32>
        %and3A_799 = arith.andi %get3A_795, %and3A_798 : vector<16xi32>
        %bitcast_convert_type3A_800 = tpu.bitcast %and3A_799 : vector<16xi32> -> vector<16xf32>
        %add3A_801 = arith.addf %scan3A_777, %bitcast_convert_type3A : vector<16xf32>
        %add3A_802 = arith.addf %scan3A_778, %bitcast_convert_type3A_800 : vector<16xf32>
        %mul3A_803 = arith.constant 2 : i32
        %mul3A_804 = arith.muli %mul3A_803, %scan3A_776 : i32
        %add3A_805 = arith.constant 0 : i32
        %add3A_806 = arith.addi %mul3A_804, %add3A_805 : i32
        %get3A_807 = arith.constant 3 : i32
        %get3A_808 = arith.constant 1 : i32
        %get3A_809 = arith.index_cast %get3A_807 : i32 to index
        %get3A_810 = arith.index_cast %get3A_808 : i32 to index
        %get3A_811 = arith.index_cast %add3A_806 : i32 to index
        %get3A_812 = arith.constant 16 : index
        %get3A_813 = tpu.vector_load %arg6[%get3A_809, %get3A_810, %get3A_811, %get3A_812] {strides = array<i32>} : memref<4x2x100x64xi32, #tpu.memory_space<vmem>>, vector<1x1x1x16xi32>,
        %get3A_814 = vector.shape_cast %get3A_813 : vector<1x1x1x16xi32> to vector<16xi32>
        %shift_left3A_815 = arith.constant 16 : i32
        %shift_left3A_816 = vector.broadcast %shift_left3A_815 : i32 to vector<16xi32>
        %shift_left3A_817 = arith.shli %get3A_814, %shift_left3A_816 : vector<16xi32>
        %bitcast_convert_type3A_818 = tpu.bitcast %shift_left3A_817 : vector<16xi32> -> vector<16xf32>
        %and3A_819 = arith.constant -65536 : i32
        %and3A_820 = vector.broadcast %and3A_819 : i32 to vector<16xi32>
        %and3A_821 = arith.andi %get3A_814, %and3A_820 : vector<16xi32>
        %bitcast_convert_type3A_822 = tpu.bitcast %and3A_821 : vector<16xi32> -> vector<16xf32>
        %add3A_823 = arith.addf %scan3A_779, %bitcast_convert_type3A_818 : vector<16xf32>
        %add3A_824 = arith.addf %scan3A_780, %bitcast_convert_type3A_822 : vector<16xf32>
        %mul3A_825 = arith.constant 2 : i32
        %mul3A_826 = arith.muli %mul3A_825, %scan3A_776 : i32
        %add3A_827 = arith.constant 0 : i32
        %add3A_828 = arith.addi %mul3A_826, %add3A_827 : i32
        %get3A_829 = arith.constant 3 : i32
        %get3A_830 = arith.constant 1 : i32
        %get3A_831 = arith.index_cast %get3A_829 : i32 to index
        %get3A_832 = arith.index_cast %get3A_830 : i32 to index
        %get3A_833 = arith.index_cast %add3A_828 : i32 to index
        %get3A_834 = arith.constant 32 : index
        %get3A_835 = tpu.vector_load %arg6[%get3A_831, %get3A_832, %get3A_833, %get3A_834] {strides = array<i32>} : memref<4x2x100x64xi32, #tpu.memory_space<vmem>>, vector<1x1x1x16xi32>,
        %get3A_836 = vector.shape_cast %get3A_835 : vector<1x1x1x16xi32> to vector<16xi32>
        %shift_left3A_837 = arith.constant 16 : i32
        %shift_left3A_838 = vector.broadcast %shift_left3A_837 : i32 to vector<16xi32>
        %shift_left3A_839 = arith.shli %get3A_836, %shift_left3A_838 : vector<16xi32>
        %bitcast_convert_type3A_840 = tpu.bitcast %shift_left3A_839 : vector<16xi32> -> vector<16xf32>
        %and3A_841 = arith.constant -65536 : i32
        %and3A_842 = vector.broadcast %and3A_841 : i32 to vector<16xi32>
        %and3A_843 = arith.andi %get3A_836, %and3A_842 : vector<16xi32>
        %bitcast_convert_type3A_844 = tpu.bitcast %and3A_843 : vector<16xi32> -> vector<16xf32>
        %add3A_845 = arith.addf %scan3A_781, %bitcast_convert_type3A_840 : vector<16xf32>
        %add3A_846 = arith.addf %scan3A_782, %bitcast_convert_type3A_844 : vector<16xf32>
        %mul3A_847 = arith.constant 2 : i32
        %mul3A_848 = arith.muli %mul3A_847, %scan3A_776 : i32
        %add3A_849 = arith.constant 0 : i32
        %add3A_850 = arith.addi %mul3A_848, %add3A_849 : i32
        %get3A_851 = arith.constant 3 : i32
        %get3A_852 = arith.constant 1 : i32
        %get3A_853 = arith.index_cast %get3A_851 : i32 to index
        %get3A_854 = arith.index_cast %get3A_852 : i32 to index
        %get3A_855 = arith.index_cast %add3A_850 : i32 to index
        %get3A_856 = arith.constant 48 : index
        %get3A_857 = tpu.vector_load %arg6[%get3A_853, %get3A_854, %get3A_855, %get3A_856] {strides = array<i32>} : memref<4x2x100x64xi32, #tpu.memory_space<vmem>>, vector<1x1x1x16xi32>,
        %get3A_858 = vector.shape_cast %get3A_857 : vector<1x1x1x16xi32> to vector<16xi32>
        %shift_left3A_859 = arith.constant 16 : i32
        %shift_left3A_860 = vector.broadcast %shift_left3A_859 : i32 to vector<16xi32>
        %shift_left3A_861 = arith.shli %get3A_858, %shift_left3A_860 : vector<16xi32>
        %bitcast_convert_type3A_862 = tpu.bitcast %shift_left3A_861 : vector<16xi32> -> vector<16xf32>
        %and3A_863 = arith.constant -65536 : i32
        %and3A_864 = vector.broadcast %and3A_863 : i32 to vector<16xi32>
        %and3A_865 = arith.andi %get3A_858, %and3A_864 : vector<16xi32>
        %bitcast_convert_type3A_866 = tpu.bitcast %and3A_865 : vector<16xi32> -> vector<16xf32>
        %add3A_867 = arith.addf %scan3A_783, %bitcast_convert_type3A_862 : vector<16xf32>
        %add3A_868 = arith.addf %scan3A_784, %bitcast_convert_type3A_866 : vector<16xf32>
        %mul3A_869 = arith.constant 2 : i32
        %mul3A_870 = arith.muli %mul3A_869, %scan3A_776 : i32
        %add3A_871 = arith.constant 1 : i32
        %add3A_872 = arith.addi %mul3A_870, %add3A_871 : i32
        %get3A_873 = arith.constant 3 : i32
        %get3A_874 = arith.constant 1 : i32
        %get3A_875 = arith.index_cast %get3A_873 : i32 to index
        %get3A_876 = arith.index_cast %get3A_874 : i32 to index
        %get3A_877 = arith.index_cast %add3A_872 : i32 to index
        %get3A_878 = arith.constant 0 : index
        %get3A_879 = tpu.vector_load %arg6[%get3A_875, %get3A_876, %get3A_877, %get3A_878] {strides = array<i32>} : memref<4x2x100x64xi32, #tpu.memory_space<vmem>>, vector<1x1x1x16xi32>,
        %get3A_880 = vector.shape_cast %get3A_879 : vector<1x1x1x16xi32> to vector<16xi32>
        %shift_left3A_881 = arith.constant 16 : i32
        %shift_left3A_882 = vector.broadcast %shift_left3A_881 : i32 to vector<16xi32>
        %shift_left3A_883 = arith.shli %get3A_880, %shift_left3A_882 : vector<16xi32>
        %bitcast_convert_type3A_884 = tpu.bitcast %shift_left3A_883 : vector<16xi32> -> vector<16xf32>
        %and3A_885 = arith.constant -65536 : i32
        %and3A_886 = vector.broadcast %and3A_885 : i32 to vector<16xi32>
        %and3A_887 = arith.andi %get3A_880, %and3A_886 : vector<16xi32>
        %bitcast_convert_type3A_888 = tpu.bitcast %and3A_887 : vector<16xi32> -> vector<16xf32>
        %add3A_889 = arith.addf %add3A_801, %bitcast_convert_type3A_884 : vector<16xf32>
        %add3A_890 = arith.addf %add3A_802, %bitcast_convert_type3A_888 : vector<16xf32>
        %mul3A_891 = arith.constant 2 : i32
        %mul3A_892 = arith.muli %mul3A_891, %scan3A_776 : i32
        %add3A_893 = arith.constant 1 : i32
        %add3A_894 = arith.addi %mul3A_892, %add3A_893 : i32
        %get3A_895 = arith.constant 3 : i32
        %get3A_896 = arith.constant 1 : i32
        %get3A_897 = arith.index_cast %get3A_895 : i32 to index
        %get3A_898 = arith.index_cast %get3A_896 : i32 to index
        %get3A_899 = arith.index_cast %add3A_894 : i32 to index
        %get3A_900 = arith.constant 16 : index
        %get3A_901 = tpu.vector_load %arg6[%get3A_897, %get3A_898, %get3A_899, %get3A_900] {strides = array<i32>} : memref<4x2x100x64xi32, #tpu.memory_space<vmem>>, vector<1x1x1x16xi32>,
        %get3A_902 = vector.shape_cast %get3A_901 : vector<1x1x1x16xi32> to vector<16xi32>
        %shift_left3A_903 = arith.constant 16 : i32
        %shift_left3A_904 = vector.broadcast %shift_left3A_903 : i32 to vector<16xi32>
        %shift_left3A_905 = arith.shli %get3A_902, %shift_left3A_904 : vector<16xi32>
        %bitcast_convert_type3A_906 = tpu.bitcast %shift_left3A_905 : vector<16xi32> -> vector<16xf32>
        %and3A_907 = arith.constant -65536 : i32
        %and3A_908 = vector.broadcast %and3A_907 : i32 to vector<16xi32>
        %and3A_909 = arith.andi %get3A_902, %and3A_908 : vector<16xi32>
        %bitcast_convert_type3A_910 = tpu.bitcast %and3A_909 : vector<16xi32> -> vector<16xf32>
        %add3A_911 = arith.addf %add3A_823, %bitcast_convert_type3A_906 : vector<16xf32>
        %add3A_912 = arith.addf %add3A_824, %bitcast_convert_type3A_910 : vector<16xf32>
        %mul3A_913 = arith.constant 2 : i32
        %mul3A_914 = arith.muli %mul3A_913, %scan3A_776 : i32
        %add3A_915 = arith.constant 1 : i32
        %add3A_916 = arith.addi %mul3A_914, %add3A_915 : i32
        %get3A_917 = arith.constant 3 : i32
        %get3A_918 = arith.constant 1 : i32
        %get3A_919 = arith.index_cast %get3A_917 : i32 to index
        %get3A_920 = arith.index_cast %get3A_918 : i32 to index
        %get3A_921 = arith.index_cast %add3A_916 : i32 to index
        %get3A_922 = arith.constant 32 : index
        %get3A_923 = tpu.vector_load %arg6[%get3A_919, %get3A_920, %get3A_921, %get3A_922] {strides = array<i32>} : memref<4x2x100x64xi32, #tpu.memory_space<vmem>>, vector<1x1x1x16xi32>,
        %get3A_924 = vector.shape_cast %get3A_923 : vector<1x1x1x16xi32> to vector<16xi32>
        %shift_left3A_925 = arith.constant 16 : i32
        %shift_left3A_926 = vector.broadcast %shift_left3A_925 : i32 to vector<16xi32>
        %shift_left3A_927 = arith.shli %get3A_924, %shift_left3A_926 : vector<16xi32>
        %bitcast_convert_type3A_928 = tpu.bitcast %shift_left3A_927 : vector<16xi32> -> vector<16xf32>
        %and3A_929 = arith.constant -65536 : i32
        %and3A_930 = vector.broadcast %and3A_929 : i32 to vector<16xi32>
        %and3A_931 = arith.andi %get3A_924, %and3A_930 : vector<16xi32>
        %bitcast_convert_type3A_932 = tpu.bitcast %and3A_931 : vector<16xi32> -> vector<16xf32>
        %add3A_933 = arith.addf %add3A_845, %bitcast_convert_type3A_928 : vector<16xf32>
        %add3A_934 = arith.addf %add3A_846, %bitcast_convert_type3A_932 : vector<16xf32>
        %mul3A_935 = arith.constant 2 : i32
        %mul3A_936 = arith.muli %mul3A_935, %scan3A_776 : i32
        %add3A_937 = arith.constant 1 : i32
        %add3A_938 = arith.addi %mul3A_936, %add3A_937 : i32
        %get3A_939 = arith.constant 3 : i32
        %get3A_940 = arith.constant 1 : i32
        %get3A_941 = arith.index_cast %get3A_939 : i32 to index
        %get3A_942 = arith.index_cast %get3A_940 : i32 to index
        %get3A_943 = arith.index_cast %add3A_938 : i32 to index
        %get3A_944 = arith.constant 48 : index
        %get3A_945 = tpu.vector_load %arg6[%get3A_941, %get3A_942, %get3A_943, %get3A_944] {strides = array<i32>} : memref<4x2x100x64xi32, #tpu.memory_space<vmem>>, vector<1x1x1x16xi32>,
        %get3A_946 = vector.shape_cast %get3A_945 : vector<1x1x1x16xi32> to vector<16xi32>
        %shift_left3A_947 = arith.constant 16 : i32
        %shift_left3A_948 = vector.broadcast %shift_left3A_947 : i32 to vector<16xi32>
        %shift_left3A_949 = arith.shli %get3A_946, %shift_left3A_948 : vector<16xi32>
        %bitcast_convert_type3A_950 = tpu.bitcast %shift_left3A_949 : vector<16xi32> -> vector<16xf32>
        %and3A_951 = arith.constant -65536 : i32
        %and3A_952 = vector.broadcast %and3A_951 : i32 to vector<16xi32>
        %and3A_953 = arith.andi %get3A_946, %and3A_952 : vector<16xi32>
        %bitcast_convert_type3A_954 = tpu.bitcast %and3A_953 : vector<16xi32> -> vector<16xf32>
        %add3A_955 = arith.addf %add3A_867, %bitcast_convert_type3A_950 : vector<16xf32>
        %add3A_956 = arith.addf %add3A_868, %bitcast_convert_type3A_954 : vector<16xf32>
        scf.yield %add3A_889, %add3A_890, %add3A_911, %add3A_912, %add3A_933, %add3A_934, %add3A_955, %add3A_956 : vector<16xf32>, vector<16xf32>, vector<16xf32>, vector<16xf32>, vector<16xf32>, vector<16xf32>, vector<16xf32>, vector<16xf32>
      }
      %scan3A_684 = arith.constant 50 : i32
      %gt3A_685 = arith.constant 0 : i32
      %gt3A_686 = arith.cmpi sgt, %scan3A_130, %gt3A_685 : i32
      %convert_element_type3A_687 = arith.extui %gt3A_686 : i1 to i32
      %cond3A_688 = arith.constant 0 : i32
      %cond3A_689 = arith.cmpi ne, %convert_element_type3A_687, %cond3A_688 : i32
      scf.if %cond3A_689 {
        %add3A_776 = arith.addi %mul3A_2, %add3A_630 : i32
        %dma_wait3A_777 = arith.constant 3 : i32
        %dma_wait3A_778 = arith.constant 0 : i32
        %dma_wait3A_779 = tpu.memref_slice %arg7[%dma_wait3A_777, %dma_wait3A_778] : memref<4x128xf32, #tpu.memory_space<vmem>> -> memref<1x128xf32, #tpu.memory_space<vmem>>
        %dma_wait3A_780 = tpu.memref_squeeze %dma_wait3A_779 : memref<1x128xf32, #tpu.memory_space<vmem>> -> memref<128xf32, #tpu.memory_space<vmem>>
        %dma_wait3A_781 = arith.constant 0 : i32
        %dma_wait3A_782 = tpu.memref_slice %arg4[%add3A_776, %dma_wait3A_781] : memref<4096x128xf32, #tpu.memory_space<hbm>> -> memref<1x128xf32, #tpu.memory_space<hbm>>
        %dma_wait3A_783 = tpu.memref_squeeze %dma_wait3A_782 : memref<1x128xf32, #tpu.memory_space<hbm>> -> memref<128xf32, #tpu.memory_space<hbm>>
        %dma_wait3A_784 = arith.constant 0 : i32
        %dma_wait3A_785 = tpu.memref_slice %arg4[%add3A_776, %dma_wait3A_784] : memref<4096x128xf32, #tpu.memory_space<hbm>> -> memref<1x128xf32, #tpu.memory_space<hbm>>
        %dma_wait3A_786 = tpu.memref_squeeze %dma_wait3A_785 : memref<1x128xf32, #tpu.memory_space<hbm>> -> memref<128xf32, #tpu.memory_space<hbm>>
        %dma_wait3A_787 = arith.constant 0 : i32
        %dma_wait3A_788 = tpu.memref_slice %arg7[%dma_wait3A_777, %dma_wait3A_787] : memref<4x128xf32, #tpu.memory_space<vmem>> -> memref<1x128xf32, #tpu.memory_space<vmem>>
        %dma_wait3A_789 = tpu.memref_squeeze %dma_wait3A_788 : memref<1x128xf32, #tpu.memory_space<vmem>> -> memref<128xf32, #tpu.memory_space<vmem>>
        tpu.wait_dma2 semaphore(%arg19 : memref<!tpu.dma_semaphore, #tpu.memory_space<semaphore_mem>>) src(%dma_wait3A_789 : memref<128xf32, #tpu.memory_space<vmem>>) dst(%dma_wait3A_786 : memref<128xf32, #tpu.memory_space<hbm>>)
      } else {
      }
      %mul3A_690 = arith.constant 5.000000e-03 : f32
      %mul3A_691 = vector.broadcast %mul3A_690 : f32 to vector<16xf32>
      %mul3A_692 = arith.mulf %scan3A_683#0, %mul3A_691 : vector<16xf32>
      %swap3A_693 = arith.constant 3 : i32
      %swap3A_694 = arith.index_cast %swap3A_693 : i32 to index
      %swap3A_695 = arith.constant 0 : index
      %swap3A_696 = tpu.vector_load %arg7[%swap3A_694, %swap3A_695] {strides = array<i32>} : memref<4x128xf32, #tpu.memory_space<vmem>>, vector<1x16xf32>,
      %swap3A_697 = vector.shape_cast %swap3A_696 : vector<1x16xf32> to vector<16xf32>
      %swap3A_698 = vector.shape_cast %mul3A_692 : vector<16xf32> to vector<1x16xf32>
      tpu.vector_store %arg7[%swap3A_694, %swap3A_695], %swap3A_698 {strides = array<i32>} : memref<4x128xf32, #tpu.memory_space<vmem>>, vector<1x16xf32>,
      %mul3A_699 = arith.constant 5.000000e-03 : f32
      %mul3A_700 = vector.broadcast %mul3A_699 : f32 to vector<16xf32>
      %mul3A_701 = arith.mulf %scan3A_683#1, %mul3A_700 : vector<16xf32>
      %swap3A_702 = arith.constant 3 : i32
      %swap3A_703 = arith.index_cast %swap3A_702 : i32 to index
      %swap3A_704 = arith.constant 16 : index
      %swap3A_705 = tpu.vector_load %arg7[%swap3A_703, %swap3A_704] {strides = array<i32>} : memref<4x128xf32, #tpu.memory_space<vmem>>, vector<1x16xf32>,
      %swap3A_706 = vector.shape_cast %swap3A_705 : vector<1x16xf32> to vector<16xf32>
      %swap3A_707 = vector.shape_cast %mul3A_701 : vector<16xf32> to vector<1x16xf32>
      tpu.vector_store %arg7[%swap3A_703, %swap3A_704], %swap3A_707 {strides = array<i32>} : memref<4x128xf32, #tpu.memory_space<vmem>>, vector<1x16xf32>,
      %mul3A_708 = arith.constant 5.000000e-03 : f32
      %mul3A_709 = vector.broadcast %mul3A_708 : f32 to vector<16xf32>
      %mul3A_710 = arith.mulf %scan3A_683#2, %mul3A_709 : vector<16xf32>
      %swap3A_711 = arith.constant 3 : i32
      %swap3A_712 = arith.index_cast %swap3A_711 : i32 to index
      %swap3A_713 = arith.constant 32 : index
      %swap3A_714 = tpu.vector_load %arg7[%swap3A_712, %swap3A_713] {strides = array<i32>} : memref<4x128xf32, #tpu.memory_space<vmem>>, vector<1x16xf32>,
      %swap3A_715 = vector.shape_cast %swap3A_714 : vector<1x16xf32> to vector<16xf32>
      %swap3A_716 = vector.shape_cast %mul3A_710 : vector<16xf32> to vector<1x16xf32>
      tpu.vector_store %arg7[%swap3A_712, %swap3A_713], %swap3A_716 {strides = array<i32>} : memref<4x128xf32, #tpu.memory_space<vmem>>, vector<1x16xf32>,
      %mul3A_717 = arith.constant 5.000000e-03 : f32
      %mul3A_718 = vector.broadcast %mul3A_717 : f32 to vector<16xf32>
      %mul3A_719 = arith.mulf %scan3A_683#3, %mul3A_718 : vector<16xf32>
      %swap3A_720 = arith.constant 3 : i32
      %swap3A_721 = arith.index_cast %swap3A_720 : i32 to index
      %swap3A_722 = arith.constant 48 : index
      %swap3A_723 = tpu.vector_load %arg7[%swap3A_721, %swap3A_722] {strides = array<i32>} : memref<4x128xf32, #tpu.memory_space<vmem>>, vector<1x16xf32>,
      %swap3A_724 = vector.shape_cast %swap3A_723 : vector<1x16xf32> to vector<16xf32>
      %swap3A_725 = vector.shape_cast %mul3A_719 : vector<16xf32> to vector<1x16xf32>
      tpu.vector_store %arg7[%swap3A_721, %swap3A_722], %swap3A_725 {strides = array<i32>} : memref<4x128xf32, #tpu.memory_space<vmem>>, vector<1x16xf32>,
      %mul3A_726 = arith.constant 5.000000e-03 : f32
      %mul3A_727 = vector.broadcast %mul3A_726 : f32 to vector<16xf32>
      %mul3A_728 = arith.mulf %scan3A_683#4, %mul3A_727 : vector<16xf32>
      %swap3A_729 = arith.constant 3 : i32
      %swap3A_730 = arith.index_cast %swap3A_729 : i32 to index
      %swap3A_731 = arith.constant 64 : index
      %swap3A_732 = tpu.vector_load %arg7[%swap3A_730, %swap3A_731] {strides = array<i32>} : memref<4x128xf32, #tpu.memory_space<vmem>>, vector<1x16xf32>,
      %swap3A_733 = vector.shape_cast %swap3A_732 : vector<1x16xf32> to vector<16xf32>
      %swap3A_734 = vector.shape_cast %mul3A_728 : vector<16xf32> to vector<1x16xf32>
      tpu.vector_store %arg7[%swap3A_730, %swap3A_731], %swap3A_734 {strides = array<i32>} : memref<4x128xf32, #tpu.memory_space<vmem>>, vector<1x16xf32>,
      %mul3A_735 = arith.constant 5.000000e-03 : f32
      %mul3A_736 = vector.broadcast %mul3A_735 : f32 to vector<16xf32>
      %mul3A_737 = arith.mulf %scan3A_683#5, %mul3A_736 : vector<16xf32>
      %swap3A_738 = arith.constant 3 : i32
      %swap3A_739 = arith.index_cast %swap3A_738 : i32 to index
      %swap3A_740 = arith.constant 80 : index
      %swap3A_741 = tpu.vector_load %arg7[%swap3A_739, %swap3A_740] {strides = array<i32>} : memref<4x128xf32, #tpu.memory_space<vmem>>, vector<1x16xf32>,
      %swap3A_742 = vector.shape_cast %swap3A_741 : vector<1x16xf32> to vector<16xf32>
      %swap3A_743 = vector.shape_cast %mul3A_737 : vector<16xf32> to vector<1x16xf32>
      tpu.vector_store %arg7[%swap3A_739, %swap3A_740], %swap3A_743 {strides = array<i32>} : memref<4x128xf32, #tpu.memory_space<vmem>>, vector<1x16xf32>,
      %mul3A_744 = arith.constant 5.000000e-03 : f32
      %mul3A_745 = vector.broadcast %mul3A_744 : f32 to vector<16xf32>
      %mul3A_746 = arith.mulf %scan3A_683#6, %mul3A_745 : vector<16xf32>
      %swap3A_747 = arith.constant 3 : i32
      %swap3A_748 = arith.index_cast %swap3A_747 : i32 to index
      %swap3A_749 = arith.constant 96 : index
      %swap3A_750 = tpu.vector_load %arg7[%swap3A_748, %swap3A_749] {strides = array<i32>} : memref<4x128xf32, #tpu.memory_space<vmem>>, vector<1x16xf32>,
      %swap3A_751 = vector.shape_cast %swap3A_750 : vector<1x16xf32> to vector<16xf32>
      %swap3A_752 = vector.shape_cast %mul3A_746 : vector<16xf32> to vector<1x16xf32>
      tpu.vector_store %arg7[%swap3A_748, %swap3A_749], %swap3A_752 {strides = array<i32>} : memref<4x128xf32, #tpu.memory_space<vmem>>, vector<1x16xf32>,
      %mul3A_753 = arith.constant 5.000000e-03 : f32
      %mul3A_754 = vector.broadcast %mul3A_753 : f32 to vector<16xf32>
      %mul3A_755 = arith.mulf %scan3A_683#7, %mul3A_754 : vector<16xf32>
      %swap3A_756 = arith.constant 3 : i32
      %swap3A_757 = arith.index_cast %swap3A_756 : i32 to index
      %swap3A_758 = arith.constant 112 : index
      %swap3A_759 = tpu.vector_load %arg7[%swap3A_757, %swap3A_758] {strides = array<i32>} : memref<4x128xf32, #tpu.memory_space<vmem>>, vector<1x16xf32>,
      %swap3A_760 = vector.shape_cast %swap3A_759 : vector<1x16xf32> to vector<16xf32>
      %swap3A_761 = vector.shape_cast %mul3A_755 : vector<16xf32> to vector<1x16xf32>
      tpu.vector_store %arg7[%swap3A_757, %swap3A_758], %swap3A_761 {strides = array<i32>} : memref<4x128xf32, #tpu.memory_space<vmem>>, vector<1x16xf32>,
      %add3A_762 = arith.addi %mul3A_2, %add3A_630 : i32
      %dma_start3A_763 = arith.constant 3 : i32
      %dma_start3A_764 = arith.constant 0 : i32
      %dma_start3A_765 = tpu.memref_slice %arg7[%dma_start3A_763, %dma_start3A_764] : memref<4x128xf32, #tpu.memory_space<vmem>> -> memref<1x128xf32, #tpu.memory_space<vmem>>
      %dma_start3A_766 = tpu.memref_squeeze %dma_start3A_765 : memref<1x128xf32, #tpu.memory_space<vmem>> -> memref<128xf32, #tpu.memory_space<vmem>>
      %dma_start3A_767 = arith.constant 0 : i32
      %dma_start3A_768 = tpu.memref_slice %arg4[%add3A_762, %dma_start3A_767] : memref<4096x128xf32, #tpu.memory_space<hbm>> -> memref<1x128xf32, #tpu.memory_space<hbm>>
      %dma_start3A_769 = tpu.memref_squeeze %dma_start3A_768 : memref<1x128xf32, #tpu.memory_space<hbm>> -> memref<128xf32, #tpu.memory_space<hbm>>
      %dma_start3A_770 = arith.constant 0 : i32
      %dma_start3A_771 = tpu.memref_slice %arg4[%add3A_762, %dma_start3A_770] : memref<4096x128xf32, #tpu.memory_space<hbm>> -> memref<1x128xf32, #tpu.memory_space<hbm>>
      %dma_start3A_772 = tpu.memref_squeeze %dma_start3A_771 : memref<1x128xf32, #tpu.memory_space<hbm>> -> memref<128xf32, #tpu.memory_space<hbm>>
      %dma_start3A_773 = arith.constant 0 : i32
      %dma_start3A_774 = tpu.memref_slice %arg7[%dma_start3A_763, %dma_start3A_773] : memref<4x128xf32, #tpu.memory_space<vmem>> -> memref<1x128xf32, #tpu.memory_space<vmem>>
      %dma_start3A_775 = tpu.memref_squeeze %dma_start3A_774 : memref<1x128xf32, #tpu.memory_space<vmem>> -> memref<128xf32, #tpu.memory_space<vmem>>
      tpu.enqueue_dma source(%dma_start3A_775 : memref<128xf32, #tpu.memory_space<vmem>>) target(%dma_start3A_772 : memref<128xf32, #tpu.memory_space<hbm>>) target_semaphore(%arg19 : memref<!tpu.dma_semaphore, #tpu.memory_space<semaphore_mem>>)
    }
    %scan3A_62 = arith.constant 32 : i32
    %add3A_63 = arith.constant 124 : i32
    %add3A_64 = arith.addi %mul3A_2, %add3A_63 : i32
    %add3A_65 = arith.constant 0 : i32
    %add3A_66 = arith.addi %add3A_64, %add3A_65 : i32
    %dma_wait3A = arith.constant 0 : i32
    %dma_wait3A_67 = arith.constant 0 : i32
    %dma_wait3A_68 = tpu.memref_slice %arg7[%dma_wait3A, %dma_wait3A_67] : memref<4x128xf32, #tpu.memory_space<vmem>> -> memref<1x128xf32, #tpu.memory_space<vmem>>
    %dma_wait3A_69 = tpu.memref_squeeze %dma_wait3A_68 : memref<1x128xf32, #tpu.memory_space<vmem>> -> memref<128xf32, #tpu.memory_space<vmem>>
    %dma_wait3A_70 = arith.constant 0 : i32
    %dma_wait3A_71 = tpu.memref_slice %arg4[%add3A_66, %dma_wait3A_70] : memref<4096x128xf32, #tpu.memory_space<hbm>> -> memref<1x128xf32, #tpu.memory_space<hbm>>
    %dma_wait3A_72 = tpu.memref_squeeze %dma_wait3A_71 : memref<1x128xf32, #tpu.memory_space<hbm>> -> memref<128xf32, #tpu.memory_space<hbm>>
    %dma_wait3A_73 = arith.constant 0 : i32
    %dma_wait3A_74 = tpu.memref_slice %arg4[%add3A_66, %dma_wait3A_73] : memref<4096x128xf32, #tpu.memory_space<hbm>> -> memref<1x128xf32, #tpu.memory_space<hbm>>
    %dma_wait3A_75 = tpu.memref_squeeze %dma_wait3A_74 : memref<1x128xf32, #tpu.memory_space<hbm>> -> memref<128xf32, #tpu.memory_space<hbm>>
    %dma_wait3A_76 = arith.constant 0 : i32
    %dma_wait3A_77 = tpu.memref_slice %arg7[%dma_wait3A, %dma_wait3A_76] : memref<4x128xf32, #tpu.memory_space<vmem>> -> memref<1x128xf32, #tpu.memory_space<vmem>>
    %dma_wait3A_78 = tpu.memref_squeeze %dma_wait3A_77 : memref<1x128xf32, #tpu.memory_space<vmem>> -> memref<128xf32, #tpu.memory_space<vmem>>
    tpu.wait_dma2 semaphore(%arg16 : memref<!tpu.dma_semaphore, #tpu.memory_space<semaphore_mem>>) src(%dma_wait3A_78 : memref<128xf32, #tpu.memory_space<vmem>>) dst(%dma_wait3A_75 : memref<128xf32, #tpu.memory_space<hbm>>)
    %add3A_79 = arith.constant 124 : i32
    %add3A_80 = arith.addi %mul3A_2, %add3A_79 : i32
    %add3A_81 = arith.constant 1 : i32
    %add3A_82 = arith.addi %add3A_80, %add3A_81 : i32
    %dma_wait3A_83 = arith.constant 1 : i32
    %dma_wait3A_84 = arith.constant 0 : i32
    %dma_wait3A_85 = tpu.memref_slice %arg7[%dma_wait3A_83, %dma_wait3A_84] : memref<4x128xf32, #tpu.memory_space<vmem>> -> memref<1x128xf32, #tpu.memory_space<vmem>>
    %dma_wait3A_86 = tpu.memref_squeeze %dma_wait3A_85 : memref<1x128xf32, #tpu.memory_space<vmem>> -> memref<128xf32, #tpu.memory_space<vmem>>
    %dma_wait3A_87 = arith.constant 0 : i32
    %dma_wait3A_88 = tpu.memref_slice %arg4[%add3A_82, %dma_wait3A_87] : memref<4096x128xf32, #tpu.memory_space<hbm>> -> memref<1x128xf32, #tpu.memory_space<hbm>>
    %dma_wait3A_89 = tpu.memref_squeeze %dma_wait3A_88 : memref<1x128xf32, #tpu.memory_space<hbm>> -> memref<128xf32, #tpu.memory_space<hbm>>
    %dma_wait3A_90 = arith.constant 0 : i32
    %dma_wait3A_91 = tpu.memref_slice %arg4[%add3A_82, %dma_wait3A_90] : memref<4096x128xf32, #tpu.memory_space<hbm>> -> memref<1x128xf32, #tpu.memory_space<hbm>>
    %dma_wait3A_92 = tpu.memref_squeeze %dma_wait3A_91 : memref<1x128xf32, #tpu.memory_space<hbm>> -> memref<128xf32, #tpu.memory_space<hbm>>
    %dma_wait3A_93 = arith.constant 0 : i32
    %dma_wait3A_94 = tpu.memref_slice %arg7[%dma_wait3A_83, %dma_wait3A_93] : memref<4x128xf32, #tpu.memory_space<vmem>> -> memref<1x128xf32, #tpu.memory_space<vmem>>
    %dma_wait3A_95 = tpu.memref_squeeze %dma_wait3A_94 : memref<1x128xf32, #tpu.memory_space<vmem>> -> memref<128xf32, #tpu.memory_space<vmem>>
    tpu.wait_dma2 semaphore(%arg17 : memref<!tpu.dma_semaphore, #tpu.memory_space<semaphore_mem>>) src(%dma_wait3A_95 : memref<128xf32, #tpu.memory_space<vmem>>) dst(%dma_wait3A_92 : memref<128xf32, #tpu.memory_space<hbm>>)
    %add3A_96 = arith.constant 124 : i32
    %add3A_97 = arith.addi %mul3A_2, %add3A_96 : i32
    %add3A_98 = arith.constant 2 : i32
    %add3A_99 = arith.addi %add3A_97, %add3A_98 : i32
    %dma_wait3A_100 = arith.constant 2 : i32
    %dma_wait3A_101 = arith.constant 0 : i32
    %dma_wait3A_102 = tpu.memref_slice %arg7[%dma_wait3A_100, %dma_wait3A_101] : memref<4x128xf32, #tpu.memory_space<vmem>> -> memref<1x128xf32, #tpu.memory_space<vmem>>
    %dma_wait3A_103 = tpu.memref_squeeze %dma_wait3A_102 : memref<1x128xf32, #tpu.memory_space<vmem>> -> memref<128xf32, #tpu.memory_space<vmem>>
    %dma_wait3A_104 = arith.constant 0 : i32
    %dma_wait3A_105 = tpu.memref_slice %arg4[%add3A_99, %dma_wait3A_104] : memref<4096x128xf32, #tpu.memory_space<hbm>> -> memref<1x128xf32, #tpu.memory_space<hbm>>
    %dma_wait3A_106 = tpu.memref_squeeze %dma_wait3A_105 : memref<1x128xf32, #tpu.memory_space<hbm>> -> memref<128xf32, #tpu.memory_space<hbm>>
    %dma_wait3A_107 = arith.constant 0 : i32
    %dma_wait3A_108 = tpu.memref_slice %arg4[%add3A_99, %dma_wait3A_107] : memref<4096x128xf32, #tpu.memory_space<hbm>> -> memref<1x128xf32, #tpu.memory_space<hbm>>
    %dma_wait3A_109 = tpu.memref_squeeze %dma_wait3A_108 : memref<1x128xf32, #tpu.memory_space<hbm>> -> memref<128xf32, #tpu.memory_space<hbm>>
    %dma_wait3A_110 = arith.constant 0 : i32
    %dma_wait3A_111 = tpu.memref_slice %arg7[%dma_wait3A_100, %dma_wait3A_110] : memref<4x128xf32, #tpu.memory_space<vmem>> -> memref<1x128xf32, #tpu.memory_space<vmem>>
    %dma_wait3A_112 = tpu.memref_squeeze %dma_wait3A_111 : memref<1x128xf32, #tpu.memory_space<vmem>> -> memref<128xf32, #tpu.memory_space<vmem>>
    tpu.wait_dma2 semaphore(%arg18 : memref<!tpu.dma_semaphore, #tpu.memory_space<semaphore_mem>>) src(%dma_wait3A_112 : memref<128xf32, #tpu.memory_space<vmem>>) dst(%dma_wait3A_109 : memref<128xf32, #tpu.memory_space<hbm>>)
    %add3A_113 = arith.constant 124 : i32
    %add3A_114 = arith.addi %mul3A_2, %add3A_113 : i32
    %add3A_115 = arith.constant 3 : i32
    %add3A_116 = arith.addi %add3A_114, %add3A_115 : i32
    %dma_wait3A_117 = arith.constant 3 : i32
    %dma_wait3A_118 = arith.constant 0 : i32
    %dma_wait3A_119 = tpu.memref_slice %arg7[%dma_wait3A_117, %dma_wait3A_118] : memref<4x128xf32, #tpu.memory_space<vmem>> -> memref<1x128xf32, #tpu.memory_space<vmem>>
    %dma_wait3A_120 = tpu.memref_squeeze %dma_wait3A_119 : memref<1x128xf32, #tpu.memory_space<vmem>> -> memref<128xf32, #tpu.memory_space<vmem>>
    %dma_wait3A_121 = arith.constant 0 : i32
    %dma_wait3A_122 = tpu.memref_slice %arg4[%add3A_116, %dma_wait3A_121] : memref<4096x128xf32, #tpu.memory_space<hbm>> -> memref<1x128xf32, #tpu.memory_space<hbm>>
    %dma_wait3A_123 = tpu.memref_squeeze %dma_wait3A_122 : memref<1x128xf32, #tpu.memory_space<hbm>> -> memref<128xf32, #tpu.memory_space<hbm>>
    %dma_wait3A_124 = arith.constant 0 : i32
    %dma_wait3A_125 = tpu.memref_slice %arg4[%add3A_116, %dma_wait3A_124] : memref<4096x128xf32, #tpu.memory_space<hbm>> -> memref<1x128xf32, #tpu.memory_space<hbm>>
    %dma_wait3A_126 = tpu.memref_squeeze %dma_wait3A_125 : memref<1x128xf32, #tpu.memory_space<hbm>> -> memref<128xf32, #tpu.memory_space<hbm>>
    %dma_wait3A_127 = arith.constant 0 : i32
    %dma_wait3A_128 = tpu.memref_slice %arg7[%dma_wait3A_117, %dma_wait3A_127] : memref<4x128xf32, #tpu.memory_space<vmem>> -> memref<1x128xf32, #tpu.memory_space<vmem>>
    %dma_wait3A_129 = tpu.memref_squeeze %dma_wait3A_128 : memref<1x128xf32, #tpu.memory_space<vmem>> -> memref<128xf32, #tpu.memory_space<vmem>>
    tpu.wait_dma2 semaphore(%arg19 : memref<!tpu.dma_semaphore, #tpu.memory_space<semaphore_mem>>) src(%dma_wait3A_129 : memref<128xf32, #tpu.memory_space<vmem>>) dst(%dma_wait3A_126 : memref<128xf32, #tpu.memory_space<hbm>>)
    return
  }
}

#map = affine_map<(d0, d1) -> (0, 0)>
module attributes {stable_mosaic.version = 14 : i64} {
  func.func @_conv_body(%arg0: i32, %arg1: i32, %arg2: memref<100000x128xf32, #tpu.memory_space<hbm>>, %arg3: memref<100000x64xi32, #tpu.memory_space<hbm>>, %arg4: memref<2x125x128xf32, #tpu.memory_space<vmem>>, %arg5: memref<2x125x64xi32, #tpu.memory_space<vmem>>, %arg6: memref<!tpu.dma_semaphore, #tpu.memory_space<semaphore_mem>>, %arg7: memref<!tpu.dma_semaphore, #tpu.memory_space<semaphore_mem>>, %arg8: memref<!tpu.dma_semaphore, #tpu.memory_space<semaphore_mem>>, %arg9: memref<!tpu.dma_semaphore, #tpu.memory_space<semaphore_mem>>) attributes {dimension_semantics = [#tpu.dimension_semantics<core_parallel>, #tpu.dimension_semantics<subcore_parallel>], iteration_bounds = array<i64: 2, 16>, scalar_prefetch = 0 : i64, scratch_operands = 6 : i64, tpu.core_type = #tpu.core_type<sc_vector_subcore>, window_params = [{transform_indices = #map}, {transform_indices = #map}]} {
    %mul3A = arith.constant 2 : i32
    %mul3A_0 = arith.muli %arg1, %mul3A : i32
    %add3A = arith.addi %mul3A_0, %arg0 : i32
    %mul3A_1 = arith.constant 3125 : i32
    %mul3A_2 = arith.muli %add3A, %mul3A_1 : i32
    %add3A_3 = arith.constant 0 : i32
    %add3A_4 = arith.addi %mul3A_2, %add3A_3 : i32
    %dma_start3A = arith.constant 0 : i32
    %dma_start3A_5 = arith.constant 0 : i32
    %dma_start3A_6 = arith.constant 0 : i32
    %dma_start3A_7 = tpu.memref_slice %arg4[%dma_start3A, %dma_start3A_5, %dma_start3A_6] : memref<2x125x128xf32, #tpu.memory_space<vmem>> -> memref<1x125x128xf32, #tpu.memory_space<vmem>>
    %dma_start3A_8 = tpu.memref_squeeze %dma_start3A_7 : memref<1x125x128xf32, #tpu.memory_space<vmem>> -> memref<125x128xf32, #tpu.memory_space<vmem>>
    %dma_start3A_9 = arith.constant 0 : i32
    %dma_start3A_10 = tpu.memref_slice %arg2[%add3A_4, %dma_start3A_9] : memref<100000x128xf32, #tpu.memory_space<hbm>> -> memref<125x128xf32, #tpu.memory_space<hbm>>
    %dma_start3A_11 = arith.constant 0 : i32
    %dma_start3A_12 = arith.constant 0 : i32
    %dma_start3A_13 = tpu.memref_slice %arg4[%dma_start3A, %dma_start3A_11, %dma_start3A_12] : memref<2x125x128xf32, #tpu.memory_space<vmem>> -> memref<1x125x128xf32, #tpu.memory_space<vmem>>
    %dma_start3A_14 = tpu.memref_squeeze %dma_start3A_13 : memref<1x125x128xf32, #tpu.memory_space<vmem>> -> memref<125x128xf32, #tpu.memory_space<vmem>>
    %dma_start3A_15 = arith.constant 0 : i32
    %dma_start3A_16 = tpu.memref_slice %arg2[%add3A_4, %dma_start3A_15] : memref<100000x128xf32, #tpu.memory_space<hbm>> -> memref<125x128xf32, #tpu.memory_space<hbm>>
    tpu.enqueue_dma source(%dma_start3A_16 : memref<125x128xf32, #tpu.memory_space<hbm>>) target(%dma_start3A_14 : memref<125x128xf32, #tpu.memory_space<vmem>>) target_semaphore(%arg6 : memref<!tpu.dma_semaphore, #tpu.memory_space<semaphore_mem>>)
    %scan3A = arith.constant 0 : i32
    %scan3A_17 = arith.constant 0 : i32
    %scan3A_18 = arith.constant 12 : i32
    %scan3A_19 = arith.addi %scan3A_17, %scan3A_18 : i32
    %scan3A_20 = arith.constant 1 : i32
    scf.for %scan3A_102 = %scan3A_17 to %scan3A_19 step %scan3A_20  : i32 {
      %mul3A_103 = arith.constant 2 : i32
      %mul3A_104 = arith.muli %mul3A_103, %scan3A_102 : i32
      %add3A_105 = arith.constant 0 : i32
      %add3A_106 = arith.addi %mul3A_104, %add3A_105 : i32
      %add3A_107 = arith.constant 1 : i32
      %add3A_108 = arith.addi %add3A_106, %add3A_107 : i32
      %lt3A = arith.constant 25 : i32
      %lt3A_109 = arith.cmpi slt, %add3A_108, %lt3A : i32
      %convert_element_type3A = arith.extui %lt3A_109 : i1 to i32
      %cond3A = arith.constant 0 : i32
      %cond3A_110 = arith.cmpi ne, %convert_element_type3A, %cond3A : i32
      scf.if %cond3A_110 {
        %add3A_207 = arith.constant 1 : i32
        %add3A_208 = arith.addi %add3A_106, %add3A_207 : i32
        %mul3A_209 = arith.constant 125 : i32
        %mul3A_210 = arith.muli %mul3A_209, %add3A_208 : i32
        %add3A_211 = arith.addi %mul3A_2, %mul3A_210 : i32
        %dma_start3A_212 = arith.constant 1 : i32
        %dma_start3A_213 = arith.constant 0 : i32
        %dma_start3A_214 = arith.constant 0 : i32
        %dma_start3A_215 = tpu.memref_slice %arg4[%dma_start3A_212, %dma_start3A_213, %dma_start3A_214] : memref<2x125x128xf32, #tpu.memory_space<vmem>> -> memref<1x125x128xf32, #tpu.memory_space<vmem>>
        %dma_start3A_216 = tpu.memref_squeeze %dma_start3A_215 : memref<1x125x128xf32, #tpu.memory_space<vmem>> -> memref<125x128xf32, #tpu.memory_space<vmem>>
        %dma_start3A_217 = arith.constant 0 : i32
        %dma_start3A_218 = tpu.memref_slice %arg2[%add3A_211, %dma_start3A_217] : memref<100000x128xf32, #tpu.memory_space<hbm>> -> memref<125x128xf32, #tpu.memory_space<hbm>>
        %dma_start3A_219 = arith.constant 0 : i32
        %dma_start3A_220 = arith.constant 0 : i32
        %dma_start3A_221 = tpu.memref_slice %arg4[%dma_start3A_212, %dma_start3A_219, %dma_start3A_220] : memref<2x125x128xf32, #tpu.memory_space<vmem>> -> memref<1x125x128xf32, #tpu.memory_space<vmem>>
        %dma_start3A_222 = tpu.memref_squeeze %dma_start3A_221 : memref<1x125x128xf32, #tpu.memory_space<vmem>> -> memref<125x128xf32, #tpu.memory_space<vmem>>
        %dma_start3A_223 = arith.constant 0 : i32
        %dma_start3A_224 = tpu.memref_slice %arg2[%add3A_211, %dma_start3A_223] : memref<100000x128xf32, #tpu.memory_space<hbm>> -> memref<125x128xf32, #tpu.memory_space<hbm>>
        tpu.enqueue_dma source(%dma_start3A_224 : memref<125x128xf32, #tpu.memory_space<hbm>>) target(%dma_start3A_222 : memref<125x128xf32, #tpu.memory_space<vmem>>) target_semaphore(%arg7 : memref<!tpu.dma_semaphore, #tpu.memory_space<semaphore_mem>>)
      } else {
      }
      %mul3A_111 = arith.constant 125 : i32
      %mul3A_112 = arith.muli %mul3A_111, %add3A_106 : i32
      %add3A_113 = arith.addi %mul3A_2, %mul3A_112 : i32
      %dma_wait3A_114 = arith.constant 0 : i32
      %dma_wait3A_115 = arith.constant 0 : i32
      %dma_wait3A_116 = arith.constant 0 : i32
      %dma_wait3A_117 = tpu.memref_slice %arg4[%dma_wait3A_114, %dma_wait3A_115, %dma_wait3A_116] : memref<2x125x128xf32, #tpu.memory_space<vmem>> -> memref<1x125x128xf32, #tpu.memory_space<vmem>>
      %dma_wait3A_118 = tpu.memref_squeeze %dma_wait3A_117 : memref<1x125x128xf32, #tpu.memory_space<vmem>> -> memref<125x128xf32, #tpu.memory_space<vmem>>
      %dma_wait3A_119 = arith.constant 0 : i32
      %dma_wait3A_120 = tpu.memref_slice %arg2[%add3A_113, %dma_wait3A_119] : memref<100000x128xf32, #tpu.memory_space<hbm>> -> memref<125x128xf32, #tpu.memory_space<hbm>>
      %dma_wait3A_121 = arith.constant 0 : i32
      %dma_wait3A_122 = arith.constant 0 : i32
      %dma_wait3A_123 = tpu.memref_slice %arg4[%dma_wait3A_114, %dma_wait3A_121, %dma_wait3A_122] : memref<2x125x128xf32, #tpu.memory_space<vmem>> -> memref<1x125x128xf32, #tpu.memory_space<vmem>>
      %dma_wait3A_124 = tpu.memref_squeeze %dma_wait3A_123 : memref<1x125x128xf32, #tpu.memory_space<vmem>> -> memref<125x128xf32, #tpu.memory_space<vmem>>
      %dma_wait3A_125 = arith.constant 0 : i32
      %dma_wait3A_126 = tpu.memref_slice %arg2[%add3A_113, %dma_wait3A_125] : memref<100000x128xf32, #tpu.memory_space<hbm>> -> memref<125x128xf32, #tpu.memory_space<hbm>>
      tpu.wait_dma2 semaphore(%arg6 : memref<!tpu.dma_semaphore, #tpu.memory_space<semaphore_mem>>) src(%dma_wait3A_126 : memref<125x128xf32, #tpu.memory_space<hbm>>) dst(%dma_wait3A_124 : memref<125x128xf32, #tpu.memory_space<vmem>>)
      %scan3A_127 = arith.constant 0 : i32
      %scan3A_128 = arith.constant 0 : i32
      %scan3A_129 = arith.constant 25 : i32
      %scan3A_130 = arith.addi %scan3A_128, %scan3A_129 : i32
      %scan3A_131 = arith.constant 1 : i32
      scf.for %scan3A_207 = %scan3A_128 to %scan3A_130 step %scan3A_131  : i32 {
        %mul3A_208 = arith.constant 5 : i32
        %mul3A_209 = arith.muli %mul3A_208, %scan3A_207 : i32
        %add3A_210 = arith.constant 0 : i32
        %add3A_211 = arith.addi %mul3A_209, %add3A_210 : i32
        %get3A = arith.constant 0 : i32
        %get3A_212 = arith.index_cast %get3A : i32 to index
        %get3A_213 = arith.index_cast %add3A_211 : i32 to index
        %get3A_214 = arith.constant 0 : index
        %get3A_215 = tpu.vector_load %arg4[%get3A_212, %get3A_213, %get3A_214] {strides = array<i32>} : memref<2x125x128xf32, #tpu.memory_space<vmem>>, vector<1x1x16xf32>,
        %get3A_216 = vector.shape_cast %get3A_215 : vector<1x1x16xf32> to vector<16xf32>
        %get3A_217 = arith.constant 0 : i32
        %get3A_218 = arith.index_cast %get3A_217 : i32 to index
        %get3A_219 = arith.index_cast %add3A_211 : i32 to index
        %get3A_220 = arith.constant 64 : index
        %get3A_221 = tpu.vector_load %arg4[%get3A_218, %get3A_219, %get3A_220] {strides = array<i32>} : memref<2x125x128xf32, #tpu.memory_space<vmem>>, vector<1x1x16xf32>,
        %get3A_222 = vector.shape_cast %get3A_221 : vector<1x1x16xf32> to vector<16xf32>
        %bitcast_convert_type3A = tpu.bitcast %get3A_216 : vector<16xf32> -> vector<16xi32>
        %bitcast_convert_type3A_223 = tpu.bitcast %get3A_222 : vector<16xf32> -> vector<16xi32>
        %add3A_224 = arith.constant 32768 : i32
        %add3A_225 = vector.broadcast %add3A_224 : i32 to vector<16xi32>
        %add3A_226 = arith.addi %bitcast_convert_type3A, %add3A_225 : vector<16xi32>
        %shift_right_logical3A = arith.constant 16 : i32
        %shift_right_logical3A_227 = vector.broadcast %shift_right_logical3A : i32 to vector<16xi32>
        %shift_right_logical3A_228 = arith.shrui %add3A_226, %shift_right_logical3A_227 : vector<16xi32>
        %add3A_229 = arith.constant 32768 : i32
        %add3A_230 = vector.broadcast %add3A_229 : i32 to vector<16xi32>
        %add3A_231 = arith.addi %bitcast_convert_type3A_223, %add3A_230 : vector<16xi32>
        %and3A = arith.constant -65536 : i32
        %and3A_232 = vector.broadcast %and3A : i32 to vector<16xi32>
        %and3A_233 = arith.andi %add3A_231, %and3A_232 : vector<16xi32>
        %or3A = arith.ori %shift_right_logical3A_228, %and3A_233 : vector<16xi32>
        %swap3A = arith.constant 0 : i32
        %swap3A_234 = arith.index_cast %swap3A : i32 to index
        %swap3A_235 = arith.index_cast %add3A_211 : i32 to index
        %swap3A_236 = arith.constant 0 : index
        %swap3A_237 = tpu.vector_load %arg5[%swap3A_234, %swap3A_235, %swap3A_236] {strides = array<i32>} : memref<2x125x64xi32, #tpu.memory_space<vmem>>, vector<1x1x16xi32>,
        %swap3A_238 = vector.shape_cast %swap3A_237 : vector<1x1x16xi32> to vector<16xi32>
        %swap3A_239 = vector.shape_cast %or3A : vector<16xi32> to vector<1x1x16xi32>
        tpu.vector_store %arg5[%swap3A_234, %swap3A_235, %swap3A_236], %swap3A_239 {strides = array<i32>} : memref<2x125x64xi32, #tpu.memory_space<vmem>>, vector<1x1x16xi32>,
        %get3A_240 = arith.constant 0 : i32
        %get3A_241 = arith.index_cast %get3A_240 : i32 to index
        %get3A_242 = arith.index_cast %add3A_211 : i32 to index
        %get3A_243 = arith.constant 16 : index
        %get3A_244 = tpu.vector_load %arg4[%get3A_241, %get3A_242, %get3A_243] {strides = array<i32>} : memref<2x125x128xf32, #tpu.memory_space<vmem>>, vector<1x1x16xf32>,
        %get3A_245 = vector.shape_cast %get3A_244 : vector<1x1x16xf32> to vector<16xf32>
        %get3A_246 = arith.constant 0 : i32
        %get3A_247 = arith.index_cast %get3A_246 : i32 to index
        %get3A_248 = arith.index_cast %add3A_211 : i32 to index
        %get3A_249 = arith.constant 80 : index
        %get3A_250 = tpu.vector_load %arg4[%get3A_247, %get3A_248, %get3A_249] {strides = array<i32>} : memref<2x125x128xf32, #tpu.memory_space<vmem>>, vector<1x1x16xf32>,
        %get3A_251 = vector.shape_cast %get3A_250 : vector<1x1x16xf32> to vector<16xf32>
        %bitcast_convert_type3A_252 = tpu.bitcast %get3A_245 : vector<16xf32> -> vector<16xi32>
        %bitcast_convert_type3A_253 = tpu.bitcast %get3A_251 : vector<16xf32> -> vector<16xi32>
        %add3A_254 = arith.constant 32768 : i32
        %add3A_255 = vector.broadcast %add3A_254 : i32 to vector<16xi32>
        %add3A_256 = arith.addi %bitcast_convert_type3A_252, %add3A_255 : vector<16xi32>
        %shift_right_logical3A_257 = arith.constant 16 : i32
        %shift_right_logical3A_258 = vector.broadcast %shift_right_logical3A_257 : i32 to vector<16xi32>
        %shift_right_logical3A_259 = arith.shrui %add3A_256, %shift_right_logical3A_258 : vector<16xi32>
        %add3A_260 = arith.constant 32768 : i32
        %add3A_261 = vector.broadcast %add3A_260 : i32 to vector<16xi32>
        %add3A_262 = arith.addi %bitcast_convert_type3A_253, %add3A_261 : vector<16xi32>
        %and3A_263 = arith.constant -65536 : i32
        %and3A_264 = vector.broadcast %and3A_263 : i32 to vector<16xi32>
        %and3A_265 = arith.andi %add3A_262, %and3A_264 : vector<16xi32>
        %or3A_266 = arith.ori %shift_right_logical3A_259, %and3A_265 : vector<16xi32>
        %swap3A_267 = arith.constant 0 : i32
        %swap3A_268 = arith.index_cast %swap3A_267 : i32 to index
        %swap3A_269 = arith.index_cast %add3A_211 : i32 to index
        %swap3A_270 = arith.constant 16 : index
        %swap3A_271 = tpu.vector_load %arg5[%swap3A_268, %swap3A_269, %swap3A_270] {strides = array<i32>} : memref<2x125x64xi32, #tpu.memory_space<vmem>>, vector<1x1x16xi32>,
        %swap3A_272 = vector.shape_cast %swap3A_271 : vector<1x1x16xi32> to vector<16xi32>
        %swap3A_273 = vector.shape_cast %or3A_266 : vector<16xi32> to vector<1x1x16xi32>
        tpu.vector_store %arg5[%swap3A_268, %swap3A_269, %swap3A_270], %swap3A_273 {strides = array<i32>} : memref<2x125x64xi32, #tpu.memory_space<vmem>>, vector<1x1x16xi32>,
        %get3A_274 = arith.constant 0 : i32
        %get3A_275 = arith.index_cast %get3A_274 : i32 to index
        %get3A_276 = arith.index_cast %add3A_211 : i32 to index
        %get3A_277 = arith.constant 32 : index
        %get3A_278 = tpu.vector_load %arg4[%get3A_275, %get3A_276, %get3A_277] {strides = array<i32>} : memref<2x125x128xf32, #tpu.memory_space<vmem>>, vector<1x1x16xf32>,
        %get3A_279 = vector.shape_cast %get3A_278 : vector<1x1x16xf32> to vector<16xf32>
        %get3A_280 = arith.constant 0 : i32
        %get3A_281 = arith.index_cast %get3A_280 : i32 to index
        %get3A_282 = arith.index_cast %add3A_211 : i32 to index
        %get3A_283 = arith.constant 96 : index
        %get3A_284 = tpu.vector_load %arg4[%get3A_281, %get3A_282, %get3A_283] {strides = array<i32>} : memref<2x125x128xf32, #tpu.memory_space<vmem>>, vector<1x1x16xf32>,
        %get3A_285 = vector.shape_cast %get3A_284 : vector<1x1x16xf32> to vector<16xf32>
        %bitcast_convert_type3A_286 = tpu.bitcast %get3A_279 : vector<16xf32> -> vector<16xi32>
        %bitcast_convert_type3A_287 = tpu.bitcast %get3A_285 : vector<16xf32> -> vector<16xi32>
        %add3A_288 = arith.constant 32768 : i32
        %add3A_289 = vector.broadcast %add3A_288 : i32 to vector<16xi32>
        %add3A_290 = arith.addi %bitcast_convert_type3A_286, %add3A_289 : vector<16xi32>
        %shift_right_logical3A_291 = arith.constant 16 : i32
        %shift_right_logical3A_292 = vector.broadcast %shift_right_logical3A_291 : i32 to vector<16xi32>
        %shift_right_logical3A_293 = arith.shrui %add3A_290, %shift_right_logical3A_292 : vector<16xi32>
        %add3A_294 = arith.constant 32768 : i32
        %add3A_295 = vector.broadcast %add3A_294 : i32 to vector<16xi32>
        %add3A_296 = arith.addi %bitcast_convert_type3A_287, %add3A_295 : vector<16xi32>
        %and3A_297 = arith.constant -65536 : i32
        %and3A_298 = vector.broadcast %and3A_297 : i32 to vector<16xi32>
        %and3A_299 = arith.andi %add3A_296, %and3A_298 : vector<16xi32>
        %or3A_300 = arith.ori %shift_right_logical3A_293, %and3A_299 : vector<16xi32>
        %swap3A_301 = arith.constant 0 : i32
        %swap3A_302 = arith.index_cast %swap3A_301 : i32 to index
        %swap3A_303 = arith.index_cast %add3A_211 : i32 to index
        %swap3A_304 = arith.constant 32 : index
        %swap3A_305 = tpu.vector_load %arg5[%swap3A_302, %swap3A_303, %swap3A_304] {strides = array<i32>} : memref<2x125x64xi32, #tpu.memory_space<vmem>>, vector<1x1x16xi32>,
        %swap3A_306 = vector.shape_cast %swap3A_305 : vector<1x1x16xi32> to vector<16xi32>
        %swap3A_307 = vector.shape_cast %or3A_300 : vector<16xi32> to vector<1x1x16xi32>
        tpu.vector_store %arg5[%swap3A_302, %swap3A_303, %swap3A_304], %swap3A_307 {strides = array<i32>} : memref<2x125x64xi32, #tpu.memory_space<vmem>>, vector<1x1x16xi32>,
        %get3A_308 = arith.constant 0 : i32
        %get3A_309 = arith.index_cast %get3A_308 : i32 to index
        %get3A_310 = arith.index_cast %add3A_211 : i32 to index
        %get3A_311 = arith.constant 48 : index
        %get3A_312 = tpu.vector_load %arg4[%get3A_309, %get3A_310, %get3A_311] {strides = array<i32>} : memref<2x125x128xf32, #tpu.memory_space<vmem>>, vector<1x1x16xf32>,
        %get3A_313 = vector.shape_cast %get3A_312 : vector<1x1x16xf32> to vector<16xf32>
        %get3A_314 = arith.constant 0 : i32
        %get3A_315 = arith.index_cast %get3A_314 : i32 to index
        %get3A_316 = arith.index_cast %add3A_211 : i32 to index
        %get3A_317 = arith.constant 112 : index
        %get3A_318 = tpu.vector_load %arg4[%get3A_315, %get3A_316, %get3A_317] {strides = array<i32>} : memref<2x125x128xf32, #tpu.memory_space<vmem>>, vector<1x1x16xf32>,
        %get3A_319 = vector.shape_cast %get3A_318 : vector<1x1x16xf32> to vector<16xf32>
        %bitcast_convert_type3A_320 = tpu.bitcast %get3A_313 : vector<16xf32> -> vector<16xi32>
        %bitcast_convert_type3A_321 = tpu.bitcast %get3A_319 : vector<16xf32> -> vector<16xi32>
        %add3A_322 = arith.constant 32768 : i32
        %add3A_323 = vector.broadcast %add3A_322 : i32 to vector<16xi32>
        %add3A_324 = arith.addi %bitcast_convert_type3A_320, %add3A_323 : vector<16xi32>
        %shift_right_logical3A_325 = arith.constant 16 : i32
        %shift_right_logical3A_326 = vector.broadcast %shift_right_logical3A_325 : i32 to vector<16xi32>
        %shift_right_logical3A_327 = arith.shrui %add3A_324, %shift_right_logical3A_326 : vector<16xi32>
        %add3A_328 = arith.constant 32768 : i32
        %add3A_329 = vector.broadcast %add3A_328 : i32 to vector<16xi32>
        %add3A_330 = arith.addi %bitcast_convert_type3A_321, %add3A_329 : vector<16xi32>
        %and3A_331 = arith.constant -65536 : i32
        %and3A_332 = vector.broadcast %and3A_331 : i32 to vector<16xi32>
        %and3A_333 = arith.andi %add3A_330, %and3A_332 : vector<16xi32>
        %or3A_334 = arith.ori %shift_right_logical3A_327, %and3A_333 : vector<16xi32>
        %swap3A_335 = arith.constant 0 : i32
        %swap3A_336 = arith.index_cast %swap3A_335 : i32 to index
        %swap3A_337 = arith.index_cast %add3A_211 : i32 to index
        %swap3A_338 = arith.constant 48 : index
        %swap3A_339 = tpu.vector_load %arg5[%swap3A_336, %swap3A_337, %swap3A_338] {strides = array<i32>} : memref<2x125x64xi32, #tpu.memory_space<vmem>>, vector<1x1x16xi32>,
        %swap3A_340 = vector.shape_cast %swap3A_339 : vector<1x1x16xi32> to vector<16xi32>
        %swap3A_341 = vector.shape_cast %or3A_334 : vector<16xi32> to vector<1x1x16xi32>
        tpu.vector_store %arg5[%swap3A_336, %swap3A_337, %swap3A_338], %swap3A_341 {strides = array<i32>} : memref<2x125x64xi32, #tpu.memory_space<vmem>>, vector<1x1x16xi32>,
        %mul3A_342 = arith.constant 5 : i32
        %mul3A_343 = arith.muli %mul3A_342, %scan3A_207 : i32
        %add3A_344 = arith.constant 1 : i32
        %add3A_345 = arith.addi %mul3A_343, %add3A_344 : i32
        %get3A_346 = arith.constant 0 : i32
        %get3A_347 = arith.index_cast %get3A_346 : i32 to index
        %get3A_348 = arith.index_cast %add3A_345 : i32 to index
        %get3A_349 = arith.constant 0 : index
        %get3A_350 = tpu.vector_load %arg4[%get3A_347, %get3A_348, %get3A_349] {strides = array<i32>} : memref<2x125x128xf32, #tpu.memory_space<vmem>>, vector<1x1x16xf32>,
        %get3A_351 = vector.shape_cast %get3A_350 : vector<1x1x16xf32> to vector<16xf32>
        %get3A_352 = arith.constant 0 : i32
        %get3A_353 = arith.index_cast %get3A_352 : i32 to index
        %get3A_354 = arith.index_cast %add3A_345 : i32 to index
        %get3A_355 = arith.constant 64 : index
        %get3A_356 = tpu.vector_load %arg4[%get3A_353, %get3A_354, %get3A_355] {strides = array<i32>} : memref<2x125x128xf32, #tpu.memory_space<vmem>>, vector<1x1x16xf32>,
        %get3A_357 = vector.shape_cast %get3A_356 : vector<1x1x16xf32> to vector<16xf32>
        %bitcast_convert_type3A_358 = tpu.bitcast %get3A_351 : vector<16xf32> -> vector<16xi32>
        %bitcast_convert_type3A_359 = tpu.bitcast %get3A_357 : vector<16xf32> -> vector<16xi32>
        %add3A_360 = arith.constant 32768 : i32
        %add3A_361 = vector.broadcast %add3A_360 : i32 to vector<16xi32>
        %add3A_362 = arith.addi %bitcast_convert_type3A_358, %add3A_361 : vector<16xi32>
        %shift_right_logical3A_363 = arith.constant 16 : i32
        %shift_right_logical3A_364 = vector.broadcast %shift_right_logical3A_363 : i32 to vector<16xi32>
        %shift_right_logical3A_365 = arith.shrui %add3A_362, %shift_right_logical3A_364 : vector<16xi32>
        %add3A_366 = arith.constant 32768 : i32
        %add3A_367 = vector.broadcast %add3A_366 : i32 to vector<16xi32>
        %add3A_368 = arith.addi %bitcast_convert_type3A_359, %add3A_367 : vector<16xi32>
        %and3A_369 = arith.constant -65536 : i32
        %and3A_370 = vector.broadcast %and3A_369 : i32 to vector<16xi32>
        %and3A_371 = arith.andi %add3A_368, %and3A_370 : vector<16xi32>
        %or3A_372 = arith.ori %shift_right_logical3A_365, %and3A_371 : vector<16xi32>
        %swap3A_373 = arith.constant 0 : i32
        %swap3A_374 = arith.index_cast %swap3A_373 : i32 to index
        %swap3A_375 = arith.index_cast %add3A_345 : i32 to index
        %swap3A_376 = arith.constant 0 : index
        %swap3A_377 = tpu.vector_load %arg5[%swap3A_374, %swap3A_375, %swap3A_376] {strides = array<i32>} : memref<2x125x64xi32, #tpu.memory_space<vmem>>, vector<1x1x16xi32>,
        %swap3A_378 = vector.shape_cast %swap3A_377 : vector<1x1x16xi32> to vector<16xi32>
        %swap3A_379 = vector.shape_cast %or3A_372 : vector<16xi32> to vector<1x1x16xi32>
        tpu.vector_store %arg5[%swap3A_374, %swap3A_375, %swap3A_376], %swap3A_379 {strides = array<i32>} : memref<2x125x64xi32, #tpu.memory_space<vmem>>, vector<1x1x16xi32>,
        %get3A_380 = arith.constant 0 : i32
        %get3A_381 = arith.index_cast %get3A_380 : i32 to index
        %get3A_382 = arith.index_cast %add3A_345 : i32 to index
        %get3A_383 = arith.constant 16 : index
        %get3A_384 = tpu.vector_load %arg4[%get3A_381, %get3A_382, %get3A_383] {strides = array<i32>} : memref<2x125x128xf32, #tpu.memory_space<vmem>>, vector<1x1x16xf32>,
        %get3A_385 = vector.shape_cast %get3A_384 : vector<1x1x16xf32> to vector<16xf32>
        %get3A_386 = arith.constant 0 : i32
        %get3A_387 = arith.index_cast %get3A_386 : i32 to index
        %get3A_388 = arith.index_cast %add3A_345 : i32 to index
        %get3A_389 = arith.constant 80 : index
        %get3A_390 = tpu.vector_load %arg4[%get3A_387, %get3A_388, %get3A_389] {strides = array<i32>} : memref<2x125x128xf32, #tpu.memory_space<vmem>>, vector<1x1x16xf32>,
        %get3A_391 = vector.shape_cast %get3A_390 : vector<1x1x16xf32> to vector<16xf32>
        %bitcast_convert_type3A_392 = tpu.bitcast %get3A_385 : vector<16xf32> -> vector<16xi32>
        %bitcast_convert_type3A_393 = tpu.bitcast %get3A_391 : vector<16xf32> -> vector<16xi32>
        %add3A_394 = arith.constant 32768 : i32
        %add3A_395 = vector.broadcast %add3A_394 : i32 to vector<16xi32>
        %add3A_396 = arith.addi %bitcast_convert_type3A_392, %add3A_395 : vector<16xi32>
        %shift_right_logical3A_397 = arith.constant 16 : i32
        %shift_right_logical3A_398 = vector.broadcast %shift_right_logical3A_397 : i32 to vector<16xi32>
        %shift_right_logical3A_399 = arith.shrui %add3A_396, %shift_right_logical3A_398 : vector<16xi32>
        %add3A_400 = arith.constant 32768 : i32
        %add3A_401 = vector.broadcast %add3A_400 : i32 to vector<16xi32>
        %add3A_402 = arith.addi %bitcast_convert_type3A_393, %add3A_401 : vector<16xi32>
        %and3A_403 = arith.constant -65536 : i32
        %and3A_404 = vector.broadcast %and3A_403 : i32 to vector<16xi32>
        %and3A_405 = arith.andi %add3A_402, %and3A_404 : vector<16xi32>
        %or3A_406 = arith.ori %shift_right_logical3A_399, %and3A_405 : vector<16xi32>
        %swap3A_407 = arith.constant 0 : i32
        %swap3A_408 = arith.index_cast %swap3A_407 : i32 to index
        %swap3A_409 = arith.index_cast %add3A_345 : i32 to index
        %swap3A_410 = arith.constant 16 : index
        %swap3A_411 = tpu.vector_load %arg5[%swap3A_408, %swap3A_409, %swap3A_410] {strides = array<i32>} : memref<2x125x64xi32, #tpu.memory_space<vmem>>, vector<1x1x16xi32>,
        %swap3A_412 = vector.shape_cast %swap3A_411 : vector<1x1x16xi32> to vector<16xi32>
        %swap3A_413 = vector.shape_cast %or3A_406 : vector<16xi32> to vector<1x1x16xi32>
        tpu.vector_store %arg5[%swap3A_408, %swap3A_409, %swap3A_410], %swap3A_413 {strides = array<i32>} : memref<2x125x64xi32, #tpu.memory_space<vmem>>, vector<1x1x16xi32>,
        %get3A_414 = arith.constant 0 : i32
        %get3A_415 = arith.index_cast %get3A_414 : i32 to index
        %get3A_416 = arith.index_cast %add3A_345 : i32 to index
        %get3A_417 = arith.constant 32 : index
        %get3A_418 = tpu.vector_load %arg4[%get3A_415, %get3A_416, %get3A_417] {strides = array<i32>} : memref<2x125x128xf32, #tpu.memory_space<vmem>>, vector<1x1x16xf32>,
        %get3A_419 = vector.shape_cast %get3A_418 : vector<1x1x16xf32> to vector<16xf32>
        %get3A_420 = arith.constant 0 : i32
        %get3A_421 = arith.index_cast %get3A_420 : i32 to index
        %get3A_422 = arith.index_cast %add3A_345 : i32 to index
        %get3A_423 = arith.constant 96 : index
        %get3A_424 = tpu.vector_load %arg4[%get3A_421, %get3A_422, %get3A_423] {strides = array<i32>} : memref<2x125x128xf32, #tpu.memory_space<vmem>>, vector<1x1x16xf32>,
        %get3A_425 = vector.shape_cast %get3A_424 : vector<1x1x16xf32> to vector<16xf32>
        %bitcast_convert_type3A_426 = tpu.bitcast %get3A_419 : vector<16xf32> -> vector<16xi32>
        %bitcast_convert_type3A_427 = tpu.bitcast %get3A_425 : vector<16xf32> -> vector<16xi32>
        %add3A_428 = arith.constant 32768 : i32
        %add3A_429 = vector.broadcast %add3A_428 : i32 to vector<16xi32>
        %add3A_430 = arith.addi %bitcast_convert_type3A_426, %add3A_429 : vector<16xi32>
        %shift_right_logical3A_431 = arith.constant 16 : i32
        %shift_right_logical3A_432 = vector.broadcast %shift_right_logical3A_431 : i32 to vector<16xi32>
        %shift_right_logical3A_433 = arith.shrui %add3A_430, %shift_right_logical3A_432 : vector<16xi32>
        %add3A_434 = arith.constant 32768 : i32
        %add3A_435 = vector.broadcast %add3A_434 : i32 to vector<16xi32>
        %add3A_436 = arith.addi %bitcast_convert_type3A_427, %add3A_435 : vector<16xi32>
        %and3A_437 = arith.constant -65536 : i32
        %and3A_438 = vector.broadcast %and3A_437 : i32 to vector<16xi32>
        %and3A_439 = arith.andi %add3A_436, %and3A_438 : vector<16xi32>
        %or3A_440 = arith.ori %shift_right_logical3A_433, %and3A_439 : vector<16xi32>
        %swap3A_441 = arith.constant 0 : i32
        %swap3A_442 = arith.index_cast %swap3A_441 : i32 to index
        %swap3A_443 = arith.index_cast %add3A_345 : i32 to index
        %swap3A_444 = arith.constant 32 : index
        %swap3A_445 = tpu.vector_load %arg5[%swap3A_442, %swap3A_443, %swap3A_444] {strides = array<i32>} : memref<2x125x64xi32, #tpu.memory_space<vmem>>, vector<1x1x16xi32>,
        %swap3A_446 = vector.shape_cast %swap3A_445 : vector<1x1x16xi32> to vector<16xi32>
        %swap3A_447 = vector.shape_cast %or3A_440 : vector<16xi32> to vector<1x1x16xi32>
        tpu.vector_store %arg5[%swap3A_442, %swap3A_443, %swap3A_444], %swap3A_447 {strides = array<i32>} : memref<2x125x64xi32, #tpu.memory_space<vmem>>, vector<1x1x16xi32>,
        %get3A_448 = arith.constant 0 : i32
        %get3A_449 = arith.index_cast %get3A_448 : i32 to index
        %get3A_450 = arith.index_cast %add3A_345 : i32 to index
        %get3A_451 = arith.constant 48 : index
        %get3A_452 = tpu.vector_load %arg4[%get3A_449, %get3A_450, %get3A_451] {strides = array<i32>} : memref<2x125x128xf32, #tpu.memory_space<vmem>>, vector<1x1x16xf32>,
        %get3A_453 = vector.shape_cast %get3A_452 : vector<1x1x16xf32> to vector<16xf32>
        %get3A_454 = arith.constant 0 : i32
        %get3A_455 = arith.index_cast %get3A_454 : i32 to index
        %get3A_456 = arith.index_cast %add3A_345 : i32 to index
        %get3A_457 = arith.constant 112 : index
        %get3A_458 = tpu.vector_load %arg4[%get3A_455, %get3A_456, %get3A_457] {strides = array<i32>} : memref<2x125x128xf32, #tpu.memory_space<vmem>>, vector<1x1x16xf32>,
        %get3A_459 = vector.shape_cast %get3A_458 : vector<1x1x16xf32> to vector<16xf32>
        %bitcast_convert_type3A_460 = tpu.bitcast %get3A_453 : vector<16xf32> -> vector<16xi32>
        %bitcast_convert_type3A_461 = tpu.bitcast %get3A_459 : vector<16xf32> -> vector<16xi32>
        %add3A_462 = arith.constant 32768 : i32
        %add3A_463 = vector.broadcast %add3A_462 : i32 to vector<16xi32>
        %add3A_464 = arith.addi %bitcast_convert_type3A_460, %add3A_463 : vector<16xi32>
        %shift_right_logical3A_465 = arith.constant 16 : i32
        %shift_right_logical3A_466 = vector.broadcast %shift_right_logical3A_465 : i32 to vector<16xi32>
        %shift_right_logical3A_467 = arith.shrui %add3A_464, %shift_right_logical3A_466 : vector<16xi32>
        %add3A_468 = arith.constant 32768 : i32
        %add3A_469 = vector.broadcast %add3A_468 : i32 to vector<16xi32>
        %add3A_470 = arith.addi %bitcast_convert_type3A_461, %add3A_469 : vector<16xi32>
        %and3A_471 = arith.constant -65536 : i32
        %and3A_472 = vector.broadcast %and3A_471 : i32 to vector<16xi32>
        %and3A_473 = arith.andi %add3A_470, %and3A_472 : vector<16xi32>
        %or3A_474 = arith.ori %shift_right_logical3A_467, %and3A_473 : vector<16xi32>
        %swap3A_475 = arith.constant 0 : i32
        %swap3A_476 = arith.index_cast %swap3A_475 : i32 to index
        %swap3A_477 = arith.index_cast %add3A_345 : i32 to index
        %swap3A_478 = arith.constant 48 : index
        %swap3A_479 = tpu.vector_load %arg5[%swap3A_476, %swap3A_477, %swap3A_478] {strides = array<i32>} : memref<2x125x64xi32, #tpu.memory_space<vmem>>, vector<1x1x16xi32>,
        %swap3A_480 = vector.shape_cast %swap3A_479 : vector<1x1x16xi32> to vector<16xi32>
        %swap3A_481 = vector.shape_cast %or3A_474 : vector<16xi32> to vector<1x1x16xi32>
        tpu.vector_store %arg5[%swap3A_476, %swap3A_477, %swap3A_478], %swap3A_481 {strides = array<i32>} : memref<2x125x64xi32, #tpu.memory_space<vmem>>, vector<1x1x16xi32>,
        %mul3A_482 = arith.constant 5 : i32
        %mul3A_483 = arith.muli %mul3A_482, %scan3A_207 : i32
        %add3A_484 = arith.constant 2 : i32
        %add3A_485 = arith.addi %mul3A_483, %add3A_484 : i32
        %get3A_486 = arith.constant 0 : i32
        %get3A_487 = arith.index_cast %get3A_486 : i32 to index
        %get3A_488 = arith.index_cast %add3A_485 : i32 to index
        %get3A_489 = arith.constant 0 : index
        %get3A_490 = tpu.vector_load %arg4[%get3A_487, %get3A_488, %get3A_489] {strides = array<i32>} : memref<2x125x128xf32, #tpu.memory_space<vmem>>, vector<1x1x16xf32>,
        %get3A_491 = vector.shape_cast %get3A_490 : vector<1x1x16xf32> to vector<16xf32>
        %get3A_492 = arith.constant 0 : i32
        %get3A_493 = arith.index_cast %get3A_492 : i32 to index
        %get3A_494 = arith.index_cast %add3A_485 : i32 to index
        %get3A_495 = arith.constant 64 : index
        %get3A_496 = tpu.vector_load %arg4[%get3A_493, %get3A_494, %get3A_495] {strides = array<i32>} : memref<2x125x128xf32, #tpu.memory_space<vmem>>, vector<1x1x16xf32>,
        %get3A_497 = vector.shape_cast %get3A_496 : vector<1x1x16xf32> to vector<16xf32>
        %bitcast_convert_type3A_498 = tpu.bitcast %get3A_491 : vector<16xf32> -> vector<16xi32>
        %bitcast_convert_type3A_499 = tpu.bitcast %get3A_497 : vector<16xf32> -> vector<16xi32>
        %add3A_500 = arith.constant 32768 : i32
        %add3A_501 = vector.broadcast %add3A_500 : i32 to vector<16xi32>
        %add3A_502 = arith.addi %bitcast_convert_type3A_498, %add3A_501 : vector<16xi32>
        %shift_right_logical3A_503 = arith.constant 16 : i32
        %shift_right_logical3A_504 = vector.broadcast %shift_right_logical3A_503 : i32 to vector<16xi32>
        %shift_right_logical3A_505 = arith.shrui %add3A_502, %shift_right_logical3A_504 : vector<16xi32>
        %add3A_506 = arith.constant 32768 : i32
        %add3A_507 = vector.broadcast %add3A_506 : i32 to vector<16xi32>
        %add3A_508 = arith.addi %bitcast_convert_type3A_499, %add3A_507 : vector<16xi32>
        %and3A_509 = arith.constant -65536 : i32
        %and3A_510 = vector.broadcast %and3A_509 : i32 to vector<16xi32>
        %and3A_511 = arith.andi %add3A_508, %and3A_510 : vector<16xi32>
        %or3A_512 = arith.ori %shift_right_logical3A_505, %and3A_511 : vector<16xi32>
        %swap3A_513 = arith.constant 0 : i32
        %swap3A_514 = arith.index_cast %swap3A_513 : i32 to index
        %swap3A_515 = arith.index_cast %add3A_485 : i32 to index
        %swap3A_516 = arith.constant 0 : index
        %swap3A_517 = tpu.vector_load %arg5[%swap3A_514, %swap3A_515, %swap3A_516] {strides = array<i32>} : memref<2x125x64xi32, #tpu.memory_space<vmem>>, vector<1x1x16xi32>,
        %swap3A_518 = vector.shape_cast %swap3A_517 : vector<1x1x16xi32> to vector<16xi32>
        %swap3A_519 = vector.shape_cast %or3A_512 : vector<16xi32> to vector<1x1x16xi32>
        tpu.vector_store %arg5[%swap3A_514, %swap3A_515, %swap3A_516], %swap3A_519 {strides = array<i32>} : memref<2x125x64xi32, #tpu.memory_space<vmem>>, vector<1x1x16xi32>,
        %get3A_520 = arith.constant 0 : i32
        %get3A_521 = arith.index_cast %get3A_520 : i32 to index
        %get3A_522 = arith.index_cast %add3A_485 : i32 to index
        %get3A_523 = arith.constant 16 : index
        %get3A_524 = tpu.vector_load %arg4[%get3A_521, %get3A_522, %get3A_523] {strides = array<i32>} : memref<2x125x128xf32, #tpu.memory_space<vmem>>, vector<1x1x16xf32>,
        %get3A_525 = vector.shape_cast %get3A_524 : vector<1x1x16xf32> to vector<16xf32>
        %get3A_526 = arith.constant 0 : i32
        %get3A_527 = arith.index_cast %get3A_526 : i32 to index
        %get3A_528 = arith.index_cast %add3A_485 : i32 to index
        %get3A_529 = arith.constant 80 : index
        %get3A_530 = tpu.vector_load %arg4[%get3A_527, %get3A_528, %get3A_529] {strides = array<i32>} : memref<2x125x128xf32, #tpu.memory_space<vmem>>, vector<1x1x16xf32>,
        %get3A_531 = vector.shape_cast %get3A_530 : vector<1x1x16xf32> to vector<16xf32>
        %bitcast_convert_type3A_532 = tpu.bitcast %get3A_525 : vector<16xf32> -> vector<16xi32>
        %bitcast_convert_type3A_533 = tpu.bitcast %get3A_531 : vector<16xf32> -> vector<16xi32>
        %add3A_534 = arith.constant 32768 : i32
        %add3A_535 = vector.broadcast %add3A_534 : i32 to vector<16xi32>
        %add3A_536 = arith.addi %bitcast_convert_type3A_532, %add3A_535 : vector<16xi32>
        %shift_right_logical3A_537 = arith.constant 16 : i32
        %shift_right_logical3A_538 = vector.broadcast %shift_right_logical3A_537 : i32 to vector<16xi32>
        %shift_right_logical3A_539 = arith.shrui %add3A_536, %shift_right_logical3A_538 : vector<16xi32>
        %add3A_540 = arith.constant 32768 : i32
        %add3A_541 = vector.broadcast %add3A_540 : i32 to vector<16xi32>
        %add3A_542 = arith.addi %bitcast_convert_type3A_533, %add3A_541 : vector<16xi32>
        %and3A_543 = arith.constant -65536 : i32
        %and3A_544 = vector.broadcast %and3A_543 : i32 to vector<16xi32>
        %and3A_545 = arith.andi %add3A_542, %and3A_544 : vector<16xi32>
        %or3A_546 = arith.ori %shift_right_logical3A_539, %and3A_545 : vector<16xi32>
        %swap3A_547 = arith.constant 0 : i32
        %swap3A_548 = arith.index_cast %swap3A_547 : i32 to index
        %swap3A_549 = arith.index_cast %add3A_485 : i32 to index
        %swap3A_550 = arith.constant 16 : index
        %swap3A_551 = tpu.vector_load %arg5[%swap3A_548, %swap3A_549, %swap3A_550] {strides = array<i32>} : memref<2x125x64xi32, #tpu.memory_space<vmem>>, vector<1x1x16xi32>,
        %swap3A_552 = vector.shape_cast %swap3A_551 : vector<1x1x16xi32> to vector<16xi32>
        %swap3A_553 = vector.shape_cast %or3A_546 : vector<16xi32> to vector<1x1x16xi32>
        tpu.vector_store %arg5[%swap3A_548, %swap3A_549, %swap3A_550], %swap3A_553 {strides = array<i32>} : memref<2x125x64xi32, #tpu.memory_space<vmem>>, vector<1x1x16xi32>,
        %get3A_554 = arith.constant 0 : i32
        %get3A_555 = arith.index_cast %get3A_554 : i32 to index
        %get3A_556 = arith.index_cast %add3A_485 : i32 to index
        %get3A_557 = arith.constant 32 : index
        %get3A_558 = tpu.vector_load %arg4[%get3A_555, %get3A_556, %get3A_557] {strides = array<i32>} : memref<2x125x128xf32, #tpu.memory_space<vmem>>, vector<1x1x16xf32>,
        %get3A_559 = vector.shape_cast %get3A_558 : vector<1x1x16xf32> to vector<16xf32>
        %get3A_560 = arith.constant 0 : i32
        %get3A_561 = arith.index_cast %get3A_560 : i32 to index
        %get3A_562 = arith.index_cast %add3A_485 : i32 to index
        %get3A_563 = arith.constant 96 : index
        %get3A_564 = tpu.vector_load %arg4[%get3A_561, %get3A_562, %get3A_563] {strides = array<i32>} : memref<2x125x128xf32, #tpu.memory_space<vmem>>, vector<1x1x16xf32>,
        %get3A_565 = vector.shape_cast %get3A_564 : vector<1x1x16xf32> to vector<16xf32>
        %bitcast_convert_type3A_566 = tpu.bitcast %get3A_559 : vector<16xf32> -> vector<16xi32>
        %bitcast_convert_type3A_567 = tpu.bitcast %get3A_565 : vector<16xf32> -> vector<16xi32>
        %add3A_568 = arith.constant 32768 : i32
        %add3A_569 = vector.broadcast %add3A_568 : i32 to vector<16xi32>
        %add3A_570 = arith.addi %bitcast_convert_type3A_566, %add3A_569 : vector<16xi32>
        %shift_right_logical3A_571 = arith.constant 16 : i32
        %shift_right_logical3A_572 = vector.broadcast %shift_right_logical3A_571 : i32 to vector<16xi32>
        %shift_right_logical3A_573 = arith.shrui %add3A_570, %shift_right_logical3A_572 : vector<16xi32>
        %add3A_574 = arith.constant 32768 : i32
        %add3A_575 = vector.broadcast %add3A_574 : i32 to vector<16xi32>
        %add3A_576 = arith.addi %bitcast_convert_type3A_567, %add3A_575 : vector<16xi32>
        %and3A_577 = arith.constant -65536 : i32
        %and3A_578 = vector.broadcast %and3A_577 : i32 to vector<16xi32>
        %and3A_579 = arith.andi %add3A_576, %and3A_578 : vector<16xi32>
        %or3A_580 = arith.ori %shift_right_logical3A_573, %and3A_579 : vector<16xi32>
        %swap3A_581 = arith.constant 0 : i32
        %swap3A_582 = arith.index_cast %swap3A_581 : i32 to index
        %swap3A_583 = arith.index_cast %add3A_485 : i32 to index
        %swap3A_584 = arith.constant 32 : index
        %swap3A_585 = tpu.vector_load %arg5[%swap3A_582, %swap3A_583, %swap3A_584] {strides = array<i32>} : memref<2x125x64xi32, #tpu.memory_space<vmem>>, vector<1x1x16xi32>,
        %swap3A_586 = vector.shape_cast %swap3A_585 : vector<1x1x16xi32> to vector<16xi32>
        %swap3A_587 = vector.shape_cast %or3A_580 : vector<16xi32> to vector<1x1x16xi32>
        tpu.vector_store %arg5[%swap3A_582, %swap3A_583, %swap3A_584], %swap3A_587 {strides = array<i32>} : memref<2x125x64xi32, #tpu.memory_space<vmem>>, vector<1x1x16xi32>,
        %get3A_588 = arith.constant 0 : i32
        %get3A_589 = arith.index_cast %get3A_588 : i32 to index
        %get3A_590 = arith.index_cast %add3A_485 : i32 to index
        %get3A_591 = arith.constant 48 : index
        %get3A_592 = tpu.vector_load %arg4[%get3A_589, %get3A_590, %get3A_591] {strides = array<i32>} : memref<2x125x128xf32, #tpu.memory_space<vmem>>, vector<1x1x16xf32>,
        %get3A_593 = vector.shape_cast %get3A_592 : vector<1x1x16xf32> to vector<16xf32>
        %get3A_594 = arith.constant 0 : i32
        %get3A_595 = arith.index_cast %get3A_594 : i32 to index
        %get3A_596 = arith.index_cast %add3A_485 : i32 to index
        %get3A_597 = arith.constant 112 : index
        %get3A_598 = tpu.vector_load %arg4[%get3A_595, %get3A_596, %get3A_597] {strides = array<i32>} : memref<2x125x128xf32, #tpu.memory_space<vmem>>, vector<1x1x16xf32>,
        %get3A_599 = vector.shape_cast %get3A_598 : vector<1x1x16xf32> to vector<16xf32>
        %bitcast_convert_type3A_600 = tpu.bitcast %get3A_593 : vector<16xf32> -> vector<16xi32>
        %bitcast_convert_type3A_601 = tpu.bitcast %get3A_599 : vector<16xf32> -> vector<16xi32>
        %add3A_602 = arith.constant 32768 : i32
        %add3A_603 = vector.broadcast %add3A_602 : i32 to vector<16xi32>
        %add3A_604 = arith.addi %bitcast_convert_type3A_600, %add3A_603 : vector<16xi32>
        %shift_right_logical3A_605 = arith.constant 16 : i32
        %shift_right_logical3A_606 = vector.broadcast %shift_right_logical3A_605 : i32 to vector<16xi32>
        %shift_right_logical3A_607 = arith.shrui %add3A_604, %shift_right_logical3A_606 : vector<16xi32>
        %add3A_608 = arith.constant 32768 : i32
        %add3A_609 = vector.broadcast %add3A_608 : i32 to vector<16xi32>
        %add3A_610 = arith.addi %bitcast_convert_type3A_601, %add3A_609 : vector<16xi32>
        %and3A_611 = arith.constant -65536 : i32
        %and3A_612 = vector.broadcast %and3A_611 : i32 to vector<16xi32>
        %and3A_613 = arith.andi %add3A_610, %and3A_612 : vector<16xi32>
        %or3A_614 = arith.ori %shift_right_logical3A_607, %and3A_613 : vector<16xi32>
        %swap3A_615 = arith.constant 0 : i32
        %swap3A_616 = arith.index_cast %swap3A_615 : i32 to index
        %swap3A_617 = arith.index_cast %add3A_485 : i32 to index
        %swap3A_618 = arith.constant 48 : index
        %swap3A_619 = tpu.vector_load %arg5[%swap3A_616, %swap3A_617, %swap3A_618] {strides = array<i32>} : memref<2x125x64xi32, #tpu.memory_space<vmem>>, vector<1x1x16xi32>,
        %swap3A_620 = vector.shape_cast %swap3A_619 : vector<1x1x16xi32> to vector<16xi32>
        %swap3A_621 = vector.shape_cast %or3A_614 : vector<16xi32> to vector<1x1x16xi32>
        tpu.vector_store %arg5[%swap3A_616, %swap3A_617, %swap3A_618], %swap3A_621 {strides = array<i32>} : memref<2x125x64xi32, #tpu.memory_space<vmem>>, vector<1x1x16xi32>,
        %mul3A_622 = arith.constant 5 : i32
        %mul3A_623 = arith.muli %mul3A_622, %scan3A_207 : i32
        %add3A_624 = arith.constant 3 : i32
        %add3A_625 = arith.addi %mul3A_623, %add3A_624 : i32
        %get3A_626 = arith.constant 0 : i32
        %get3A_627 = arith.index_cast %get3A_626 : i32 to index
        %get3A_628 = arith.index_cast %add3A_625 : i32 to index
        %get3A_629 = arith.constant 0 : index
        %get3A_630 = tpu.vector_load %arg4[%get3A_627, %get3A_628, %get3A_629] {strides = array<i32>} : memref<2x125x128xf32, #tpu.memory_space<vmem>>, vector<1x1x16xf32>,
        %get3A_631 = vector.shape_cast %get3A_630 : vector<1x1x16xf32> to vector<16xf32>
        %get3A_632 = arith.constant 0 : i32
        %get3A_633 = arith.index_cast %get3A_632 : i32 to index
        %get3A_634 = arith.index_cast %add3A_625 : i32 to index
        %get3A_635 = arith.constant 64 : index
        %get3A_636 = tpu.vector_load %arg4[%get3A_633, %get3A_634, %get3A_635] {strides = array<i32>} : memref<2x125x128xf32, #tpu.memory_space<vmem>>, vector<1x1x16xf32>,
        %get3A_637 = vector.shape_cast %get3A_636 : vector<1x1x16xf32> to vector<16xf32>
        %bitcast_convert_type3A_638 = tpu.bitcast %get3A_631 : vector<16xf32> -> vector<16xi32>
        %bitcast_convert_type3A_639 = tpu.bitcast %get3A_637 : vector<16xf32> -> vector<16xi32>
        %add3A_640 = arith.constant 32768 : i32
        %add3A_641 = vector.broadcast %add3A_640 : i32 to vector<16xi32>
        %add3A_642 = arith.addi %bitcast_convert_type3A_638, %add3A_641 : vector<16xi32>
        %shift_right_logical3A_643 = arith.constant 16 : i32
        %shift_right_logical3A_644 = vector.broadcast %shift_right_logical3A_643 : i32 to vector<16xi32>
        %shift_right_logical3A_645 = arith.shrui %add3A_642, %shift_right_logical3A_644 : vector<16xi32>
        %add3A_646 = arith.constant 32768 : i32
        %add3A_647 = vector.broadcast %add3A_646 : i32 to vector<16xi32>
        %add3A_648 = arith.addi %bitcast_convert_type3A_639, %add3A_647 : vector<16xi32>
        %and3A_649 = arith.constant -65536 : i32
        %and3A_650 = vector.broadcast %and3A_649 : i32 to vector<16xi32>
        %and3A_651 = arith.andi %add3A_648, %and3A_650 : vector<16xi32>
        %or3A_652 = arith.ori %shift_right_logical3A_645, %and3A_651 : vector<16xi32>
        %swap3A_653 = arith.constant 0 : i32
        %swap3A_654 = arith.index_cast %swap3A_653 : i32 to index
        %swap3A_655 = arith.index_cast %add3A_625 : i32 to index
        %swap3A_656 = arith.constant 0 : index
        %swap3A_657 = tpu.vector_load %arg5[%swap3A_654, %swap3A_655, %swap3A_656] {strides = array<i32>} : memref<2x125x64xi32, #tpu.memory_space<vmem>>, vector<1x1x16xi32>,
        %swap3A_658 = vector.shape_cast %swap3A_657 : vector<1x1x16xi32> to vector<16xi32>
        %swap3A_659 = vector.shape_cast %or3A_652 : vector<16xi32> to vector<1x1x16xi32>
        tpu.vector_store %arg5[%swap3A_654, %swap3A_655, %swap3A_656], %swap3A_659 {strides = array<i32>} : memref<2x125x64xi32, #tpu.memory_space<vmem>>, vector<1x1x16xi32>,
        %get3A_660 = arith.constant 0 : i32
        %get3A_661 = arith.index_cast %get3A_660 : i32 to index
        %get3A_662 = arith.index_cast %add3A_625 : i32 to index
        %get3A_663 = arith.constant 16 : index
        %get3A_664 = tpu.vector_load %arg4[%get3A_661, %get3A_662, %get3A_663] {strides = array<i32>} : memref<2x125x128xf32, #tpu.memory_space<vmem>>, vector<1x1x16xf32>,
        %get3A_665 = vector.shape_cast %get3A_664 : vector<1x1x16xf32> to vector<16xf32>
        %get3A_666 = arith.constant 0 : i32
        %get3A_667 = arith.index_cast %get3A_666 : i32 to index
        %get3A_668 = arith.index_cast %add3A_625 : i32 to index
        %get3A_669 = arith.constant 80 : index
        %get3A_670 = tpu.vector_load %arg4[%get3A_667, %get3A_668, %get3A_669] {strides = array<i32>} : memref<2x125x128xf32, #tpu.memory_space<vmem>>, vector<1x1x16xf32>,
        %get3A_671 = vector.shape_cast %get3A_670 : vector<1x1x16xf32> to vector<16xf32>
        %bitcast_convert_type3A_672 = tpu.bitcast %get3A_665 : vector<16xf32> -> vector<16xi32>
        %bitcast_convert_type3A_673 = tpu.bitcast %get3A_671 : vector<16xf32> -> vector<16xi32>
        %add3A_674 = arith.constant 32768 : i32
        %add3A_675 = vector.broadcast %add3A_674 : i32 to vector<16xi32>
        %add3A_676 = arith.addi %bitcast_convert_type3A_672, %add3A_675 : vector<16xi32>
        %shift_right_logical3A_677 = arith.constant 16 : i32
        %shift_right_logical3A_678 = vector.broadcast %shift_right_logical3A_677 : i32 to vector<16xi32>
        %shift_right_logical3A_679 = arith.shrui %add3A_676, %shift_right_logical3A_678 : vector<16xi32>
        %add3A_680 = arith.constant 32768 : i32
        %add3A_681 = vector.broadcast %add3A_680 : i32 to vector<16xi32>
        %add3A_682 = arith.addi %bitcast_convert_type3A_673, %add3A_681 : vector<16xi32>
        %and3A_683 = arith.constant -65536 : i32
        %and3A_684 = vector.broadcast %and3A_683 : i32 to vector<16xi32>
        %and3A_685 = arith.andi %add3A_682, %and3A_684 : vector<16xi32>
        %or3A_686 = arith.ori %shift_right_logical3A_679, %and3A_685 : vector<16xi32>
        %swap3A_687 = arith.constant 0 : i32
        %swap3A_688 = arith.index_cast %swap3A_687 : i32 to index
        %swap3A_689 = arith.index_cast %add3A_625 : i32 to index
        %swap3A_690 = arith.constant 16 : index
        %swap3A_691 = tpu.vector_load %arg5[%swap3A_688, %swap3A_689, %swap3A_690] {strides = array<i32>} : memref<2x125x64xi32, #tpu.memory_space<vmem>>, vector<1x1x16xi32>,
        %swap3A_692 = vector.shape_cast %swap3A_691 : vector<1x1x16xi32> to vector<16xi32>
        %swap3A_693 = vector.shape_cast %or3A_686 : vector<16xi32> to vector<1x1x16xi32>
        tpu.vector_store %arg5[%swap3A_688, %swap3A_689, %swap3A_690], %swap3A_693 {strides = array<i32>} : memref<2x125x64xi32, #tpu.memory_space<vmem>>, vector<1x1x16xi32>,
        %get3A_694 = arith.constant 0 : i32
        %get3A_695 = arith.index_cast %get3A_694 : i32 to index
        %get3A_696 = arith.index_cast %add3A_625 : i32 to index
        %get3A_697 = arith.constant 32 : index
        %get3A_698 = tpu.vector_load %arg4[%get3A_695, %get3A_696, %get3A_697] {strides = array<i32>} : memref<2x125x128xf32, #tpu.memory_space<vmem>>, vector<1x1x16xf32>,
        %get3A_699 = vector.shape_cast %get3A_698 : vector<1x1x16xf32> to vector<16xf32>
        %get3A_700 = arith.constant 0 : i32
        %get3A_701 = arith.index_cast %get3A_700 : i32 to index
        %get3A_702 = arith.index_cast %add3A_625 : i32 to index
        %get3A_703 = arith.constant 96 : index
        %get3A_704 = tpu.vector_load %arg4[%get3A_701, %get3A_702, %get3A_703] {strides = array<i32>} : memref<2x125x128xf32, #tpu.memory_space<vmem>>, vector<1x1x16xf32>,
        %get3A_705 = vector.shape_cast %get3A_704 : vector<1x1x16xf32> to vector<16xf32>
        %bitcast_convert_type3A_706 = tpu.bitcast %get3A_699 : vector<16xf32> -> vector<16xi32>
        %bitcast_convert_type3A_707 = tpu.bitcast %get3A_705 : vector<16xf32> -> vector<16xi32>
        %add3A_708 = arith.constant 32768 : i32
        %add3A_709 = vector.broadcast %add3A_708 : i32 to vector<16xi32>
        %add3A_710 = arith.addi %bitcast_convert_type3A_706, %add3A_709 : vector<16xi32>
        %shift_right_logical3A_711 = arith.constant 16 : i32
        %shift_right_logical3A_712 = vector.broadcast %shift_right_logical3A_711 : i32 to vector<16xi32>
        %shift_right_logical3A_713 = arith.shrui %add3A_710, %shift_right_logical3A_712 : vector<16xi32>
        %add3A_714 = arith.constant 32768 : i32
        %add3A_715 = vector.broadcast %add3A_714 : i32 to vector<16xi32>
        %add3A_716 = arith.addi %bitcast_convert_type3A_707, %add3A_715 : vector<16xi32>
        %and3A_717 = arith.constant -65536 : i32
        %and3A_718 = vector.broadcast %and3A_717 : i32 to vector<16xi32>
        %and3A_719 = arith.andi %add3A_716, %and3A_718 : vector<16xi32>
        %or3A_720 = arith.ori %shift_right_logical3A_713, %and3A_719 : vector<16xi32>
        %swap3A_721 = arith.constant 0 : i32
        %swap3A_722 = arith.index_cast %swap3A_721 : i32 to index
        %swap3A_723 = arith.index_cast %add3A_625 : i32 to index
        %swap3A_724 = arith.constant 32 : index
        %swap3A_725 = tpu.vector_load %arg5[%swap3A_722, %swap3A_723, %swap3A_724] {strides = array<i32>} : memref<2x125x64xi32, #tpu.memory_space<vmem>>, vector<1x1x16xi32>,
        %swap3A_726 = vector.shape_cast %swap3A_725 : vector<1x1x16xi32> to vector<16xi32>
        %swap3A_727 = vector.shape_cast %or3A_720 : vector<16xi32> to vector<1x1x16xi32>
        tpu.vector_store %arg5[%swap3A_722, %swap3A_723, %swap3A_724], %swap3A_727 {strides = array<i32>} : memref<2x125x64xi32, #tpu.memory_space<vmem>>, vector<1x1x16xi32>,
        %get3A_728 = arith.constant 0 : i32
        %get3A_729 = arith.index_cast %get3A_728 : i32 to index
        %get3A_730 = arith.index_cast %add3A_625 : i32 to index
        %get3A_731 = arith.constant 48 : index
        %get3A_732 = tpu.vector_load %arg4[%get3A_729, %get3A_730, %get3A_731] {strides = array<i32>} : memref<2x125x128xf32, #tpu.memory_space<vmem>>, vector<1x1x16xf32>,
        %get3A_733 = vector.shape_cast %get3A_732 : vector<1x1x16xf32> to vector<16xf32>
        %get3A_734 = arith.constant 0 : i32
        %get3A_735 = arith.index_cast %get3A_734 : i32 to index
        %get3A_736 = arith.index_cast %add3A_625 : i32 to index
        %get3A_737 = arith.constant 112 : index
        %get3A_738 = tpu.vector_load %arg4[%get3A_735, %get3A_736, %get3A_737] {strides = array<i32>} : memref<2x125x128xf32, #tpu.memory_space<vmem>>, vector<1x1x16xf32>,
        %get3A_739 = vector.shape_cast %get3A_738 : vector<1x1x16xf32> to vector<16xf32>
        %bitcast_convert_type3A_740 = tpu.bitcast %get3A_733 : vector<16xf32> -> vector<16xi32>
        %bitcast_convert_type3A_741 = tpu.bitcast %get3A_739 : vector<16xf32> -> vector<16xi32>
        %add3A_742 = arith.constant 32768 : i32
        %add3A_743 = vector.broadcast %add3A_742 : i32 to vector<16xi32>
        %add3A_744 = arith.addi %bitcast_convert_type3A_740, %add3A_743 : vector<16xi32>
        %shift_right_logical3A_745 = arith.constant 16 : i32
        %shift_right_logical3A_746 = vector.broadcast %shift_right_logical3A_745 : i32 to vector<16xi32>
        %shift_right_logical3A_747 = arith.shrui %add3A_744, %shift_right_logical3A_746 : vector<16xi32>
        %add3A_748 = arith.constant 32768 : i32
        %add3A_749 = vector.broadcast %add3A_748 : i32 to vector<16xi32>
        %add3A_750 = arith.addi %bitcast_convert_type3A_741, %add3A_749 : vector<16xi32>
        %and3A_751 = arith.constant -65536 : i32
        %and3A_752 = vector.broadcast %and3A_751 : i32 to vector<16xi32>
        %and3A_753 = arith.andi %add3A_750, %and3A_752 : vector<16xi32>
        %or3A_754 = arith.ori %shift_right_logical3A_747, %and3A_753 : vector<16xi32>
        %swap3A_755 = arith.constant 0 : i32
        %swap3A_756 = arith.index_cast %swap3A_755 : i32 to index
        %swap3A_757 = arith.index_cast %add3A_625 : i32 to index
        %swap3A_758 = arith.constant 48 : index
        %swap3A_759 = tpu.vector_load %arg5[%swap3A_756, %swap3A_757, %swap3A_758] {strides = array<i32>} : memref<2x125x64xi32, #tpu.memory_space<vmem>>, vector<1x1x16xi32>,
        %swap3A_760 = vector.shape_cast %swap3A_759 : vector<1x1x16xi32> to vector<16xi32>
        %swap3A_761 = vector.shape_cast %or3A_754 : vector<16xi32> to vector<1x1x16xi32>
        tpu.vector_store %arg5[%swap3A_756, %swap3A_757, %swap3A_758], %swap3A_761 {strides = array<i32>} : memref<2x125x64xi32, #tpu.memory_space<vmem>>, vector<1x1x16xi32>,
        %mul3A_762 = arith.constant 5 : i32
        %mul3A_763 = arith.muli %mul3A_762, %scan3A_207 : i32
        %add3A_764 = arith.constant 4 : i32
        %add3A_765 = arith.addi %mul3A_763, %add3A_764 : i32
        %get3A_766 = arith.constant 0 : i32
        %get3A_767 = arith.index_cast %get3A_766 : i32 to index
        %get3A_768 = arith.index_cast %add3A_765 : i32 to index
        %get3A_769 = arith.constant 0 : index
        %get3A_770 = tpu.vector_load %arg4[%get3A_767, %get3A_768, %get3A_769] {strides = array<i32>} : memref<2x125x128xf32, #tpu.memory_space<vmem>>, vector<1x1x16xf32>,
        %get3A_771 = vector.shape_cast %get3A_770 : vector<1x1x16xf32> to vector<16xf32>
        %get3A_772 = arith.constant 0 : i32
        %get3A_773 = arith.index_cast %get3A_772 : i32 to index
        %get3A_774 = arith.index_cast %add3A_765 : i32 to index
        %get3A_775 = arith.constant 64 : index
        %get3A_776 = tpu.vector_load %arg4[%get3A_773, %get3A_774, %get3A_775] {strides = array<i32>} : memref<2x125x128xf32, #tpu.memory_space<vmem>>, vector<1x1x16xf32>,
        %get3A_777 = vector.shape_cast %get3A_776 : vector<1x1x16xf32> to vector<16xf32>
        %bitcast_convert_type3A_778 = tpu.bitcast %get3A_771 : vector<16xf32> -> vector<16xi32>
        %bitcast_convert_type3A_779 = tpu.bitcast %get3A_777 : vector<16xf32> -> vector<16xi32>
        %add3A_780 = arith.constant 32768 : i32
        %add3A_781 = vector.broadcast %add3A_780 : i32 to vector<16xi32>
        %add3A_782 = arith.addi %bitcast_convert_type3A_778, %add3A_781 : vector<16xi32>
        %shift_right_logical3A_783 = arith.constant 16 : i32
        %shift_right_logical3A_784 = vector.broadcast %shift_right_logical3A_783 : i32 to vector<16xi32>
        %shift_right_logical3A_785 = arith.shrui %add3A_782, %shift_right_logical3A_784 : vector<16xi32>
        %add3A_786 = arith.constant 32768 : i32
        %add3A_787 = vector.broadcast %add3A_786 : i32 to vector<16xi32>
        %add3A_788 = arith.addi %bitcast_convert_type3A_779, %add3A_787 : vector<16xi32>
        %and3A_789 = arith.constant -65536 : i32
        %and3A_790 = vector.broadcast %and3A_789 : i32 to vector<16xi32>
        %and3A_791 = arith.andi %add3A_788, %and3A_790 : vector<16xi32>
        %or3A_792 = arith.ori %shift_right_logical3A_785, %and3A_791 : vector<16xi32>
        %swap3A_793 = arith.constant 0 : i32
        %swap3A_794 = arith.index_cast %swap3A_793 : i32 to index
        %swap3A_795 = arith.index_cast %add3A_765 : i32 to index
        %swap3A_796 = arith.constant 0 : index
        %swap3A_797 = tpu.vector_load %arg5[%swap3A_794, %swap3A_795, %swap3A_796] {strides = array<i32>} : memref<2x125x64xi32, #tpu.memory_space<vmem>>, vector<1x1x16xi32>,
        %swap3A_798 = vector.shape_cast %swap3A_797 : vector<1x1x16xi32> to vector<16xi32>
        %swap3A_799 = vector.shape_cast %or3A_792 : vector<16xi32> to vector<1x1x16xi32>
        tpu.vector_store %arg5[%swap3A_794, %swap3A_795, %swap3A_796], %swap3A_799 {strides = array<i32>} : memref<2x125x64xi32, #tpu.memory_space<vmem>>, vector<1x1x16xi32>,
        %get3A_800 = arith.constant 0 : i32
        %get3A_801 = arith.index_cast %get3A_800 : i32 to index
        %get3A_802 = arith.index_cast %add3A_765 : i32 to index
        %get3A_803 = arith.constant 16 : index
        %get3A_804 = tpu.vector_load %arg4[%get3A_801, %get3A_802, %get3A_803] {strides = array<i32>} : memref<2x125x128xf32, #tpu.memory_space<vmem>>, vector<1x1x16xf32>,
        %get3A_805 = vector.shape_cast %get3A_804 : vector<1x1x16xf32> to vector<16xf32>
        %get3A_806 = arith.constant 0 : i32
        %get3A_807 = arith.index_cast %get3A_806 : i32 to index
        %get3A_808 = arith.index_cast %add3A_765 : i32 to index
        %get3A_809 = arith.constant 80 : index
        %get3A_810 = tpu.vector_load %arg4[%get3A_807, %get3A_808, %get3A_809] {strides = array<i32>} : memref<2x125x128xf32, #tpu.memory_space<vmem>>, vector<1x1x16xf32>,
        %get3A_811 = vector.shape_cast %get3A_810 : vector<1x1x16xf32> to vector<16xf32>
        %bitcast_convert_type3A_812 = tpu.bitcast %get3A_805 : vector<16xf32> -> vector<16xi32>
        %bitcast_convert_type3A_813 = tpu.bitcast %get3A_811 : vector<16xf32> -> vector<16xi32>
        %add3A_814 = arith.constant 32768 : i32
        %add3A_815 = vector.broadcast %add3A_814 : i32 to vector<16xi32>
        %add3A_816 = arith.addi %bitcast_convert_type3A_812, %add3A_815 : vector<16xi32>
        %shift_right_logical3A_817 = arith.constant 16 : i32
        %shift_right_logical3A_818 = vector.broadcast %shift_right_logical3A_817 : i32 to vector<16xi32>
        %shift_right_logical3A_819 = arith.shrui %add3A_816, %shift_right_logical3A_818 : vector<16xi32>
        %add3A_820 = arith.constant 32768 : i32
        %add3A_821 = vector.broadcast %add3A_820 : i32 to vector<16xi32>
        %add3A_822 = arith.addi %bitcast_convert_type3A_813, %add3A_821 : vector<16xi32>
        %and3A_823 = arith.constant -65536 : i32
        %and3A_824 = vector.broadcast %and3A_823 : i32 to vector<16xi32>
        %and3A_825 = arith.andi %add3A_822, %and3A_824 : vector<16xi32>
        %or3A_826 = arith.ori %shift_right_logical3A_819, %and3A_825 : vector<16xi32>
        %swap3A_827 = arith.constant 0 : i32
        %swap3A_828 = arith.index_cast %swap3A_827 : i32 to index
        %swap3A_829 = arith.index_cast %add3A_765 : i32 to index
        %swap3A_830 = arith.constant 16 : index
        %swap3A_831 = tpu.vector_load %arg5[%swap3A_828, %swap3A_829, %swap3A_830] {strides = array<i32>} : memref<2x125x64xi32, #tpu.memory_space<vmem>>, vector<1x1x16xi32>,
        %swap3A_832 = vector.shape_cast %swap3A_831 : vector<1x1x16xi32> to vector<16xi32>
        %swap3A_833 = vector.shape_cast %or3A_826 : vector<16xi32> to vector<1x1x16xi32>
        tpu.vector_store %arg5[%swap3A_828, %swap3A_829, %swap3A_830], %swap3A_833 {strides = array<i32>} : memref<2x125x64xi32, #tpu.memory_space<vmem>>, vector<1x1x16xi32>,
        %get3A_834 = arith.constant 0 : i32
        %get3A_835 = arith.index_cast %get3A_834 : i32 to index
        %get3A_836 = arith.index_cast %add3A_765 : i32 to index
        %get3A_837 = arith.constant 32 : index
        %get3A_838 = tpu.vector_load %arg4[%get3A_835, %get3A_836, %get3A_837] {strides = array<i32>} : memref<2x125x128xf32, #tpu.memory_space<vmem>>, vector<1x1x16xf32>,
        %get3A_839 = vector.shape_cast %get3A_838 : vector<1x1x16xf32> to vector<16xf32>
        %get3A_840 = arith.constant 0 : i32
        %get3A_841 = arith.index_cast %get3A_840 : i32 to index
        %get3A_842 = arith.index_cast %add3A_765 : i32 to index
        %get3A_843 = arith.constant 96 : index
        %get3A_844 = tpu.vector_load %arg4[%get3A_841, %get3A_842, %get3A_843] {strides = array<i32>} : memref<2x125x128xf32, #tpu.memory_space<vmem>>, vector<1x1x16xf32>,
        %get3A_845 = vector.shape_cast %get3A_844 : vector<1x1x16xf32> to vector<16xf32>
        %bitcast_convert_type3A_846 = tpu.bitcast %get3A_839 : vector<16xf32> -> vector<16xi32>
        %bitcast_convert_type3A_847 = tpu.bitcast %get3A_845 : vector<16xf32> -> vector<16xi32>
        %add3A_848 = arith.constant 32768 : i32
        %add3A_849 = vector.broadcast %add3A_848 : i32 to vector<16xi32>
        %add3A_850 = arith.addi %bitcast_convert_type3A_846, %add3A_849 : vector<16xi32>
        %shift_right_logical3A_851 = arith.constant 16 : i32
        %shift_right_logical3A_852 = vector.broadcast %shift_right_logical3A_851 : i32 to vector<16xi32>
        %shift_right_logical3A_853 = arith.shrui %add3A_850, %shift_right_logical3A_852 : vector<16xi32>
        %add3A_854 = arith.constant 32768 : i32
        %add3A_855 = vector.broadcast %add3A_854 : i32 to vector<16xi32>
        %add3A_856 = arith.addi %bitcast_convert_type3A_847, %add3A_855 : vector<16xi32>
        %and3A_857 = arith.constant -65536 : i32
        %and3A_858 = vector.broadcast %and3A_857 : i32 to vector<16xi32>
        %and3A_859 = arith.andi %add3A_856, %and3A_858 : vector<16xi32>
        %or3A_860 = arith.ori %shift_right_logical3A_853, %and3A_859 : vector<16xi32>
        %swap3A_861 = arith.constant 0 : i32
        %swap3A_862 = arith.index_cast %swap3A_861 : i32 to index
        %swap3A_863 = arith.index_cast %add3A_765 : i32 to index
        %swap3A_864 = arith.constant 32 : index
        %swap3A_865 = tpu.vector_load %arg5[%swap3A_862, %swap3A_863, %swap3A_864] {strides = array<i32>} : memref<2x125x64xi32, #tpu.memory_space<vmem>>, vector<1x1x16xi32>,
        %swap3A_866 = vector.shape_cast %swap3A_865 : vector<1x1x16xi32> to vector<16xi32>
        %swap3A_867 = vector.shape_cast %or3A_860 : vector<16xi32> to vector<1x1x16xi32>
        tpu.vector_store %arg5[%swap3A_862, %swap3A_863, %swap3A_864], %swap3A_867 {strides = array<i32>} : memref<2x125x64xi32, #tpu.memory_space<vmem>>, vector<1x1x16xi32>,
        %get3A_868 = arith.constant 0 : i32
        %get3A_869 = arith.index_cast %get3A_868 : i32 to index
        %get3A_870 = arith.index_cast %add3A_765 : i32 to index
        %get3A_871 = arith.constant 48 : index
        %get3A_872 = tpu.vector_load %arg4[%get3A_869, %get3A_870, %get3A_871] {strides = array<i32>} : memref<2x125x128xf32, #tpu.memory_space<vmem>>, vector<1x1x16xf32>,
        %get3A_873 = vector.shape_cast %get3A_872 : vector<1x1x16xf32> to vector<16xf32>
        %get3A_874 = arith.constant 0 : i32
        %get3A_875 = arith.index_cast %get3A_874 : i32 to index
        %get3A_876 = arith.index_cast %add3A_765 : i32 to index
        %get3A_877 = arith.constant 112 : index
        %get3A_878 = tpu.vector_load %arg4[%get3A_875, %get3A_876, %get3A_877] {strides = array<i32>} : memref<2x125x128xf32, #tpu.memory_space<vmem>>, vector<1x1x16xf32>,
        %get3A_879 = vector.shape_cast %get3A_878 : vector<1x1x16xf32> to vector<16xf32>
        %bitcast_convert_type3A_880 = tpu.bitcast %get3A_873 : vector<16xf32> -> vector<16xi32>
        %bitcast_convert_type3A_881 = tpu.bitcast %get3A_879 : vector<16xf32> -> vector<16xi32>
        %add3A_882 = arith.constant 32768 : i32
        %add3A_883 = vector.broadcast %add3A_882 : i32 to vector<16xi32>
        %add3A_884 = arith.addi %bitcast_convert_type3A_880, %add3A_883 : vector<16xi32>
        %shift_right_logical3A_885 = arith.constant 16 : i32
        %shift_right_logical3A_886 = vector.broadcast %shift_right_logical3A_885 : i32 to vector<16xi32>
        %shift_right_logical3A_887 = arith.shrui %add3A_884, %shift_right_logical3A_886 : vector<16xi32>
        %add3A_888 = arith.constant 32768 : i32
        %add3A_889 = vector.broadcast %add3A_888 : i32 to vector<16xi32>
        %add3A_890 = arith.addi %bitcast_convert_type3A_881, %add3A_889 : vector<16xi32>
        %and3A_891 = arith.constant -65536 : i32
        %and3A_892 = vector.broadcast %and3A_891 : i32 to vector<16xi32>
        %and3A_893 = arith.andi %add3A_890, %and3A_892 : vector<16xi32>
        %or3A_894 = arith.ori %shift_right_logical3A_887, %and3A_893 : vector<16xi32>
        %swap3A_895 = arith.constant 0 : i32
        %swap3A_896 = arith.index_cast %swap3A_895 : i32 to index
        %swap3A_897 = arith.index_cast %add3A_765 : i32 to index
        %swap3A_898 = arith.constant 48 : index
        %swap3A_899 = tpu.vector_load %arg5[%swap3A_896, %swap3A_897, %swap3A_898] {strides = array<i32>} : memref<2x125x64xi32, #tpu.memory_space<vmem>>, vector<1x1x16xi32>,
        %swap3A_900 = vector.shape_cast %swap3A_899 : vector<1x1x16xi32> to vector<16xi32>
        %swap3A_901 = vector.shape_cast %or3A_894 : vector<16xi32> to vector<1x1x16xi32>
        tpu.vector_store %arg5[%swap3A_896, %swap3A_897, %swap3A_898], %swap3A_901 {strides = array<i32>} : memref<2x125x64xi32, #tpu.memory_space<vmem>>, vector<1x1x16xi32>,
      }
      %scan3A_132 = arith.constant 25 : i32
      %gt3A = arith.constant 0 : i32
      %gt3A_133 = arith.cmpi sgt, %scan3A_102, %gt3A : i32
      %convert_element_type3A_134 = arith.extui %gt3A_133 : i1 to i32
      %cond3A_135 = arith.constant 0 : i32
      %cond3A_136 = arith.cmpi ne, %convert_element_type3A_134, %cond3A_135 : i32
      scf.if %cond3A_136 {
        %mul3A_207 = arith.constant 125 : i32
        %mul3A_208 = arith.muli %mul3A_207, %add3A_106 : i32
        %add3A_209 = arith.addi %mul3A_2, %mul3A_208 : i32
        %dma_wait3A_210 = arith.constant 0 : i32
        %dma_wait3A_211 = arith.constant 0 : i32
        %dma_wait3A_212 = arith.constant 0 : i32
        %dma_wait3A_213 = tpu.memref_slice %arg5[%dma_wait3A_210, %dma_wait3A_211, %dma_wait3A_212] : memref<2x125x64xi32, #tpu.memory_space<vmem>> -> memref<1x125x64xi32, #tpu.memory_space<vmem>>
        %dma_wait3A_214 = tpu.memref_squeeze %dma_wait3A_213 : memref<1x125x64xi32, #tpu.memory_space<vmem>> -> memref<125x64xi32, #tpu.memory_space<vmem>>
        %dma_wait3A_215 = arith.constant 0 : i32
        %dma_wait3A_216 = tpu.memref_slice %arg3[%add3A_209, %dma_wait3A_215] : memref<100000x64xi32, #tpu.memory_space<hbm>> -> memref<125x64xi32, #tpu.memory_space<hbm>>
        %dma_wait3A_217 = arith.constant 0 : i32
        %dma_wait3A_218 = tpu.memref_slice %arg3[%add3A_209, %dma_wait3A_217] : memref<100000x64xi32, #tpu.memory_space<hbm>> -> memref<125x64xi32, #tpu.memory_space<hbm>>
        %dma_wait3A_219 = arith.constant 0 : i32
        %dma_wait3A_220 = arith.constant 0 : i32
        %dma_wait3A_221 = tpu.memref_slice %arg5[%dma_wait3A_210, %dma_wait3A_219, %dma_wait3A_220] : memref<2x125x64xi32, #tpu.memory_space<vmem>> -> memref<1x125x64xi32, #tpu.memory_space<vmem>>
        %dma_wait3A_222 = tpu.memref_squeeze %dma_wait3A_221 : memref<1x125x64xi32, #tpu.memory_space<vmem>> -> memref<125x64xi32, #tpu.memory_space<vmem>>
        tpu.wait_dma2 semaphore(%arg8 : memref<!tpu.dma_semaphore, #tpu.memory_space<semaphore_mem>>) src(%dma_wait3A_222 : memref<125x64xi32, #tpu.memory_space<vmem>>) dst(%dma_wait3A_218 : memref<125x64xi32, #tpu.memory_space<hbm>>)
      } else {
      }
      %mul3A_137 = arith.constant 125 : i32
      %mul3A_138 = arith.muli %mul3A_137, %add3A_106 : i32
      %add3A_139 = arith.addi %mul3A_2, %mul3A_138 : i32
      %dma_start3A_140 = arith.constant 0 : i32
      %dma_start3A_141 = arith.constant 0 : i32
      %dma_start3A_142 = arith.constant 0 : i32
      %dma_start3A_143 = tpu.memref_slice %arg5[%dma_start3A_140, %dma_start3A_141, %dma_start3A_142] : memref<2x125x64xi32, #tpu.memory_space<vmem>> -> memref<1x125x64xi32, #tpu.memory_space<vmem>>
      %dma_start3A_144 = tpu.memref_squeeze %dma_start3A_143 : memref<1x125x64xi32, #tpu.memory_space<vmem>> -> memref<125x64xi32, #tpu.memory_space<vmem>>
      %dma_start3A_145 = arith.constant 0 : i32
      %dma_start3A_146 = tpu.memref_slice %arg3[%add3A_139, %dma_start3A_145] : memref<100000x64xi32, #tpu.memory_space<hbm>> -> memref<125x64xi32, #tpu.memory_space<hbm>>
      %dma_start3A_147 = arith.constant 0 : i32
      %dma_start3A_148 = tpu.memref_slice %arg3[%add3A_139, %dma_start3A_147] : memref<100000x64xi32, #tpu.memory_space<hbm>> -> memref<125x64xi32, #tpu.memory_space<hbm>>
      %dma_start3A_149 = arith.constant 0 : i32
      %dma_start3A_150 = arith.constant 0 : i32
      %dma_start3A_151 = tpu.memref_slice %arg5[%dma_start3A_140, %dma_start3A_149, %dma_start3A_150] : memref<2x125x64xi32, #tpu.memory_space<vmem>> -> memref<1x125x64xi32, #tpu.memory_space<vmem>>
      %dma_start3A_152 = tpu.memref_squeeze %dma_start3A_151 : memref<1x125x64xi32, #tpu.memory_space<vmem>> -> memref<125x64xi32, #tpu.memory_space<vmem>>
      tpu.enqueue_dma source(%dma_start3A_152 : memref<125x64xi32, #tpu.memory_space<vmem>>) target(%dma_start3A_148 : memref<125x64xi32, #tpu.memory_space<hbm>>) target_semaphore(%arg8 : memref<!tpu.dma_semaphore, #tpu.memory_space<semaphore_mem>>)
      %mul3A_153 = arith.constant 2 : i32
      %mul3A_154 = arith.muli %mul3A_153, %scan3A_102 : i32
      %add3A_155 = arith.constant 1 : i32
      %add3A_156 = arith.addi %mul3A_154, %add3A_155 : i32
      %add3A_157 = arith.constant 1 : i32
      %add3A_158 = arith.addi %add3A_156, %add3A_157 : i32
      %lt3A_159 = arith.constant 25 : i32
      %lt3A_160 = arith.cmpi slt, %add3A_158, %lt3A_159 : i32
      %convert_element_type3A_161 = arith.extui %lt3A_160 : i1 to i32
      %cond3A_162 = arith.constant 0 : i32
      %cond3A_163 = arith.cmpi ne, %convert_element_type3A_161, %cond3A_162 : i32
      scf.if %cond3A_163 {
        %add3A_207 = arith.constant 1 : i32
        %add3A_208 = arith.addi %add3A_156, %add3A_207 : i32
        %mul3A_209 = arith.constant 125 : i32
        %mul3A_210 = arith.muli %mul3A_209, %add3A_208 : i32
        %add3A_211 = arith.addi %mul3A_2, %mul3A_210 : i32
        %dma_start3A_212 = arith.constant 0 : i32
        %dma_start3A_213 = arith.constant 0 : i32
        %dma_start3A_214 = arith.constant 0 : i32
        %dma_start3A_215 = tpu.memref_slice %arg4[%dma_start3A_212, %dma_start3A_213, %dma_start3A_214] : memref<2x125x128xf32, #tpu.memory_space<vmem>> -> memref<1x125x128xf32, #tpu.memory_space<vmem>>
        %dma_start3A_216 = tpu.memref_squeeze %dma_start3A_215 : memref<1x125x128xf32, #tpu.memory_space<vmem>> -> memref<125x128xf32, #tpu.memory_space<vmem>>
        %dma_start3A_217 = arith.constant 0 : i32
        %dma_start3A_218 = tpu.memref_slice %arg2[%add3A_211, %dma_start3A_217] : memref<100000x128xf32, #tpu.memory_space<hbm>> -> memref<125x128xf32, #tpu.memory_space<hbm>>
        %dma_start3A_219 = arith.constant 0 : i32
        %dma_start3A_220 = arith.constant 0 : i32
        %dma_start3A_221 = tpu.memref_slice %arg4[%dma_start3A_212, %dma_start3A_219, %dma_start3A_220] : memref<2x125x128xf32, #tpu.memory_space<vmem>> -> memref<1x125x128xf32, #tpu.memory_space<vmem>>
        %dma_start3A_222 = tpu.memref_squeeze %dma_start3A_221 : memref<1x125x128xf32, #tpu.memory_space<vmem>> -> memref<125x128xf32, #tpu.memory_space<vmem>>
        %dma_start3A_223 = arith.constant 0 : i32
        %dma_start3A_224 = tpu.memref_slice %arg2[%add3A_211, %dma_start3A_223] : memref<100000x128xf32, #tpu.memory_space<hbm>> -> memref<125x128xf32, #tpu.memory_space<hbm>>
        tpu.enqueue_dma source(%dma_start3A_224 : memref<125x128xf32, #tpu.memory_space<hbm>>) target(%dma_start3A_222 : memref<125x128xf32, #tpu.memory_space<vmem>>) target_semaphore(%arg6 : memref<!tpu.dma_semaphore, #tpu.memory_space<semaphore_mem>>)
      } else {
      }
      %mul3A_164 = arith.constant 125 : i32
      %mul3A_165 = arith.muli %mul3A_164, %add3A_156 : i32
      %add3A_166 = arith.addi %mul3A_2, %mul3A_165 : i32
      %dma_wait3A_167 = arith.constant 1 : i32
      %dma_wait3A_168 = arith.constant 0 : i32
      %dma_wait3A_169 = arith.constant 0 : i32
      %dma_wait3A_170 = tpu.memref_slice %arg4[%dma_wait3A_167, %dma_wait3A_168, %dma_wait3A_169] : memref<2x125x128xf32, #tpu.memory_space<vmem>> -> memref<1x125x128xf32, #tpu.memory_space<vmem>>
      %dma_wait3A_171 = tpu.memref_squeeze %dma_wait3A_170 : memref<1x125x128xf32, #tpu.memory_space<vmem>> -> memref<125x128xf32, #tpu.memory_space<vmem>>
      %dma_wait3A_172 = arith.constant 0 : i32
      %dma_wait3A_173 = tpu.memref_slice %arg2[%add3A_166, %dma_wait3A_172] : memref<100000x128xf32, #tpu.memory_space<hbm>> -> memref<125x128xf32, #tpu.memory_space<hbm>>
      %dma_wait3A_174 = arith.constant 0 : i32
      %dma_wait3A_175 = arith.constant 0 : i32
      %dma_wait3A_176 = tpu.memref_slice %arg4[%dma_wait3A_167, %dma_wait3A_174, %dma_wait3A_175] : memref<2x125x128xf32, #tpu.memory_space<vmem>> -> memref<1x125x128xf32, #tpu.memory_space<vmem>>
      %dma_wait3A_177 = tpu.memref_squeeze %dma_wait3A_176 : memref<1x125x128xf32, #tpu.memory_space<vmem>> -> memref<125x128xf32, #tpu.memory_space<vmem>>
      %dma_wait3A_178 = arith.constant 0 : i32
      %dma_wait3A_179 = tpu.memref_slice %arg2[%add3A_166, %dma_wait3A_178] : memref<100000x128xf32, #tpu.memory_space<hbm>> -> memref<125x128xf32, #tpu.memory_space<hbm>>
      tpu.wait_dma2 semaphore(%arg7 : memref<!tpu.dma_semaphore, #tpu.memory_space<semaphore_mem>>) src(%dma_wait3A_179 : memref<125x128xf32, #tpu.memory_space<hbm>>) dst(%dma_wait3A_177 : memref<125x128xf32, #tpu.memory_space<vmem>>)
      %scan3A_180 = arith.constant 0 : i32
      %scan3A_181 = arith.constant 0 : i32
      %scan3A_182 = arith.constant 25 : i32
      %scan3A_183 = arith.addi %scan3A_181, %scan3A_182 : i32
      %scan3A_184 = arith.constant 1 : i32
      scf.for %scan3A_207 = %scan3A_181 to %scan3A_183 step %scan3A_184  : i32 {
        %mul3A_208 = arith.constant 5 : i32
        %mul3A_209 = arith.muli %mul3A_208, %scan3A_207 : i32
        %add3A_210 = arith.constant 0 : i32
        %add3A_211 = arith.addi %mul3A_209, %add3A_210 : i32
        %get3A = arith.constant 1 : i32
        %get3A_212 = arith.index_cast %get3A : i32 to index
        %get3A_213 = arith.index_cast %add3A_211 : i32 to index
        %get3A_214 = arith.constant 0 : index
        %get3A_215 = tpu.vector_load %arg4[%get3A_212, %get3A_213, %get3A_214] {strides = array<i32>} : memref<2x125x128xf32, #tpu.memory_space<vmem>>, vector<1x1x16xf32>,
        %get3A_216 = vector.shape_cast %get3A_215 : vector<1x1x16xf32> to vector<16xf32>
        %get3A_217 = arith.constant 1 : i32
        %get3A_218 = arith.index_cast %get3A_217 : i32 to index
        %get3A_219 = arith.index_cast %add3A_211 : i32 to index
        %get3A_220 = arith.constant 64 : index
        %get3A_221 = tpu.vector_load %arg4[%get3A_218, %get3A_219, %get3A_220] {strides = array<i32>} : memref<2x125x128xf32, #tpu.memory_space<vmem>>, vector<1x1x16xf32>,
        %get3A_222 = vector.shape_cast %get3A_221 : vector<1x1x16xf32> to vector<16xf32>
        %bitcast_convert_type3A = tpu.bitcast %get3A_216 : vector<16xf32> -> vector<16xi32>
        %bitcast_convert_type3A_223 = tpu.bitcast %get3A_222 : vector<16xf32> -> vector<16xi32>
        %add3A_224 = arith.constant 32768 : i32
        %add3A_225 = vector.broadcast %add3A_224 : i32 to vector<16xi32>
        %add3A_226 = arith.addi %bitcast_convert_type3A, %add3A_225 : vector<16xi32>
        %shift_right_logical3A = arith.constant 16 : i32
        %shift_right_logical3A_227 = vector.broadcast %shift_right_logical3A : i32 to vector<16xi32>
        %shift_right_logical3A_228 = arith.shrui %add3A_226, %shift_right_logical3A_227 : vector<16xi32>
        %add3A_229 = arith.constant 32768 : i32
        %add3A_230 = vector.broadcast %add3A_229 : i32 to vector<16xi32>
        %add3A_231 = arith.addi %bitcast_convert_type3A_223, %add3A_230 : vector<16xi32>
        %and3A = arith.constant -65536 : i32
        %and3A_232 = vector.broadcast %and3A : i32 to vector<16xi32>
        %and3A_233 = arith.andi %add3A_231, %and3A_232 : vector<16xi32>
        %or3A = arith.ori %shift_right_logical3A_228, %and3A_233 : vector<16xi32>
        %swap3A = arith.constant 1 : i32
        %swap3A_234 = arith.index_cast %swap3A : i32 to index
        %swap3A_235 = arith.index_cast %add3A_211 : i32 to index
        %swap3A_236 = arith.constant 0 : index
        %swap3A_237 = tpu.vector_load %arg5[%swap3A_234, %swap3A_235, %swap3A_236] {strides = array<i32>} : memref<2x125x64xi32, #tpu.memory_space<vmem>>, vector<1x1x16xi32>,
        %swap3A_238 = vector.shape_cast %swap3A_237 : vector<1x1x16xi32> to vector<16xi32>
        %swap3A_239 = vector.shape_cast %or3A : vector<16xi32> to vector<1x1x16xi32>
        tpu.vector_store %arg5[%swap3A_234, %swap3A_235, %swap3A_236], %swap3A_239 {strides = array<i32>} : memref<2x125x64xi32, #tpu.memory_space<vmem>>, vector<1x1x16xi32>,
        %get3A_240 = arith.constant 1 : i32
        %get3A_241 = arith.index_cast %get3A_240 : i32 to index
        %get3A_242 = arith.index_cast %add3A_211 : i32 to index
        %get3A_243 = arith.constant 16 : index
        %get3A_244 = tpu.vector_load %arg4[%get3A_241, %get3A_242, %get3A_243] {strides = array<i32>} : memref<2x125x128xf32, #tpu.memory_space<vmem>>, vector<1x1x16xf32>,
        %get3A_245 = vector.shape_cast %get3A_244 : vector<1x1x16xf32> to vector<16xf32>
        %get3A_246 = arith.constant 1 : i32
        %get3A_247 = arith.index_cast %get3A_246 : i32 to index
        %get3A_248 = arith.index_cast %add3A_211 : i32 to index
        %get3A_249 = arith.constant 80 : index
        %get3A_250 = tpu.vector_load %arg4[%get3A_247, %get3A_248, %get3A_249] {strides = array<i32>} : memref<2x125x128xf32, #tpu.memory_space<vmem>>, vector<1x1x16xf32>,
        %get3A_251 = vector.shape_cast %get3A_250 : vector<1x1x16xf32> to vector<16xf32>
        %bitcast_convert_type3A_252 = tpu.bitcast %get3A_245 : vector<16xf32> -> vector<16xi32>
        %bitcast_convert_type3A_253 = tpu.bitcast %get3A_251 : vector<16xf32> -> vector<16xi32>
        %add3A_254 = arith.constant 32768 : i32
        %add3A_255 = vector.broadcast %add3A_254 : i32 to vector<16xi32>
        %add3A_256 = arith.addi %bitcast_convert_type3A_252, %add3A_255 : vector<16xi32>
        %shift_right_logical3A_257 = arith.constant 16 : i32
        %shift_right_logical3A_258 = vector.broadcast %shift_right_logical3A_257 : i32 to vector<16xi32>
        %shift_right_logical3A_259 = arith.shrui %add3A_256, %shift_right_logical3A_258 : vector<16xi32>
        %add3A_260 = arith.constant 32768 : i32
        %add3A_261 = vector.broadcast %add3A_260 : i32 to vector<16xi32>
        %add3A_262 = arith.addi %bitcast_convert_type3A_253, %add3A_261 : vector<16xi32>
        %and3A_263 = arith.constant -65536 : i32
        %and3A_264 = vector.broadcast %and3A_263 : i32 to vector<16xi32>
        %and3A_265 = arith.andi %add3A_262, %and3A_264 : vector<16xi32>
        %or3A_266 = arith.ori %shift_right_logical3A_259, %and3A_265 : vector<16xi32>
        %swap3A_267 = arith.constant 1 : i32
        %swap3A_268 = arith.index_cast %swap3A_267 : i32 to index
        %swap3A_269 = arith.index_cast %add3A_211 : i32 to index
        %swap3A_270 = arith.constant 16 : index
        %swap3A_271 = tpu.vector_load %arg5[%swap3A_268, %swap3A_269, %swap3A_270] {strides = array<i32>} : memref<2x125x64xi32, #tpu.memory_space<vmem>>, vector<1x1x16xi32>,
        %swap3A_272 = vector.shape_cast %swap3A_271 : vector<1x1x16xi32> to vector<16xi32>
        %swap3A_273 = vector.shape_cast %or3A_266 : vector<16xi32> to vector<1x1x16xi32>
        tpu.vector_store %arg5[%swap3A_268, %swap3A_269, %swap3A_270], %swap3A_273 {strides = array<i32>} : memref<2x125x64xi32, #tpu.memory_space<vmem>>, vector<1x1x16xi32>,
        %get3A_274 = arith.constant 1 : i32
        %get3A_275 = arith.index_cast %get3A_274 : i32 to index
        %get3A_276 = arith.index_cast %add3A_211 : i32 to index
        %get3A_277 = arith.constant 32 : index
        %get3A_278 = tpu.vector_load %arg4[%get3A_275, %get3A_276, %get3A_277] {strides = array<i32>} : memref<2x125x128xf32, #tpu.memory_space<vmem>>, vector<1x1x16xf32>,
        %get3A_279 = vector.shape_cast %get3A_278 : vector<1x1x16xf32> to vector<16xf32>
        %get3A_280 = arith.constant 1 : i32
        %get3A_281 = arith.index_cast %get3A_280 : i32 to index
        %get3A_282 = arith.index_cast %add3A_211 : i32 to index
        %get3A_283 = arith.constant 96 : index
        %get3A_284 = tpu.vector_load %arg4[%get3A_281, %get3A_282, %get3A_283] {strides = array<i32>} : memref<2x125x128xf32, #tpu.memory_space<vmem>>, vector<1x1x16xf32>,
        %get3A_285 = vector.shape_cast %get3A_284 : vector<1x1x16xf32> to vector<16xf32>
        %bitcast_convert_type3A_286 = tpu.bitcast %get3A_279 : vector<16xf32> -> vector<16xi32>
        %bitcast_convert_type3A_287 = tpu.bitcast %get3A_285 : vector<16xf32> -> vector<16xi32>
        %add3A_288 = arith.constant 32768 : i32
        %add3A_289 = vector.broadcast %add3A_288 : i32 to vector<16xi32>
        %add3A_290 = arith.addi %bitcast_convert_type3A_286, %add3A_289 : vector<16xi32>
        %shift_right_logical3A_291 = arith.constant 16 : i32
        %shift_right_logical3A_292 = vector.broadcast %shift_right_logical3A_291 : i32 to vector<16xi32>
        %shift_right_logical3A_293 = arith.shrui %add3A_290, %shift_right_logical3A_292 : vector<16xi32>
        %add3A_294 = arith.constant 32768 : i32
        %add3A_295 = vector.broadcast %add3A_294 : i32 to vector<16xi32>
        %add3A_296 = arith.addi %bitcast_convert_type3A_287, %add3A_295 : vector<16xi32>
        %and3A_297 = arith.constant -65536 : i32
        %and3A_298 = vector.broadcast %and3A_297 : i32 to vector<16xi32>
        %and3A_299 = arith.andi %add3A_296, %and3A_298 : vector<16xi32>
        %or3A_300 = arith.ori %shift_right_logical3A_293, %and3A_299 : vector<16xi32>
        %swap3A_301 = arith.constant 1 : i32
        %swap3A_302 = arith.index_cast %swap3A_301 : i32 to index
        %swap3A_303 = arith.index_cast %add3A_211 : i32 to index
        %swap3A_304 = arith.constant 32 : index
        %swap3A_305 = tpu.vector_load %arg5[%swap3A_302, %swap3A_303, %swap3A_304] {strides = array<i32>} : memref<2x125x64xi32, #tpu.memory_space<vmem>>, vector<1x1x16xi32>,
        %swap3A_306 = vector.shape_cast %swap3A_305 : vector<1x1x16xi32> to vector<16xi32>
        %swap3A_307 = vector.shape_cast %or3A_300 : vector<16xi32> to vector<1x1x16xi32>
        tpu.vector_store %arg5[%swap3A_302, %swap3A_303, %swap3A_304], %swap3A_307 {strides = array<i32>} : memref<2x125x64xi32, #tpu.memory_space<vmem>>, vector<1x1x16xi32>,
        %get3A_308 = arith.constant 1 : i32
        %get3A_309 = arith.index_cast %get3A_308 : i32 to index
        %get3A_310 = arith.index_cast %add3A_211 : i32 to index
        %get3A_311 = arith.constant 48 : index
        %get3A_312 = tpu.vector_load %arg4[%get3A_309, %get3A_310, %get3A_311] {strides = array<i32>} : memref<2x125x128xf32, #tpu.memory_space<vmem>>, vector<1x1x16xf32>,
        %get3A_313 = vector.shape_cast %get3A_312 : vector<1x1x16xf32> to vector<16xf32>
        %get3A_314 = arith.constant 1 : i32
        %get3A_315 = arith.index_cast %get3A_314 : i32 to index
        %get3A_316 = arith.index_cast %add3A_211 : i32 to index
        %get3A_317 = arith.constant 112 : index
        %get3A_318 = tpu.vector_load %arg4[%get3A_315, %get3A_316, %get3A_317] {strides = array<i32>} : memref<2x125x128xf32, #tpu.memory_space<vmem>>, vector<1x1x16xf32>,
        %get3A_319 = vector.shape_cast %get3A_318 : vector<1x1x16xf32> to vector<16xf32>
        %bitcast_convert_type3A_320 = tpu.bitcast %get3A_313 : vector<16xf32> -> vector<16xi32>
        %bitcast_convert_type3A_321 = tpu.bitcast %get3A_319 : vector<16xf32> -> vector<16xi32>
        %add3A_322 = arith.constant 32768 : i32
        %add3A_323 = vector.broadcast %add3A_322 : i32 to vector<16xi32>
        %add3A_324 = arith.addi %bitcast_convert_type3A_320, %add3A_323 : vector<16xi32>
        %shift_right_logical3A_325 = arith.constant 16 : i32
        %shift_right_logical3A_326 = vector.broadcast %shift_right_logical3A_325 : i32 to vector<16xi32>
        %shift_right_logical3A_327 = arith.shrui %add3A_324, %shift_right_logical3A_326 : vector<16xi32>
        %add3A_328 = arith.constant 32768 : i32
        %add3A_329 = vector.broadcast %add3A_328 : i32 to vector<16xi32>
        %add3A_330 = arith.addi %bitcast_convert_type3A_321, %add3A_329 : vector<16xi32>
        %and3A_331 = arith.constant -65536 : i32
        %and3A_332 = vector.broadcast %and3A_331 : i32 to vector<16xi32>
        %and3A_333 = arith.andi %add3A_330, %and3A_332 : vector<16xi32>
        %or3A_334 = arith.ori %shift_right_logical3A_327, %and3A_333 : vector<16xi32>
        %swap3A_335 = arith.constant 1 : i32
        %swap3A_336 = arith.index_cast %swap3A_335 : i32 to index
        %swap3A_337 = arith.index_cast %add3A_211 : i32 to index
        %swap3A_338 = arith.constant 48 : index
        %swap3A_339 = tpu.vector_load %arg5[%swap3A_336, %swap3A_337, %swap3A_338] {strides = array<i32>} : memref<2x125x64xi32, #tpu.memory_space<vmem>>, vector<1x1x16xi32>,
        %swap3A_340 = vector.shape_cast %swap3A_339 : vector<1x1x16xi32> to vector<16xi32>
        %swap3A_341 = vector.shape_cast %or3A_334 : vector<16xi32> to vector<1x1x16xi32>
        tpu.vector_store %arg5[%swap3A_336, %swap3A_337, %swap3A_338], %swap3A_341 {strides = array<i32>} : memref<2x125x64xi32, #tpu.memory_space<vmem>>, vector<1x1x16xi32>,
        %mul3A_342 = arith.constant 5 : i32
        %mul3A_343 = arith.muli %mul3A_342, %scan3A_207 : i32
        %add3A_344 = arith.constant 1 : i32
        %add3A_345 = arith.addi %mul3A_343, %add3A_344 : i32
        %get3A_346 = arith.constant 1 : i32
        %get3A_347 = arith.index_cast %get3A_346 : i32 to index
        %get3A_348 = arith.index_cast %add3A_345 : i32 to index
        %get3A_349 = arith.constant 0 : index
        %get3A_350 = tpu.vector_load %arg4[%get3A_347, %get3A_348, %get3A_349] {strides = array<i32>} : memref<2x125x128xf32, #tpu.memory_space<vmem>>, vector<1x1x16xf32>,
        %get3A_351 = vector.shape_cast %get3A_350 : vector<1x1x16xf32> to vector<16xf32>
        %get3A_352 = arith.constant 1 : i32
        %get3A_353 = arith.index_cast %get3A_352 : i32 to index
        %get3A_354 = arith.index_cast %add3A_345 : i32 to index
        %get3A_355 = arith.constant 64 : index
        %get3A_356 = tpu.vector_load %arg4[%get3A_353, %get3A_354, %get3A_355] {strides = array<i32>} : memref<2x125x128xf32, #tpu.memory_space<vmem>>, vector<1x1x16xf32>,
        %get3A_357 = vector.shape_cast %get3A_356 : vector<1x1x16xf32> to vector<16xf32>
        %bitcast_convert_type3A_358 = tpu.bitcast %get3A_351 : vector<16xf32> -> vector<16xi32>
        %bitcast_convert_type3A_359 = tpu.bitcast %get3A_357 : vector<16xf32> -> vector<16xi32>
        %add3A_360 = arith.constant 32768 : i32
        %add3A_361 = vector.broadcast %add3A_360 : i32 to vector<16xi32>
        %add3A_362 = arith.addi %bitcast_convert_type3A_358, %add3A_361 : vector<16xi32>
        %shift_right_logical3A_363 = arith.constant 16 : i32
        %shift_right_logical3A_364 = vector.broadcast %shift_right_logical3A_363 : i32 to vector<16xi32>
        %shift_right_logical3A_365 = arith.shrui %add3A_362, %shift_right_logical3A_364 : vector<16xi32>
        %add3A_366 = arith.constant 32768 : i32
        %add3A_367 = vector.broadcast %add3A_366 : i32 to vector<16xi32>
        %add3A_368 = arith.addi %bitcast_convert_type3A_359, %add3A_367 : vector<16xi32>
        %and3A_369 = arith.constant -65536 : i32
        %and3A_370 = vector.broadcast %and3A_369 : i32 to vector<16xi32>
        %and3A_371 = arith.andi %add3A_368, %and3A_370 : vector<16xi32>
        %or3A_372 = arith.ori %shift_right_logical3A_365, %and3A_371 : vector<16xi32>
        %swap3A_373 = arith.constant 1 : i32
        %swap3A_374 = arith.index_cast %swap3A_373 : i32 to index
        %swap3A_375 = arith.index_cast %add3A_345 : i32 to index
        %swap3A_376 = arith.constant 0 : index
        %swap3A_377 = tpu.vector_load %arg5[%swap3A_374, %swap3A_375, %swap3A_376] {strides = array<i32>} : memref<2x125x64xi32, #tpu.memory_space<vmem>>, vector<1x1x16xi32>,
        %swap3A_378 = vector.shape_cast %swap3A_377 : vector<1x1x16xi32> to vector<16xi32>
        %swap3A_379 = vector.shape_cast %or3A_372 : vector<16xi32> to vector<1x1x16xi32>
        tpu.vector_store %arg5[%swap3A_374, %swap3A_375, %swap3A_376], %swap3A_379 {strides = array<i32>} : memref<2x125x64xi32, #tpu.memory_space<vmem>>, vector<1x1x16xi32>,
        %get3A_380 = arith.constant 1 : i32
        %get3A_381 = arith.index_cast %get3A_380 : i32 to index
        %get3A_382 = arith.index_cast %add3A_345 : i32 to index
        %get3A_383 = arith.constant 16 : index
        %get3A_384 = tpu.vector_load %arg4[%get3A_381, %get3A_382, %get3A_383] {strides = array<i32>} : memref<2x125x128xf32, #tpu.memory_space<vmem>>, vector<1x1x16xf32>,
        %get3A_385 = vector.shape_cast %get3A_384 : vector<1x1x16xf32> to vector<16xf32>
        %get3A_386 = arith.constant 1 : i32
        %get3A_387 = arith.index_cast %get3A_386 : i32 to index
        %get3A_388 = arith.index_cast %add3A_345 : i32 to index
        %get3A_389 = arith.constant 80 : index
        %get3A_390 = tpu.vector_load %arg4[%get3A_387, %get3A_388, %get3A_389] {strides = array<i32>} : memref<2x125x128xf32, #tpu.memory_space<vmem>>, vector<1x1x16xf32>,
        %get3A_391 = vector.shape_cast %get3A_390 : vector<1x1x16xf32> to vector<16xf32>
        %bitcast_convert_type3A_392 = tpu.bitcast %get3A_385 : vector<16xf32> -> vector<16xi32>
        %bitcast_convert_type3A_393 = tpu.bitcast %get3A_391 : vector<16xf32> -> vector<16xi32>
        %add3A_394 = arith.constant 32768 : i32
        %add3A_395 = vector.broadcast %add3A_394 : i32 to vector<16xi32>
        %add3A_396 = arith.addi %bitcast_convert_type3A_392, %add3A_395 : vector<16xi32>
        %shift_right_logical3A_397 = arith.constant 16 : i32
        %shift_right_logical3A_398 = vector.broadcast %shift_right_logical3A_397 : i32 to vector<16xi32>
        %shift_right_logical3A_399 = arith.shrui %add3A_396, %shift_right_logical3A_398 : vector<16xi32>
        %add3A_400 = arith.constant 32768 : i32
        %add3A_401 = vector.broadcast %add3A_400 : i32 to vector<16xi32>
        %add3A_402 = arith.addi %bitcast_convert_type3A_393, %add3A_401 : vector<16xi32>
        %and3A_403 = arith.constant -65536 : i32
        %and3A_404 = vector.broadcast %and3A_403 : i32 to vector<16xi32>
        %and3A_405 = arith.andi %add3A_402, %and3A_404 : vector<16xi32>
        %or3A_406 = arith.ori %shift_right_logical3A_399, %and3A_405 : vector<16xi32>
        %swap3A_407 = arith.constant 1 : i32
        %swap3A_408 = arith.index_cast %swap3A_407 : i32 to index
        %swap3A_409 = arith.index_cast %add3A_345 : i32 to index
        %swap3A_410 = arith.constant 16 : index
        %swap3A_411 = tpu.vector_load %arg5[%swap3A_408, %swap3A_409, %swap3A_410] {strides = array<i32>} : memref<2x125x64xi32, #tpu.memory_space<vmem>>, vector<1x1x16xi32>,
        %swap3A_412 = vector.shape_cast %swap3A_411 : vector<1x1x16xi32> to vector<16xi32>
        %swap3A_413 = vector.shape_cast %or3A_406 : vector<16xi32> to vector<1x1x16xi32>
        tpu.vector_store %arg5[%swap3A_408, %swap3A_409, %swap3A_410], %swap3A_413 {strides = array<i32>} : memref<2x125x64xi32, #tpu.memory_space<vmem>>, vector<1x1x16xi32>,
        %get3A_414 = arith.constant 1 : i32
        %get3A_415 = arith.index_cast %get3A_414 : i32 to index
        %get3A_416 = arith.index_cast %add3A_345 : i32 to index
        %get3A_417 = arith.constant 32 : index
        %get3A_418 = tpu.vector_load %arg4[%get3A_415, %get3A_416, %get3A_417] {strides = array<i32>} : memref<2x125x128xf32, #tpu.memory_space<vmem>>, vector<1x1x16xf32>,
        %get3A_419 = vector.shape_cast %get3A_418 : vector<1x1x16xf32> to vector<16xf32>
        %get3A_420 = arith.constant 1 : i32
        %get3A_421 = arith.index_cast %get3A_420 : i32 to index
        %get3A_422 = arith.index_cast %add3A_345 : i32 to index
        %get3A_423 = arith.constant 96 : index
        %get3A_424 = tpu.vector_load %arg4[%get3A_421, %get3A_422, %get3A_423] {strides = array<i32>} : memref<2x125x128xf32, #tpu.memory_space<vmem>>, vector<1x1x16xf32>,
        %get3A_425 = vector.shape_cast %get3A_424 : vector<1x1x16xf32> to vector<16xf32>
        %bitcast_convert_type3A_426 = tpu.bitcast %get3A_419 : vector<16xf32> -> vector<16xi32>
        %bitcast_convert_type3A_427 = tpu.bitcast %get3A_425 : vector<16xf32> -> vector<16xi32>
        %add3A_428 = arith.constant 32768 : i32
        %add3A_429 = vector.broadcast %add3A_428 : i32 to vector<16xi32>
        %add3A_430 = arith.addi %bitcast_convert_type3A_426, %add3A_429 : vector<16xi32>
        %shift_right_logical3A_431 = arith.constant 16 : i32
        %shift_right_logical3A_432 = vector.broadcast %shift_right_logical3A_431 : i32 to vector<16xi32>
        %shift_right_logical3A_433 = arith.shrui %add3A_430, %shift_right_logical3A_432 : vector<16xi32>
        %add3A_434 = arith.constant 32768 : i32
        %add3A_435 = vector.broadcast %add3A_434 : i32 to vector<16xi32>
        %add3A_436 = arith.addi %bitcast_convert_type3A_427, %add3A_435 : vector<16xi32>
        %and3A_437 = arith.constant -65536 : i32
        %and3A_438 = vector.broadcast %and3A_437 : i32 to vector<16xi32>
        %and3A_439 = arith.andi %add3A_436, %and3A_438 : vector<16xi32>
        %or3A_440 = arith.ori %shift_right_logical3A_433, %and3A_439 : vector<16xi32>
        %swap3A_441 = arith.constant 1 : i32
        %swap3A_442 = arith.index_cast %swap3A_441 : i32 to index
        %swap3A_443 = arith.index_cast %add3A_345 : i32 to index
        %swap3A_444 = arith.constant 32 : index
        %swap3A_445 = tpu.vector_load %arg5[%swap3A_442, %swap3A_443, %swap3A_444] {strides = array<i32>} : memref<2x125x64xi32, #tpu.memory_space<vmem>>, vector<1x1x16xi32>,
        %swap3A_446 = vector.shape_cast %swap3A_445 : vector<1x1x16xi32> to vector<16xi32>
        %swap3A_447 = vector.shape_cast %or3A_440 : vector<16xi32> to vector<1x1x16xi32>
        tpu.vector_store %arg5[%swap3A_442, %swap3A_443, %swap3A_444], %swap3A_447 {strides = array<i32>} : memref<2x125x64xi32, #tpu.memory_space<vmem>>, vector<1x1x16xi32>,
        %get3A_448 = arith.constant 1 : i32
        %get3A_449 = arith.index_cast %get3A_448 : i32 to index
        %get3A_450 = arith.index_cast %add3A_345 : i32 to index
        %get3A_451 = arith.constant 48 : index
        %get3A_452 = tpu.vector_load %arg4[%get3A_449, %get3A_450, %get3A_451] {strides = array<i32>} : memref<2x125x128xf32, #tpu.memory_space<vmem>>, vector<1x1x16xf32>,
        %get3A_453 = vector.shape_cast %get3A_452 : vector<1x1x16xf32> to vector<16xf32>
        %get3A_454 = arith.constant 1 : i32
        %get3A_455 = arith.index_cast %get3A_454 : i32 to index
        %get3A_456 = arith.index_cast %add3A_345 : i32 to index
        %get3A_457 = arith.constant 112 : index
        %get3A_458 = tpu.vector_load %arg4[%get3A_455, %get3A_456, %get3A_457] {strides = array<i32>} : memref<2x125x128xf32, #tpu.memory_space<vmem>>, vector<1x1x16xf32>,
        %get3A_459 = vector.shape_cast %get3A_458 : vector<1x1x16xf32> to vector<16xf32>
        %bitcast_convert_type3A_460 = tpu.bitcast %get3A_453 : vector<16xf32> -> vector<16xi32>
        %bitcast_convert_type3A_461 = tpu.bitcast %get3A_459 : vector<16xf32> -> vector<16xi32>
        %add3A_462 = arith.constant 32768 : i32
        %add3A_463 = vector.broadcast %add3A_462 : i32 to vector<16xi32>
        %add3A_464 = arith.addi %bitcast_convert_type3A_460, %add3A_463 : vector<16xi32>
        %shift_right_logical3A_465 = arith.constant 16 : i32
        %shift_right_logical3A_466 = vector.broadcast %shift_right_logical3A_465 : i32 to vector<16xi32>
        %shift_right_logical3A_467 = arith.shrui %add3A_464, %shift_right_logical3A_466 : vector<16xi32>
        %add3A_468 = arith.constant 32768 : i32
        %add3A_469 = vector.broadcast %add3A_468 : i32 to vector<16xi32>
        %add3A_470 = arith.addi %bitcast_convert_type3A_461, %add3A_469 : vector<16xi32>
        %and3A_471 = arith.constant -65536 : i32
        %and3A_472 = vector.broadcast %and3A_471 : i32 to vector<16xi32>
        %and3A_473 = arith.andi %add3A_470, %and3A_472 : vector<16xi32>
        %or3A_474 = arith.ori %shift_right_logical3A_467, %and3A_473 : vector<16xi32>
        %swap3A_475 = arith.constant 1 : i32
        %swap3A_476 = arith.index_cast %swap3A_475 : i32 to index
        %swap3A_477 = arith.index_cast %add3A_345 : i32 to index
        %swap3A_478 = arith.constant 48 : index
        %swap3A_479 = tpu.vector_load %arg5[%swap3A_476, %swap3A_477, %swap3A_478] {strides = array<i32>} : memref<2x125x64xi32, #tpu.memory_space<vmem>>, vector<1x1x16xi32>,
        %swap3A_480 = vector.shape_cast %swap3A_479 : vector<1x1x16xi32> to vector<16xi32>
        %swap3A_481 = vector.shape_cast %or3A_474 : vector<16xi32> to vector<1x1x16xi32>
        tpu.vector_store %arg5[%swap3A_476, %swap3A_477, %swap3A_478], %swap3A_481 {strides = array<i32>} : memref<2x125x64xi32, #tpu.memory_space<vmem>>, vector<1x1x16xi32>,
        %mul3A_482 = arith.constant 5 : i32
        %mul3A_483 = arith.muli %mul3A_482, %scan3A_207 : i32
        %add3A_484 = arith.constant 2 : i32
        %add3A_485 = arith.addi %mul3A_483, %add3A_484 : i32
        %get3A_486 = arith.constant 1 : i32
        %get3A_487 = arith.index_cast %get3A_486 : i32 to index
        %get3A_488 = arith.index_cast %add3A_485 : i32 to index
        %get3A_489 = arith.constant 0 : index
        %get3A_490 = tpu.vector_load %arg4[%get3A_487, %get3A_488, %get3A_489] {strides = array<i32>} : memref<2x125x128xf32, #tpu.memory_space<vmem>>, vector<1x1x16xf32>,
        %get3A_491 = vector.shape_cast %get3A_490 : vector<1x1x16xf32> to vector<16xf32>
        %get3A_492 = arith.constant 1 : i32
        %get3A_493 = arith.index_cast %get3A_492 : i32 to index
        %get3A_494 = arith.index_cast %add3A_485 : i32 to index
        %get3A_495 = arith.constant 64 : index
        %get3A_496 = tpu.vector_load %arg4[%get3A_493, %get3A_494, %get3A_495] {strides = array<i32>} : memref<2x125x128xf32, #tpu.memory_space<vmem>>, vector<1x1x16xf32>,
        %get3A_497 = vector.shape_cast %get3A_496 : vector<1x1x16xf32> to vector<16xf32>
        %bitcast_convert_type3A_498 = tpu.bitcast %get3A_491 : vector<16xf32> -> vector<16xi32>
        %bitcast_convert_type3A_499 = tpu.bitcast %get3A_497 : vector<16xf32> -> vector<16xi32>
        %add3A_500 = arith.constant 32768 : i32
        %add3A_501 = vector.broadcast %add3A_500 : i32 to vector<16xi32>
        %add3A_502 = arith.addi %bitcast_convert_type3A_498, %add3A_501 : vector<16xi32>
        %shift_right_logical3A_503 = arith.constant 16 : i32
        %shift_right_logical3A_504 = vector.broadcast %shift_right_logical3A_503 : i32 to vector<16xi32>
        %shift_right_logical3A_505 = arith.shrui %add3A_502, %shift_right_logical3A_504 : vector<16xi32>
        %add3A_506 = arith.constant 32768 : i32
        %add3A_507 = vector.broadcast %add3A_506 : i32 to vector<16xi32>
        %add3A_508 = arith.addi %bitcast_convert_type3A_499, %add3A_507 : vector<16xi32>
        %and3A_509 = arith.constant -65536 : i32
        %and3A_510 = vector.broadcast %and3A_509 : i32 to vector<16xi32>
        %and3A_511 = arith.andi %add3A_508, %and3A_510 : vector<16xi32>
        %or3A_512 = arith.ori %shift_right_logical3A_505, %and3A_511 : vector<16xi32>
        %swap3A_513 = arith.constant 1 : i32
        %swap3A_514 = arith.index_cast %swap3A_513 : i32 to index
        %swap3A_515 = arith.index_cast %add3A_485 : i32 to index
        %swap3A_516 = arith.constant 0 : index
        %swap3A_517 = tpu.vector_load %arg5[%swap3A_514, %swap3A_515, %swap3A_516] {strides = array<i32>} : memref<2x125x64xi32, #tpu.memory_space<vmem>>, vector<1x1x16xi32>,
        %swap3A_518 = vector.shape_cast %swap3A_517 : vector<1x1x16xi32> to vector<16xi32>
        %swap3A_519 = vector.shape_cast %or3A_512 : vector<16xi32> to vector<1x1x16xi32>
        tpu.vector_store %arg5[%swap3A_514, %swap3A_515, %swap3A_516], %swap3A_519 {strides = array<i32>} : memref<2x125x64xi32, #tpu.memory_space<vmem>>, vector<1x1x16xi32>,
        %get3A_520 = arith.constant 1 : i32
        %get3A_521 = arith.index_cast %get3A_520 : i32 to index
        %get3A_522 = arith.index_cast %add3A_485 : i32 to index
        %get3A_523 = arith.constant 16 : index
        %get3A_524 = tpu.vector_load %arg4[%get3A_521, %get3A_522, %get3A_523] {strides = array<i32>} : memref<2x125x128xf32, #tpu.memory_space<vmem>>, vector<1x1x16xf32>,
        %get3A_525 = vector.shape_cast %get3A_524 : vector<1x1x16xf32> to vector<16xf32>
        %get3A_526 = arith.constant 1 : i32
        %get3A_527 = arith.index_cast %get3A_526 : i32 to index
        %get3A_528 = arith.index_cast %add3A_485 : i32 to index
        %get3A_529 = arith.constant 80 : index
        %get3A_530 = tpu.vector_load %arg4[%get3A_527, %get3A_528, %get3A_529] {strides = array<i32>} : memref<2x125x128xf32, #tpu.memory_space<vmem>>, vector<1x1x16xf32>,
        %get3A_531 = vector.shape_cast %get3A_530 : vector<1x1x16xf32> to vector<16xf32>
        %bitcast_convert_type3A_532 = tpu.bitcast %get3A_525 : vector<16xf32> -> vector<16xi32>
        %bitcast_convert_type3A_533 = tpu.bitcast %get3A_531 : vector<16xf32> -> vector<16xi32>
        %add3A_534 = arith.constant 32768 : i32
        %add3A_535 = vector.broadcast %add3A_534 : i32 to vector<16xi32>
        %add3A_536 = arith.addi %bitcast_convert_type3A_532, %add3A_535 : vector<16xi32>
        %shift_right_logical3A_537 = arith.constant 16 : i32
        %shift_right_logical3A_538 = vector.broadcast %shift_right_logical3A_537 : i32 to vector<16xi32>
        %shift_right_logical3A_539 = arith.shrui %add3A_536, %shift_right_logical3A_538 : vector<16xi32>
        %add3A_540 = arith.constant 32768 : i32
        %add3A_541 = vector.broadcast %add3A_540 : i32 to vector<16xi32>
        %add3A_542 = arith.addi %bitcast_convert_type3A_533, %add3A_541 : vector<16xi32>
        %and3A_543 = arith.constant -65536 : i32
        %and3A_544 = vector.broadcast %and3A_543 : i32 to vector<16xi32>
        %and3A_545 = arith.andi %add3A_542, %and3A_544 : vector<16xi32>
        %or3A_546 = arith.ori %shift_right_logical3A_539, %and3A_545 : vector<16xi32>
        %swap3A_547 = arith.constant 1 : i32
        %swap3A_548 = arith.index_cast %swap3A_547 : i32 to index
        %swap3A_549 = arith.index_cast %add3A_485 : i32 to index
        %swap3A_550 = arith.constant 16 : index
        %swap3A_551 = tpu.vector_load %arg5[%swap3A_548, %swap3A_549, %swap3A_550] {strides = array<i32>} : memref<2x125x64xi32, #tpu.memory_space<vmem>>, vector<1x1x16xi32>,
        %swap3A_552 = vector.shape_cast %swap3A_551 : vector<1x1x16xi32> to vector<16xi32>
        %swap3A_553 = vector.shape_cast %or3A_546 : vector<16xi32> to vector<1x1x16xi32>
        tpu.vector_store %arg5[%swap3A_548, %swap3A_549, %swap3A_550], %swap3A_553 {strides = array<i32>} : memref<2x125x64xi32, #tpu.memory_space<vmem>>, vector<1x1x16xi32>,
        %get3A_554 = arith.constant 1 : i32
        %get3A_555 = arith.index_cast %get3A_554 : i32 to index
        %get3A_556 = arith.index_cast %add3A_485 : i32 to index
        %get3A_557 = arith.constant 32 : index
        %get3A_558 = tpu.vector_load %arg4[%get3A_555, %get3A_556, %get3A_557] {strides = array<i32>} : memref<2x125x128xf32, #tpu.memory_space<vmem>>, vector<1x1x16xf32>,
        %get3A_559 = vector.shape_cast %get3A_558 : vector<1x1x16xf32> to vector<16xf32>
        %get3A_560 = arith.constant 1 : i32
        %get3A_561 = arith.index_cast %get3A_560 : i32 to index
        %get3A_562 = arith.index_cast %add3A_485 : i32 to index
        %get3A_563 = arith.constant 96 : index
        %get3A_564 = tpu.vector_load %arg4[%get3A_561, %get3A_562, %get3A_563] {strides = array<i32>} : memref<2x125x128xf32, #tpu.memory_space<vmem>>, vector<1x1x16xf32>,
        %get3A_565 = vector.shape_cast %get3A_564 : vector<1x1x16xf32> to vector<16xf32>
        %bitcast_convert_type3A_566 = tpu.bitcast %get3A_559 : vector<16xf32> -> vector<16xi32>
        %bitcast_convert_type3A_567 = tpu.bitcast %get3A_565 : vector<16xf32> -> vector<16xi32>
        %add3A_568 = arith.constant 32768 : i32
        %add3A_569 = vector.broadcast %add3A_568 : i32 to vector<16xi32>
        %add3A_570 = arith.addi %bitcast_convert_type3A_566, %add3A_569 : vector<16xi32>
        %shift_right_logical3A_571 = arith.constant 16 : i32
        %shift_right_logical3A_572 = vector.broadcast %shift_right_logical3A_571 : i32 to vector<16xi32>
        %shift_right_logical3A_573 = arith.shrui %add3A_570, %shift_right_logical3A_572 : vector<16xi32>
        %add3A_574 = arith.constant 32768 : i32
        %add3A_575 = vector.broadcast %add3A_574 : i32 to vector<16xi32>
        %add3A_576 = arith.addi %bitcast_convert_type3A_567, %add3A_575 : vector<16xi32>
        %and3A_577 = arith.constant -65536 : i32
        %and3A_578 = vector.broadcast %and3A_577 : i32 to vector<16xi32>
        %and3A_579 = arith.andi %add3A_576, %and3A_578 : vector<16xi32>
        %or3A_580 = arith.ori %shift_right_logical3A_573, %and3A_579 : vector<16xi32>
        %swap3A_581 = arith.constant 1 : i32
        %swap3A_582 = arith.index_cast %swap3A_581 : i32 to index
        %swap3A_583 = arith.index_cast %add3A_485 : i32 to index
        %swap3A_584 = arith.constant 32 : index
        %swap3A_585 = tpu.vector_load %arg5[%swap3A_582, %swap3A_583, %swap3A_584] {strides = array<i32>} : memref<2x125x64xi32, #tpu.memory_space<vmem>>, vector<1x1x16xi32>,
        %swap3A_586 = vector.shape_cast %swap3A_585 : vector<1x1x16xi32> to vector<16xi32>
        %swap3A_587 = vector.shape_cast %or3A_580 : vector<16xi32> to vector<1x1x16xi32>
        tpu.vector_store %arg5[%swap3A_582, %swap3A_583, %swap3A_584], %swap3A_587 {strides = array<i32>} : memref<2x125x64xi32, #tpu.memory_space<vmem>>, vector<1x1x16xi32>,
        %get3A_588 = arith.constant 1 : i32
        %get3A_589 = arith.index_cast %get3A_588 : i32 to index
        %get3A_590 = arith.index_cast %add3A_485 : i32 to index
        %get3A_591 = arith.constant 48 : index
        %get3A_592 = tpu.vector_load %arg4[%get3A_589, %get3A_590, %get3A_591] {strides = array<i32>} : memref<2x125x128xf32, #tpu.memory_space<vmem>>, vector<1x1x16xf32>,
        %get3A_593 = vector.shape_cast %get3A_592 : vector<1x1x16xf32> to vector<16xf32>
        %get3A_594 = arith.constant 1 : i32
        %get3A_595 = arith.index_cast %get3A_594 : i32 to index
        %get3A_596 = arith.index_cast %add3A_485 : i32 to index
        %get3A_597 = arith.constant 112 : index
        %get3A_598 = tpu.vector_load %arg4[%get3A_595, %get3A_596, %get3A_597] {strides = array<i32>} : memref<2x125x128xf32, #tpu.memory_space<vmem>>, vector<1x1x16xf32>,
        %get3A_599 = vector.shape_cast %get3A_598 : vector<1x1x16xf32> to vector<16xf32>
        %bitcast_convert_type3A_600 = tpu.bitcast %get3A_593 : vector<16xf32> -> vector<16xi32>
        %bitcast_convert_type3A_601 = tpu.bitcast %get3A_599 : vector<16xf32> -> vector<16xi32>
        %add3A_602 = arith.constant 32768 : i32
        %add3A_603 = vector.broadcast %add3A_602 : i32 to vector<16xi32>
        %add3A_604 = arith.addi %bitcast_convert_type3A_600, %add3A_603 : vector<16xi32>
        %shift_right_logical3A_605 = arith.constant 16 : i32
        %shift_right_logical3A_606 = vector.broadcast %shift_right_logical3A_605 : i32 to vector<16xi32>
        %shift_right_logical3A_607 = arith.shrui %add3A_604, %shift_right_logical3A_606 : vector<16xi32>
        %add3A_608 = arith.constant 32768 : i32
        %add3A_609 = vector.broadcast %add3A_608 : i32 to vector<16xi32>
        %add3A_610 = arith.addi %bitcast_convert_type3A_601, %add3A_609 : vector<16xi32>
        %and3A_611 = arith.constant -65536 : i32
        %and3A_612 = vector.broadcast %and3A_611 : i32 to vector<16xi32>
        %and3A_613 = arith.andi %add3A_610, %and3A_612 : vector<16xi32>
        %or3A_614 = arith.ori %shift_right_logical3A_607, %and3A_613 : vector<16xi32>
        %swap3A_615 = arith.constant 1 : i32
        %swap3A_616 = arith.index_cast %swap3A_615 : i32 to index
        %swap3A_617 = arith.index_cast %add3A_485 : i32 to index
        %swap3A_618 = arith.constant 48 : index
        %swap3A_619 = tpu.vector_load %arg5[%swap3A_616, %swap3A_617, %swap3A_618] {strides = array<i32>} : memref<2x125x64xi32, #tpu.memory_space<vmem>>, vector<1x1x16xi32>,
        %swap3A_620 = vector.shape_cast %swap3A_619 : vector<1x1x16xi32> to vector<16xi32>
        %swap3A_621 = vector.shape_cast %or3A_614 : vector<16xi32> to vector<1x1x16xi32>
        tpu.vector_store %arg5[%swap3A_616, %swap3A_617, %swap3A_618], %swap3A_621 {strides = array<i32>} : memref<2x125x64xi32, #tpu.memory_space<vmem>>, vector<1x1x16xi32>,
        %mul3A_622 = arith.constant 5 : i32
        %mul3A_623 = arith.muli %mul3A_622, %scan3A_207 : i32
        %add3A_624 = arith.constant 3 : i32
        %add3A_625 = arith.addi %mul3A_623, %add3A_624 : i32
        %get3A_626 = arith.constant 1 : i32
        %get3A_627 = arith.index_cast %get3A_626 : i32 to index
        %get3A_628 = arith.index_cast %add3A_625 : i32 to index
        %get3A_629 = arith.constant 0 : index
        %get3A_630 = tpu.vector_load %arg4[%get3A_627, %get3A_628, %get3A_629] {strides = array<i32>} : memref<2x125x128xf32, #tpu.memory_space<vmem>>, vector<1x1x16xf32>,
        %get3A_631 = vector.shape_cast %get3A_630 : vector<1x1x16xf32> to vector<16xf32>
        %get3A_632 = arith.constant 1 : i32
        %get3A_633 = arith.index_cast %get3A_632 : i32 to index
        %get3A_634 = arith.index_cast %add3A_625 : i32 to index
        %get3A_635 = arith.constant 64 : index
        %get3A_636 = tpu.vector_load %arg4[%get3A_633, %get3A_634, %get3A_635] {strides = array<i32>} : memref<2x125x128xf32, #tpu.memory_space<vmem>>, vector<1x1x16xf32>,
        %get3A_637 = vector.shape_cast %get3A_636 : vector<1x1x16xf32> to vector<16xf32>
        %bitcast_convert_type3A_638 = tpu.bitcast %get3A_631 : vector<16xf32> -> vector<16xi32>
        %bitcast_convert_type3A_639 = tpu.bitcast %get3A_637 : vector<16xf32> -> vector<16xi32>
        %add3A_640 = arith.constant 32768 : i32
        %add3A_641 = vector.broadcast %add3A_640 : i32 to vector<16xi32>
        %add3A_642 = arith.addi %bitcast_convert_type3A_638, %add3A_641 : vector<16xi32>
        %shift_right_logical3A_643 = arith.constant 16 : i32
        %shift_right_logical3A_644 = vector.broadcast %shift_right_logical3A_643 : i32 to vector<16xi32>
        %shift_right_logical3A_645 = arith.shrui %add3A_642, %shift_right_logical3A_644 : vector<16xi32>
        %add3A_646 = arith.constant 32768 : i32
        %add3A_647 = vector.broadcast %add3A_646 : i32 to vector<16xi32>
        %add3A_648 = arith.addi %bitcast_convert_type3A_639, %add3A_647 : vector<16xi32>
        %and3A_649 = arith.constant -65536 : i32
        %and3A_650 = vector.broadcast %and3A_649 : i32 to vector<16xi32>
        %and3A_651 = arith.andi %add3A_648, %and3A_650 : vector<16xi32>
        %or3A_652 = arith.ori %shift_right_logical3A_645, %and3A_651 : vector<16xi32>
        %swap3A_653 = arith.constant 1 : i32
        %swap3A_654 = arith.index_cast %swap3A_653 : i32 to index
        %swap3A_655 = arith.index_cast %add3A_625 : i32 to index
        %swap3A_656 = arith.constant 0 : index
        %swap3A_657 = tpu.vector_load %arg5[%swap3A_654, %swap3A_655, %swap3A_656] {strides = array<i32>} : memref<2x125x64xi32, #tpu.memory_space<vmem>>, vector<1x1x16xi32>,
        %swap3A_658 = vector.shape_cast %swap3A_657 : vector<1x1x16xi32> to vector<16xi32>
        %swap3A_659 = vector.shape_cast %or3A_652 : vector<16xi32> to vector<1x1x16xi32>
        tpu.vector_store %arg5[%swap3A_654, %swap3A_655, %swap3A_656], %swap3A_659 {strides = array<i32>} : memref<2x125x64xi32, #tpu.memory_space<vmem>>, vector<1x1x16xi32>,
        %get3A_660 = arith.constant 1 : i32
        %get3A_661 = arith.index_cast %get3A_660 : i32 to index
        %get3A_662 = arith.index_cast %add3A_625 : i32 to index
        %get3A_663 = arith.constant 16 : index
        %get3A_664 = tpu.vector_load %arg4[%get3A_661, %get3A_662, %get3A_663] {strides = array<i32>} : memref<2x125x128xf32, #tpu.memory_space<vmem>>, vector<1x1x16xf32>,
        %get3A_665 = vector.shape_cast %get3A_664 : vector<1x1x16xf32> to vector<16xf32>
        %get3A_666 = arith.constant 1 : i32
        %get3A_667 = arith.index_cast %get3A_666 : i32 to index
        %get3A_668 = arith.index_cast %add3A_625 : i32 to index
        %get3A_669 = arith.constant 80 : index
        %get3A_670 = tpu.vector_load %arg4[%get3A_667, %get3A_668, %get3A_669] {strides = array<i32>} : memref<2x125x128xf32, #tpu.memory_space<vmem>>, vector<1x1x16xf32>,
        %get3A_671 = vector.shape_cast %get3A_670 : vector<1x1x16xf32> to vector<16xf32>
        %bitcast_convert_type3A_672 = tpu.bitcast %get3A_665 : vector<16xf32> -> vector<16xi32>
        %bitcast_convert_type3A_673 = tpu.bitcast %get3A_671 : vector<16xf32> -> vector<16xi32>
        %add3A_674 = arith.constant 32768 : i32
        %add3A_675 = vector.broadcast %add3A_674 : i32 to vector<16xi32>
        %add3A_676 = arith.addi %bitcast_convert_type3A_672, %add3A_675 : vector<16xi32>
        %shift_right_logical3A_677 = arith.constant 16 : i32
        %shift_right_logical3A_678 = vector.broadcast %shift_right_logical3A_677 : i32 to vector<16xi32>
        %shift_right_logical3A_679 = arith.shrui %add3A_676, %shift_right_logical3A_678 : vector<16xi32>
        %add3A_680 = arith.constant 32768 : i32
        %add3A_681 = vector.broadcast %add3A_680 : i32 to vector<16xi32>
        %add3A_682 = arith.addi %bitcast_convert_type3A_673, %add3A_681 : vector<16xi32>
        %and3A_683 = arith.constant -65536 : i32
        %and3A_684 = vector.broadcast %and3A_683 : i32 to vector<16xi32>
        %and3A_685 = arith.andi %add3A_682, %and3A_684 : vector<16xi32>
        %or3A_686 = arith.ori %shift_right_logical3A_679, %and3A_685 : vector<16xi32>
        %swap3A_687 = arith.constant 1 : i32
        %swap3A_688 = arith.index_cast %swap3A_687 : i32 to index
        %swap3A_689 = arith.index_cast %add3A_625 : i32 to index
        %swap3A_690 = arith.constant 16 : index
        %swap3A_691 = tpu.vector_load %arg5[%swap3A_688, %swap3A_689, %swap3A_690] {strides = array<i32>} : memref<2x125x64xi32, #tpu.memory_space<vmem>>, vector<1x1x16xi32>,
        %swap3A_692 = vector.shape_cast %swap3A_691 : vector<1x1x16xi32> to vector<16xi32>
        %swap3A_693 = vector.shape_cast %or3A_686 : vector<16xi32> to vector<1x1x16xi32>
        tpu.vector_store %arg5[%swap3A_688, %swap3A_689, %swap3A_690], %swap3A_693 {strides = array<i32>} : memref<2x125x64xi32, #tpu.memory_space<vmem>>, vector<1x1x16xi32>,
        %get3A_694 = arith.constant 1 : i32
        %get3A_695 = arith.index_cast %get3A_694 : i32 to index
        %get3A_696 = arith.index_cast %add3A_625 : i32 to index
        %get3A_697 = arith.constant 32 : index
        %get3A_698 = tpu.vector_load %arg4[%get3A_695, %get3A_696, %get3A_697] {strides = array<i32>} : memref<2x125x128xf32, #tpu.memory_space<vmem>>, vector<1x1x16xf32>,
        %get3A_699 = vector.shape_cast %get3A_698 : vector<1x1x16xf32> to vector<16xf32>
        %get3A_700 = arith.constant 1 : i32
        %get3A_701 = arith.index_cast %get3A_700 : i32 to index
        %get3A_702 = arith.index_cast %add3A_625 : i32 to index
        %get3A_703 = arith.constant 96 : index
        %get3A_704 = tpu.vector_load %arg4[%get3A_701, %get3A_702, %get3A_703] {strides = array<i32>} : memref<2x125x128xf32, #tpu.memory_space<vmem>>, vector<1x1x16xf32>,
        %get3A_705 = vector.shape_cast %get3A_704 : vector<1x1x16xf32> to vector<16xf32>
        %bitcast_convert_type3A_706 = tpu.bitcast %get3A_699 : vector<16xf32> -> vector<16xi32>
        %bitcast_convert_type3A_707 = tpu.bitcast %get3A_705 : vector<16xf32> -> vector<16xi32>
        %add3A_708 = arith.constant 32768 : i32
        %add3A_709 = vector.broadcast %add3A_708 : i32 to vector<16xi32>
        %add3A_710 = arith.addi %bitcast_convert_type3A_706, %add3A_709 : vector<16xi32>
        %shift_right_logical3A_711 = arith.constant 16 : i32
        %shift_right_logical3A_712 = vector.broadcast %shift_right_logical3A_711 : i32 to vector<16xi32>
        %shift_right_logical3A_713 = arith.shrui %add3A_710, %shift_right_logical3A_712 : vector<16xi32>
        %add3A_714 = arith.constant 32768 : i32
        %add3A_715 = vector.broadcast %add3A_714 : i32 to vector<16xi32>
        %add3A_716 = arith.addi %bitcast_convert_type3A_707, %add3A_715 : vector<16xi32>
        %and3A_717 = arith.constant -65536 : i32
        %and3A_718 = vector.broadcast %and3A_717 : i32 to vector<16xi32>
        %and3A_719 = arith.andi %add3A_716, %and3A_718 : vector<16xi32>
        %or3A_720 = arith.ori %shift_right_logical3A_713, %and3A_719 : vector<16xi32>
        %swap3A_721 = arith.constant 1 : i32
        %swap3A_722 = arith.index_cast %swap3A_721 : i32 to index
        %swap3A_723 = arith.index_cast %add3A_625 : i32 to index
        %swap3A_724 = arith.constant 32 : index
        %swap3A_725 = tpu.vector_load %arg5[%swap3A_722, %swap3A_723, %swap3A_724] {strides = array<i32>} : memref<2x125x64xi32, #tpu.memory_space<vmem>>, vector<1x1x16xi32>,
        %swap3A_726 = vector.shape_cast %swap3A_725 : vector<1x1x16xi32> to vector<16xi32>
        %swap3A_727 = vector.shape_cast %or3A_720 : vector<16xi32> to vector<1x1x16xi32>
        tpu.vector_store %arg5[%swap3A_722, %swap3A_723, %swap3A_724], %swap3A_727 {strides = array<i32>} : memref<2x125x64xi32, #tpu.memory_space<vmem>>, vector<1x1x16xi32>,
        %get3A_728 = arith.constant 1 : i32
        %get3A_729 = arith.index_cast %get3A_728 : i32 to index
        %get3A_730 = arith.index_cast %add3A_625 : i32 to index
        %get3A_731 = arith.constant 48 : index
        %get3A_732 = tpu.vector_load %arg4[%get3A_729, %get3A_730, %get3A_731] {strides = array<i32>} : memref<2x125x128xf32, #tpu.memory_space<vmem>>, vector<1x1x16xf32>,
        %get3A_733 = vector.shape_cast %get3A_732 : vector<1x1x16xf32> to vector<16xf32>
        %get3A_734 = arith.constant 1 : i32
        %get3A_735 = arith.index_cast %get3A_734 : i32 to index
        %get3A_736 = arith.index_cast %add3A_625 : i32 to index
        %get3A_737 = arith.constant 112 : index
        %get3A_738 = tpu.vector_load %arg4[%get3A_735, %get3A_736, %get3A_737] {strides = array<i32>} : memref<2x125x128xf32, #tpu.memory_space<vmem>>, vector<1x1x16xf32>,
        %get3A_739 = vector.shape_cast %get3A_738 : vector<1x1x16xf32> to vector<16xf32>
        %bitcast_convert_type3A_740 = tpu.bitcast %get3A_733 : vector<16xf32> -> vector<16xi32>
        %bitcast_convert_type3A_741 = tpu.bitcast %get3A_739 : vector<16xf32> -> vector<16xi32>
        %add3A_742 = arith.constant 32768 : i32
        %add3A_743 = vector.broadcast %add3A_742 : i32 to vector<16xi32>
        %add3A_744 = arith.addi %bitcast_convert_type3A_740, %add3A_743 : vector<16xi32>
        %shift_right_logical3A_745 = arith.constant 16 : i32
        %shift_right_logical3A_746 = vector.broadcast %shift_right_logical3A_745 : i32 to vector<16xi32>
        %shift_right_logical3A_747 = arith.shrui %add3A_744, %shift_right_logical3A_746 : vector<16xi32>
        %add3A_748 = arith.constant 32768 : i32
        %add3A_749 = vector.broadcast %add3A_748 : i32 to vector<16xi32>
        %add3A_750 = arith.addi %bitcast_convert_type3A_741, %add3A_749 : vector<16xi32>
        %and3A_751 = arith.constant -65536 : i32
        %and3A_752 = vector.broadcast %and3A_751 : i32 to vector<16xi32>
        %and3A_753 = arith.andi %add3A_750, %and3A_752 : vector<16xi32>
        %or3A_754 = arith.ori %shift_right_logical3A_747, %and3A_753 : vector<16xi32>
        %swap3A_755 = arith.constant 1 : i32
        %swap3A_756 = arith.index_cast %swap3A_755 : i32 to index
        %swap3A_757 = arith.index_cast %add3A_625 : i32 to index
        %swap3A_758 = arith.constant 48 : index
        %swap3A_759 = tpu.vector_load %arg5[%swap3A_756, %swap3A_757, %swap3A_758] {strides = array<i32>} : memref<2x125x64xi32, #tpu.memory_space<vmem>>, vector<1x1x16xi32>,
        %swap3A_760 = vector.shape_cast %swap3A_759 : vector<1x1x16xi32> to vector<16xi32>
        %swap3A_761 = vector.shape_cast %or3A_754 : vector<16xi32> to vector<1x1x16xi32>
        tpu.vector_store %arg5[%swap3A_756, %swap3A_757, %swap3A_758], %swap3A_761 {strides = array<i32>} : memref<2x125x64xi32, #tpu.memory_space<vmem>>, vector<1x1x16xi32>,
        %mul3A_762 = arith.constant 5 : i32
        %mul3A_763 = arith.muli %mul3A_762, %scan3A_207 : i32
        %add3A_764 = arith.constant 4 : i32
        %add3A_765 = arith.addi %mul3A_763, %add3A_764 : i32
        %get3A_766 = arith.constant 1 : i32
        %get3A_767 = arith.index_cast %get3A_766 : i32 to index
        %get3A_768 = arith.index_cast %add3A_765 : i32 to index
        %get3A_769 = arith.constant 0 : index
        %get3A_770 = tpu.vector_load %arg4[%get3A_767, %get3A_768, %get3A_769] {strides = array<i32>} : memref<2x125x128xf32, #tpu.memory_space<vmem>>, vector<1x1x16xf32>,
        %get3A_771 = vector.shape_cast %get3A_770 : vector<1x1x16xf32> to vector<16xf32>
        %get3A_772 = arith.constant 1 : i32
        %get3A_773 = arith.index_cast %get3A_772 : i32 to index
        %get3A_774 = arith.index_cast %add3A_765 : i32 to index
        %get3A_775 = arith.constant 64 : index
        %get3A_776 = tpu.vector_load %arg4[%get3A_773, %get3A_774, %get3A_775] {strides = array<i32>} : memref<2x125x128xf32, #tpu.memory_space<vmem>>, vector<1x1x16xf32>,
        %get3A_777 = vector.shape_cast %get3A_776 : vector<1x1x16xf32> to vector<16xf32>
        %bitcast_convert_type3A_778 = tpu.bitcast %get3A_771 : vector<16xf32> -> vector<16xi32>
        %bitcast_convert_type3A_779 = tpu.bitcast %get3A_777 : vector<16xf32> -> vector<16xi32>
        %add3A_780 = arith.constant 32768 : i32
        %add3A_781 = vector.broadcast %add3A_780 : i32 to vector<16xi32>
        %add3A_782 = arith.addi %bitcast_convert_type3A_778, %add3A_781 : vector<16xi32>
        %shift_right_logical3A_783 = arith.constant 16 : i32
        %shift_right_logical3A_784 = vector.broadcast %shift_right_logical3A_783 : i32 to vector<16xi32>
        %shift_right_logical3A_785 = arith.shrui %add3A_782, %shift_right_logical3A_784 : vector<16xi32>
        %add3A_786 = arith.constant 32768 : i32
        %add3A_787 = vector.broadcast %add3A_786 : i32 to vector<16xi32>
        %add3A_788 = arith.addi %bitcast_convert_type3A_779, %add3A_787 : vector<16xi32>
        %and3A_789 = arith.constant -65536 : i32
        %and3A_790 = vector.broadcast %and3A_789 : i32 to vector<16xi32>
        %and3A_791 = arith.andi %add3A_788, %and3A_790 : vector<16xi32>
        %or3A_792 = arith.ori %shift_right_logical3A_785, %and3A_791 : vector<16xi32>
        %swap3A_793 = arith.constant 1 : i32
        %swap3A_794 = arith.index_cast %swap3A_793 : i32 to index
        %swap3A_795 = arith.index_cast %add3A_765 : i32 to index
        %swap3A_796 = arith.constant 0 : index
        %swap3A_797 = tpu.vector_load %arg5[%swap3A_794, %swap3A_795, %swap3A_796] {strides = array<i32>} : memref<2x125x64xi32, #tpu.memory_space<vmem>>, vector<1x1x16xi32>,
        %swap3A_798 = vector.shape_cast %swap3A_797 : vector<1x1x16xi32> to vector<16xi32>
        %swap3A_799 = vector.shape_cast %or3A_792 : vector<16xi32> to vector<1x1x16xi32>
        tpu.vector_store %arg5[%swap3A_794, %swap3A_795, %swap3A_796], %swap3A_799 {strides = array<i32>} : memref<2x125x64xi32, #tpu.memory_space<vmem>>, vector<1x1x16xi32>,
        %get3A_800 = arith.constant 1 : i32
        %get3A_801 = arith.index_cast %get3A_800 : i32 to index
        %get3A_802 = arith.index_cast %add3A_765 : i32 to index
        %get3A_803 = arith.constant 16 : index
        %get3A_804 = tpu.vector_load %arg4[%get3A_801, %get3A_802, %get3A_803] {strides = array<i32>} : memref<2x125x128xf32, #tpu.memory_space<vmem>>, vector<1x1x16xf32>,
        %get3A_805 = vector.shape_cast %get3A_804 : vector<1x1x16xf32> to vector<16xf32>
        %get3A_806 = arith.constant 1 : i32
        %get3A_807 = arith.index_cast %get3A_806 : i32 to index
        %get3A_808 = arith.index_cast %add3A_765 : i32 to index
        %get3A_809 = arith.constant 80 : index
        %get3A_810 = tpu.vector_load %arg4[%get3A_807, %get3A_808, %get3A_809] {strides = array<i32>} : memref<2x125x128xf32, #tpu.memory_space<vmem>>, vector<1x1x16xf32>,
        %get3A_811 = vector.shape_cast %get3A_810 : vector<1x1x16xf32> to vector<16xf32>
        %bitcast_convert_type3A_812 = tpu.bitcast %get3A_805 : vector<16xf32> -> vector<16xi32>
        %bitcast_convert_type3A_813 = tpu.bitcast %get3A_811 : vector<16xf32> -> vector<16xi32>
        %add3A_814 = arith.constant 32768 : i32
        %add3A_815 = vector.broadcast %add3A_814 : i32 to vector<16xi32>
        %add3A_816 = arith.addi %bitcast_convert_type3A_812, %add3A_815 : vector<16xi32>
        %shift_right_logical3A_817 = arith.constant 16 : i32
        %shift_right_logical3A_818 = vector.broadcast %shift_right_logical3A_817 : i32 to vector<16xi32>
        %shift_right_logical3A_819 = arith.shrui %add3A_816, %shift_right_logical3A_818 : vector<16xi32>
        %add3A_820 = arith.constant 32768 : i32
        %add3A_821 = vector.broadcast %add3A_820 : i32 to vector<16xi32>
        %add3A_822 = arith.addi %bitcast_convert_type3A_813, %add3A_821 : vector<16xi32>
        %and3A_823 = arith.constant -65536 : i32
        %and3A_824 = vector.broadcast %and3A_823 : i32 to vector<16xi32>
        %and3A_825 = arith.andi %add3A_822, %and3A_824 : vector<16xi32>
        %or3A_826 = arith.ori %shift_right_logical3A_819, %and3A_825 : vector<16xi32>
        %swap3A_827 = arith.constant 1 : i32
        %swap3A_828 = arith.index_cast %swap3A_827 : i32 to index
        %swap3A_829 = arith.index_cast %add3A_765 : i32 to index
        %swap3A_830 = arith.constant 16 : index
        %swap3A_831 = tpu.vector_load %arg5[%swap3A_828, %swap3A_829, %swap3A_830] {strides = array<i32>} : memref<2x125x64xi32, #tpu.memory_space<vmem>>, vector<1x1x16xi32>,
        %swap3A_832 = vector.shape_cast %swap3A_831 : vector<1x1x16xi32> to vector<16xi32>
        %swap3A_833 = vector.shape_cast %or3A_826 : vector<16xi32> to vector<1x1x16xi32>
        tpu.vector_store %arg5[%swap3A_828, %swap3A_829, %swap3A_830], %swap3A_833 {strides = array<i32>} : memref<2x125x64xi32, #tpu.memory_space<vmem>>, vector<1x1x16xi32>,
        %get3A_834 = arith.constant 1 : i32
        %get3A_835 = arith.index_cast %get3A_834 : i32 to index
        %get3A_836 = arith.index_cast %add3A_765 : i32 to index
        %get3A_837 = arith.constant 32 : index
        %get3A_838 = tpu.vector_load %arg4[%get3A_835, %get3A_836, %get3A_837] {strides = array<i32>} : memref<2x125x128xf32, #tpu.memory_space<vmem>>, vector<1x1x16xf32>,
        %get3A_839 = vector.shape_cast %get3A_838 : vector<1x1x16xf32> to vector<16xf32>
        %get3A_840 = arith.constant 1 : i32
        %get3A_841 = arith.index_cast %get3A_840 : i32 to index
        %get3A_842 = arith.index_cast %add3A_765 : i32 to index
        %get3A_843 = arith.constant 96 : index
        %get3A_844 = tpu.vector_load %arg4[%get3A_841, %get3A_842, %get3A_843] {strides = array<i32>} : memref<2x125x128xf32, #tpu.memory_space<vmem>>, vector<1x1x16xf32>,
        %get3A_845 = vector.shape_cast %get3A_844 : vector<1x1x16xf32> to vector<16xf32>
        %bitcast_convert_type3A_846 = tpu.bitcast %get3A_839 : vector<16xf32> -> vector<16xi32>
        %bitcast_convert_type3A_847 = tpu.bitcast %get3A_845 : vector<16xf32> -> vector<16xi32>
        %add3A_848 = arith.constant 32768 : i32
        %add3A_849 = vector.broadcast %add3A_848 : i32 to vector<16xi32>
        %add3A_850 = arith.addi %bitcast_convert_type3A_846, %add3A_849 : vector<16xi32>
        %shift_right_logical3A_851 = arith.constant 16 : i32
        %shift_right_logical3A_852 = vector.broadcast %shift_right_logical3A_851 : i32 to vector<16xi32>
        %shift_right_logical3A_853 = arith.shrui %add3A_850, %shift_right_logical3A_852 : vector<16xi32>
        %add3A_854 = arith.constant 32768 : i32
        %add3A_855 = vector.broadcast %add3A_854 : i32 to vector<16xi32>
        %add3A_856 = arith.addi %bitcast_convert_type3A_847, %add3A_855 : vector<16xi32>
        %and3A_857 = arith.constant -65536 : i32
        %and3A_858 = vector.broadcast %and3A_857 : i32 to vector<16xi32>
        %and3A_859 = arith.andi %add3A_856, %and3A_858 : vector<16xi32>
        %or3A_860 = arith.ori %shift_right_logical3A_853, %and3A_859 : vector<16xi32>
        %swap3A_861 = arith.constant 1 : i32
        %swap3A_862 = arith.index_cast %swap3A_861 : i32 to index
        %swap3A_863 = arith.index_cast %add3A_765 : i32 to index
        %swap3A_864 = arith.constant 32 : index
        %swap3A_865 = tpu.vector_load %arg5[%swap3A_862, %swap3A_863, %swap3A_864] {strides = array<i32>} : memref<2x125x64xi32, #tpu.memory_space<vmem>>, vector<1x1x16xi32>,
        %swap3A_866 = vector.shape_cast %swap3A_865 : vector<1x1x16xi32> to vector<16xi32>
        %swap3A_867 = vector.shape_cast %or3A_860 : vector<16xi32> to vector<1x1x16xi32>
        tpu.vector_store %arg5[%swap3A_862, %swap3A_863, %swap3A_864], %swap3A_867 {strides = array<i32>} : memref<2x125x64xi32, #tpu.memory_space<vmem>>, vector<1x1x16xi32>,
        %get3A_868 = arith.constant 1 : i32
        %get3A_869 = arith.index_cast %get3A_868 : i32 to index
        %get3A_870 = arith.index_cast %add3A_765 : i32 to index
        %get3A_871 = arith.constant 48 : index
        %get3A_872 = tpu.vector_load %arg4[%get3A_869, %get3A_870, %get3A_871] {strides = array<i32>} : memref<2x125x128xf32, #tpu.memory_space<vmem>>, vector<1x1x16xf32>,
        %get3A_873 = vector.shape_cast %get3A_872 : vector<1x1x16xf32> to vector<16xf32>
        %get3A_874 = arith.constant 1 : i32
        %get3A_875 = arith.index_cast %get3A_874 : i32 to index
        %get3A_876 = arith.index_cast %add3A_765 : i32 to index
        %get3A_877 = arith.constant 112 : index
        %get3A_878 = tpu.vector_load %arg4[%get3A_875, %get3A_876, %get3A_877] {strides = array<i32>} : memref<2x125x128xf32, #tpu.memory_space<vmem>>, vector<1x1x16xf32>,
        %get3A_879 = vector.shape_cast %get3A_878 : vector<1x1x16xf32> to vector<16xf32>
        %bitcast_convert_type3A_880 = tpu.bitcast %get3A_873 : vector<16xf32> -> vector<16xi32>
        %bitcast_convert_type3A_881 = tpu.bitcast %get3A_879 : vector<16xf32> -> vector<16xi32>
        %add3A_882 = arith.constant 32768 : i32
        %add3A_883 = vector.broadcast %add3A_882 : i32 to vector<16xi32>
        %add3A_884 = arith.addi %bitcast_convert_type3A_880, %add3A_883 : vector<16xi32>
        %shift_right_logical3A_885 = arith.constant 16 : i32
        %shift_right_logical3A_886 = vector.broadcast %shift_right_logical3A_885 : i32 to vector<16xi32>
        %shift_right_logical3A_887 = arith.shrui %add3A_884, %shift_right_logical3A_886 : vector<16xi32>
        %add3A_888 = arith.constant 32768 : i32
        %add3A_889 = vector.broadcast %add3A_888 : i32 to vector<16xi32>
        %add3A_890 = arith.addi %bitcast_convert_type3A_881, %add3A_889 : vector<16xi32>
        %and3A_891 = arith.constant -65536 : i32
        %and3A_892 = vector.broadcast %and3A_891 : i32 to vector<16xi32>
        %and3A_893 = arith.andi %add3A_890, %and3A_892 : vector<16xi32>
        %or3A_894 = arith.ori %shift_right_logical3A_887, %and3A_893 : vector<16xi32>
        %swap3A_895 = arith.constant 1 : i32
        %swap3A_896 = arith.index_cast %swap3A_895 : i32 to index
        %swap3A_897 = arith.index_cast %add3A_765 : i32 to index
        %swap3A_898 = arith.constant 48 : index
        %swap3A_899 = tpu.vector_load %arg5[%swap3A_896, %swap3A_897, %swap3A_898] {strides = array<i32>} : memref<2x125x64xi32, #tpu.memory_space<vmem>>, vector<1x1x16xi32>,
        %swap3A_900 = vector.shape_cast %swap3A_899 : vector<1x1x16xi32> to vector<16xi32>
        %swap3A_901 = vector.shape_cast %or3A_894 : vector<16xi32> to vector<1x1x16xi32>
        tpu.vector_store %arg5[%swap3A_896, %swap3A_897, %swap3A_898], %swap3A_901 {strides = array<i32>} : memref<2x125x64xi32, #tpu.memory_space<vmem>>, vector<1x1x16xi32>,
      }
      %scan3A_185 = arith.constant 25 : i32
      %gt3A_186 = arith.constant 0 : i32
      %gt3A_187 = arith.cmpi sgt, %scan3A_102, %gt3A_186 : i32
      %convert_element_type3A_188 = arith.extui %gt3A_187 : i1 to i32
      %cond3A_189 = arith.constant 0 : i32
      %cond3A_190 = arith.cmpi ne, %convert_element_type3A_188, %cond3A_189 : i32
      scf.if %cond3A_190 {
        %mul3A_207 = arith.constant 125 : i32
        %mul3A_208 = arith.muli %mul3A_207, %add3A_156 : i32
        %add3A_209 = arith.addi %mul3A_2, %mul3A_208 : i32
        %dma_wait3A_210 = arith.constant 1 : i32
        %dma_wait3A_211 = arith.constant 0 : i32
        %dma_wait3A_212 = arith.constant 0 : i32
        %dma_wait3A_213 = tpu.memref_slice %arg5[%dma_wait3A_210, %dma_wait3A_211, %dma_wait3A_212] : memref<2x125x64xi32, #tpu.memory_space<vmem>> -> memref<1x125x64xi32, #tpu.memory_space<vmem>>
        %dma_wait3A_214 = tpu.memref_squeeze %dma_wait3A_213 : memref<1x125x64xi32, #tpu.memory_space<vmem>> -> memref<125x64xi32, #tpu.memory_space<vmem>>
        %dma_wait3A_215 = arith.constant 0 : i32
        %dma_wait3A_216 = tpu.memref_slice %arg3[%add3A_209, %dma_wait3A_215] : memref<100000x64xi32, #tpu.memory_space<hbm>> -> memref<125x64xi32, #tpu.memory_space<hbm>>
        %dma_wait3A_217 = arith.constant 0 : i32
        %dma_wait3A_218 = tpu.memref_slice %arg3[%add3A_209, %dma_wait3A_217] : memref<100000x64xi32, #tpu.memory_space<hbm>> -> memref<125x64xi32, #tpu.memory_space<hbm>>
        %dma_wait3A_219 = arith.constant 0 : i32
        %dma_wait3A_220 = arith.constant 0 : i32
        %dma_wait3A_221 = tpu.memref_slice %arg5[%dma_wait3A_210, %dma_wait3A_219, %dma_wait3A_220] : memref<2x125x64xi32, #tpu.memory_space<vmem>> -> memref<1x125x64xi32, #tpu.memory_space<vmem>>
        %dma_wait3A_222 = tpu.memref_squeeze %dma_wait3A_221 : memref<1x125x64xi32, #tpu.memory_space<vmem>> -> memref<125x64xi32, #tpu.memory_space<vmem>>
        tpu.wait_dma2 semaphore(%arg9 : memref<!tpu.dma_semaphore, #tpu.memory_space<semaphore_mem>>) src(%dma_wait3A_222 : memref<125x64xi32, #tpu.memory_space<vmem>>) dst(%dma_wait3A_218 : memref<125x64xi32, #tpu.memory_space<hbm>>)
      } else {
      }
      %mul3A_191 = arith.constant 125 : i32
      %mul3A_192 = arith.muli %mul3A_191, %add3A_156 : i32
      %add3A_193 = arith.addi %mul3A_2, %mul3A_192 : i32
      %dma_start3A_194 = arith.constant 1 : i32
      %dma_start3A_195 = arith.constant 0 : i32
      %dma_start3A_196 = arith.constant 0 : i32
      %dma_start3A_197 = tpu.memref_slice %arg5[%dma_start3A_194, %dma_start3A_195, %dma_start3A_196] : memref<2x125x64xi32, #tpu.memory_space<vmem>> -> memref<1x125x64xi32, #tpu.memory_space<vmem>>
      %dma_start3A_198 = tpu.memref_squeeze %dma_start3A_197 : memref<1x125x64xi32, #tpu.memory_space<vmem>> -> memref<125x64xi32, #tpu.memory_space<vmem>>
      %dma_start3A_199 = arith.constant 0 : i32
      %dma_start3A_200 = tpu.memref_slice %arg3[%add3A_193, %dma_start3A_199] : memref<100000x64xi32, #tpu.memory_space<hbm>> -> memref<125x64xi32, #tpu.memory_space<hbm>>
      %dma_start3A_201 = arith.constant 0 : i32
      %dma_start3A_202 = tpu.memref_slice %arg3[%add3A_193, %dma_start3A_201] : memref<100000x64xi32, #tpu.memory_space<hbm>> -> memref<125x64xi32, #tpu.memory_space<hbm>>
      %dma_start3A_203 = arith.constant 0 : i32
      %dma_start3A_204 = arith.constant 0 : i32
      %dma_start3A_205 = tpu.memref_slice %arg5[%dma_start3A_194, %dma_start3A_203, %dma_start3A_204] : memref<2x125x64xi32, #tpu.memory_space<vmem>> -> memref<1x125x64xi32, #tpu.memory_space<vmem>>
      %dma_start3A_206 = tpu.memref_squeeze %dma_start3A_205 : memref<1x125x64xi32, #tpu.memory_space<vmem>> -> memref<125x64xi32, #tpu.memory_space<vmem>>
      tpu.enqueue_dma source(%dma_start3A_206 : memref<125x64xi32, #tpu.memory_space<vmem>>) target(%dma_start3A_202 : memref<125x64xi32, #tpu.memory_space<hbm>>) target_semaphore(%arg9 : memref<!tpu.dma_semaphore, #tpu.memory_space<semaphore_mem>>)
    }
    %scan3A_21 = arith.constant 12 : i32
    %add3A_22 = arith.constant 3000 : i32
    %add3A_23 = arith.addi %mul3A_2, %add3A_22 : i32
    %dma_wait3A = arith.constant 0 : i32
    %dma_wait3A_24 = arith.constant 0 : i32
    %dma_wait3A_25 = arith.constant 0 : i32
    %dma_wait3A_26 = tpu.memref_slice %arg4[%dma_wait3A, %dma_wait3A_24, %dma_wait3A_25] : memref<2x125x128xf32, #tpu.memory_space<vmem>> -> memref<1x125x128xf32, #tpu.memory_space<vmem>>
    %dma_wait3A_27 = tpu.memref_squeeze %dma_wait3A_26 : memref<1x125x128xf32, #tpu.memory_space<vmem>> -> memref<125x128xf32, #tpu.memory_space<vmem>>
    %dma_wait3A_28 = arith.constant 0 : i32
    %dma_wait3A_29 = tpu.memref_slice %arg2[%add3A_23, %dma_wait3A_28] : memref<100000x128xf32, #tpu.memory_space<hbm>> -> memref<125x128xf32, #tpu.memory_space<hbm>>
    %dma_wait3A_30 = arith.constant 0 : i32
    %dma_wait3A_31 = arith.constant 0 : i32
    %dma_wait3A_32 = tpu.memref_slice %arg4[%dma_wait3A, %dma_wait3A_30, %dma_wait3A_31] : memref<2x125x128xf32, #tpu.memory_space<vmem>> -> memref<1x125x128xf32, #tpu.memory_space<vmem>>
    %dma_wait3A_33 = tpu.memref_squeeze %dma_wait3A_32 : memref<1x125x128xf32, #tpu.memory_space<vmem>> -> memref<125x128xf32, #tpu.memory_space<vmem>>
    %dma_wait3A_34 = arith.constant 0 : i32
    %dma_wait3A_35 = tpu.memref_slice %arg2[%add3A_23, %dma_wait3A_34] : memref<100000x128xf32, #tpu.memory_space<hbm>> -> memref<125x128xf32, #tpu.memory_space<hbm>>
    tpu.wait_dma2 semaphore(%arg6 : memref<!tpu.dma_semaphore, #tpu.memory_space<semaphore_mem>>) src(%dma_wait3A_35 : memref<125x128xf32, #tpu.memory_space<hbm>>) dst(%dma_wait3A_33 : memref<125x128xf32, #tpu.memory_space<vmem>>)
    %scan3A_36 = arith.constant 0 : i32
    %scan3A_37 = arith.constant 0 : i32
    %scan3A_38 = arith.constant 25 : i32
    %scan3A_39 = arith.addi %scan3A_37, %scan3A_38 : i32
    %scan3A_40 = arith.constant 1 : i32
    scf.for %scan3A_102 = %scan3A_37 to %scan3A_39 step %scan3A_40  : i32 {
      %mul3A_103 = arith.constant 5 : i32
      %mul3A_104 = arith.muli %mul3A_103, %scan3A_102 : i32
      %add3A_105 = arith.constant 0 : i32
      %add3A_106 = arith.addi %mul3A_104, %add3A_105 : i32
      %get3A = arith.constant 0 : i32
      %get3A_107 = arith.index_cast %get3A : i32 to index
      %get3A_108 = arith.index_cast %add3A_106 : i32 to index
      %get3A_109 = arith.constant 0 : index
      %get3A_110 = tpu.vector_load %arg4[%get3A_107, %get3A_108, %get3A_109] {strides = array<i32>} : memref<2x125x128xf32, #tpu.memory_space<vmem>>, vector<1x1x16xf32>,
      %get3A_111 = vector.shape_cast %get3A_110 : vector<1x1x16xf32> to vector<16xf32>
      %get3A_112 = arith.constant 0 : i32
      %get3A_113 = arith.index_cast %get3A_112 : i32 to index
      %get3A_114 = arith.index_cast %add3A_106 : i32 to index
      %get3A_115 = arith.constant 64 : index
      %get3A_116 = tpu.vector_load %arg4[%get3A_113, %get3A_114, %get3A_115] {strides = array<i32>} : memref<2x125x128xf32, #tpu.memory_space<vmem>>, vector<1x1x16xf32>,
      %get3A_117 = vector.shape_cast %get3A_116 : vector<1x1x16xf32> to vector<16xf32>
      %bitcast_convert_type3A = tpu.bitcast %get3A_111 : vector<16xf32> -> vector<16xi32>
      %bitcast_convert_type3A_118 = tpu.bitcast %get3A_117 : vector<16xf32> -> vector<16xi32>
      %add3A_119 = arith.constant 32768 : i32
      %add3A_120 = vector.broadcast %add3A_119 : i32 to vector<16xi32>
      %add3A_121 = arith.addi %bitcast_convert_type3A, %add3A_120 : vector<16xi32>
      %shift_right_logical3A = arith.constant 16 : i32
      %shift_right_logical3A_122 = vector.broadcast %shift_right_logical3A : i32 to vector<16xi32>
      %shift_right_logical3A_123 = arith.shrui %add3A_121, %shift_right_logical3A_122 : vector<16xi32>
      %add3A_124 = arith.constant 32768 : i32
      %add3A_125 = vector.broadcast %add3A_124 : i32 to vector<16xi32>
      %add3A_126 = arith.addi %bitcast_convert_type3A_118, %add3A_125 : vector<16xi32>
      %and3A = arith.constant -65536 : i32
      %and3A_127 = vector.broadcast %and3A : i32 to vector<16xi32>
      %and3A_128 = arith.andi %add3A_126, %and3A_127 : vector<16xi32>
      %or3A = arith.ori %shift_right_logical3A_123, %and3A_128 : vector<16xi32>
      %swap3A = arith.constant 0 : i32
      %swap3A_129 = arith.index_cast %swap3A : i32 to index
      %swap3A_130 = arith.index_cast %add3A_106 : i32 to index
      %swap3A_131 = arith.constant 0 : index
      %swap3A_132 = tpu.vector_load %arg5[%swap3A_129, %swap3A_130, %swap3A_131] {strides = array<i32>} : memref<2x125x64xi32, #tpu.memory_space<vmem>>, vector<1x1x16xi32>,
      %swap3A_133 = vector.shape_cast %swap3A_132 : vector<1x1x16xi32> to vector<16xi32>
      %swap3A_134 = vector.shape_cast %or3A : vector<16xi32> to vector<1x1x16xi32>
      tpu.vector_store %arg5[%swap3A_129, %swap3A_130, %swap3A_131], %swap3A_134 {strides = array<i32>} : memref<2x125x64xi32, #tpu.memory_space<vmem>>, vector<1x1x16xi32>,
      %get3A_135 = arith.constant 0 : i32
      %get3A_136 = arith.index_cast %get3A_135 : i32 to index
      %get3A_137 = arith.index_cast %add3A_106 : i32 to index
      %get3A_138 = arith.constant 16 : index
      %get3A_139 = tpu.vector_load %arg4[%get3A_136, %get3A_137, %get3A_138] {strides = array<i32>} : memref<2x125x128xf32, #tpu.memory_space<vmem>>, vector<1x1x16xf32>,
      %get3A_140 = vector.shape_cast %get3A_139 : vector<1x1x16xf32> to vector<16xf32>
      %get3A_141 = arith.constant 0 : i32
      %get3A_142 = arith.index_cast %get3A_141 : i32 to index
      %get3A_143 = arith.index_cast %add3A_106 : i32 to index
      %get3A_144 = arith.constant 80 : index
      %get3A_145 = tpu.vector_load %arg4[%get3A_142, %get3A_143, %get3A_144] {strides = array<i32>} : memref<2x125x128xf32, #tpu.memory_space<vmem>>, vector<1x1x16xf32>,
      %get3A_146 = vector.shape_cast %get3A_145 : vector<1x1x16xf32> to vector<16xf32>
      %bitcast_convert_type3A_147 = tpu.bitcast %get3A_140 : vector<16xf32> -> vector<16xi32>
      %bitcast_convert_type3A_148 = tpu.bitcast %get3A_146 : vector<16xf32> -> vector<16xi32>
      %add3A_149 = arith.constant 32768 : i32
      %add3A_150 = vector.broadcast %add3A_149 : i32 to vector<16xi32>
      %add3A_151 = arith.addi %bitcast_convert_type3A_147, %add3A_150 : vector<16xi32>
      %shift_right_logical3A_152 = arith.constant 16 : i32
      %shift_right_logical3A_153 = vector.broadcast %shift_right_logical3A_152 : i32 to vector<16xi32>
      %shift_right_logical3A_154 = arith.shrui %add3A_151, %shift_right_logical3A_153 : vector<16xi32>
      %add3A_155 = arith.constant 32768 : i32
      %add3A_156 = vector.broadcast %add3A_155 : i32 to vector<16xi32>
      %add3A_157 = arith.addi %bitcast_convert_type3A_148, %add3A_156 : vector<16xi32>
      %and3A_158 = arith.constant -65536 : i32
      %and3A_159 = vector.broadcast %and3A_158 : i32 to vector<16xi32>
      %and3A_160 = arith.andi %add3A_157, %and3A_159 : vector<16xi32>
      %or3A_161 = arith.ori %shift_right_logical3A_154, %and3A_160 : vector<16xi32>
      %swap3A_162 = arith.constant 0 : i32
      %swap3A_163 = arith.index_cast %swap3A_162 : i32 to index
      %swap3A_164 = arith.index_cast %add3A_106 : i32 to index
      %swap3A_165 = arith.constant 16 : index
      %swap3A_166 = tpu.vector_load %arg5[%swap3A_163, %swap3A_164, %swap3A_165] {strides = array<i32>} : memref<2x125x64xi32, #tpu.memory_space<vmem>>, vector<1x1x16xi32>,
      %swap3A_167 = vector.shape_cast %swap3A_166 : vector<1x1x16xi32> to vector<16xi32>
      %swap3A_168 = vector.shape_cast %or3A_161 : vector<16xi32> to vector<1x1x16xi32>
      tpu.vector_store %arg5[%swap3A_163, %swap3A_164, %swap3A_165], %swap3A_168 {strides = array<i32>} : memref<2x125x64xi32, #tpu.memory_space<vmem>>, vector<1x1x16xi32>,
      %get3A_169 = arith.constant 0 : i32
      %get3A_170 = arith.index_cast %get3A_169 : i32 to index
      %get3A_171 = arith.index_cast %add3A_106 : i32 to index
      %get3A_172 = arith.constant 32 : index
      %get3A_173 = tpu.vector_load %arg4[%get3A_170, %get3A_171, %get3A_172] {strides = array<i32>} : memref<2x125x128xf32, #tpu.memory_space<vmem>>, vector<1x1x16xf32>,
      %get3A_174 = vector.shape_cast %get3A_173 : vector<1x1x16xf32> to vector<16xf32>
      %get3A_175 = arith.constant 0 : i32
      %get3A_176 = arith.index_cast %get3A_175 : i32 to index
      %get3A_177 = arith.index_cast %add3A_106 : i32 to index
      %get3A_178 = arith.constant 96 : index
      %get3A_179 = tpu.vector_load %arg4[%get3A_176, %get3A_177, %get3A_178] {strides = array<i32>} : memref<2x125x128xf32, #tpu.memory_space<vmem>>, vector<1x1x16xf32>,
      %get3A_180 = vector.shape_cast %get3A_179 : vector<1x1x16xf32> to vector<16xf32>
      %bitcast_convert_type3A_181 = tpu.bitcast %get3A_174 : vector<16xf32> -> vector<16xi32>
      %bitcast_convert_type3A_182 = tpu.bitcast %get3A_180 : vector<16xf32> -> vector<16xi32>
      %add3A_183 = arith.constant 32768 : i32
      %add3A_184 = vector.broadcast %add3A_183 : i32 to vector<16xi32>
      %add3A_185 = arith.addi %bitcast_convert_type3A_181, %add3A_184 : vector<16xi32>
      %shift_right_logical3A_186 = arith.constant 16 : i32
      %shift_right_logical3A_187 = vector.broadcast %shift_right_logical3A_186 : i32 to vector<16xi32>
      %shift_right_logical3A_188 = arith.shrui %add3A_185, %shift_right_logical3A_187 : vector<16xi32>
      %add3A_189 = arith.constant 32768 : i32
      %add3A_190 = vector.broadcast %add3A_189 : i32 to vector<16xi32>
      %add3A_191 = arith.addi %bitcast_convert_type3A_182, %add3A_190 : vector<16xi32>
      %and3A_192 = arith.constant -65536 : i32
      %and3A_193 = vector.broadcast %and3A_192 : i32 to vector<16xi32>
      %and3A_194 = arith.andi %add3A_191, %and3A_193 : vector<16xi32>
      %or3A_195 = arith.ori %shift_right_logical3A_188, %and3A_194 : vector<16xi32>
      %swap3A_196 = arith.constant 0 : i32
      %swap3A_197 = arith.index_cast %swap3A_196 : i32 to index
      %swap3A_198 = arith.index_cast %add3A_106 : i32 to index
      %swap3A_199 = arith.constant 32 : index
      %swap3A_200 = tpu.vector_load %arg5[%swap3A_197, %swap3A_198, %swap3A_199] {strides = array<i32>} : memref<2x125x64xi32, #tpu.memory_space<vmem>>, vector<1x1x16xi32>,
      %swap3A_201 = vector.shape_cast %swap3A_200 : vector<1x1x16xi32> to vector<16xi32>
      %swap3A_202 = vector.shape_cast %or3A_195 : vector<16xi32> to vector<1x1x16xi32>
      tpu.vector_store %arg5[%swap3A_197, %swap3A_198, %swap3A_199], %swap3A_202 {strides = array<i32>} : memref<2x125x64xi32, #tpu.memory_space<vmem>>, vector<1x1x16xi32>,
      %get3A_203 = arith.constant 0 : i32
      %get3A_204 = arith.index_cast %get3A_203 : i32 to index
      %get3A_205 = arith.index_cast %add3A_106 : i32 to index
      %get3A_206 = arith.constant 48 : index
      %get3A_207 = tpu.vector_load %arg4[%get3A_204, %get3A_205, %get3A_206] {strides = array<i32>} : memref<2x125x128xf32, #tpu.memory_space<vmem>>, vector<1x1x16xf32>,
      %get3A_208 = vector.shape_cast %get3A_207 : vector<1x1x16xf32> to vector<16xf32>
      %get3A_209 = arith.constant 0 : i32
      %get3A_210 = arith.index_cast %get3A_209 : i32 to index
      %get3A_211 = arith.index_cast %add3A_106 : i32 to index
      %get3A_212 = arith.constant 112 : index
      %get3A_213 = tpu.vector_load %arg4[%get3A_210, %get3A_211, %get3A_212] {strides = array<i32>} : memref<2x125x128xf32, #tpu.memory_space<vmem>>, vector<1x1x16xf32>,
      %get3A_214 = vector.shape_cast %get3A_213 : vector<1x1x16xf32> to vector<16xf32>
      %bitcast_convert_type3A_215 = tpu.bitcast %get3A_208 : vector<16xf32> -> vector<16xi32>
      %bitcast_convert_type3A_216 = tpu.bitcast %get3A_214 : vector<16xf32> -> vector<16xi32>
      %add3A_217 = arith.constant 32768 : i32
      %add3A_218 = vector.broadcast %add3A_217 : i32 to vector<16xi32>
      %add3A_219 = arith.addi %bitcast_convert_type3A_215, %add3A_218 : vector<16xi32>
      %shift_right_logical3A_220 = arith.constant 16 : i32
      %shift_right_logical3A_221 = vector.broadcast %shift_right_logical3A_220 : i32 to vector<16xi32>
      %shift_right_logical3A_222 = arith.shrui %add3A_219, %shift_right_logical3A_221 : vector<16xi32>
      %add3A_223 = arith.constant 32768 : i32
      %add3A_224 = vector.broadcast %add3A_223 : i32 to vector<16xi32>
      %add3A_225 = arith.addi %bitcast_convert_type3A_216, %add3A_224 : vector<16xi32>
      %and3A_226 = arith.constant -65536 : i32
      %and3A_227 = vector.broadcast %and3A_226 : i32 to vector<16xi32>
      %and3A_228 = arith.andi %add3A_225, %and3A_227 : vector<16xi32>
      %or3A_229 = arith.ori %shift_right_logical3A_222, %and3A_228 : vector<16xi32>
      %swap3A_230 = arith.constant 0 : i32
      %swap3A_231 = arith.index_cast %swap3A_230 : i32 to index
      %swap3A_232 = arith.index_cast %add3A_106 : i32 to index
      %swap3A_233 = arith.constant 48 : index
      %swap3A_234 = tpu.vector_load %arg5[%swap3A_231, %swap3A_232, %swap3A_233] {strides = array<i32>} : memref<2x125x64xi32, #tpu.memory_space<vmem>>, vector<1x1x16xi32>,
      %swap3A_235 = vector.shape_cast %swap3A_234 : vector<1x1x16xi32> to vector<16xi32>
      %swap3A_236 = vector.shape_cast %or3A_229 : vector<16xi32> to vector<1x1x16xi32>
      tpu.vector_store %arg5[%swap3A_231, %swap3A_232, %swap3A_233], %swap3A_236 {strides = array<i32>} : memref<2x125x64xi32, #tpu.memory_space<vmem>>, vector<1x1x16xi32>,
      %mul3A_237 = arith.constant 5 : i32
      %mul3A_238 = arith.muli %mul3A_237, %scan3A_102 : i32
      %add3A_239 = arith.constant 1 : i32
      %add3A_240 = arith.addi %mul3A_238, %add3A_239 : i32
      %get3A_241 = arith.constant 0 : i32
      %get3A_242 = arith.index_cast %get3A_241 : i32 to index
      %get3A_243 = arith.index_cast %add3A_240 : i32 to index
      %get3A_244 = arith.constant 0 : index
      %get3A_245 = tpu.vector_load %arg4[%get3A_242, %get3A_243, %get3A_244] {strides = array<i32>} : memref<2x125x128xf32, #tpu.memory_space<vmem>>, vector<1x1x16xf32>,
      %get3A_246 = vector.shape_cast %get3A_245 : vector<1x1x16xf32> to vector<16xf32>
      %get3A_247 = arith.constant 0 : i32
      %get3A_248 = arith.index_cast %get3A_247 : i32 to index
      %get3A_249 = arith.index_cast %add3A_240 : i32 to index
      %get3A_250 = arith.constant 64 : index
      %get3A_251 = tpu.vector_load %arg4[%get3A_248, %get3A_249, %get3A_250] {strides = array<i32>} : memref<2x125x128xf32, #tpu.memory_space<vmem>>, vector<1x1x16xf32>,
      %get3A_252 = vector.shape_cast %get3A_251 : vector<1x1x16xf32> to vector<16xf32>
      %bitcast_convert_type3A_253 = tpu.bitcast %get3A_246 : vector<16xf32> -> vector<16xi32>
      %bitcast_convert_type3A_254 = tpu.bitcast %get3A_252 : vector<16xf32> -> vector<16xi32>
      %add3A_255 = arith.constant 32768 : i32
      %add3A_256 = vector.broadcast %add3A_255 : i32 to vector<16xi32>
      %add3A_257 = arith.addi %bitcast_convert_type3A_253, %add3A_256 : vector<16xi32>
      %shift_right_logical3A_258 = arith.constant 16 : i32
      %shift_right_logical3A_259 = vector.broadcast %shift_right_logical3A_258 : i32 to vector<16xi32>
      %shift_right_logical3A_260 = arith.shrui %add3A_257, %shift_right_logical3A_259 : vector<16xi32>
      %add3A_261 = arith.constant 32768 : i32
      %add3A_262 = vector.broadcast %add3A_261 : i32 to vector<16xi32>
      %add3A_263 = arith.addi %bitcast_convert_type3A_254, %add3A_262 : vector<16xi32>
      %and3A_264 = arith.constant -65536 : i32
      %and3A_265 = vector.broadcast %and3A_264 : i32 to vector<16xi32>
      %and3A_266 = arith.andi %add3A_263, %and3A_265 : vector<16xi32>
      %or3A_267 = arith.ori %shift_right_logical3A_260, %and3A_266 : vector<16xi32>
      %swap3A_268 = arith.constant 0 : i32
      %swap3A_269 = arith.index_cast %swap3A_268 : i32 to index
      %swap3A_270 = arith.index_cast %add3A_240 : i32 to index
      %swap3A_271 = arith.constant 0 : index
      %swap3A_272 = tpu.vector_load %arg5[%swap3A_269, %swap3A_270, %swap3A_271] {strides = array<i32>} : memref<2x125x64xi32, #tpu.memory_space<vmem>>, vector<1x1x16xi32>,
      %swap3A_273 = vector.shape_cast %swap3A_272 : vector<1x1x16xi32> to vector<16xi32>
      %swap3A_274 = vector.shape_cast %or3A_267 : vector<16xi32> to vector<1x1x16xi32>
      tpu.vector_store %arg5[%swap3A_269, %swap3A_270, %swap3A_271], %swap3A_274 {strides = array<i32>} : memref<2x125x64xi32, #tpu.memory_space<vmem>>, vector<1x1x16xi32>,
      %get3A_275 = arith.constant 0 : i32
      %get3A_276 = arith.index_cast %get3A_275 : i32 to index
      %get3A_277 = arith.index_cast %add3A_240 : i32 to index
      %get3A_278 = arith.constant 16 : index
      %get3A_279 = tpu.vector_load %arg4[%get3A_276, %get3A_277, %get3A_278] {strides = array<i32>} : memref<2x125x128xf32, #tpu.memory_space<vmem>>, vector<1x1x16xf32>,
      %get3A_280 = vector.shape_cast %get3A_279 : vector<1x1x16xf32> to vector<16xf32>
      %get3A_281 = arith.constant 0 : i32
      %get3A_282 = arith.index_cast %get3A_281 : i32 to index
      %get3A_283 = arith.index_cast %add3A_240 : i32 to index
      %get3A_284 = arith.constant 80 : index
      %get3A_285 = tpu.vector_load %arg4[%get3A_282, %get3A_283, %get3A_284] {strides = array<i32>} : memref<2x125x128xf32, #tpu.memory_space<vmem>>, vector<1x1x16xf32>,
      %get3A_286 = vector.shape_cast %get3A_285 : vector<1x1x16xf32> to vector<16xf32>
      %bitcast_convert_type3A_287 = tpu.bitcast %get3A_280 : vector<16xf32> -> vector<16xi32>
      %bitcast_convert_type3A_288 = tpu.bitcast %get3A_286 : vector<16xf32> -> vector<16xi32>
      %add3A_289 = arith.constant 32768 : i32
      %add3A_290 = vector.broadcast %add3A_289 : i32 to vector<16xi32>
      %add3A_291 = arith.addi %bitcast_convert_type3A_287, %add3A_290 : vector<16xi32>
      %shift_right_logical3A_292 = arith.constant 16 : i32
      %shift_right_logical3A_293 = vector.broadcast %shift_right_logical3A_292 : i32 to vector<16xi32>
      %shift_right_logical3A_294 = arith.shrui %add3A_291, %shift_right_logical3A_293 : vector<16xi32>
      %add3A_295 = arith.constant 32768 : i32
      %add3A_296 = vector.broadcast %add3A_295 : i32 to vector<16xi32>
      %add3A_297 = arith.addi %bitcast_convert_type3A_288, %add3A_296 : vector<16xi32>
      %and3A_298 = arith.constant -65536 : i32
      %and3A_299 = vector.broadcast %and3A_298 : i32 to vector<16xi32>
      %and3A_300 = arith.andi %add3A_297, %and3A_299 : vector<16xi32>
      %or3A_301 = arith.ori %shift_right_logical3A_294, %and3A_300 : vector<16xi32>
      %swap3A_302 = arith.constant 0 : i32
      %swap3A_303 = arith.index_cast %swap3A_302 : i32 to index
      %swap3A_304 = arith.index_cast %add3A_240 : i32 to index
      %swap3A_305 = arith.constant 16 : index
      %swap3A_306 = tpu.vector_load %arg5[%swap3A_303, %swap3A_304, %swap3A_305] {strides = array<i32>} : memref<2x125x64xi32, #tpu.memory_space<vmem>>, vector<1x1x16xi32>,
      %swap3A_307 = vector.shape_cast %swap3A_306 : vector<1x1x16xi32> to vector<16xi32>
      %swap3A_308 = vector.shape_cast %or3A_301 : vector<16xi32> to vector<1x1x16xi32>
      tpu.vector_store %arg5[%swap3A_303, %swap3A_304, %swap3A_305], %swap3A_308 {strides = array<i32>} : memref<2x125x64xi32, #tpu.memory_space<vmem>>, vector<1x1x16xi32>,
      %get3A_309 = arith.constant 0 : i32
      %get3A_310 = arith.index_cast %get3A_309 : i32 to index
      %get3A_311 = arith.index_cast %add3A_240 : i32 to index
      %get3A_312 = arith.constant 32 : index
      %get3A_313 = tpu.vector_load %arg4[%get3A_310, %get3A_311, %get3A_312] {strides = array<i32>} : memref<2x125x128xf32, #tpu.memory_space<vmem>>, vector<1x1x16xf32>,
      %get3A_314 = vector.shape_cast %get3A_313 : vector<1x1x16xf32> to vector<16xf32>
      %get3A_315 = arith.constant 0 : i32
      %get3A_316 = arith.index_cast %get3A_315 : i32 to index
      %get3A_317 = arith.index_cast %add3A_240 : i32 to index
      %get3A_318 = arith.constant 96 : index
      %get3A_319 = tpu.vector_load %arg4[%get3A_316, %get3A_317, %get3A_318] {strides = array<i32>} : memref<2x125x128xf32, #tpu.memory_space<vmem>>, vector<1x1x16xf32>,
      %get3A_320 = vector.shape_cast %get3A_319 : vector<1x1x16xf32> to vector<16xf32>
      %bitcast_convert_type3A_321 = tpu.bitcast %get3A_314 : vector<16xf32> -> vector<16xi32>
      %bitcast_convert_type3A_322 = tpu.bitcast %get3A_320 : vector<16xf32> -> vector<16xi32>
      %add3A_323 = arith.constant 32768 : i32
      %add3A_324 = vector.broadcast %add3A_323 : i32 to vector<16xi32>
      %add3A_325 = arith.addi %bitcast_convert_type3A_321, %add3A_324 : vector<16xi32>
      %shift_right_logical3A_326 = arith.constant 16 : i32
      %shift_right_logical3A_327 = vector.broadcast %shift_right_logical3A_326 : i32 to vector<16xi32>
      %shift_right_logical3A_328 = arith.shrui %add3A_325, %shift_right_logical3A_327 : vector<16xi32>
      %add3A_329 = arith.constant 32768 : i32
      %add3A_330 = vector.broadcast %add3A_329 : i32 to vector<16xi32>
      %add3A_331 = arith.addi %bitcast_convert_type3A_322, %add3A_330 : vector<16xi32>
      %and3A_332 = arith.constant -65536 : i32
      %and3A_333 = vector.broadcast %and3A_332 : i32 to vector<16xi32>
      %and3A_334 = arith.andi %add3A_331, %and3A_333 : vector<16xi32>
      %or3A_335 = arith.ori %shift_right_logical3A_328, %and3A_334 : vector<16xi32>
      %swap3A_336 = arith.constant 0 : i32
      %swap3A_337 = arith.index_cast %swap3A_336 : i32 to index
      %swap3A_338 = arith.index_cast %add3A_240 : i32 to index
      %swap3A_339 = arith.constant 32 : index
      %swap3A_340 = tpu.vector_load %arg5[%swap3A_337, %swap3A_338, %swap3A_339] {strides = array<i32>} : memref<2x125x64xi32, #tpu.memory_space<vmem>>, vector<1x1x16xi32>,
      %swap3A_341 = vector.shape_cast %swap3A_340 : vector<1x1x16xi32> to vector<16xi32>
      %swap3A_342 = vector.shape_cast %or3A_335 : vector<16xi32> to vector<1x1x16xi32>
      tpu.vector_store %arg5[%swap3A_337, %swap3A_338, %swap3A_339], %swap3A_342 {strides = array<i32>} : memref<2x125x64xi32, #tpu.memory_space<vmem>>, vector<1x1x16xi32>,
      %get3A_343 = arith.constant 0 : i32
      %get3A_344 = arith.index_cast %get3A_343 : i32 to index
      %get3A_345 = arith.index_cast %add3A_240 : i32 to index
      %get3A_346 = arith.constant 48 : index
      %get3A_347 = tpu.vector_load %arg4[%get3A_344, %get3A_345, %get3A_346] {strides = array<i32>} : memref<2x125x128xf32, #tpu.memory_space<vmem>>, vector<1x1x16xf32>,
      %get3A_348 = vector.shape_cast %get3A_347 : vector<1x1x16xf32> to vector<16xf32>
      %get3A_349 = arith.constant 0 : i32
      %get3A_350 = arith.index_cast %get3A_349 : i32 to index
      %get3A_351 = arith.index_cast %add3A_240 : i32 to index
      %get3A_352 = arith.constant 112 : index
      %get3A_353 = tpu.vector_load %arg4[%get3A_350, %get3A_351, %get3A_352] {strides = array<i32>} : memref<2x125x128xf32, #tpu.memory_space<vmem>>, vector<1x1x16xf32>,
      %get3A_354 = vector.shape_cast %get3A_353 : vector<1x1x16xf32> to vector<16xf32>
      %bitcast_convert_type3A_355 = tpu.bitcast %get3A_348 : vector<16xf32> -> vector<16xi32>
      %bitcast_convert_type3A_356 = tpu.bitcast %get3A_354 : vector<16xf32> -> vector<16xi32>
      %add3A_357 = arith.constant 32768 : i32
      %add3A_358 = vector.broadcast %add3A_357 : i32 to vector<16xi32>
      %add3A_359 = arith.addi %bitcast_convert_type3A_355, %add3A_358 : vector<16xi32>
      %shift_right_logical3A_360 = arith.constant 16 : i32
      %shift_right_logical3A_361 = vector.broadcast %shift_right_logical3A_360 : i32 to vector<16xi32>
      %shift_right_logical3A_362 = arith.shrui %add3A_359, %shift_right_logical3A_361 : vector<16xi32>
      %add3A_363 = arith.constant 32768 : i32
      %add3A_364 = vector.broadcast %add3A_363 : i32 to vector<16xi32>
      %add3A_365 = arith.addi %bitcast_convert_type3A_356, %add3A_364 : vector<16xi32>
      %and3A_366 = arith.constant -65536 : i32
      %and3A_367 = vector.broadcast %and3A_366 : i32 to vector<16xi32>
      %and3A_368 = arith.andi %add3A_365, %and3A_367 : vector<16xi32>
      %or3A_369 = arith.ori %shift_right_logical3A_362, %and3A_368 : vector<16xi32>
      %swap3A_370 = arith.constant 0 : i32
      %swap3A_371 = arith.index_cast %swap3A_370 : i32 to index
      %swap3A_372 = arith.index_cast %add3A_240 : i32 to index
      %swap3A_373 = arith.constant 48 : index
      %swap3A_374 = tpu.vector_load %arg5[%swap3A_371, %swap3A_372, %swap3A_373] {strides = array<i32>} : memref<2x125x64xi32, #tpu.memory_space<vmem>>, vector<1x1x16xi32>,
      %swap3A_375 = vector.shape_cast %swap3A_374 : vector<1x1x16xi32> to vector<16xi32>
      %swap3A_376 = vector.shape_cast %or3A_369 : vector<16xi32> to vector<1x1x16xi32>
      tpu.vector_store %arg5[%swap3A_371, %swap3A_372, %swap3A_373], %swap3A_376 {strides = array<i32>} : memref<2x125x64xi32, #tpu.memory_space<vmem>>, vector<1x1x16xi32>,
      %mul3A_377 = arith.constant 5 : i32
      %mul3A_378 = arith.muli %mul3A_377, %scan3A_102 : i32
      %add3A_379 = arith.constant 2 : i32
      %add3A_380 = arith.addi %mul3A_378, %add3A_379 : i32
      %get3A_381 = arith.constant 0 : i32
      %get3A_382 = arith.index_cast %get3A_381 : i32 to index
      %get3A_383 = arith.index_cast %add3A_380 : i32 to index
      %get3A_384 = arith.constant 0 : index
      %get3A_385 = tpu.vector_load %arg4[%get3A_382, %get3A_383, %get3A_384] {strides = array<i32>} : memref<2x125x128xf32, #tpu.memory_space<vmem>>, vector<1x1x16xf32>,
      %get3A_386 = vector.shape_cast %get3A_385 : vector<1x1x16xf32> to vector<16xf32>
      %get3A_387 = arith.constant 0 : i32
      %get3A_388 = arith.index_cast %get3A_387 : i32 to index
      %get3A_389 = arith.index_cast %add3A_380 : i32 to index
      %get3A_390 = arith.constant 64 : index
      %get3A_391 = tpu.vector_load %arg4[%get3A_388, %get3A_389, %get3A_390] {strides = array<i32>} : memref<2x125x128xf32, #tpu.memory_space<vmem>>, vector<1x1x16xf32>,
      %get3A_392 = vector.shape_cast %get3A_391 : vector<1x1x16xf32> to vector<16xf32>
      %bitcast_convert_type3A_393 = tpu.bitcast %get3A_386 : vector<16xf32> -> vector<16xi32>
      %bitcast_convert_type3A_394 = tpu.bitcast %get3A_392 : vector<16xf32> -> vector<16xi32>
      %add3A_395 = arith.constant 32768 : i32
      %add3A_396 = vector.broadcast %add3A_395 : i32 to vector<16xi32>
      %add3A_397 = arith.addi %bitcast_convert_type3A_393, %add3A_396 : vector<16xi32>
      %shift_right_logical3A_398 = arith.constant 16 : i32
      %shift_right_logical3A_399 = vector.broadcast %shift_right_logical3A_398 : i32 to vector<16xi32>
      %shift_right_logical3A_400 = arith.shrui %add3A_397, %shift_right_logical3A_399 : vector<16xi32>
      %add3A_401 = arith.constant 32768 : i32
      %add3A_402 = vector.broadcast %add3A_401 : i32 to vector<16xi32>
      %add3A_403 = arith.addi %bitcast_convert_type3A_394, %add3A_402 : vector<16xi32>
      %and3A_404 = arith.constant -65536 : i32
      %and3A_405 = vector.broadcast %and3A_404 : i32 to vector<16xi32>
      %and3A_406 = arith.andi %add3A_403, %and3A_405 : vector<16xi32>
      %or3A_407 = arith.ori %shift_right_logical3A_400, %and3A_406 : vector<16xi32>
      %swap3A_408 = arith.constant 0 : i32
      %swap3A_409 = arith.index_cast %swap3A_408 : i32 to index
      %swap3A_410 = arith.index_cast %add3A_380 : i32 to index
      %swap3A_411 = arith.constant 0 : index
      %swap3A_412 = tpu.vector_load %arg5[%swap3A_409, %swap3A_410, %swap3A_411] {strides = array<i32>} : memref<2x125x64xi32, #tpu.memory_space<vmem>>, vector<1x1x16xi32>,
      %swap3A_413 = vector.shape_cast %swap3A_412 : vector<1x1x16xi32> to vector<16xi32>
      %swap3A_414 = vector.shape_cast %or3A_407 : vector<16xi32> to vector<1x1x16xi32>
      tpu.vector_store %arg5[%swap3A_409, %swap3A_410, %swap3A_411], %swap3A_414 {strides = array<i32>} : memref<2x125x64xi32, #tpu.memory_space<vmem>>, vector<1x1x16xi32>,
      %get3A_415 = arith.constant 0 : i32
      %get3A_416 = arith.index_cast %get3A_415 : i32 to index
      %get3A_417 = arith.index_cast %add3A_380 : i32 to index
      %get3A_418 = arith.constant 16 : index
      %get3A_419 = tpu.vector_load %arg4[%get3A_416, %get3A_417, %get3A_418] {strides = array<i32>} : memref<2x125x128xf32, #tpu.memory_space<vmem>>, vector<1x1x16xf32>,
      %get3A_420 = vector.shape_cast %get3A_419 : vector<1x1x16xf32> to vector<16xf32>
      %get3A_421 = arith.constant 0 : i32
      %get3A_422 = arith.index_cast %get3A_421 : i32 to index
      %get3A_423 = arith.index_cast %add3A_380 : i32 to index
      %get3A_424 = arith.constant 80 : index
      %get3A_425 = tpu.vector_load %arg4[%get3A_422, %get3A_423, %get3A_424] {strides = array<i32>} : memref<2x125x128xf32, #tpu.memory_space<vmem>>, vector<1x1x16xf32>,
      %get3A_426 = vector.shape_cast %get3A_425 : vector<1x1x16xf32> to vector<16xf32>
      %bitcast_convert_type3A_427 = tpu.bitcast %get3A_420 : vector<16xf32> -> vector<16xi32>
      %bitcast_convert_type3A_428 = tpu.bitcast %get3A_426 : vector<16xf32> -> vector<16xi32>
      %add3A_429 = arith.constant 32768 : i32
      %add3A_430 = vector.broadcast %add3A_429 : i32 to vector<16xi32>
      %add3A_431 = arith.addi %bitcast_convert_type3A_427, %add3A_430 : vector<16xi32>
      %shift_right_logical3A_432 = arith.constant 16 : i32
      %shift_right_logical3A_433 = vector.broadcast %shift_right_logical3A_432 : i32 to vector<16xi32>
      %shift_right_logical3A_434 = arith.shrui %add3A_431, %shift_right_logical3A_433 : vector<16xi32>
      %add3A_435 = arith.constant 32768 : i32
      %add3A_436 = vector.broadcast %add3A_435 : i32 to vector<16xi32>
      %add3A_437 = arith.addi %bitcast_convert_type3A_428, %add3A_436 : vector<16xi32>
      %and3A_438 = arith.constant -65536 : i32
      %and3A_439 = vector.broadcast %and3A_438 : i32 to vector<16xi32>
      %and3A_440 = arith.andi %add3A_437, %and3A_439 : vector<16xi32>
      %or3A_441 = arith.ori %shift_right_logical3A_434, %and3A_440 : vector<16xi32>
      %swap3A_442 = arith.constant 0 : i32
      %swap3A_443 = arith.index_cast %swap3A_442 : i32 to index
      %swap3A_444 = arith.index_cast %add3A_380 : i32 to index
      %swap3A_445 = arith.constant 16 : index
      %swap3A_446 = tpu.vector_load %arg5[%swap3A_443, %swap3A_444, %swap3A_445] {strides = array<i32>} : memref<2x125x64xi32, #tpu.memory_space<vmem>>, vector<1x1x16xi32>,
      %swap3A_447 = vector.shape_cast %swap3A_446 : vector<1x1x16xi32> to vector<16xi32>
      %swap3A_448 = vector.shape_cast %or3A_441 : vector<16xi32> to vector<1x1x16xi32>
      tpu.vector_store %arg5[%swap3A_443, %swap3A_444, %swap3A_445], %swap3A_448 {strides = array<i32>} : memref<2x125x64xi32, #tpu.memory_space<vmem>>, vector<1x1x16xi32>,
      %get3A_449 = arith.constant 0 : i32
      %get3A_450 = arith.index_cast %get3A_449 : i32 to index
      %get3A_451 = arith.index_cast %add3A_380 : i32 to index
      %get3A_452 = arith.constant 32 : index
      %get3A_453 = tpu.vector_load %arg4[%get3A_450, %get3A_451, %get3A_452] {strides = array<i32>} : memref<2x125x128xf32, #tpu.memory_space<vmem>>, vector<1x1x16xf32>,
      %get3A_454 = vector.shape_cast %get3A_453 : vector<1x1x16xf32> to vector<16xf32>
      %get3A_455 = arith.constant 0 : i32
      %get3A_456 = arith.index_cast %get3A_455 : i32 to index
      %get3A_457 = arith.index_cast %add3A_380 : i32 to index
      %get3A_458 = arith.constant 96 : index
      %get3A_459 = tpu.vector_load %arg4[%get3A_456, %get3A_457, %get3A_458] {strides = array<i32>} : memref<2x125x128xf32, #tpu.memory_space<vmem>>, vector<1x1x16xf32>,
      %get3A_460 = vector.shape_cast %get3A_459 : vector<1x1x16xf32> to vector<16xf32>
      %bitcast_convert_type3A_461 = tpu.bitcast %get3A_454 : vector<16xf32> -> vector<16xi32>
      %bitcast_convert_type3A_462 = tpu.bitcast %get3A_460 : vector<16xf32> -> vector<16xi32>
      %add3A_463 = arith.constant 32768 : i32
      %add3A_464 = vector.broadcast %add3A_463 : i32 to vector<16xi32>
      %add3A_465 = arith.addi %bitcast_convert_type3A_461, %add3A_464 : vector<16xi32>
      %shift_right_logical3A_466 = arith.constant 16 : i32
      %shift_right_logical3A_467 = vector.broadcast %shift_right_logical3A_466 : i32 to vector<16xi32>
      %shift_right_logical3A_468 = arith.shrui %add3A_465, %shift_right_logical3A_467 : vector<16xi32>
      %add3A_469 = arith.constant 32768 : i32
      %add3A_470 = vector.broadcast %add3A_469 : i32 to vector<16xi32>
      %add3A_471 = arith.addi %bitcast_convert_type3A_462, %add3A_470 : vector<16xi32>
      %and3A_472 = arith.constant -65536 : i32
      %and3A_473 = vector.broadcast %and3A_472 : i32 to vector<16xi32>
      %and3A_474 = arith.andi %add3A_471, %and3A_473 : vector<16xi32>
      %or3A_475 = arith.ori %shift_right_logical3A_468, %and3A_474 : vector<16xi32>
      %swap3A_476 = arith.constant 0 : i32
      %swap3A_477 = arith.index_cast %swap3A_476 : i32 to index
      %swap3A_478 = arith.index_cast %add3A_380 : i32 to index
      %swap3A_479 = arith.constant 32 : index
      %swap3A_480 = tpu.vector_load %arg5[%swap3A_477, %swap3A_478, %swap3A_479] {strides = array<i32>} : memref<2x125x64xi32, #tpu.memory_space<vmem>>, vector<1x1x16xi32>,
      %swap3A_481 = vector.shape_cast %swap3A_480 : vector<1x1x16xi32> to vector<16xi32>
      %swap3A_482 = vector.shape_cast %or3A_475 : vector<16xi32> to vector<1x1x16xi32>
      tpu.vector_store %arg5[%swap3A_477, %swap3A_478, %swap3A_479], %swap3A_482 {strides = array<i32>} : memref<2x125x64xi32, #tpu.memory_space<vmem>>, vector<1x1x16xi32>,
      %get3A_483 = arith.constant 0 : i32
      %get3A_484 = arith.index_cast %get3A_483 : i32 to index
      %get3A_485 = arith.index_cast %add3A_380 : i32 to index
      %get3A_486 = arith.constant 48 : index
      %get3A_487 = tpu.vector_load %arg4[%get3A_484, %get3A_485, %get3A_486] {strides = array<i32>} : memref<2x125x128xf32, #tpu.memory_space<vmem>>, vector<1x1x16xf32>,
      %get3A_488 = vector.shape_cast %get3A_487 : vector<1x1x16xf32> to vector<16xf32>
      %get3A_489 = arith.constant 0 : i32
      %get3A_490 = arith.index_cast %get3A_489 : i32 to index
      %get3A_491 = arith.index_cast %add3A_380 : i32 to index
      %get3A_492 = arith.constant 112 : index
      %get3A_493 = tpu.vector_load %arg4[%get3A_490, %get3A_491, %get3A_492] {strides = array<i32>} : memref<2x125x128xf32, #tpu.memory_space<vmem>>, vector<1x1x16xf32>,
      %get3A_494 = vector.shape_cast %get3A_493 : vector<1x1x16xf32> to vector<16xf32>
      %bitcast_convert_type3A_495 = tpu.bitcast %get3A_488 : vector<16xf32> -> vector<16xi32>
      %bitcast_convert_type3A_496 = tpu.bitcast %get3A_494 : vector<16xf32> -> vector<16xi32>
      %add3A_497 = arith.constant 32768 : i32
      %add3A_498 = vector.broadcast %add3A_497 : i32 to vector<16xi32>
      %add3A_499 = arith.addi %bitcast_convert_type3A_495, %add3A_498 : vector<16xi32>
      %shift_right_logical3A_500 = arith.constant 16 : i32
      %shift_right_logical3A_501 = vector.broadcast %shift_right_logical3A_500 : i32 to vector<16xi32>
      %shift_right_logical3A_502 = arith.shrui %add3A_499, %shift_right_logical3A_501 : vector<16xi32>
      %add3A_503 = arith.constant 32768 : i32
      %add3A_504 = vector.broadcast %add3A_503 : i32 to vector<16xi32>
      %add3A_505 = arith.addi %bitcast_convert_type3A_496, %add3A_504 : vector<16xi32>
      %and3A_506 = arith.constant -65536 : i32
      %and3A_507 = vector.broadcast %and3A_506 : i32 to vector<16xi32>
      %and3A_508 = arith.andi %add3A_505, %and3A_507 : vector<16xi32>
      %or3A_509 = arith.ori %shift_right_logical3A_502, %and3A_508 : vector<16xi32>
      %swap3A_510 = arith.constant 0 : i32
      %swap3A_511 = arith.index_cast %swap3A_510 : i32 to index
      %swap3A_512 = arith.index_cast %add3A_380 : i32 to index
      %swap3A_513 = arith.constant 48 : index
      %swap3A_514 = tpu.vector_load %arg5[%swap3A_511, %swap3A_512, %swap3A_513] {strides = array<i32>} : memref<2x125x64xi32, #tpu.memory_space<vmem>>, vector<1x1x16xi32>,
      %swap3A_515 = vector.shape_cast %swap3A_514 : vector<1x1x16xi32> to vector<16xi32>
      %swap3A_516 = vector.shape_cast %or3A_509 : vector<16xi32> to vector<1x1x16xi32>
      tpu.vector_store %arg5[%swap3A_511, %swap3A_512, %swap3A_513], %swap3A_516 {strides = array<i32>} : memref<2x125x64xi32, #tpu.memory_space<vmem>>, vector<1x1x16xi32>,
      %mul3A_517 = arith.constant 5 : i32
      %mul3A_518 = arith.muli %mul3A_517, %scan3A_102 : i32
      %add3A_519 = arith.constant 3 : i32
      %add3A_520 = arith.addi %mul3A_518, %add3A_519 : i32
      %get3A_521 = arith.constant 0 : i32
      %get3A_522 = arith.index_cast %get3A_521 : i32 to index
      %get3A_523 = arith.index_cast %add3A_520 : i32 to index
      %get3A_524 = arith.constant 0 : index
      %get3A_525 = tpu.vector_load %arg4[%get3A_522, %get3A_523, %get3A_524] {strides = array<i32>} : memref<2x125x128xf32, #tpu.memory_space<vmem>>, vector<1x1x16xf32>,
      %get3A_526 = vector.shape_cast %get3A_525 : vector<1x1x16xf32> to vector<16xf32>
      %get3A_527 = arith.constant 0 : i32
      %get3A_528 = arith.index_cast %get3A_527 : i32 to index
      %get3A_529 = arith.index_cast %add3A_520 : i32 to index
      %get3A_530 = arith.constant 64 : index
      %get3A_531 = tpu.vector_load %arg4[%get3A_528, %get3A_529, %get3A_530] {strides = array<i32>} : memref<2x125x128xf32, #tpu.memory_space<vmem>>, vector<1x1x16xf32>,
      %get3A_532 = vector.shape_cast %get3A_531 : vector<1x1x16xf32> to vector<16xf32>
      %bitcast_convert_type3A_533 = tpu.bitcast %get3A_526 : vector<16xf32> -> vector<16xi32>
      %bitcast_convert_type3A_534 = tpu.bitcast %get3A_532 : vector<16xf32> -> vector<16xi32>
      %add3A_535 = arith.constant 32768 : i32
      %add3A_536 = vector.broadcast %add3A_535 : i32 to vector<16xi32>
      %add3A_537 = arith.addi %bitcast_convert_type3A_533, %add3A_536 : vector<16xi32>
      %shift_right_logical3A_538 = arith.constant 16 : i32
      %shift_right_logical3A_539 = vector.broadcast %shift_right_logical3A_538 : i32 to vector<16xi32>
      %shift_right_logical3A_540 = arith.shrui %add3A_537, %shift_right_logical3A_539 : vector<16xi32>
      %add3A_541 = arith.constant 32768 : i32
      %add3A_542 = vector.broadcast %add3A_541 : i32 to vector<16xi32>
      %add3A_543 = arith.addi %bitcast_convert_type3A_534, %add3A_542 : vector<16xi32>
      %and3A_544 = arith.constant -65536 : i32
      %and3A_545 = vector.broadcast %and3A_544 : i32 to vector<16xi32>
      %and3A_546 = arith.andi %add3A_543, %and3A_545 : vector<16xi32>
      %or3A_547 = arith.ori %shift_right_logical3A_540, %and3A_546 : vector<16xi32>
      %swap3A_548 = arith.constant 0 : i32
      %swap3A_549 = arith.index_cast %swap3A_548 : i32 to index
      %swap3A_550 = arith.index_cast %add3A_520 : i32 to index
      %swap3A_551 = arith.constant 0 : index
      %swap3A_552 = tpu.vector_load %arg5[%swap3A_549, %swap3A_550, %swap3A_551] {strides = array<i32>} : memref<2x125x64xi32, #tpu.memory_space<vmem>>, vector<1x1x16xi32>,
      %swap3A_553 = vector.shape_cast %swap3A_552 : vector<1x1x16xi32> to vector<16xi32>
      %swap3A_554 = vector.shape_cast %or3A_547 : vector<16xi32> to vector<1x1x16xi32>
      tpu.vector_store %arg5[%swap3A_549, %swap3A_550, %swap3A_551], %swap3A_554 {strides = array<i32>} : memref<2x125x64xi32, #tpu.memory_space<vmem>>, vector<1x1x16xi32>,
      %get3A_555 = arith.constant 0 : i32
      %get3A_556 = arith.index_cast %get3A_555 : i32 to index
      %get3A_557 = arith.index_cast %add3A_520 : i32 to index
      %get3A_558 = arith.constant 16 : index
      %get3A_559 = tpu.vector_load %arg4[%get3A_556, %get3A_557, %get3A_558] {strides = array<i32>} : memref<2x125x128xf32, #tpu.memory_space<vmem>>, vector<1x1x16xf32>,
      %get3A_560 = vector.shape_cast %get3A_559 : vector<1x1x16xf32> to vector<16xf32>
      %get3A_561 = arith.constant 0 : i32
      %get3A_562 = arith.index_cast %get3A_561 : i32 to index
      %get3A_563 = arith.index_cast %add3A_520 : i32 to index
      %get3A_564 = arith.constant 80 : index
      %get3A_565 = tpu.vector_load %arg4[%get3A_562, %get3A_563, %get3A_564] {strides = array<i32>} : memref<2x125x128xf32, #tpu.memory_space<vmem>>, vector<1x1x16xf32>,
      %get3A_566 = vector.shape_cast %get3A_565 : vector<1x1x16xf32> to vector<16xf32>
      %bitcast_convert_type3A_567 = tpu.bitcast %get3A_560 : vector<16xf32> -> vector<16xi32>
      %bitcast_convert_type3A_568 = tpu.bitcast %get3A_566 : vector<16xf32> -> vector<16xi32>
      %add3A_569 = arith.constant 32768 : i32
      %add3A_570 = vector.broadcast %add3A_569 : i32 to vector<16xi32>
      %add3A_571 = arith.addi %bitcast_convert_type3A_567, %add3A_570 : vector<16xi32>
      %shift_right_logical3A_572 = arith.constant 16 : i32
      %shift_right_logical3A_573 = vector.broadcast %shift_right_logical3A_572 : i32 to vector<16xi32>
      %shift_right_logical3A_574 = arith.shrui %add3A_571, %shift_right_logical3A_573 : vector<16xi32>
      %add3A_575 = arith.constant 32768 : i32
      %add3A_576 = vector.broadcast %add3A_575 : i32 to vector<16xi32>
      %add3A_577 = arith.addi %bitcast_convert_type3A_568, %add3A_576 : vector<16xi32>
      %and3A_578 = arith.constant -65536 : i32
      %and3A_579 = vector.broadcast %and3A_578 : i32 to vector<16xi32>
      %and3A_580 = arith.andi %add3A_577, %and3A_579 : vector<16xi32>
      %or3A_581 = arith.ori %shift_right_logical3A_574, %and3A_580 : vector<16xi32>
      %swap3A_582 = arith.constant 0 : i32
      %swap3A_583 = arith.index_cast %swap3A_582 : i32 to index
      %swap3A_584 = arith.index_cast %add3A_520 : i32 to index
      %swap3A_585 = arith.constant 16 : index
      %swap3A_586 = tpu.vector_load %arg5[%swap3A_583, %swap3A_584, %swap3A_585] {strides = array<i32>} : memref<2x125x64xi32, #tpu.memory_space<vmem>>, vector<1x1x16xi32>,
      %swap3A_587 = vector.shape_cast %swap3A_586 : vector<1x1x16xi32> to vector<16xi32>
      %swap3A_588 = vector.shape_cast %or3A_581 : vector<16xi32> to vector<1x1x16xi32>
      tpu.vector_store %arg5[%swap3A_583, %swap3A_584, %swap3A_585], %swap3A_588 {strides = array<i32>} : memref<2x125x64xi32, #tpu.memory_space<vmem>>, vector<1x1x16xi32>,
      %get3A_589 = arith.constant 0 : i32
      %get3A_590 = arith.index_cast %get3A_589 : i32 to index
      %get3A_591 = arith.index_cast %add3A_520 : i32 to index
      %get3A_592 = arith.constant 32 : index
      %get3A_593 = tpu.vector_load %arg4[%get3A_590, %get3A_591, %get3A_592] {strides = array<i32>} : memref<2x125x128xf32, #tpu.memory_space<vmem>>, vector<1x1x16xf32>,
      %get3A_594 = vector.shape_cast %get3A_593 : vector<1x1x16xf32> to vector<16xf32>
      %get3A_595 = arith.constant 0 : i32
      %get3A_596 = arith.index_cast %get3A_595 : i32 to index
      %get3A_597 = arith.index_cast %add3A_520 : i32 to index
      %get3A_598 = arith.constant 96 : index
      %get3A_599 = tpu.vector_load %arg4[%get3A_596, %get3A_597, %get3A_598] {strides = array<i32>} : memref<2x125x128xf32, #tpu.memory_space<vmem>>, vector<1x1x16xf32>,
      %get3A_600 = vector.shape_cast %get3A_599 : vector<1x1x16xf32> to vector<16xf32>
      %bitcast_convert_type3A_601 = tpu.bitcast %get3A_594 : vector<16xf32> -> vector<16xi32>
      %bitcast_convert_type3A_602 = tpu.bitcast %get3A_600 : vector<16xf32> -> vector<16xi32>
      %add3A_603 = arith.constant 32768 : i32
      %add3A_604 = vector.broadcast %add3A_603 : i32 to vector<16xi32>
      %add3A_605 = arith.addi %bitcast_convert_type3A_601, %add3A_604 : vector<16xi32>
      %shift_right_logical3A_606 = arith.constant 16 : i32
      %shift_right_logical3A_607 = vector.broadcast %shift_right_logical3A_606 : i32 to vector<16xi32>
      %shift_right_logical3A_608 = arith.shrui %add3A_605, %shift_right_logical3A_607 : vector<16xi32>
      %add3A_609 = arith.constant 32768 : i32
      %add3A_610 = vector.broadcast %add3A_609 : i32 to vector<16xi32>
      %add3A_611 = arith.addi %bitcast_convert_type3A_602, %add3A_610 : vector<16xi32>
      %and3A_612 = arith.constant -65536 : i32
      %and3A_613 = vector.broadcast %and3A_612 : i32 to vector<16xi32>
      %and3A_614 = arith.andi %add3A_611, %and3A_613 : vector<16xi32>
      %or3A_615 = arith.ori %shift_right_logical3A_608, %and3A_614 : vector<16xi32>
      %swap3A_616 = arith.constant 0 : i32
      %swap3A_617 = arith.index_cast %swap3A_616 : i32 to index
      %swap3A_618 = arith.index_cast %add3A_520 : i32 to index
      %swap3A_619 = arith.constant 32 : index
      %swap3A_620 = tpu.vector_load %arg5[%swap3A_617, %swap3A_618, %swap3A_619] {strides = array<i32>} : memref<2x125x64xi32, #tpu.memory_space<vmem>>, vector<1x1x16xi32>,
      %swap3A_621 = vector.shape_cast %swap3A_620 : vector<1x1x16xi32> to vector<16xi32>
      %swap3A_622 = vector.shape_cast %or3A_615 : vector<16xi32> to vector<1x1x16xi32>
      tpu.vector_store %arg5[%swap3A_617, %swap3A_618, %swap3A_619], %swap3A_622 {strides = array<i32>} : memref<2x125x64xi32, #tpu.memory_space<vmem>>, vector<1x1x16xi32>,
      %get3A_623 = arith.constant 0 : i32
      %get3A_624 = arith.index_cast %get3A_623 : i32 to index
      %get3A_625 = arith.index_cast %add3A_520 : i32 to index
      %get3A_626 = arith.constant 48 : index
      %get3A_627 = tpu.vector_load %arg4[%get3A_624, %get3A_625, %get3A_626] {strides = array<i32>} : memref<2x125x128xf32, #tpu.memory_space<vmem>>, vector<1x1x16xf32>,
      %get3A_628 = vector.shape_cast %get3A_627 : vector<1x1x16xf32> to vector<16xf32>
      %get3A_629 = arith.constant 0 : i32
      %get3A_630 = arith.index_cast %get3A_629 : i32 to index
      %get3A_631 = arith.index_cast %add3A_520 : i32 to index
      %get3A_632 = arith.constant 112 : index
      %get3A_633 = tpu.vector_load %arg4[%get3A_630, %get3A_631, %get3A_632] {strides = array<i32>} : memref<2x125x128xf32, #tpu.memory_space<vmem>>, vector<1x1x16xf32>,
      %get3A_634 = vector.shape_cast %get3A_633 : vector<1x1x16xf32> to vector<16xf32>
      %bitcast_convert_type3A_635 = tpu.bitcast %get3A_628 : vector<16xf32> -> vector<16xi32>
      %bitcast_convert_type3A_636 = tpu.bitcast %get3A_634 : vector<16xf32> -> vector<16xi32>
      %add3A_637 = arith.constant 32768 : i32
      %add3A_638 = vector.broadcast %add3A_637 : i32 to vector<16xi32>
      %add3A_639 = arith.addi %bitcast_convert_type3A_635, %add3A_638 : vector<16xi32>
      %shift_right_logical3A_640 = arith.constant 16 : i32
      %shift_right_logical3A_641 = vector.broadcast %shift_right_logical3A_640 : i32 to vector<16xi32>
      %shift_right_logical3A_642 = arith.shrui %add3A_639, %shift_right_logical3A_641 : vector<16xi32>
      %add3A_643 = arith.constant 32768 : i32
      %add3A_644 = vector.broadcast %add3A_643 : i32 to vector<16xi32>
      %add3A_645 = arith.addi %bitcast_convert_type3A_636, %add3A_644 : vector<16xi32>
      %and3A_646 = arith.constant -65536 : i32
      %and3A_647 = vector.broadcast %and3A_646 : i32 to vector<16xi32>
      %and3A_648 = arith.andi %add3A_645, %and3A_647 : vector<16xi32>
      %or3A_649 = arith.ori %shift_right_logical3A_642, %and3A_648 : vector<16xi32>
      %swap3A_650 = arith.constant 0 : i32
      %swap3A_651 = arith.index_cast %swap3A_650 : i32 to index
      %swap3A_652 = arith.index_cast %add3A_520 : i32 to index
      %swap3A_653 = arith.constant 48 : index
      %swap3A_654 = tpu.vector_load %arg5[%swap3A_651, %swap3A_652, %swap3A_653] {strides = array<i32>} : memref<2x125x64xi32, #tpu.memory_space<vmem>>, vector<1x1x16xi32>,
      %swap3A_655 = vector.shape_cast %swap3A_654 : vector<1x1x16xi32> to vector<16xi32>
      %swap3A_656 = vector.shape_cast %or3A_649 : vector<16xi32> to vector<1x1x16xi32>
      tpu.vector_store %arg5[%swap3A_651, %swap3A_652, %swap3A_653], %swap3A_656 {strides = array<i32>} : memref<2x125x64xi32, #tpu.memory_space<vmem>>, vector<1x1x16xi32>,
      %mul3A_657 = arith.constant 5 : i32
      %mul3A_658 = arith.muli %mul3A_657, %scan3A_102 : i32
      %add3A_659 = arith.constant 4 : i32
      %add3A_660 = arith.addi %mul3A_658, %add3A_659 : i32
      %get3A_661 = arith.constant 0 : i32
      %get3A_662 = arith.index_cast %get3A_661 : i32 to index
      %get3A_663 = arith.index_cast %add3A_660 : i32 to index
      %get3A_664 = arith.constant 0 : index
      %get3A_665 = tpu.vector_load %arg4[%get3A_662, %get3A_663, %get3A_664] {strides = array<i32>} : memref<2x125x128xf32, #tpu.memory_space<vmem>>, vector<1x1x16xf32>,
      %get3A_666 = vector.shape_cast %get3A_665 : vector<1x1x16xf32> to vector<16xf32>
      %get3A_667 = arith.constant 0 : i32
      %get3A_668 = arith.index_cast %get3A_667 : i32 to index
      %get3A_669 = arith.index_cast %add3A_660 : i32 to index
      %get3A_670 = arith.constant 64 : index
      %get3A_671 = tpu.vector_load %arg4[%get3A_668, %get3A_669, %get3A_670] {strides = array<i32>} : memref<2x125x128xf32, #tpu.memory_space<vmem>>, vector<1x1x16xf32>,
      %get3A_672 = vector.shape_cast %get3A_671 : vector<1x1x16xf32> to vector<16xf32>
      %bitcast_convert_type3A_673 = tpu.bitcast %get3A_666 : vector<16xf32> -> vector<16xi32>
      %bitcast_convert_type3A_674 = tpu.bitcast %get3A_672 : vector<16xf32> -> vector<16xi32>
      %add3A_675 = arith.constant 32768 : i32
      %add3A_676 = vector.broadcast %add3A_675 : i32 to vector<16xi32>
      %add3A_677 = arith.addi %bitcast_convert_type3A_673, %add3A_676 : vector<16xi32>
      %shift_right_logical3A_678 = arith.constant 16 : i32
      %shift_right_logical3A_679 = vector.broadcast %shift_right_logical3A_678 : i32 to vector<16xi32>
      %shift_right_logical3A_680 = arith.shrui %add3A_677, %shift_right_logical3A_679 : vector<16xi32>
      %add3A_681 = arith.constant 32768 : i32
      %add3A_682 = vector.broadcast %add3A_681 : i32 to vector<16xi32>
      %add3A_683 = arith.addi %bitcast_convert_type3A_674, %add3A_682 : vector<16xi32>
      %and3A_684 = arith.constant -65536 : i32
      %and3A_685 = vector.broadcast %and3A_684 : i32 to vector<16xi32>
      %and3A_686 = arith.andi %add3A_683, %and3A_685 : vector<16xi32>
      %or3A_687 = arith.ori %shift_right_logical3A_680, %and3A_686 : vector<16xi32>
      %swap3A_688 = arith.constant 0 : i32
      %swap3A_689 = arith.index_cast %swap3A_688 : i32 to index
      %swap3A_690 = arith.index_cast %add3A_660 : i32 to index
      %swap3A_691 = arith.constant 0 : index
      %swap3A_692 = tpu.vector_load %arg5[%swap3A_689, %swap3A_690, %swap3A_691] {strides = array<i32>} : memref<2x125x64xi32, #tpu.memory_space<vmem>>, vector<1x1x16xi32>,
      %swap3A_693 = vector.shape_cast %swap3A_692 : vector<1x1x16xi32> to vector<16xi32>
      %swap3A_694 = vector.shape_cast %or3A_687 : vector<16xi32> to vector<1x1x16xi32>
      tpu.vector_store %arg5[%swap3A_689, %swap3A_690, %swap3A_691], %swap3A_694 {strides = array<i32>} : memref<2x125x64xi32, #tpu.memory_space<vmem>>, vector<1x1x16xi32>,
      %get3A_695 = arith.constant 0 : i32
      %get3A_696 = arith.index_cast %get3A_695 : i32 to index
      %get3A_697 = arith.index_cast %add3A_660 : i32 to index
      %get3A_698 = arith.constant 16 : index
      %get3A_699 = tpu.vector_load %arg4[%get3A_696, %get3A_697, %get3A_698] {strides = array<i32>} : memref<2x125x128xf32, #tpu.memory_space<vmem>>, vector<1x1x16xf32>,
      %get3A_700 = vector.shape_cast %get3A_699 : vector<1x1x16xf32> to vector<16xf32>
      %get3A_701 = arith.constant 0 : i32
      %get3A_702 = arith.index_cast %get3A_701 : i32 to index
      %get3A_703 = arith.index_cast %add3A_660 : i32 to index
      %get3A_704 = arith.constant 80 : index
      %get3A_705 = tpu.vector_load %arg4[%get3A_702, %get3A_703, %get3A_704] {strides = array<i32>} : memref<2x125x128xf32, #tpu.memory_space<vmem>>, vector<1x1x16xf32>,
      %get3A_706 = vector.shape_cast %get3A_705 : vector<1x1x16xf32> to vector<16xf32>
      %bitcast_convert_type3A_707 = tpu.bitcast %get3A_700 : vector<16xf32> -> vector<16xi32>
      %bitcast_convert_type3A_708 = tpu.bitcast %get3A_706 : vector<16xf32> -> vector<16xi32>
      %add3A_709 = arith.constant 32768 : i32
      %add3A_710 = vector.broadcast %add3A_709 : i32 to vector<16xi32>
      %add3A_711 = arith.addi %bitcast_convert_type3A_707, %add3A_710 : vector<16xi32>
      %shift_right_logical3A_712 = arith.constant 16 : i32
      %shift_right_logical3A_713 = vector.broadcast %shift_right_logical3A_712 : i32 to vector<16xi32>
      %shift_right_logical3A_714 = arith.shrui %add3A_711, %shift_right_logical3A_713 : vector<16xi32>
      %add3A_715 = arith.constant 32768 : i32
      %add3A_716 = vector.broadcast %add3A_715 : i32 to vector<16xi32>
      %add3A_717 = arith.addi %bitcast_convert_type3A_708, %add3A_716 : vector<16xi32>
      %and3A_718 = arith.constant -65536 : i32
      %and3A_719 = vector.broadcast %and3A_718 : i32 to vector<16xi32>
      %and3A_720 = arith.andi %add3A_717, %and3A_719 : vector<16xi32>
      %or3A_721 = arith.ori %shift_right_logical3A_714, %and3A_720 : vector<16xi32>
      %swap3A_722 = arith.constant 0 : i32
      %swap3A_723 = arith.index_cast %swap3A_722 : i32 to index
      %swap3A_724 = arith.index_cast %add3A_660 : i32 to index
      %swap3A_725 = arith.constant 16 : index
      %swap3A_726 = tpu.vector_load %arg5[%swap3A_723, %swap3A_724, %swap3A_725] {strides = array<i32>} : memref<2x125x64xi32, #tpu.memory_space<vmem>>, vector<1x1x16xi32>,
      %swap3A_727 = vector.shape_cast %swap3A_726 : vector<1x1x16xi32> to vector<16xi32>
      %swap3A_728 = vector.shape_cast %or3A_721 : vector<16xi32> to vector<1x1x16xi32>
      tpu.vector_store %arg5[%swap3A_723, %swap3A_724, %swap3A_725], %swap3A_728 {strides = array<i32>} : memref<2x125x64xi32, #tpu.memory_space<vmem>>, vector<1x1x16xi32>,
      %get3A_729 = arith.constant 0 : i32
      %get3A_730 = arith.index_cast %get3A_729 : i32 to index
      %get3A_731 = arith.index_cast %add3A_660 : i32 to index
      %get3A_732 = arith.constant 32 : index
      %get3A_733 = tpu.vector_load %arg4[%get3A_730, %get3A_731, %get3A_732] {strides = array<i32>} : memref<2x125x128xf32, #tpu.memory_space<vmem>>, vector<1x1x16xf32>,
      %get3A_734 = vector.shape_cast %get3A_733 : vector<1x1x16xf32> to vector<16xf32>
      %get3A_735 = arith.constant 0 : i32
      %get3A_736 = arith.index_cast %get3A_735 : i32 to index
      %get3A_737 = arith.index_cast %add3A_660 : i32 to index
      %get3A_738 = arith.constant 96 : index
      %get3A_739 = tpu.vector_load %arg4[%get3A_736, %get3A_737, %get3A_738] {strides = array<i32>} : memref<2x125x128xf32, #tpu.memory_space<vmem>>, vector<1x1x16xf32>,
      %get3A_740 = vector.shape_cast %get3A_739 : vector<1x1x16xf32> to vector<16xf32>
      %bitcast_convert_type3A_741 = tpu.bitcast %get3A_734 : vector<16xf32> -> vector<16xi32>
      %bitcast_convert_type3A_742 = tpu.bitcast %get3A_740 : vector<16xf32> -> vector<16xi32>
      %add3A_743 = arith.constant 32768 : i32
      %add3A_744 = vector.broadcast %add3A_743 : i32 to vector<16xi32>
      %add3A_745 = arith.addi %bitcast_convert_type3A_741, %add3A_744 : vector<16xi32>
      %shift_right_logical3A_746 = arith.constant 16 : i32
      %shift_right_logical3A_747 = vector.broadcast %shift_right_logical3A_746 : i32 to vector<16xi32>
      %shift_right_logical3A_748 = arith.shrui %add3A_745, %shift_right_logical3A_747 : vector<16xi32>
      %add3A_749 = arith.constant 32768 : i32
      %add3A_750 = vector.broadcast %add3A_749 : i32 to vector<16xi32>
      %add3A_751 = arith.addi %bitcast_convert_type3A_742, %add3A_750 : vector<16xi32>
      %and3A_752 = arith.constant -65536 : i32
      %and3A_753 = vector.broadcast %and3A_752 : i32 to vector<16xi32>
      %and3A_754 = arith.andi %add3A_751, %and3A_753 : vector<16xi32>
      %or3A_755 = arith.ori %shift_right_logical3A_748, %and3A_754 : vector<16xi32>
      %swap3A_756 = arith.constant 0 : i32
      %swap3A_757 = arith.index_cast %swap3A_756 : i32 to index
      %swap3A_758 = arith.index_cast %add3A_660 : i32 to index
      %swap3A_759 = arith.constant 32 : index
      %swap3A_760 = tpu.vector_load %arg5[%swap3A_757, %swap3A_758, %swap3A_759] {strides = array<i32>} : memref<2x125x64xi32, #tpu.memory_space<vmem>>, vector<1x1x16xi32>,
      %swap3A_761 = vector.shape_cast %swap3A_760 : vector<1x1x16xi32> to vector<16xi32>
      %swap3A_762 = vector.shape_cast %or3A_755 : vector<16xi32> to vector<1x1x16xi32>
      tpu.vector_store %arg5[%swap3A_757, %swap3A_758, %swap3A_759], %swap3A_762 {strides = array<i32>} : memref<2x125x64xi32, #tpu.memory_space<vmem>>, vector<1x1x16xi32>,
      %get3A_763 = arith.constant 0 : i32
      %get3A_764 = arith.index_cast %get3A_763 : i32 to index
      %get3A_765 = arith.index_cast %add3A_660 : i32 to index
      %get3A_766 = arith.constant 48 : index
      %get3A_767 = tpu.vector_load %arg4[%get3A_764, %get3A_765, %get3A_766] {strides = array<i32>} : memref<2x125x128xf32, #tpu.memory_space<vmem>>, vector<1x1x16xf32>,
      %get3A_768 = vector.shape_cast %get3A_767 : vector<1x1x16xf32> to vector<16xf32>
      %get3A_769 = arith.constant 0 : i32
      %get3A_770 = arith.index_cast %get3A_769 : i32 to index
      %get3A_771 = arith.index_cast %add3A_660 : i32 to index
      %get3A_772 = arith.constant 112 : index
      %get3A_773 = tpu.vector_load %arg4[%get3A_770, %get3A_771, %get3A_772] {strides = array<i32>} : memref<2x125x128xf32, #tpu.memory_space<vmem>>, vector<1x1x16xf32>,
      %get3A_774 = vector.shape_cast %get3A_773 : vector<1x1x16xf32> to vector<16xf32>
      %bitcast_convert_type3A_775 = tpu.bitcast %get3A_768 : vector<16xf32> -> vector<16xi32>
      %bitcast_convert_type3A_776 = tpu.bitcast %get3A_774 : vector<16xf32> -> vector<16xi32>
      %add3A_777 = arith.constant 32768 : i32
      %add3A_778 = vector.broadcast %add3A_777 : i32 to vector<16xi32>
      %add3A_779 = arith.addi %bitcast_convert_type3A_775, %add3A_778 : vector<16xi32>
      %shift_right_logical3A_780 = arith.constant 16 : i32
      %shift_right_logical3A_781 = vector.broadcast %shift_right_logical3A_780 : i32 to vector<16xi32>
      %shift_right_logical3A_782 = arith.shrui %add3A_779, %shift_right_logical3A_781 : vector<16xi32>
      %add3A_783 = arith.constant 32768 : i32
      %add3A_784 = vector.broadcast %add3A_783 : i32 to vector<16xi32>
      %add3A_785 = arith.addi %bitcast_convert_type3A_776, %add3A_784 : vector<16xi32>
      %and3A_786 = arith.constant -65536 : i32
      %and3A_787 = vector.broadcast %and3A_786 : i32 to vector<16xi32>
      %and3A_788 = arith.andi %add3A_785, %and3A_787 : vector<16xi32>
      %or3A_789 = arith.ori %shift_right_logical3A_782, %and3A_788 : vector<16xi32>
      %swap3A_790 = arith.constant 0 : i32
      %swap3A_791 = arith.index_cast %swap3A_790 : i32 to index
      %swap3A_792 = arith.index_cast %add3A_660 : i32 to index
      %swap3A_793 = arith.constant 48 : index
      %swap3A_794 = tpu.vector_load %arg5[%swap3A_791, %swap3A_792, %swap3A_793] {strides = array<i32>} : memref<2x125x64xi32, #tpu.memory_space<vmem>>, vector<1x1x16xi32>,
      %swap3A_795 = vector.shape_cast %swap3A_794 : vector<1x1x16xi32> to vector<16xi32>
      %swap3A_796 = vector.shape_cast %or3A_789 : vector<16xi32> to vector<1x1x16xi32>
      tpu.vector_store %arg5[%swap3A_791, %swap3A_792, %swap3A_793], %swap3A_796 {strides = array<i32>} : memref<2x125x64xi32, #tpu.memory_space<vmem>>, vector<1x1x16xi32>,
    }
    %scan3A_41 = arith.constant 25 : i32
    %add3A_42 = arith.constant 2750 : i32
    %add3A_43 = arith.addi %mul3A_2, %add3A_42 : i32
    %dma_wait3A_44 = arith.constant 0 : i32
    %dma_wait3A_45 = arith.constant 0 : i32
    %dma_wait3A_46 = arith.constant 0 : i32
    %dma_wait3A_47 = tpu.memref_slice %arg5[%dma_wait3A_44, %dma_wait3A_45, %dma_wait3A_46] : memref<2x125x64xi32, #tpu.memory_space<vmem>> -> memref<1x125x64xi32, #tpu.memory_space<vmem>>
    %dma_wait3A_48 = tpu.memref_squeeze %dma_wait3A_47 : memref<1x125x64xi32, #tpu.memory_space<vmem>> -> memref<125x64xi32, #tpu.memory_space<vmem>>
    %dma_wait3A_49 = arith.constant 0 : i32
    %dma_wait3A_50 = tpu.memref_slice %arg3[%add3A_43, %dma_wait3A_49] : memref<100000x64xi32, #tpu.memory_space<hbm>> -> memref<125x64xi32, #tpu.memory_space<hbm>>
    %dma_wait3A_51 = arith.constant 0 : i32
    %dma_wait3A_52 = tpu.memref_slice %arg3[%add3A_43, %dma_wait3A_51] : memref<100000x64xi32, #tpu.memory_space<hbm>> -> memref<125x64xi32, #tpu.memory_space<hbm>>
    %dma_wait3A_53 = arith.constant 0 : i32
    %dma_wait3A_54 = arith.constant 0 : i32
    %dma_wait3A_55 = tpu.memref_slice %arg5[%dma_wait3A_44, %dma_wait3A_53, %dma_wait3A_54] : memref<2x125x64xi32, #tpu.memory_space<vmem>> -> memref<1x125x64xi32, #tpu.memory_space<vmem>>
    %dma_wait3A_56 = tpu.memref_squeeze %dma_wait3A_55 : memref<1x125x64xi32, #tpu.memory_space<vmem>> -> memref<125x64xi32, #tpu.memory_space<vmem>>
    tpu.wait_dma2 semaphore(%arg8 : memref<!tpu.dma_semaphore, #tpu.memory_space<semaphore_mem>>) src(%dma_wait3A_56 : memref<125x64xi32, #tpu.memory_space<vmem>>) dst(%dma_wait3A_52 : memref<125x64xi32, #tpu.memory_space<hbm>>)
    %add3A_57 = arith.constant 2875 : i32
    %add3A_58 = arith.addi %mul3A_2, %add3A_57 : i32
    %dma_wait3A_59 = arith.constant 1 : i32
    %dma_wait3A_60 = arith.constant 0 : i32
    %dma_wait3A_61 = arith.constant 0 : i32
    %dma_wait3A_62 = tpu.memref_slice %arg5[%dma_wait3A_59, %dma_wait3A_60, %dma_wait3A_61] : memref<2x125x64xi32, #tpu.memory_space<vmem>> -> memref<1x125x64xi32, #tpu.memory_space<vmem>>
    %dma_wait3A_63 = tpu.memref_squeeze %dma_wait3A_62 : memref<1x125x64xi32, #tpu.memory_space<vmem>> -> memref<125x64xi32, #tpu.memory_space<vmem>>
    %dma_wait3A_64 = arith.constant 0 : i32
    %dma_wait3A_65 = tpu.memref_slice %arg3[%add3A_58, %dma_wait3A_64] : memref<100000x64xi32, #tpu.memory_space<hbm>> -> memref<125x64xi32, #tpu.memory_space<hbm>>
    %dma_wait3A_66 = arith.constant 0 : i32
    %dma_wait3A_67 = tpu.memref_slice %arg3[%add3A_58, %dma_wait3A_66] : memref<100000x64xi32, #tpu.memory_space<hbm>> -> memref<125x64xi32, #tpu.memory_space<hbm>>
    %dma_wait3A_68 = arith.constant 0 : i32
    %dma_wait3A_69 = arith.constant 0 : i32
    %dma_wait3A_70 = tpu.memref_slice %arg5[%dma_wait3A_59, %dma_wait3A_68, %dma_wait3A_69] : memref<2x125x64xi32, #tpu.memory_space<vmem>> -> memref<1x125x64xi32, #tpu.memory_space<vmem>>
    %dma_wait3A_71 = tpu.memref_squeeze %dma_wait3A_70 : memref<1x125x64xi32, #tpu.memory_space<vmem>> -> memref<125x64xi32, #tpu.memory_space<vmem>>
    tpu.wait_dma2 semaphore(%arg9 : memref<!tpu.dma_semaphore, #tpu.memory_space<semaphore_mem>>) src(%dma_wait3A_71 : memref<125x64xi32, #tpu.memory_space<vmem>>) dst(%dma_wait3A_67 : memref<125x64xi32, #tpu.memory_space<hbm>>)
    %add3A_72 = arith.constant 3000 : i32
    %add3A_73 = arith.addi %mul3A_2, %add3A_72 : i32
    %dma_start3A_74 = arith.constant 0 : i32
    %dma_start3A_75 = arith.constant 0 : i32
    %dma_start3A_76 = arith.constant 0 : i32
    %dma_start3A_77 = tpu.memref_slice %arg5[%dma_start3A_74, %dma_start3A_75, %dma_start3A_76] : memref<2x125x64xi32, #tpu.memory_space<vmem>> -> memref<1x125x64xi32, #tpu.memory_space<vmem>>
    %dma_start3A_78 = tpu.memref_squeeze %dma_start3A_77 : memref<1x125x64xi32, #tpu.memory_space<vmem>> -> memref<125x64xi32, #tpu.memory_space<vmem>>
    %dma_start3A_79 = arith.constant 0 : i32
    %dma_start3A_80 = tpu.memref_slice %arg3[%add3A_73, %dma_start3A_79] : memref<100000x64xi32, #tpu.memory_space<hbm>> -> memref<125x64xi32, #tpu.memory_space<hbm>>
    %dma_start3A_81 = arith.constant 0 : i32
    %dma_start3A_82 = tpu.memref_slice %arg3[%add3A_73, %dma_start3A_81] : memref<100000x64xi32, #tpu.memory_space<hbm>> -> memref<125x64xi32, #tpu.memory_space<hbm>>
    %dma_start3A_83 = arith.constant 0 : i32
    %dma_start3A_84 = arith.constant 0 : i32
    %dma_start3A_85 = tpu.memref_slice %arg5[%dma_start3A_74, %dma_start3A_83, %dma_start3A_84] : memref<2x125x64xi32, #tpu.memory_space<vmem>> -> memref<1x125x64xi32, #tpu.memory_space<vmem>>
    %dma_start3A_86 = tpu.memref_squeeze %dma_start3A_85 : memref<1x125x64xi32, #tpu.memory_space<vmem>> -> memref<125x64xi32, #tpu.memory_space<vmem>>
    tpu.enqueue_dma source(%dma_start3A_86 : memref<125x64xi32, #tpu.memory_space<vmem>>) target(%dma_start3A_82 : memref<125x64xi32, #tpu.memory_space<hbm>>) target_semaphore(%arg8 : memref<!tpu.dma_semaphore, #tpu.memory_space<semaphore_mem>>)
    %add3A_87 = arith.constant 3000 : i32
    %add3A_88 = arith.addi %mul3A_2, %add3A_87 : i32
    %dma_wait3A_89 = arith.constant 0 : i32
    %dma_wait3A_90 = arith.constant 0 : i32
    %dma_wait3A_91 = arith.constant 0 : i32
    %dma_wait3A_92 = tpu.memref_slice %arg5[%dma_wait3A_89, %dma_wait3A_90, %dma_wait3A_91] : memref<2x125x64xi32, #tpu.memory_space<vmem>> -> memref<1x125x64xi32, #tpu.memory_space<vmem>>
    %dma_wait3A_93 = tpu.memref_squeeze %dma_wait3A_92 : memref<1x125x64xi32, #tpu.memory_space<vmem>> -> memref<125x64xi32, #tpu.memory_space<vmem>>
    %dma_wait3A_94 = arith.constant 0 : i32
    %dma_wait3A_95 = tpu.memref_slice %arg3[%add3A_88, %dma_wait3A_94] : memref<100000x64xi32, #tpu.memory_space<hbm>> -> memref<125x64xi32, #tpu.memory_space<hbm>>
    %dma_wait3A_96 = arith.constant 0 : i32
    %dma_wait3A_97 = tpu.memref_slice %arg3[%add3A_88, %dma_wait3A_96] : memref<100000x64xi32, #tpu.memory_space<hbm>> -> memref<125x64xi32, #tpu.memory_space<hbm>>
    %dma_wait3A_98 = arith.constant 0 : i32
    %dma_wait3A_99 = arith.constant 0 : i32
    %dma_wait3A_100 = tpu.memref_slice %arg5[%dma_wait3A_89, %dma_wait3A_98, %dma_wait3A_99] : memref<2x125x64xi32, #tpu.memory_space<vmem>> -> memref<1x125x64xi32, #tpu.memory_space<vmem>>
    %dma_wait3A_101 = tpu.memref_squeeze %dma_wait3A_100 : memref<1x125x64xi32, #tpu.memory_space<vmem>> -> memref<125x64xi32, #tpu.memory_space<vmem>>
    tpu.wait_dma2 semaphore(%arg8 : memref<!tpu.dma_semaphore, #tpu.memory_space<semaphore_mem>>) src(%dma_wait3A_101 : memref<125x64xi32, #tpu.memory_space<vmem>>) dst(%dma_wait3A_97 : memref<125x64xi32, #tpu.memory_space<hbm>>)
    return
  }
}

module attributes {stable_mosaic.version = 14 : i64} {
  func.func @_linear_body(%arg0: i32, %arg1: memref<1024x128xf32, #tpu.memory_space<vmem>>, %arg2: memref<128x128xf32, #tpu.memory_space<vmem>>, %arg3: memref<1x128xf32, #tpu.memory_space<vmem>>, %arg4: memref<1024x128xf32, #tpu.memory_space<vmem>>) attributes {dimension_semantics = [#tpu.dimension_semantics<arbitrary>], iteration_bounds = array<i64: 4>, scalar_prefetch = 0 : i64, scratch_operands = 0 : i64, tpu.core_type = #tpu.core_type<tc>, window_params = [{transform_indices = @transform_0, window_bounds = array<i64: 1024, 128>}, {pipeline_mode = #tpu.pipeline_mode<synchronous>, transform_indices = @transform_1, window_bounds = array<i64: 128, 128>}, {pipeline_mode = #tpu.pipeline_mode<synchronous>, transform_indices = @transform_2, window_bounds = array<i64: 1, 128>}, {transform_indices = @transform_3, window_bounds = array<i64: 1024, 128>}]} {
    %get3A = arith.constant 0 : index
    %get3A_0 = arith.constant 0 : index
    %get3A_1 = vector.load %arg1[%get3A, %get3A_0] : memref<1024x128xf32, #tpu.memory_space<vmem>>, vector<1024x128xf32>
    %get3A_2 = arith.constant 0 : index
    %get3A_3 = arith.constant 0 : index
    %get3A_4 = vector.load %arg2[%get3A_2, %get3A_3] : memref<128x128xf32, #tpu.memory_space<vmem>>, vector<128x128xf32>
    %dot_general3A = arith.constant dense<0.000000e+00> : vector<1024x128xf32>
    %dot_general3A_5 = tpu.matmul %get3A_1, %get3A_4, %dot_general3A {dimension_numbers = #tpu.dot_dimension_numbers<[1], [1], [0], [0], [0, 0, 1, 0], [], []>, transpose_lhs_hint = false} : vector<1024x128xf32>, vector<128x128xf32>, vector<1024x128xf32> -> vector<1024x128xf32>
    %get3A_6 = arith.constant 0 : index
    %get3A_7 = arith.constant 0 : index
    %get3A_8 = vector.load %arg3[%get3A_6, %get3A_7] : memref<1x128xf32, #tpu.memory_space<vmem>>, vector<1x128xf32>
    %add3A = vector.broadcast %get3A_8 : vector<1x128xf32> to vector<1024x128xf32>
    %add3A_9 = arith.addf %dot_general3A_5, %add3A : vector<1024x128xf32>
    %swap3A = arith.constant 0 : index
    %swap3A_10 = arith.constant 0 : index
    %swap3A_11 = vector.load %arg4[%swap3A, %swap3A_10] : memref<1024x128xf32, #tpu.memory_space<vmem>>, vector<1024x128xf32>
    tpu.vector_store %arg4[%swap3A, %swap3A_10], %add3A_9 {strides = array<i32>} : memref<1024x128xf32, #tpu.memory_space<vmem>>, vector<1024x128xf32>,
    return
  }
  func.func @transform_0(%arg0: i32) -> (i32, i32) {
    %c0_i32 = arith.constant 0 : i32
    %c0_i32_0 = arith.constant 0 : i32
    return %arg0, %c0_i32 : i32, i32
  }
  func.func @transform_1(%arg0: i32) -> (i32, i32) {
    %c0_i32 = arith.constant 0 : i32
    %c0_i32_0 = arith.constant 0 : i32
    %c0_i32_1 = arith.constant 0 : i32
    return %c0_i32, %c0_i32_0 : i32, i32
  }
  func.func @transform_2(%arg0: i32) -> (i32, i32) {
    %c0_i32 = arith.constant 0 : i32
    %c0_i32_0 = arith.constant 0 : i32
    %c0_i32_1 = arith.constant 0 : i32
    return %c0_i32, %c0_i32_0 : i32, i32
  }
  func.func @transform_3(%arg0: i32) -> (i32, i32) {
    %c0_i32 = arith.constant 0 : i32
    %c0_i32_0 = arith.constant 0 : i32
    return %arg0, %c0_i32 : i32, i32
  }
}

</mosaic_0001>

<sc_bundles>
// kernel: kernel.5.cloned.1.call-start
scs
__scs_entry_jumppad:
0x0: {  	(pc) =	sbr.rel $0x88, $3  }
0x1: {  	(tag) =	ssettag $0x0;
	lr =	simm.s32 $0x1  }
0x2: {  	[smem:$0x3F9D] =	sst lr;
	_ =	strace $0xD0000000  }
0x3: {  	_ = 	snop  }
0x4: {  	_ = 	snop  }
0x5: {  	_ = 	snop  }
0x6: {  	_ = 	snop  }
0x7: {  	_ = 	snop  }
__scs_overlays_trampoline_lowered:
0x8: {  	[smem:$0x3FAC] =	sst s0  }
0x9: {  	[smem:$0x3FAD] =	sst s1  }
0xa: {  	[smem:$0x3FAE] =	sst s2  }
0xb: {  	[smem:$0x3FAF] =	sst s3  }
0xc: {  	[smem:$0x3FB0] =	sst s4  }
0xd: {  	[smem:$0x3FB1] =	sst s5  }
0xe: {  	[smem:$0x3FB2] =	sst s6  }
0xf: {  	[smem:$0x3FB3] =	sst s7  }
0x10: {  	[smem:$0x3FB4] =	sst s8  }
0x11: {  	[smem:$0x3FB5] =	sst s9;
	s0 =	simm.s32 @!p0 $0x0  }
0x12: {  	s1 =	sld [smem:$0x3F9B];
	s0 =	simm.s32 @p0 $0x1  }
0x13: {  	[smem:$0x3FB6] =	sst s0;
	s0 =	simm.s32 @!p1 $0x0  }
0x14: {  	s2 =	sld [smem:$0x3F9A];
	s0 =	simm.s32 @p1 $0x1  }
0x15: {  	[smem:$0x3FB7] =	sst s0;
	s0 =	simm.s32 @!p2 $0x0  }
0x16: {  	s3 =	sld [smem:$0x3FDB];
	s0 =	simm.s32 @p2 $0x1  }
0x17: {  	s4 =	simm.s32 $0x1BF5;
	[smem:$0x3FB9] =	sst s0  }
0x18: {  	s0 =	sld [smem:$0x3F9C];
	_ =	swait.ge [sflag:s4], $0x0  }
0x19: {  	s7 =	sld [smem:$0x3F9D]  }
0x1a: {  	s8 =	sadd.s32 $0xFFFFE003, lr  }
0x1b: {  	s9 =	sadd.s32 $0xFFFFFEF7, lr;
	s5 =	simm.s32 $0xFFFFFFFF;
	p2 =	slt.u32 s8, $0xFFFFF086  }
0x1c: {  	p1 =	slt.u32 s9, $0xF7A;
	s5 =	simm.s32 @!p2 $0x0  }
0x1d: {  	s5 =	simm.s32 @p1 $0x1;
	p0 =	seq.s32 s7, s2  }
0x1e: {  	s7 =	smul.u32 @!p0 $0xF7A, s2;
	p2 =	seq.s32 @!p0 s5, $0x0  }
0x1f: {  	s9 =	smul.u32 $0xF7A, s1;
	s8 =	simm.s32 @!p0 $0x1BF5;
	p2 =	por !p2, p0  }
0x20: {  	[sflag:s8] =	ssyncset.s32 @!p0 $0xFFFFF086;
	s6 =	sadd.s32 @!p0 s3, s7;
	s7 =	simm.s32 @!p0 $0x108  }
0x21: {  	s3 =	sadd.s32 s3, s9;
	s6 =	sadd.s32 @!p0 $0x88, s6;
	s7 =	simm.s32 @p2 $0x1082  }
0x22: {  	[simem:s7], [sflag:s8] =	dma.local @!p0 [hbm:s6], $0xF7A  }
0x23: {  	s9 =	sor.u32 $0xD0000000, s2;
	s6 =	simm.s32 $0x108;
	_ =	swait.ge @!p0 [sflag:s8], $0x0  }
0x24: {  	s3 =	sadd.s32 $0x88, s3;
	s6 =	simm.s32 @!p1 $0x1082;
	[sflag:s4] =	ssyncset.s32 $0xFFFFF086  }
0x25: {  	[simem:s6], [sflag:s4] =	dma.local [hbm:s3], $0xF7A  }
0x26: {  	[smem:$0x3F9D] =	sst s1;
	(tag) =	ssettag s2;
	_ =	strace s9  }
0x27: {  	s1 =	sld [smem:$0x3FAD]  }
0x28: {  	s2 =	sld [smem:$0x3FAE]  }
0x29: {  	s4 =	sld [smem:$0x3FB0]  }
0x2a: {  	p0 =	seq.s32 s5, $0x0;
	s5 =	sld [smem:$0x3FB1]  }
0x2b: {  	s6 =	sld [smem:$0x3FB2]  }
0x2c: {  	s7 =	sld [smem:$0x3FB3]  }
0x2d: {  	s3 =	simm.s32 $0x108;
	s8 =	sld [smem:$0x3FB4]  }
0x2e: {  	s3 =	simm.s32 @!p0 $0x1082;
	s9 =	sld [smem:$0x3FB5]  }
0x2f: {  	lr =	sadd.s32 s0, s3;
	s0 =	sld [smem:$0x3FAC]  }
0x30: {  	s3 =	sld [smem:$0x3FAF]  }
0x31: {  	[smem:$0x3FB8] =	sst s10  }
0x32: {  	s10 =	sld [smem:$0x3FB6];
	_ =	sdelay $0x3  }
0x33: {  	p0 =	seq.s32 s10, $0x1;
	s10 =	sld [smem:$0x3FB8];
	_ =	sdelay $0x3  }
0x34: {  	[smem:$0x3FB8] =	sst s10  }
0x35: {  	s10 =	sld [smem:$0x3FB7];
	_ =	sdelay $0x3  }
0x36: {  	p1 =	seq.s32 s10, $0x1;
	s10 =	sld [smem:$0x3FB8];
	_ =	sdelay $0x3  }
0x37: {  	[smem:$0x3FB8] =	sst s10  }
0x38: {  	s10 =	sld [smem:$0x3FB9]  }
0x39: {  	_ = 	snop;
	(pc) =	sbr.ind lr, $3  }
0x3a: {  	_ = 	snop  }
0x3b: {  	_ = 	snop  }
0x3c: {  	p2 =	seq.s32 s10, $0x1;
	s10 =	sld [smem:$0x3FB8]  }
0x3d: {  	_ =	shalt  }
0x3e: {  	_ =	shalt  }
0x3f: {  	_ =	shalt  }
0x40: {  	_ =	shalt  }
0x41: {  	_ =	shalt  }
0x42: {  	_ =	shalt  }
0x43: {  	_ =	shalt  }
0x44: {  	_ =	shalt  }
0x45: {  	_ =	shalt  }
0x46: {  	_ =	shalt  }
0x47: {  	_ =	shalt  }
0x48: {  	_ =	shalt  }
0x49: {  	_ =	shalt  }
0x4a: {  	_ =	shalt  }
0x4b: {  	_ =	shalt  }
0x4c: {  	_ =	shalt  }
0x4d: {  	_ =	shalt  }
0x4e: {  	_ =	shalt  }
0x4f: {  	_ =	shalt  }
0x50: {  	_ =	shalt  }
0x51: {  	_ =	shalt  }
0x52: {  	_ =	shalt  }
0x53: {  	_ =	shalt  }
0x54: {  	_ =	shalt  }
0x55: {  	_ =	shalt  }
0x56: {  	_ =	shalt  }
0x57: {  	_ =	shalt  }
0x58: {  	_ =	shalt  }
0x59: {  	_ =	shalt  }
0x5a: {  	_ =	shalt  }
0x5b: {  	_ =	shalt  }
0x5c: {  	_ =	shalt  }
0x5d: {  	_ =	shalt  }
0x5e: {  	_ =	shalt  }
0x5f: {  	_ =	shalt  }
0x60: {  	_ =	shalt  }
0x61: {  	_ =	shalt  }
0x62: {  	_ =	shalt  }
0x63: {  	_ =	shalt  }
0x64: {  	_ =	shalt  }
0x65: {  	_ =	shalt  }
0x66: {  	_ =	shalt  }
0x67: {  	_ =	shalt  }
0x68: {  	_ =	shalt  }
0x69: {  	_ =	shalt  }
0x6a: {  	_ =	shalt  }
0x6b: {  	_ =	shalt  }
0x6c: {  	_ =	shalt  }
0x6d: {  	_ =	shalt  }
0x6e: {  	_ =	shalt  }
0x6f: {  	_ =	shalt  }
0x70: {  	_ =	shalt  }
0x71: {  	_ =	shalt  }
0x72: {  	_ =	shalt  }
0x73: {  	_ =	shalt  }
0x74: {  	_ =	shalt  }
0x75: {  	_ =	shalt  }
0x76: {  	_ =	shalt  }
0x77: {  	_ =	shalt  }
0x78: {  	_ =	shalt  }
0x79: {  	_ =	shalt  }
0x7a: {  	_ =	shalt  }
0x7b: {  	_ =	shalt  }
0x7c: {  	_ =	shalt  }
0x7d: {  	_ =	shalt  }
0x7e: {  	_ =	shalt  }
0x7f: {  	_ =	shalt  }
0x80: {  	_ =	shalt  }
0x81: {  	_ =	shalt  }
0x82: {  	_ =	shalt  }
0x83: {  	_ =	shalt  }
0x84: {  	_ =	shalt  }
0x85: {  	_ =	shalt  }
0x86: {  	_ =	shalt  }
0x87: {  	_ =	shalt  }
.Lfunc_end0:
.L_simem_size_0:
called_computation_lowered:
.L_overlay_start_0:
0x88: {  	s2 =	sld [smem:$0x3FD9]  }
0x89: {  	s3 =	sld [smem:$0x3FFE];
	_ =	sdelay $0x1  }
0x8a: {  	s1 =	srdreg.scid  }
0x8b: {  	s0 =	sand.u32 $0x1, s1  }
0x8c: {  	s17 =	sshll.u32 s0, $0xA;
	s2 =	sadd.s32 s3, s2  }
0x8d: {  	s2 =	sadd.s32 s2, s17  }
0x8e: {  	[smem:$0x3FC4] =	sst s2  }
0x8f: {  	_ = 	snop  }
0x90: {  	s2 =	sld [smem:$0x3FC8];
	(tm) =	ssettm $0x1  }
0x91: {  	s18 =	sld [smem:$0x3FFB];
	_ =	sdelay $0x3  }
0x92: {  	_ =	strace s18  }
0x93: {  	s3 =	sld [smem:$0x3FFC];
	_ =	sdelay $0x3  }
0x94: {  	_ =	strace s3  }
0x95: {  	s3 =	sld [smem:$0x3FFD];
	_ =	sdelay $0x3  }
0x96: {  	_ =	strace s3  }
0x97: {  	_ =	strace $0x8FFFFFFF  }
0x98: {  	s19 =	sld [smem:$0x3FDB];
	_ =	sdelay $0x1  }
0x99: {  	s4 =	simm.s32 $_scs_section_size  }
0x9a: {  	s5 =	simm.s32 $_size__tile_overlayer_lowered;
	s6 =	simm.s32 $_tile_overlayer_lowered  }
0x9b: {  	s22 =	simm.s32 $0x1BFF;
	s21 =	sshll.u32 s6, $0x1;
	s3 =	sadd.s32 s4, s19  }
0x9c: {  	s7 =	simm.s32 $0x0;
	s20 =	sshll.u32 s5, $0x1;
	s5 =	sadd.s32 s21, s3  }
0x9d: {  	[timem:s7], [sflag:s22] =	dma.local [hbm:s5], s20  }
0x9e: {  	_ =	swait.ge [sflag:s22], s20  }
0x9f: {  	s4 =	ssub.s32 $0x0, s20;
	[sflag:s22] =	ssyncset.done $0x0  }
0xa0: {  	[sflag:s22] =	ssyncadd.s32 s4;
	_ =	sdelay $0x1  }
0xa1: {  	s23 =	simm.s32 $0x1B8B  }
0xa2: {  	_ =	swait.ge [sflag:s23], $0x1  }
0xa3: {  	[sflag:s23] =	ssyncset.done $0x0  }
0xa4: {  	s25 =	simm.s32 $0x1B8E;
	s24 =	sld [smem:$0x3FFE];
	[sflag:s23] =	ssyncadd.s32 $0xFFFFFFFF  }
0xa5: {  	s26 =	simm.s32 $execute0_lowered;
	[smem:$0x3FD2] =	sst s25  }
0xa6: {  	s5 =	sshll.u32 s26, $0x1;
	_ =	strace $0x80000046;
	[dreg:$0x1] =	wrdreg $0xFFFFFFFF  }
0xa7: {  	s28 =	simm.s32 $_size_execute0_lowered;
	s3 =	sadd.s32 s3, s5;
	[dreg:$0x0] =	wrdreg $0x0  }
0xa8: {  	s5 =	sshll.u32 s28, $0x1;
	[dreg:$0x2] =	wrdreg s3  }
0xa9: {  	[dreg:$0x3] =	wrdreg s5  }
0xaa: {  	[dreg:$0x4] =	wrdreg $0xC0  }
0xab: {  	_ =	task [dreg:s7], $0x5FFFF  }
0xac: {  	[dreg:$0x1] =	wrdreg $0xFFFFFFFF  }
0xad: {  	[dreg:$0x0] =	wrdreg $0x60  }
0xae: {  	[dreg:$0x2] =	wrdreg s2  }
0xaf: {  	[dreg:$0x3] =	wrdreg s24  }
0xb0: {  	[dreg:$0x4] =	wrdreg $0x9  }
0xb1: {  	_ =	task.clear_ibuf [dreg:s7], $0x5FFFF;
	_ =	strace $0x90000046  }
0xb2: {  	s29 =	simm.s32 $0x9;
	_ =	strace $0x80000048  }
0xb3: {  	_ =	swait.ge [sflag:s29], $0x1  }
0xb4: {  	[sflag:s29] =	ssyncadd.s32 $0xFFFFFFFF  }
0xb5: {  	_ =	strace $0x90000048  }
0xb6: {  	_ =	sfence  }
0xb7: {  	s30 =	sld [smem:$0x0];
	_ =	sdelay $0x2  }
0xb8: {  	s31 =	sshll.u32 s1, $0xD;
	s1 =	sshrl.u32 s1, $0x2  }
0xb9: {  	s3 =	sand.u32 $0x4000, s31;
	s1 =	sadd.s32 s1, s30  }
0xba: {  	s0 =	sor.u32 s3, s0;
	s1 =	sshll.u32 s1, $0x11  }
0xbb: {  	s0 =	sor.u32 s1, s0  }
0xbc: {  	s0 =	sadd.s32 $0x8F2B, s0  }
0xbd: {  	[sflag:s0] =	ssyncadd.remote.s32 $0x1  }
0xbe: {  	_ =	sfence.sel $0xFFFF  }
0xbf: {  	[dreg:$0x0] =	wrdreg $0xFFFFFFFF;
	(pc) =	sbr.abs _section_cstart, $3  }
0xc0: {  	[dreg:$0x1] =	wrdreg $0xFFFFFFFF  }
0xc1: {  	_ =	task.clear_ibuf [dreg:s7], $0x2FFFF;
	_ =	strace $0x9FFFFFFF  }
0xc2: {  	(tm) =	ssettm $0x7FFFFFFF  }
0xc3: {  	_ =	shalt  }
tec
execute0_lowered:
.L_overlay_start_1:
0x0: {  	(tag) =	ssettag $0x1  }
0x1: {  	s2 =	rddreg [dreg:$0x0]  }
0x2: {  	s4 =	rddreg [dreg:$0x1]  }
0x3: {  	s0 =	rddreg [dreg:$0x2]  }
0x4: {  	s5 =	srdreg.scid;
	s1 =	stileid.u32;
	s3 =	simm.s32 $0x0  }
0x5: {  	s11 =	simm.s32 $0x3E80;
	s12 =	simm.s32 $0x1;
	s13 =	simm.s32 $0x7D00  }
0x6: {  	s14 =	simm.s32 $0x2;
	s15 =	simm.s32 $0x9C40;
	s16 =	simm.s32 $0x3  }
0x7: {  	s17 =	simm.s32 $0x4;
	s5 =	sand.u32 $0x1, s5;
	s6 =	sshll.u32 s1, $0x1  }
0x8: {  	s18 =	simm.s32 $0x0;
	[smem:$0x7FF] =	sst s3;
	s6 =	sor.u32 s5, s6  }
0x9: {  	s4 =	sadd.s32 $0x1200, s4;
	s8 =	ssub.s32 $0x2, s5;
	s7 =	smul.u32 $0x30D40, s6  }
0xa: {  	_ =	strace $0x80000047;
	s9 =	smul.u32 $0xC350, s6;
	s10 =	sshrl.u32 s8, $0x1  }
0xb: {  	s5 =	smul.u32 $0xC35, s6;
	s10 =	ssub.s32 s8, s10;
	s7 =	sshrl.u32 s7, $0x3  }
0xc: {  	s6 =	sadd.s32 s2, s9;
	s9 =	smax.u32 s10, $0x1;
	s31 =	sadd.s32 s4, s7  }
0xd: {  	s10 =	sadd.s32 $0x7D, s5;
	s7 =	sadd.s32 $0xFA, s5;
	s8 =	sadd.s32 $0x5DC0, s31  }
.LBB2_1:
0xe: {  	[tilespmem:s3], [sflag:$0x1] =	stream.linear.gather [hbm4b:s6+s3], $0x3E80, $0x38;
	[tilespmem:$0xBB80] =	vst v63  }
0xf: {  	s19 =	simm.s32 $0x0  }
.LBB2_2:
0x10: {  	s21 =	smul.u32 $0xFA, s19;
	_ =	sdelay $0x1  }
0x11: {  	s20 =	sadd.s32 s10, s21  }
0x12: {  	s22 =	sshll.u32 s20, $0x4  }
0x13: {  	s22 =	sand.u32 $0x1FFFFFF0, s22  }
0x14: {  	s23 =	simm.s32 $0x0;
	s22 =	sadd.s32 s2, s22  }
0x15: {  	[tilespmem:s11], [sflag:$0x2] =	stream.linear.gather [hbm4b:s22+s23], $0x3E80, $0x38;
	[tilespmem:$0xBB80] =	vst v63  }
0x16: {  	_ =	swait.ge [sflag:s12], $0x3E80  }
0x17: {  	[sflag:s12] =	ssyncset.done $0x0  }
0x18: {  	s22 =	simm.s32 $0x140;
	[sflag:s12] =	ssyncadd.s32 $0xFFFFC180  }
0x19: {  	v0 =	vld [tilespmem:s22+$0xFFFFFEC0]  }
0x1a: {  	v1 =	vld [tilespmem:s22+$0xFFFFFF00];
	_ =	sdelay $0x4  }
0x1b: {  	v0 =	vadd.s32 $0x8000, v0;
	v1 =	vadd.s32 $0x8000, v1  }
0x1c: {  	v0 =	vshrl.u32 v0, $0x10;
	v1 =	vand.u32 $0xFFFF0000, v1  }
0x1d: {  	s23 =	simm.s32 $0x0;
	v0 =	vor.u32 v0, v1  }
0x1e: {  	[tilespmem:s23+$0x7D00] =	vst v0  }
0x1f: {  	v0 =	vld [tilespmem:s22+$0xFFFFFED0]  }
0x20: {  	v47 =	vld [tilespmem:s22+$0xFFFFFF10];
	_ =	sdelay $0x4  }
0x21: {  	v0 =	vadd.s32 $0x8000, v0;
	v1 =	vadd.s32 $0x8000, v47  }
0x22: {  	v0 =	vshrl.u32 v0, $0x10;
	v1 =	vand.u32 $0xFFFF0000, v1  }
0x23: {  	v0 =	vor.u32 v0, v1  }
0x24: {  	[tilespmem:s23+$0x7D10] =	vst v0  }
0x25: {  	v0 =	vld [tilespmem:s22+$0xFFFFFEE0]  }
0x26: {  	v48 =	vld [tilespmem:s22+$0xFFFFFF20];
	_ =	sdelay $0x4  }
0x27: {  	v0 =	vadd.s32 $0x8000, v0;
	v1 =	vadd.s32 $0x8000, v48  }
0x28: {  	v0 =	vshrl.u32 v0, $0x10;
	v1 =	vand.u32 $0xFFFF0000, v1  }
0x29: {  	v0 =	vor.u32 v0, v1  }
0x2a: {  	[tilespmem:s23+$0x7D20] =	vst v0  }
0x2b: {  	v0 =	vld [tilespmem:s22+$0xFFFFFEF0]  }
0x2c: {  	v49 =	vld [tilespmem:s22+$0xFFFFFF30];
	_ =	sdelay $0x4  }
0x2d: {  	v0 =	vadd.s32 $0x8000, v0;
	v1 =	vadd.s32 $0x8000, v49  }
0x2e: {  	v0 =	vshrl.u32 v0, $0x10;
	v1 =	vand.u32 $0xFFFF0000, v1  }
0x2f: {  	v0 =	vor.u32 v0, v1  }
0x30: {  	[tilespmem:s23+$0x7D30] =	vst v0  }
0x31: {  	v0 =	vld [tilespmem:s22+$0xFFFFFF40]  }
0x32: {  	v50 =	vld [tilespmem:s22+$0xFFFFFF80];
	_ =	sdelay $0x4  }
0x33: {  	v0 =	vadd.s32 $0x8000, v0;
	v1 =	vadd.s32 $0x8000, v50  }
0x34: {  	v0 =	vshrl.u32 v0, $0x10;
	v1 =	vand.u32 $0xFFFF0000, v1  }
0x35: {  	v0 =	vor.u32 v0, v1  }
0x36: {  	[tilespmem:s23+$0x7D40] =	vst v0  }
0x37: {  	v0 =	vld [tilespmem:s22+$0xFFFFFF50]  }
0x38: {  	v51 =	vld [tilespmem:s22+$0xFFFFFF90];
	_ =	sdelay $0x4  }
0x39: {  	v0 =	vadd.s32 $0x8000, v0;
	v1 =	vadd.s32 $0x8000, v51  }
0x3a: {  	v0 =	vshrl.u32 v0, $0x10;
	v1 =	vand.u32 $0xFFFF0000, v1  }
0x3b: {  	v0 =	vor.u32 v0, v1  }
0x3c: {  	[tilespmem:s23+$0x7D50] =	vst v0  }
0x3d: {  	v0 =	vld [tilespmem:s22+$0xFFFFFF60]  }
0x3e: {  	v52 =	vld [tilespmem:s22+$0xFFFFFFA0];
	_ =	sdelay $0x4  }
0x3f: {  	v0 =	vadd.s32 $0x8000, v0;
	v1 =	vadd.s32 $0x8000, v52  }
0x40: {  	v0 =	vshrl.u32 v0, $0x10;
	v1 =	vand.u32 $0xFFFF0000, v1  }
0x41: {  	v0 =	vor.u32 v0, v1  }
0x42: {  	[tilespmem:s23+$0x7D60] =	vst v0  }
0x43: {  	v0 =	vld [tilespmem:s22+$0xFFFFFF70]  }
0x44: {  	v53 =	vld [tilespmem:s22+$0xFFFFFFB0];
	_ =	sdelay $0x4  }
0x45: {  	v0 =	vadd.s32 $0x8000, v0;
	v1 =	vadd.s32 $0x8000, v53  }
0x46: {  	v0 =	vshrl.u32 v0, $0x10;
	v1 =	vand.u32 $0xFFFF0000, v1  }
0x47: {  	v0 =	vor.u32 v0, v1  }
0x48: {  	[tilespmem:s23+$0x7D70] =	vst v0  }
0x49: {  	v0 =	vld [tilespmem:s22+$0xFFFFFFC0]  }
0x4a: {  	v54 =	vld [tilespmem:s22+$0x0];
	_ =	sdelay $0x4  }
0x4b: {  	v0 =	vadd.s32 $0x8000, v0;
	v1 =	vadd.s32 $0x8000, v54  }
0x4c: {  	v0 =	vshrl.u32 v0, $0x10;
	v1 =	vand.u32 $0xFFFF0000, v1  }
0x4d: {  	v0 =	vor.u32 v0, v1  }
0x4e: {  	[tilespmem:s23+$0x7D80] =	vst v0  }
0x4f: {  	v0 =	vld [tilespmem:s22+$0xFFFFFFD0]  }
0x50: {  	v55 =	vld [tilespmem:s22+$0x10];
	_ =	sdelay $0x4  }
0x51: {  	v0 =	vadd.s32 $0x8000, v0;
	v1 =	vadd.s32 $0x8000, v55  }
0x52: {  	v0 =	vshrl.u32 v0, $0x10;
	v1 =	vand.u32 $0xFFFF0000, v1  }
0x53: {  	v0 =	vor.u32 v0, v1  }
0x54: {  	[tilespmem:s23+$0x7D90] =	vst v0  }
0x55: {  	v0 =	vld [tilespmem:s22+$0xFFFFFFE0]  }
0x56: {  	v56 =	vld [tilespmem:s22+$0x20];
	_ =	sdelay $0x4  }
0x57: {  	v0 =	vadd.s32 $0x8000, v0;
	v1 =	vadd.s32 $0x8000, v56  }
0x58: {  	v0 =	vshrl.u32 v0, $0x10;
	v1 =	vand.u32 $0xFFFF0000, v1  }
0x59: {  	v0 =	vor.u32 v0, v1  }
0x5a: {  	[tilespmem:s23+$0x7DA0] =	vst v0  }
0x5b: {  	v0 =	vld [tilespmem:s22+$0xFFFFFFF0]  }
0x5c: {  	v57 =	vld [tilespmem:s22+$0x30];
	_ =	sdelay $0x4  }
0x5d: {  	v0 =	vadd.s32 $0x8000, v0;
	v1 =	vadd.s32 $0x8000, v57  }
0x5e: {  	v0 =	vshrl.u32 v0, $0x10;
	v1 =	vand.u32 $0xFFFF0000, v1  }
0x5f: {  	v0 =	vor.u32 v0, v1  }
0x60: {  	[tilespmem:s23+$0x7DB0] =	vst v0  }
0x61: {  	v0 =	vld [tilespmem:s22+$0x40]  }
0x62: {  	v58 =	vld [tilespmem:s22+$0x80];
	_ =	sdelay $0x4  }
0x63: {  	v0 =	vadd.s32 $0x8000, v0;
	v1 =	vadd.s32 $0x8000, v58  }
0x64: {  	v0 =	vshrl.u32 v0, $0x10;
	v1 =	vand.u32 $0xFFFF0000, v1  }
0x65: {  	v0 =	vor.u32 v0, v1  }
0x66: {  	[tilespmem:s23+$0x7DC0] =	vst v0  }
0x67: {  	v0 =	vld [tilespmem:s22+$0x50]  }
0x68: {  	v59 =	vld [tilespmem:s22+$0x90];
	_ =	sdelay $0x4  }
0x69: {  	v0 =	vadd.s32 $0x8000, v0;
	v1 =	vadd.s32 $0x8000, v59  }
0x6a: {  	v0 =	vshrl.u32 v0, $0x10;
	v1 =	vand.u32 $0xFFFF0000, v1  }
0x6b: {  	v0 =	vor.u32 v0, v1  }
0x6c: {  	[tilespmem:s23+$0x7DD0] =	vst v0  }
0x6d: {  	v0 =	vld [tilespmem:s22+$0x60]  }
0x6e: {  	v60 =	vld [tilespmem:s22+$0xA0];
	_ =	sdelay $0x4  }
0x6f: {  	v0 =	vadd.s32 $0x8000, v0;
	v1 =	vadd.s32 $0x8000, v60  }
0x70: {  	v0 =	vshrl.u32 v0, $0x10;
	v1 =	vand.u32 $0xFFFF0000, v1  }
0x71: {  	v0 =	vor.u32 v0, v1  }
0x72: {  	[tilespmem:s23+$0x7DE0] =	vst v0  }
0x73: {  	v0 =	vld [tilespmem:s22+$0x70]  }
0x74: {  	v61 =	vld [tilespmem:s22+$0xB0];
	_ =	sdelay $0x4  }
0x75: {  	v0 =	vadd.s32 $0x8000, v0;
	v1 =	vadd.s32 $0x8000, v61  }
0x76: {  	v0 =	vshrl.u32 v0, $0x10;
	v1 =	vand.u32 $0xFFFF0000, v1  }
0x77: {  	v0 =	vor.u32 v0, v1  }
0x78: {  	[tilespmem:s23+$0x7DF0] =	vst v0  }
0x79: {  	v0 =	vld [tilespmem:s22+$0xC0]  }
0x7a: {  	v62 =	vld [tilespmem:s22+$0x100];
	_ =	sdelay $0x4  }
0x7b: {  	v0 =	vadd.s32 $0x8000, v0;
	v1 =	vadd.s32 $0x8000, v62  }
0x7c: {  	v0 =	vshrl.u32 v0, $0x10;
	v1 =	vand.u32 $0xFFFF0000, v1  }
0x7d: {  	v0 =	vor.u32 v0, v1  }
0x7e: {  	[tilespmem:s23+$0x7E00] =	vst v0  }
0x7f: {  	v0 =	vld [tilespmem:s22+$0xD0]  }
0x80: {  	v63 =	vld [tilespmem:s22+$0x110];
	_ =	sdelay $0x4  }
0x81: {  	v0 =	vadd.s32 $0x8000, v0;
	v1 =	vadd.s32 $0x8000, v63  }
0x82: {  	v0 =	vshrl.u32 v0, $0x10;
	v1 =	vand.u32 $0xFFFF0000, v1  }
0x83: {  	v0 =	vor.u32 v0, v1  }
0x84: {  	s24 =	simm.s32 $0x500;
	s25 =	simm.s32 $0x140;
	[tilespmem:s23+$0x7E10] =	vst v0  }
.LBB2_3:
0x85: {  	p0 =	sne.s32 s24, $0x7800  }
0x86: {  	v0 =	vld [tilespmem:s22+$0xE0];
	s25 =	sadd.s32 $0x280, s25;
	s26 =	smov.u32 s24;
	s24 =	sadd.s32 $0x500, s24  }
0x87: {  	v1 =	vld [tilespmem:s22+$0x120];
	_ =	sdelay $0x3  }
0x88: {  	v0 =	vadd.s32 $0x8000, v0  }
0x89: {  	v0 =	vshrl.u32 v0, $0x10;
	v1 =	vadd.s32 $0x8000, v1  }
0x8a: {  	v1 =	vand.u32 $0xFFFF0000, v1  }
0x8b: {  	v0 =	vor.u32 v0, v1  }
0x8c: {  	[tilespmem:s23+$0x7E20] =	vst v0  }
0x8d: {  	v0 =	vld [tilespmem:s22+$0xF0]  }
0x8e: {  	v1 =	vld [tilespmem:s22+$0x130];
	s22 =	smov.u32 s25;
	_ =	sdelay $0x3  }
0x8f: {  	v0 =	vadd.s32 $0x8000, v0  }
0x90: {  	v0 =	vshrl.u32 v0, $0x10;
	v1 =	vadd.s32 $0x8000, v1  }
0x91: {  	v1 =	vand.u32 $0xFFFF0000, v1  }
0x92: {  	v0 =	vor.u32 v0, v1  }
0x93: {  	[tilespmem:s23+$0x7E30] =	vst v0  }
0x94: {  	v0 =	vld [tilespmem:s25+$0xFFFFFEC0]  }
0x95: {  	v1 =	vld [tilespmem:s25+$0xFFFFFF00];
	_ =	sdelay $0x3  }
0x96: {  	v0 =	vadd.s32 $0x8000, v0  }
0x97: {  	v1 =	vadd.s32 $0x8000, v1  }
0x98: {  	v0 =	vshrl.u32 v0, $0x10;
	v1 =	vand.u32 $0xFFFF0000, v1  }
0x99: {  	s23 =	sshra.s32 s26, $0x2;
	v0 =	vor.u32 v0, v1  }
0x9a: {  	[tilespmem:s23+$0x7D00] =	vst v0  }
0x9b: {  	v0 =	vld [tilespmem:s25+$0xFFFFFED0]  }
0x9c: {  	v1 =	vld [tilespmem:s25+$0xFFFFFF10];
	_ =	sdelay $0x3  }
0x9d: {  	v0 =	vadd.s32 $0x8000, v0  }
0x9e: {  	v0 =	vshrl.u32 v0, $0x10;
	v1 =	vadd.s32 $0x8000, v1  }
0x9f: {  	v1 =	vand.u32 $0xFFFF0000, v1  }
0xa0: {  	v0 =	vor.u32 v0, v1  }
0xa1: {  	[tilespmem:s23+$0x7D10] =	vst v0  }
0xa2: {  	v0 =	vld [tilespmem:s25+$0xFFFFFEE0]  }
0xa3: {  	v1 =	vld [tilespmem:s25+$0xFFFFFF20];
	_ =	sdelay $0x3  }
0xa4: {  	v0 =	vadd.s32 $0x8000, v0  }
0xa5: {  	v0 =	vshrl.u32 v0, $0x10;
	v1 =	vadd.s32 $0x8000, v1  }
0xa6: {  	v1 =	vand.u32 $0xFFFF0000, v1  }
0xa7: {  	v0 =	vor.u32 v0, v1  }
0xa8: {  	[tilespmem:s23+$0x7D20] =	vst v0  }
0xa9: {  	v0 =	vld [tilespmem:s25+$0xFFFFFEF0]  }
0xaa: {  	v1 =	vld [tilespmem:s25+$0xFFFFFF30];
	_ =	sdelay $0x3  }
0xab: {  	v0 =	vadd.s32 $0x8000, v0  }
0xac: {  	v0 =	vshrl.u32 v0, $0x10;
	v1 =	vadd.s32 $0x8000, v1  }
0xad: {  	v1 =	vand.u32 $0xFFFF0000, v1  }
0xae: {  	v0 =	vor.u32 v0, v1  }
0xaf: {  	[tilespmem:s23+$0x7D30] =	vst v0  }
0xb0: {  	v0 =	vld [tilespmem:s25+$0xFFFFFF40]  }
0xb1: {  	v1 =	vld [tilespmem:s25+$0xFFFFFF80];
	_ =	sdelay $0x3  }
0xb2: {  	v0 =	vadd.s32 $0x8000, v0  }
0xb3: {  	v0 =	vshrl.u32 v0, $0x10;
	v1 =	vadd.s32 $0x8000, v1  }
0xb4: {  	v1 =	vand.u32 $0xFFFF0000, v1  }
0xb5: {  	v0 =	vor.u32 v0, v1  }
0xb6: {  	[tilespmem:s23+$0x7D40] =	vst v0  }
0xb7: {  	v0 =	vld [tilespmem:s25+$0xFFFFFF50]  }
0xb8: {  	v1 =	vld [tilespmem:s25+$0xFFFFFF90];
	_ =	sdelay $0x3  }
0xb9: {  	v0 =	vadd.s32 $0x8000, v0  }
0xba: {  	v0 =	vshrl.u32 v0, $0x10;
	v1 =	vadd.s32 $0x8000, v1  }
0xbb: {  	v1 =	vand.u32 $0xFFFF0000, v1  }
0xbc: {  	v0 =	vor.u32 v0, v1  }
0xbd: {  	[tilespmem:s23+$0x7D50] =	vst v0  }
0xbe: {  	v0 =	vld [tilespmem:s25+$0xFFFFFF60]  }
0xbf: {  	v1 =	vld [tilespmem:s25+$0xFFFFFFA0];
	_ =	sdelay $0x3  }
0xc0: {  	v0 =	vadd.s32 $0x8000, v0  }
0xc1: {  	v0 =	vshrl.u32 v0, $0x10;
	v1 =	vadd.s32 $0x8000, v1  }
0xc2: {  	v1 =	vand.u32 $0xFFFF0000, v1  }
0xc3: {  	v0 =	vor.u32 v0, v1  }
0xc4: {  	[tilespmem:s23+$0x7D60] =	vst v0  }
0xc5: {  	v0 =	vld [tilespmem:s25+$0xFFFFFF70]  }
0xc6: {  	v1 =	vld [tilespmem:s25+$0xFFFFFFB0];
	_ =	sdelay $0x3  }
0xc7: {  	v0 =	vadd.s32 $0x8000, v0  }
0xc8: {  	v0 =	vshrl.u32 v0, $0x10;
	v1 =	vadd.s32 $0x8000, v1  }
0xc9: {  	v1 =	vand.u32 $0xFFFF0000, v1  }
0xca: {  	v0 =	vor.u32 v0, v1  }
0xcb: {  	[tilespmem:s23+$0x7D70] =	vst v0  }
0xcc: {  	v0 =	vld [tilespmem:s25+$0xFFFFFFC0]  }
0xcd: {  	v1 =	vld [tilespmem:s25+$0x0];
	_ =	sdelay $0x3  }
0xce: {  	v0 =	vadd.s32 $0x8000, v0  }
0xcf: {  	v0 =	vshrl.u32 v0, $0x10;
	v1 =	vadd.s32 $0x8000, v1  }
0xd0: {  	v1 =	vand.u32 $0xFFFF0000, v1  }
0xd1: {  	v0 =	vor.u32 v0, v1  }
0xd2: {  	[tilespmem:s23+$0x7D80] =	vst v0  }
0xd3: {  	v0 =	vld [tilespmem:s25+$0xFFFFFFD0]  }
0xd4: {  	v1 =	vld [tilespmem:s25+$0x10];
	_ =	sdelay $0x3  }
0xd5: {  	v0 =	vadd.s32 $0x8000, v0  }
0xd6: {  	v0 =	vshrl.u32 v0, $0x10;
	v1 =	vadd.s32 $0x8000, v1  }
0xd7: {  	v1 =	vand.u32 $0xFFFF0000, v1  }
0xd8: {  	v0 =	vor.u32 v0, v1  }
0xd9: {  	[tilespmem:s23+$0x7D90] =	vst v0  }
0xda: {  	v0 =	vld [tilespmem:s25+$0xFFFFFFE0]  }
0xdb: {  	v1 =	vld [tilespmem:s25+$0x20];
	_ =	sdelay $0x3  }
0xdc: {  	v0 =	vadd.s32 $0x8000, v0  }
0xdd: {  	v0 =	vshrl.u32 v0, $0x10;
	v1 =	vadd.s32 $0x8000, v1  }
0xde: {  	v1 =	vand.u32 $0xFFFF0000, v1  }
0xdf: {  	v0 =	vor.u32 v0, v1  }
0xe0: {  	[tilespmem:s23+$0x7DA0] =	vst v0  }
0xe1: {  	v0 =	vld [tilespmem:s25+$0xFFFFFFF0]  }
0xe2: {  	v1 =	vld [tilespmem:s25+$0x30];
	_ =	sdelay $0x3  }
0xe3: {  	v0 =	vadd.s32 $0x8000, v0  }
0xe4: {  	v0 =	vshrl.u32 v0, $0x10;
	v1 =	vadd.s32 $0x8000, v1  }
0xe5: {  	v1 =	vand.u32 $0xFFFF0000, v1  }
0xe6: {  	v0 =	vor.u32 v0, v1  }
0xe7: {  	[tilespmem:s23+$0x7DB0] =	vst v0  }
0xe8: {  	v0 =	vld [tilespmem:s25+$0x40]  }
0xe9: {  	v1 =	vld [tilespmem:s25+$0x80];
	_ =	sdelay $0x3  }
0xea: {  	v0 =	vadd.s32 $0x8000, v0  }
0xeb: {  	v0 =	vshrl.u32 v0, $0x10;
	v1 =	vadd.s32 $0x8000, v1  }
0xec: {  	v1 =	vand.u32 $0xFFFF0000, v1  }
0xed: {  	v0 =	vor.u32 v0, v1  }
0xee: {  	[tilespmem:s23+$0x7DC0] =	vst v0  }
0xef: {  	v0 =	vld [tilespmem:s25+$0x50]  }
0xf0: {  	v1 =	vld [tilespmem:s25+$0x90];
	_ =	sdelay $0x3  }
0xf1: {  	v0 =	vadd.s32 $0x8000, v0  }
0xf2: {  	v0 =	vshrl.u32 v0, $0x10;
	v1 =	vadd.s32 $0x8000, v1  }
0xf3: {  	v1 =	vand.u32 $0xFFFF0000, v1  }
0xf4: {  	v0 =	vor.u32 v0, v1  }
0xf5: {  	[tilespmem:s23+$0x7DD0] =	vst v0  }
0xf6: {  	v0 =	vld [tilespmem:s25+$0x60]  }
0xf7: {  	v1 =	vld [tilespmem:s25+$0xA0];
	_ =	sdelay $0x3  }
0xf8: {  	v0 =	vadd.s32 $0x8000, v0  }
0xf9: {  	v0 =	vshrl.u32 v0, $0x10;
	v1 =	vadd.s32 $0x8000, v1  }
0xfa: {  	v1 =	vand.u32 $0xFFFF0000, v1  }
0xfb: {  	v0 =	vor.u32 v0, v1  }
0xfc: {  	[tilespmem:s23+$0x7DE0] =	vst v0  }
0xfd: {  	v0 =	vld [tilespmem:s25+$0x70]  }
0xfe: {  	v1 =	vld [tilespmem:s25+$0xB0];
	_ =	sdelay $0x3  }
0xff: {  	v0 =	vadd.s32 $0x8000, v0  }
0x100: {  	v0 =	vshrl.u32 v0, $0x10;
	v1 =	vadd.s32 $0x8000, v1  }
0x101: {  	v1 =	vand.u32 $0xFFFF0000, v1  }
0x102: {  	v0 =	vor.u32 v0, v1  }
0x103: {  	[tilespmem:s23+$0x7DF0] =	vst v0  }
0x104: {  	v0 =	vld [tilespmem:s25+$0xC0]  }
0x105: {  	v1 =	vld [tilespmem:s25+$0x100];
	_ =	sdelay $0x3  }
0x106: {  	v0 =	vadd.s32 $0x8000, v0  }
0x107: {  	v0 =	vshrl.u32 v0, $0x10;
	v1 =	vadd.s32 $0x8000, v1  }
0x108: {  	v1 =	vand.u32 $0xFFFF0000, v1  }
0x109: {  	v0 =	vor.u32 v0, v1  }
0x10a: {  	[tilespmem:s23+$0x7E00] =	vst v0  }
0x10b: {  	v0 =	vld [tilespmem:s25+$0xD0]  }
0x10c: {  	v1 =	vld [tilespmem:s25+$0x110];
	_ =	sdelay $0x3  }
.Ltmp0:
0x10d: {  	v0 =	vadd.s32 $0x8000, v0;
	(pc) =	sbr.rel @p0 .LBB2_3-.Ltmp0, $4  }
0x10e: {  	v0 =	vshrl.u32 v0, $0x10;
	v1 =	vadd.s32 $0x8000, v1  }
0x10f: {  	v1 =	vand.u32 $0xFFFF0000, v1  }
0x110: {  	v0 =	vor.u32 v0, v1  }
0x111: {  	[tilespmem:s23+$0x7E10] =	vst v0  }
0x112: {  	v0 =	vld [tilespmem:s22+$0xE0]  }
0x113: {  	v1 =	vld [tilespmem:s22+$0x120];
	_ =	sdelay $0x4  }
0x114: {  	v0 =	vadd.s32 $0x8000, v0;
	v1 =	vadd.s32 $0x8000, v1  }
0x115: {  	v0 =	vshrl.u32 v0, $0x10;
	v1 =	vand.u32 $0xFFFF0000, v1  }
0x116: {  	v0 =	vor.u32 v0, v1  }
0x117: {  	[tilespmem:s23+$0x7E20] =	vst v0  }
0x118: {  	v0 =	vld [tilespmem:s22+$0xF0]  }
0x119: {  	v1 =	vld [tilespmem:s22+$0x130];
	_ =	sdelay $0x4  }
0x11a: {  	v0 =	vadd.s32 $0x8000, v0;
	v1 =	vadd.s32 $0x8000, v1  }
0x11b: {  	v0 =	vshrl.u32 v0, $0x10;
	v1 =	vand.u32 $0xFFFF0000, v1  }
0x11c: {  	p0 =	seq.s32 s19, $0x0;
	v0 =	vor.u32 v0, v1  }
0x11d: {  	s28 =	sadd.s32 s5, s21;
	s22 =	simm.s32 @!p0 $0x3;
	[tilespmem:s23+$0x7E30] =	vst v0  }
0x11e: {  	s30 =	simm.s32 $0x0;
	s31 =	sadd.s32 s21, s7;
	_ =	swait.ge @!p0 [sflag:s22], $0x1F40  }
0x11f: {  	s21 =	sshll.u32 s31, $0x4;
	s23 =	sshll.u32 s28, $0x3;
	[sflag:s22] =	ssyncset.done @!p0 $0x0  }
0x120: {  	s21 =	sand.u32 $0x1FFFFFF0, s21;
	s29 =	sadd.s32 s4, s23;
	[sflag:s22] =	ssyncadd.s32 @!p0 $0xFFFFE0C0  }
0x121: {  	[hbm4b:s29+s30] =	stream.linear.scatter [tilespmem:s13], [sflag:$0x3], $0x1F40, $0x38;
	[tilespmem:$0xBB80] =	vst v63  }
0x122: {  	s21 =	sadd.s32 s2, s21  }
0x123: {  	[tilespmem:s30], [sflag:$0x1] =	stream.linear.gather [hbm4b:s21+s30], $0x3E80, $0x38;
	[tilespmem:$0xBB80] =	vst v63  }
0x124: {  	_ =	swait.ge [sflag:s14], $0x3E80  }
0x125: {  	[sflag:s14] =	ssyncset.done $0x0  }
0x126: {  	s22 =	simm.s32 $0x0;
	[sflag:s14] =	ssyncadd.s32 $0xFFFFC180  }
0x127: {  	v0 =	vld [tilespmem:s22+$0x3E80]  }
0x128: {  	v1 =	vld [tilespmem:s22+$0x3EC0];
	_ =	sdelay $0x4  }
0x129: {  	v0 =	vadd.s32 $0x8000, v0;
	v1 =	vadd.s32 $0x8000, v1  }
0x12a: {  	v0 =	vshrl.u32 v0, $0x10;
	v1 =	vand.u32 $0xFFFF0000, v1  }
0x12b: {  	s21 =	simm.s32 $0x9D70;
	v0 =	vor.u32 v0, v1  }
0x12c: {  	[tilespmem:s21+$0xFFFFFED0] =	vst v0  }
0x12d: {  	v0 =	vld [tilespmem:s22+$0x3E90]  }
0x12e: {  	v1 =	vld [tilespmem:s22+$0x3ED0];
	_ =	sdelay $0x4  }
0x12f: {  	v0 =	vadd.s32 $0x8000, v0;
	v1 =	vadd.s32 $0x8000, v1  }
0x130: {  	v0 =	vshrl.u32 v0, $0x10;
	v1 =	vand.u32 $0xFFFF0000, v1  }
0x131: {  	v0 =	vor.u32 v0, v1  }
0x132: {  	[tilespmem:s21+$0xFFFFFEE0] =	vst v0  }
0x133: {  	v0 =	vld [tilespmem:s22+$0x3EA0]  }
0x134: {  	v1 =	vld [tilespmem:s22+$0x3EE0];
	_ =	sdelay $0x4  }
0x135: {  	v0 =	vadd.s32 $0x8000, v0;
	v1 =	vadd.s32 $0x8000, v1  }
0x136: {  	v0 =	vshrl.u32 v0, $0x10;
	v1 =	vand.u32 $0xFFFF0000, v1  }
0x137: {  	v0 =	vor.u32 v0, v1  }
0x138: {  	[tilespmem:s21+$0xFFFFFEF0] =	vst v0  }
0x139: {  	v0 =	vld [tilespmem:s22+$0x3EB0]  }
0x13a: {  	v1 =	vld [tilespmem:s22+$0x3EF0];
	_ =	sdelay $0x4  }
0x13b: {  	v0 =	vadd.s32 $0x8000, v0;
	v1 =	vadd.s32 $0x8000, v1  }
0x13c: {  	v0 =	vshrl.u32 v0, $0x10;
	v1 =	vand.u32 $0xFFFF0000, v1  }
0x13d: {  	v0 =	vor.u32 v0, v1  }
0x13e: {  	[tilespmem:s21+$0xFFFFFF00] =	vst v0  }
0x13f: {  	v0 =	vld [tilespmem:s22+$0x3F00]  }
0x140: {  	v1 =	vld [tilespmem:s22+$0x3F40];
	_ =	sdelay $0x4  }
0x141: {  	v0 =	vadd.s32 $0x8000, v0;
	v1 =	vadd.s32 $0x8000, v1  }
0x142: {  	v0 =	vshrl.u32 v0, $0x10;
	v1 =	vand.u32 $0xFFFF0000, v1  }
0x143: {  	v0 =	vor.u32 v0, v1  }
0x144: {  	[tilespmem:s21+$0xFFFFFF10] =	vst v0  }
0x145: {  	v0 =	vld [tilespmem:s22+$0x3F10]  }
0x146: {  	v1 =	vld [tilespmem:s22+$0x3F50];
	_ =	sdelay $0x4  }
0x147: {  	v0 =	vadd.s32 $0x8000, v0;
	v1 =	vadd.s32 $0x8000, v1  }
0x148: {  	v0 =	vshrl.u32 v0, $0x10;
	v1 =	vand.u32 $0xFFFF0000, v1  }
0x149: {  	v0 =	vor.u32 v0, v1  }
0x14a: {  	[tilespmem:s21+$0xFFFFFF20] =	vst v0  }
0x14b: {  	v0 =	vld [tilespmem:s22+$0x3F20]  }
0x14c: {  	v1 =	vld [tilespmem:s22+$0x3F60];
	_ =	sdelay $0x4  }
0x14d: {  	v0 =	vadd.s32 $0x8000, v0;
	v1 =	vadd.s32 $0x8000, v1  }
0x14e: {  	v0 =	vshrl.u32 v0, $0x10;
	v1 =	vand.u32 $0xFFFF0000, v1  }
0x14f: {  	v0 =	vor.u32 v0, v1  }
0x150: {  	[tilespmem:s21+$0xFFFFFF30] =	vst v0  }
0x151: {  	v0 =	vld [tilespmem:s22+$0x3F30]  }
0x152: {  	v1 =	vld [tilespmem:s22+$0x3F70];
	_ =	sdelay $0x4  }
0x153: {  	v0 =	vadd.s32 $0x8000, v0;
	v1 =	vadd.s32 $0x8000, v1  }
0x154: {  	v0 =	vshrl.u32 v0, $0x10;
	v1 =	vand.u32 $0xFFFF0000, v1  }
0x155: {  	v0 =	vor.u32 v0, v1  }
0x156: {  	[tilespmem:s21+$0xFFFFFF40] =	vst v0  }
0x157: {  	v0 =	vld [tilespmem:s22+$0x3F80]  }
0x158: {  	v1 =	vld [tilespmem:s22+$0x3FC0];
	_ =	sdelay $0x4  }
0x159: {  	v0 =	vadd.s32 $0x8000, v0;
	v1 =	vadd.s32 $0x8000, v1  }
0x15a: {  	v0 =	vshrl.u32 v0, $0x10;
	v1 =	vand.u32 $0xFFFF0000, v1  }
0x15b: {  	v0 =	vor.u32 v0, v1  }
0x15c: {  	[tilespmem:s21+$0xFFFFFF50] =	vst v0  }
0x15d: {  	v0 =	vld [tilespmem:s22+$0x3F90]  }
0x15e: {  	v1 =	vld [tilespmem:s22+$0x3FD0];
	_ =	sdelay $0x4  }
0x15f: {  	v0 =	vadd.s32 $0x8000, v0;
	v1 =	vadd.s32 $0x8000, v1  }
0x160: {  	v0 =	vshrl.u32 v0, $0x10;
	v1 =	vand.u32 $0xFFFF0000, v1  }
0x161: {  	v0 =	vor.u32 v0, v1  }
0x162: {  	[tilespmem:s21+$0xFFFFFF60] =	vst v0  }
0x163: {  	v0 =	vld [tilespmem:s22+$0x3FA0]  }
0x164: {  	v1 =	vld [tilespmem:s22+$0x3FE0];
	_ =	sdelay $0x4  }
0x165: {  	v0 =	vadd.s32 $0x8000, v0;
	v1 =	vadd.s32 $0x8000, v1  }
0x166: {  	v0 =	vshrl.u32 v0, $0x10;
	v1 =	vand.u32 $0xFFFF0000, v1  }
0x167: {  	v0 =	vor.u32 v0, v1  }
0x168: {  	[tilespmem:s21+$0xFFFFFF70] =	vst v0  }
0x169: {  	v0 =	vld [tilespmem:s22+$0x3FB0]  }
0x16a: {  	v1 =	vld [tilespmem:s22+$0x3FF0];
	_ =	sdelay $0x4  }
0x16b: {  	v0 =	vadd.s32 $0x8000, v0;
	v1 =	vadd.s32 $0x8000, v1  }
0x16c: {  	v0 =	vshrl.u32 v0, $0x10;
	v1 =	vand.u32 $0xFFFF0000, v1  }
0x16d: {  	v0 =	vor.u32 v0, v1  }
0x16e: {  	[tilespmem:s21+$0xFFFFFF80] =	vst v0  }
0x16f: {  	v0 =	vld [tilespmem:s22+$0x4000]  }
0x170: {  	v1 =	vld [tilespmem:s22+$0x4040];
	_ =	sdelay $0x4  }
0x171: {  	v0 =	vadd.s32 $0x8000, v0;
	v1 =	vadd.s32 $0x8000, v1  }
0x172: {  	v0 =	vshrl.u32 v0, $0x10;
	v1 =	vand.u32 $0xFFFF0000, v1  }
0x173: {  	v0 =	vor.u32 v0, v1  }
0x174: {  	[tilespmem:s21+$0xFFFFFF90] =	vst v0  }
0x175: {  	v0 =	vld [tilespmem:s22+$0x4010]  }
0x176: {  	v1 =	vld [tilespmem:s22+$0x4050];
	_ =	sdelay $0x4  }
0x177: {  	v0 =	vadd.s32 $0x8000, v0;
	v1 =	vadd.s32 $0x8000, v1  }
0x178: {  	v0 =	vshrl.u32 v0, $0x10;
	v1 =	vand.u32 $0xFFFF0000, v1  }
0x179: {  	v0 =	vor.u32 v0, v1  }
0x17a: {  	[tilespmem:s21+$0xFFFFFFA0] =	vst v0  }
0x17b: {  	v0 =	vld [tilespmem:s22+$0x4020]  }
0x17c: {  	v1 =	vld [tilespmem:s22+$0x4060];
	_ =	sdelay $0x4  }
0x17d: {  	v0 =	vadd.s32 $0x8000, v0;
	v1 =	vadd.s32 $0x8000, v1  }
0x17e: {  	v0 =	vshrl.u32 v0, $0x10;
	v1 =	vand.u32 $0xFFFF0000, v1  }
0x17f: {  	v0 =	vor.u32 v0, v1  }
0x180: {  	[tilespmem:s21+$0xFFFFFFB0] =	vst v0  }
0x181: {  	v0 =	vld [tilespmem:s22+$0x4030]  }
0x182: {  	v1 =	vld [tilespmem:s22+$0x4070];
	_ =	sdelay $0x4  }
0x183: {  	v0 =	vadd.s32 $0x8000, v0;
	v1 =	vadd.s32 $0x8000, v1  }
0x184: {  	v0 =	vshrl.u32 v0, $0x10;
	v1 =	vand.u32 $0xFFFF0000, v1  }
0x185: {  	v0 =	vor.u32 v0, v1  }
0x186: {  	[tilespmem:s21+$0xFFFFFFC0] =	vst v0  }
0x187: {  	v0 =	vld [tilespmem:s22+$0x4080]  }
0x188: {  	v1 =	vld [tilespmem:s22+$0x40C0];
	_ =	sdelay $0x4  }
0x189: {  	v0 =	vadd.s32 $0x8000, v0;
	v1 =	vadd.s32 $0x8000, v1  }
0x18a: {  	v0 =	vshrl.u32 v0, $0x10;
	v1 =	vand.u32 $0xFFFF0000, v1  }
0x18b: {  	v0 =	vor.u32 v0, v1  }
0x18c: {  	[tilespmem:s21+$0xFFFFFFD0] =	vst v0  }
0x18d: {  	v0 =	vld [tilespmem:s22+$0x4090]  }
0x18e: {  	v1 =	vld [tilespmem:s22+$0x40D0];
	_ =	sdelay $0x4  }
0x18f: {  	v0 =	vadd.s32 $0x8000, v0;
	v1 =	vadd.s32 $0x8000, v1  }
0x190: {  	v0 =	vshrl.u32 v0, $0x10;
	v1 =	vand.u32 $0xFFFF0000, v1  }
0x191: {  	s24 =	simm.s32 $0x9D70;
	s23 =	simm.s32 $0xA00;
	v0 =	vor.u32 v0, v1  }
.LBB2_5:
0x192: {  	p1 =	sne.s32 s23, $0xF000  }
0x193: {  	[tilespmem:s21+$0xFFFFFFE0] =	vst v0;
	s24 =	sadd.s32 $0x140, s24;
	s25 =	smov.u32 s23;
	s23 =	sadd.s32 $0xA00, s23  }
0x194: {  	v0 =	vld [tilespmem:s22+$0x40A0]  }
0x195: {  	v1 =	vld [tilespmem:s22+$0x40E0];
	_ =	sdelay $0x3  }
0x196: {  	v0 =	vadd.s32 $0x8000, v0  }
0x197: {  	v0 =	vshrl.u32 v0, $0x10;
	v1 =	vadd.s32 $0x8000, v1  }
0x198: {  	v1 =	vand.u32 $0xFFFF0000, v1  }
0x199: {  	v0 =	vor.u32 v0, v1  }
0x19a: {  	[tilespmem:s21+$0xFFFFFFF0] =	vst v0  }
0x19b: {  	v0 =	vld [tilespmem:s22+$0x40B0]  }
0x19c: {  	v1 =	vld [tilespmem:s22+$0x40F0];
	_ =	sdelay $0x3  }
0x19d: {  	v0 =	vadd.s32 $0x8000, v0  }
0x19e: {  	v0 =	vshrl.u32 v0, $0x10;
	v1 =	vadd.s32 $0x8000, v1  }
0x19f: {  	v1 =	vand.u32 $0xFFFF0000, v1  }
0x1a0: {  	v0 =	vor.u32 v0, v1  }
0x1a1: {  	s22 =	sshra.s32 s25, $0x2;
	[tilespmem:s21+$0x0] =	vst v0;
	s21 =	smov.u32 s24  }
0x1a2: {  	v0 =	vld [tilespmem:s22+$0x3E80]  }
0x1a3: {  	v1 =	vld [tilespmem:s22+$0x3EC0];
	_ =	sdelay $0x3  }
0x1a4: {  	v0 =	vadd.s32 $0x8000, v0  }
0x1a5: {  	v0 =	vshrl.u32 v0, $0x10;
	v1 =	vadd.s32 $0x8000, v1  }
0x1a6: {  	v1 =	vand.u32 $0xFFFF0000, v1  }
0x1a7: {  	v0 =	vor.u32 v0, v1  }
0x1a8: {  	[tilespmem:s24+$0xFFFFFED0] =	vst v0  }
0x1a9: {  	v0 =	vld [tilespmem:s22+$0x3E90]  }
0x1aa: {  	v1 =	vld [tilespmem:s22+$0x3ED0];
	_ =	sdelay $0x3  }
0x1ab: {  	v0 =	vadd.s32 $0x8000, v0  }
0x1ac: {  	v0 =	vshrl.u32 v0, $0x10;
	v1 =	vadd.s32 $0x8000, v1  }
0x1ad: {  	v1 =	vand.u32 $0xFFFF0000, v1  }
0x1ae: {  	v0 =	vor.u32 v0, v1  }
0x1af: {  	[tilespmem:s24+$0xFFFFFEE0] =	vst v0  }
0x1b0: {  	v0 =	vld [tilespmem:s22+$0x3EA0]  }
0x1b1: {  	v1 =	vld [tilespmem:s22+$0x3EE0];
	_ =	sdelay $0x3  }
0x1b2: {  	v0 =	vadd.s32 $0x8000, v0  }
0x1b3: {  	v0 =	vshrl.u32 v0, $0x10;
	v1 =	vadd.s32 $0x8000, v1  }
0x1b4: {  	v1 =	vand.u32 $0xFFFF0000, v1  }
0x1b5: {  	v0 =	vor.u32 v0, v1  }
0x1b6: {  	[tilespmem:s24+$0xFFFFFEF0] =	vst v0  }
0x1b7: {  	v0 =	vld [tilespmem:s22+$0x3EB0]  }
0x1b8: {  	v1 =	vld [tilespmem:s22+$0x3EF0];
	_ =	sdelay $0x3  }
0x1b9: {  	v0 =	vadd.s32 $0x8000, v0  }
0x1ba: {  	v0 =	vshrl.u32 v0, $0x10;
	v1 =	vadd.s32 $0x8000, v1  }
0x1bb: {  	v1 =	vand.u32 $0xFFFF0000, v1  }
0x1bc: {  	v0 =	vor.u32 v0, v1  }
0x1bd: {  	[tilespmem:s24+$0xFFFFFF00] =	vst v0  }
0x1be: {  	v0 =	vld [tilespmem:s22+$0x3F00]  }
0x1bf: {  	v1 =	vld [tilespmem:s22+$0x3F40];
	_ =	sdelay $0x3  }
0x1c0: {  	v0 =	vadd.s32 $0x8000, v0  }
0x1c1: {  	v0 =	vshrl.u32 v0, $0x10;
	v1 =	vadd.s32 $0x8000, v1  }
0x1c2: {  	v1 =	vand.u32 $0xFFFF0000, v1  }
0x1c3: {  	v0 =	vor.u32 v0, v1  }
0x1c4: {  	[tilespmem:s24+$0xFFFFFF10] =	vst v0  }
0x1c5: {  	v0 =	vld [tilespmem:s22+$0x3F10]  }
0x1c6: {  	v1 =	vld [tilespmem:s22+$0x3F50];
	_ =	sdelay $0x3  }
0x1c7: {  	v0 =	vadd.s32 $0x8000, v0  }
0x1c8: {  	v0 =	vshrl.u32 v0, $0x10;
	v1 =	vadd.s32 $0x8000, v1  }
0x1c9: {  	v1 =	vand.u32 $0xFFFF0000, v1  }
0x1ca: {  	v0 =	vor.u32 v0, v1  }
0x1cb: {  	[tilespmem:s24+$0xFFFFFF20] =	vst v0  }
0x1cc: {  	v0 =	vld [tilespmem:s22+$0x3F20]  }
0x1cd: {  	v1 =	vld [tilespmem:s22+$0x3F60];
	_ =	sdelay $0x3  }
0x1ce: {  	v0 =	vadd.s32 $0x8000, v0  }
0x1cf: {  	v0 =	vshrl.u32 v0, $0x10;
	v1 =	vadd.s32 $0x8000, v1  }
0x1d0: {  	v1 =	vand.u32 $0xFFFF0000, v1  }
0x1d1: {  	v0 =	vor.u32 v0, v1  }
0x1d2: {  	[tilespmem:s24+$0xFFFFFF30] =	vst v0  }
0x1d3: {  	v0 =	vld [tilespmem:s22+$0x3F30]  }
0x1d4: {  	v1 =	vld [tilespmem:s22+$0x3F70];
	_ =	sdelay $0x3  }
0x1d5: {  	v0 =	vadd.s32 $0x8000, v0  }
0x1d6: {  	v0 =	vshrl.u32 v0, $0x10;
	v1 =	vadd.s32 $0x8000, v1  }
0x1d7: {  	v1 =	vand.u32 $0xFFFF0000, v1  }
0x1d8: {  	v0 =	vor.u32 v0, v1  }
0x1d9: {  	[tilespmem:s24+$0xFFFFFF40] =	vst v0  }
0x1da: {  	v0 =	vld [tilespmem:s22+$0x3F80]  }
0x1db: {  	v1 =	vld [tilespmem:s22+$0x3FC0];
	_ =	sdelay $0x3  }
0x1dc: {  	v0 =	vadd.s32 $0x8000, v0  }
0x1dd: {  	v0 =	vshrl.u32 v0, $0x10;
	v1 =	vadd.s32 $0x8000, v1  }
0x1de: {  	v1 =	vand.u32 $0xFFFF0000, v1  }
0x1df: {  	v0 =	vor.u32 v0, v1  }
0x1e0: {  	[tilespmem:s24+$0xFFFFFF50] =	vst v0  }
0x1e1: {  	v0 =	vld [tilespmem:s22+$0x3F90]  }
0x1e2: {  	v1 =	vld [tilespmem:s22+$0x3FD0];
	_ =	sdelay $0x3  }
0x1e3: {  	v0 =	vadd.s32 $0x8000, v0  }
0x1e4: {  	v0 =	vshrl.u32 v0, $0x10;
	v1 =	vadd.s32 $0x8000, v1  }
0x1e5: {  	v1 =	vand.u32 $0xFFFF0000, v1  }
0x1e6: {  	v0 =	vor.u32 v0, v1  }
0x1e7: {  	[tilespmem:s24+$0xFFFFFF60] =	vst v0  }
0x1e8: {  	v0 =	vld [tilespmem:s22+$0x3FA0]  }
0x1e9: {  	v1 =	vld [tilespmem:s22+$0x3FE0];
	_ =	sdelay $0x3  }
0x1ea: {  	v0 =	vadd.s32 $0x8000, v0  }
0x1eb: {  	v0 =	vshrl.u32 v0, $0x10;
	v1 =	vadd.s32 $0x8000, v1  }
0x1ec: {  	v1 =	vand.u32 $0xFFFF0000, v1  }
0x1ed: {  	v0 =	vor.u32 v0, v1  }
0x1ee: {  	[tilespmem:s24+$0xFFFFFF70] =	vst v0  }
0x1ef: {  	v0 =	vld [tilespmem:s22+$0x3FB0]  }
0x1f0: {  	v1 =	vld [tilespmem:s22+$0x3FF0];
	_ =	sdelay $0x3  }
0x1f1: {  	v0 =	vadd.s32 $0x8000, v0  }
0x1f2: {  	v0 =	vshrl.u32 v0, $0x10;
	v1 =	vadd.s32 $0x8000, v1  }
0x1f3: {  	v1 =	vand.u32 $0xFFFF0000, v1  }
0x1f4: {  	v0 =	vor.u32 v0, v1  }
0x1f5: {  	[tilespmem:s24+$0xFFFFFF80] =	vst v0  }
0x1f6: {  	v0 =	vld [tilespmem:s22+$0x4000]  }
0x1f7: {  	v1 =	vld [tilespmem:s22+$0x4040];
	_ =	sdelay $0x3  }
0x1f8: {  	v0 =	vadd.s32 $0x8000, v0  }
0x1f9: {  	v0 =	vshrl.u32 v0, $0x10;
	v1 =	vadd.s32 $0x8000, v1  }
0x1fa: {  	v1 =	vand.u32 $0xFFFF0000, v1  }
0x1fb: {  	v0 =	vor.u32 v0, v1  }
0x1fc: {  	[tilespmem:s24+$0xFFFFFF90] =	vst v0  }
0x1fd: {  	v0 =	vld [tilespmem:s22+$0x4010]  }
0x1fe: {  	v1 =	vld [tilespmem:s22+$0x4050];
	_ =	sdelay $0x3  }
0x1ff: {  	v0 =	vadd.s32 $0x8000, v0  }
0x200: {  	v0 =	vshrl.u32 v0, $0x10;
	v1 =	vadd.s32 $0x8000, v1  }
0x201: {  	v1 =	vand.u32 $0xFFFF0000, v1  }
0x202: {  	v0 =	vor.u32 v0, v1  }
0x203: {  	[tilespmem:s24+$0xFFFFFFA0] =	vst v0  }
0x204: {  	v0 =	vld [tilespmem:s22+$0x4020]  }
0x205: {  	v1 =	vld [tilespmem:s22+$0x4060];
	_ =	sdelay $0x3  }
0x206: {  	v0 =	vadd.s32 $0x8000, v0  }
0x207: {  	v0 =	vshrl.u32 v0, $0x10;
	v1 =	vadd.s32 $0x8000, v1  }
0x208: {  	v1 =	vand.u32 $0xFFFF0000, v1  }
0x209: {  	v0 =	vor.u32 v0, v1  }
0x20a: {  	[tilespmem:s24+$0xFFFFFFB0] =	vst v0  }
0x20b: {  	v0 =	vld [tilespmem:s22+$0x4030]  }
0x20c: {  	v1 =	vld [tilespmem:s22+$0x4070];
	_ =	sdelay $0x3  }
0x20d: {  	v0 =	vadd.s32 $0x8000, v0  }
0x20e: {  	v0 =	vshrl.u32 v0, $0x10;
	v1 =	vadd.s32 $0x8000, v1  }
0x20f: {  	v1 =	vand.u32 $0xFFFF0000, v1  }
0x210: {  	v0 =	vor.u32 v0, v1  }
0x211: {  	[tilespmem:s24+$0xFFFFFFC0] =	vst v0  }
0x212: {  	v0 =	vld [tilespmem:s22+$0x4080]  }
0x213: {  	v1 =	vld [tilespmem:s22+$0x40C0];
	_ =	sdelay $0x3  }
0x214: {  	v0 =	vadd.s32 $0x8000, v0  }
0x215: {  	v0 =	vshrl.u32 v0, $0x10;
	v1 =	vadd.s32 $0x8000, v1  }
0x216: {  	v1 =	vand.u32 $0xFFFF0000, v1  }
0x217: {  	v0 =	vor.u32 v0, v1  }
0x218: {  	[tilespmem:s24+$0xFFFFFFD0] =	vst v0  }
0x219: {  	v0 =	vld [tilespmem:s22+$0x4090]  }
0x21a: {  	v1 =	vld [tilespmem:s22+$0x40D0];
	_ =	sdelay $0x2  }
.Ltmp1:
0x21b: {  	(pc) =	sbr.rel @p1 .LBB2_5-.Ltmp1, $4  }
0x21c: {  	v0 =	vadd.s32 $0x8000, v0  }
0x21d: {  	v0 =	vshrl.u32 v0, $0x10;
	v1 =	vadd.s32 $0x8000, v1  }
0x21e: {  	v1 =	vand.u32 $0xFFFF0000, v1  }
0x21f: {  	v0 =	vor.u32 v0, v1  }
0x220: {  	[tilespmem:s21+$0xFFFFFFE0] =	vst v0  }
0x221: {  	v0 =	vld [tilespmem:s22+$0x40A0]  }
0x222: {  	v1 =	vld [tilespmem:s22+$0x40E0];
	_ =	sdelay $0x4  }
0x223: {  	v0 =	vadd.s32 $0x8000, v0;
	v1 =	vadd.s32 $0x8000, v1  }
0x224: {  	v0 =	vshrl.u32 v0, $0x10;
	v1 =	vand.u32 $0xFFFF0000, v1  }
0x225: {  	v0 =	vor.u32 v0, v1  }
0x226: {  	[tilespmem:s21+$0xFFFFFFF0] =	vst v0  }
0x227: {  	v0 =	vld [tilespmem:s22+$0x40B0]  }
0x228: {  	v63 =	vld [tilespmem:s22+$0x40F0];
	_ =	sdelay $0x4  }
0x229: {  	v0 =	vadd.s32 $0x8000, v0;
	v1 =	vadd.s32 $0x8000, v63  }
0x22a: {  	v0 =	vshrl.u32 v0, $0x10;
	v1 =	vand.u32 $0xFFFF0000, v1  }
0x22b: {  	v0 =	vor.u32 v0, v1  }
0x22c: {  	[tilespmem:s21+$0x0] =	vst v0;
	s21 =	simm.s32 @!p0 $0x4  }
0x22d: {  	_ =	swait.ge @!p0 [sflag:s21], $0x1F40  }
0x22e: {  	s19 =	sadd.s32 $0x1, s19;
	[sflag:s21] =	ssyncset.done @!p0 $0x0  }
0x22f: {  	[sflag:s21] =	ssyncadd.s32 @!p0 $0xFFFFE0C0;
	p0 =	sne.s32 s19, $0xC  }
.Ltmp2:
0x230: {  	_ = 	snop;
	(pc) =	sbr.rel @p0 .LBB2_2-.Ltmp2, $4  }
0x231: {  	s20 =	sshll.u32 s20, $0x3  }
0x232: {  	s20 =	sand.u32 $0x1FFFFFF8, s20  }
0x233: {  	s20 =	sadd.s32 s4, s20  }
0x234: {  	[hbm4b:s20+s3] =	stream.linear.scatter [tilespmem:s15], [sflag:$0x4], $0x1F40, $0x38;
	[tilespmem:$0xBB80] =	vst v63  }
0x235: {  	_ =	swait.ge [sflag:s12], $0x3E80  }
0x236: {  	[sflag:s12] =	ssyncset.done $0x0  }
0x237: {  	s19 =	simm.s32 $0x140;
	[sflag:s12] =	ssyncadd.s32 $0xFFFFC180  }
0x238: {  	v0 =	vld [tilespmem:s19+$0xFFFFFEC0]  }
0x239: {  	v1 =	vld [tilespmem:s19+$0xFFFFFF00];
	_ =	sdelay $0x4  }
0x23a: {  	v0 =	vadd.s32 $0x8000, v0;
	v1 =	vadd.s32 $0x8000, v1  }
0x23b: {  	v0 =	vshrl.u32 v0, $0x10;
	v1 =	vand.u32 $0xFFFF0000, v1  }
0x23c: {  	s20 =	simm.s32 $0x0;
	v0 =	vor.u32 v0, v1  }
0x23d: {  	[tilespmem:s20+$0x7D00] =	vst v0  }
0x23e: {  	v0 =	vld [tilespmem:s19+$0xFFFFFED0]  }
0x23f: {  	v47 =	vld [tilespmem:s19+$0xFFFFFF10];
	_ =	sdelay $0x4  }
0x240: {  	v0 =	vadd.s32 $0x8000, v0;
	v1 =	vadd.s32 $0x8000, v47  }
0x241: {  	v0 =	vshrl.u32 v0, $0x10;
	v1 =	vand.u32 $0xFFFF0000, v1  }
0x242: {  	v0 =	vor.u32 v0, v1  }
0x243: {  	[tilespmem:s20+$0x7D10] =	vst v0  }
0x244: {  	v0 =	vld [tilespmem:s19+$0xFFFFFEE0]  }
0x245: {  	v48 =	vld [tilespmem:s19+$0xFFFFFF20];
	_ =	sdelay $0x4  }
0x246: {  	v0 =	vadd.s32 $0x8000, v0;
	v1 =	vadd.s32 $0x8000, v48  }
0x247: {  	v0 =	vshrl.u32 v0, $0x10;
	v1 =	vand.u32 $0xFFFF0000, v1  }
0x248: {  	v0 =	vor.u32 v0, v1  }
0x249: {  	[tilespmem:s20+$0x7D20] =	vst v0  }
0x24a: {  	v0 =	vld [tilespmem:s19+$0xFFFFFEF0]  }
0x24b: {  	v49 =	vld [tilespmem:s19+$0xFFFFFF30];
	_ =	sdelay $0x4  }
0x24c: {  	v0 =	vadd.s32 $0x8000, v0;
	v1 =	vadd.s32 $0x8000, v49  }
0x24d: {  	v0 =	vshrl.u32 v0, $0x10;
	v1 =	vand.u32 $0xFFFF0000, v1  }
0x24e: {  	v0 =	vor.u32 v0, v1  }
0x24f: {  	[tilespmem:s20+$0x7D30] =	vst v0  }
0x250: {  	v0 =	vld [tilespmem:s19+$0xFFFFFF40]  }
0x251: {  	v50 =	vld [tilespmem:s19+$0xFFFFFF80];
	_ =	sdelay $0x4  }
0x252: {  	v0 =	vadd.s32 $0x8000, v0;
	v1 =	vadd.s32 $0x8000, v50  }
0x253: {  	v0 =	vshrl.u32 v0, $0x10;
	v1 =	vand.u32 $0xFFFF0000, v1  }
0x254: {  	v0 =	vor.u32 v0, v1  }
0x255: {  	[tilespmem:s20+$0x7D40] =	vst v0  }
0x256: {  	v0 =	vld [tilespmem:s19+$0xFFFFFF50]  }
0x257: {  	v51 =	vld [tilespmem:s19+$0xFFFFFF90];
	_ =	sdelay $0x4  }
0x258: {  	v0 =	vadd.s32 $0x8000, v0;
	v1 =	vadd.s32 $0x8000, v51  }
0x259: {  	v0 =	vshrl.u32 v0, $0x10;
	v1 =	vand.u32 $0xFFFF0000, v1  }
0x25a: {  	v0 =	vor.u32 v0, v1  }
0x25b: {  	[tilespmem:s20+$0x7D50] =	vst v0  }
0x25c: {  	v0 =	vld [tilespmem:s19+$0xFFFFFF60]  }
0x25d: {  	v52 =	vld [tilespmem:s19+$0xFFFFFFA0];
	_ =	sdelay $0x4  }
0x25e: {  	v0 =	vadd.s32 $0x8000, v0;
	v1 =	vadd.s32 $0x8000, v52  }
0x25f: {  	v0 =	vshrl.u32 v0, $0x10;
	v1 =	vand.u32 $0xFFFF0000, v1  }
0x260: {  	v0 =	vor.u32 v0, v1  }
0x261: {  	[tilespmem:s20+$0x7D60] =	vst v0  }
0x262: {  	v0 =	vld [tilespmem:s19+$0xFFFFFF70]  }
0x263: {  	v53 =	vld [tilespmem:s19+$0xFFFFFFB0];
	_ =	sdelay $0x4  }
0x264: {  	v0 =	vadd.s32 $0x8000, v0;
	v1 =	vadd.s32 $0x8000, v53  }
0x265: {  	v0 =	vshrl.u32 v0, $0x10;
	v1 =	vand.u32 $0xFFFF0000, v1  }
0x266: {  	v0 =	vor.u32 v0, v1  }
0x267: {  	[tilespmem:s20+$0x7D70] =	vst v0  }
0x268: {  	v0 =	vld [tilespmem:s19+$0xFFFFFFC0]  }
0x269: {  	v54 =	vld [tilespmem:s19+$0x0];
	_ =	sdelay $0x4  }
0x26a: {  	v0 =	vadd.s32 $0x8000, v0;
	v1 =	vadd.s32 $0x8000, v54  }
0x26b: {  	v0 =	vshrl.u32 v0, $0x10;
	v1 =	vand.u32 $0xFFFF0000, v1  }
0x26c: {  	v0 =	vor.u32 v0, v1  }
0x26d: {  	[tilespmem:s20+$0x7D80] =	vst v0  }
0x26e: {  	v0 =	vld [tilespmem:s19+$0xFFFFFFD0]  }
0x26f: {  	v55 =	vld [tilespmem:s19+$0x10];
	_ =	sdelay $0x4  }
0x270: {  	v0 =	vadd.s32 $0x8000, v0;
	v1 =	vadd.s32 $0x8000, v55  }
0x271: {  	v0 =	vshrl.u32 v0, $0x10;
	v1 =	vand.u32 $0xFFFF0000, v1  }
0x272: {  	v0 =	vor.u32 v0, v1  }
0x273: {  	[tilespmem:s20+$0x7D90] =	vst v0  }
0x274: {  	v0 =	vld [tilespmem:s19+$0xFFFFFFE0]  }
0x275: {  	v56 =	vld [tilespmem:s19+$0x20];
	_ =	sdelay $0x4  }
0x276: {  	v0 =	vadd.s32 $0x8000, v0;
	v1 =	vadd.s32 $0x8000, v56  }
0x277: {  	v0 =	vshrl.u32 v0, $0x10;
	v1 =	vand.u32 $0xFFFF0000, v1  }
0x278: {  	v0 =	vor.u32 v0, v1  }
0x279: {  	[tilespmem:s20+$0x7DA0] =	vst v0  }
0x27a: {  	v0 =	vld [tilespmem:s19+$0xFFFFFFF0]  }
0x27b: {  	v57 =	vld [tilespmem:s19+$0x30];
	_ =	sdelay $0x4  }
0x27c: {  	v0 =	vadd.s32 $0x8000, v0;
	v1 =	vadd.s32 $0x8000, v57  }
0x27d: {  	v0 =	vshrl.u32 v0, $0x10;
	v1 =	vand.u32 $0xFFFF0000, v1  }
0x27e: {  	v0 =	vor.u32 v0, v1  }
0x27f: {  	[tilespmem:s20+$0x7DB0] =	vst v0  }
0x280: {  	v0 =	vld [tilespmem:s19+$0x40]  }
0x281: {  	v58 =	vld [tilespmem:s19+$0x80];
	_ =	sdelay $0x4  }
0x282: {  	v0 =	vadd.s32 $0x8000, v0;
	v1 =	vadd.s32 $0x8000, v58  }
0x283: {  	v0 =	vshrl.u32 v0, $0x10;
	v1 =	vand.u32 $0xFFFF0000, v1  }
0x284: {  	v0 =	vor.u32 v0, v1  }
0x285: {  	[tilespmem:s20+$0x7DC0] =	vst v0  }
0x286: {  	v0 =	vld [tilespmem:s19+$0x50]  }
0x287: {  	v59 =	vld [tilespmem:s19+$0x90];
	_ =	sdelay $0x4  }
0x288: {  	v0 =	vadd.s32 $0x8000, v0;
	v1 =	vadd.s32 $0x8000, v59  }
0x289: {  	v0 =	vshrl.u32 v0, $0x10;
	v1 =	vand.u32 $0xFFFF0000, v1  }
0x28a: {  	v0 =	vor.u32 v0, v1  }
0x28b: {  	[tilespmem:s20+$0x7DD0] =	vst v0  }
0x28c: {  	v0 =	vld [tilespmem:s19+$0x60]  }
0x28d: {  	v60 =	vld [tilespmem:s19+$0xA0];
	_ =	sdelay $0x4  }
0x28e: {  	v0 =	vadd.s32 $0x8000, v0;
	v1 =	vadd.s32 $0x8000, v60  }
0x28f: {  	v0 =	vshrl.u32 v0, $0x10;
	v1 =	vand.u32 $0xFFFF0000, v1  }
0x290: {  	v0 =	vor.u32 v0, v1  }
0x291: {  	[tilespmem:s20+$0x7DE0] =	vst v0  }
0x292: {  	v0 =	vld [tilespmem:s19+$0x70]  }
0x293: {  	v61 =	vld [tilespmem:s19+$0xB0];
	_ =	sdelay $0x4  }
0x294: {  	v0 =	vadd.s32 $0x8000, v0;
	v1 =	vadd.s32 $0x8000, v61  }
0x295: {  	v0 =	vshrl.u32 v0, $0x10;
	v1 =	vand.u32 $0xFFFF0000, v1  }
0x296: {  	v0 =	vor.u32 v0, v1  }
0x297: {  	[tilespmem:s20+$0x7DF0] =	vst v0  }
0x298: {  	v0 =	vld [tilespmem:s19+$0xC0]  }
0x299: {  	v62 =	vld [tilespmem:s19+$0x100];
	_ =	sdelay $0x4  }
0x29a: {  	v0 =	vadd.s32 $0x8000, v0;
	v1 =	vadd.s32 $0x8000, v62  }
0x29b: {  	v0 =	vshrl.u32 v0, $0x10;
	v1 =	vand.u32 $0xFFFF0000, v1  }
0x29c: {  	v0 =	vor.u32 v0, v1  }
0x29d: {  	[tilespmem:s20+$0x7E00] =	vst v0  }
0x29e: {  	v0 =	vld [tilespmem:s19+$0xD0]  }
0x29f: {  	v63 =	vld [tilespmem:s19+$0x110];
	_ =	sdelay $0x4  }
0x2a0: {  	v0 =	vadd.s32 $0x8000, v0;
	v1 =	vadd.s32 $0x8000, v63  }
0x2a1: {  	v0 =	vshrl.u32 v0, $0x10;
	v1 =	vand.u32 $0xFFFF0000, v1  }
0x2a2: {  	v0 =	vor.u32 v0, v1  }
0x2a3: {  	s21 =	simm.s32 $0x500;
	s22 =	simm.s32 $0x140;
	[tilespmem:s20+$0x7E10] =	vst v0  }
.LBB2_8:
0x2a4: {  	p0 =	sne.s32 s21, $0x7800  }
0x2a5: {  	v0 =	vld [tilespmem:s19+$0xE0];
	s22 =	sadd.s32 $0x280, s22;
	s23 =	smov.u32 s21;
	s21 =	sadd.s32 $0x500, s21  }
0x2a6: {  	v1 =	vld [tilespmem:s19+$0x120];
	_ =	sdelay $0x3  }
0x2a7: {  	v0 =	vadd.s32 $0x8000, v0  }
0x2a8: {  	v0 =	vshrl.u32 v0, $0x10;
	v1 =	vadd.s32 $0x8000, v1  }
0x2a9: {  	v1 =	vand.u32 $0xFFFF0000, v1  }
0x2aa: {  	v0 =	vor.u32 v0, v1  }
0x2ab: {  	[tilespmem:s20+$0x7E20] =	vst v0  }
0x2ac: {  	v0 =	vld [tilespmem:s19+$0xF0]  }
0x2ad: {  	v1 =	vld [tilespmem:s19+$0x130];
	s19 =	smov.u32 s22;
	_ =	sdelay $0x3  }
0x2ae: {  	v0 =	vadd.s32 $0x8000, v0  }
0x2af: {  	v0 =	vshrl.u32 v0, $0x10;
	v1 =	vadd.s32 $0x8000, v1  }
0x2b0: {  	v1 =	vand.u32 $0xFFFF0000, v1  }
0x2b1: {  	v0 =	vor.u32 v0, v1  }
0x2b2: {  	[tilespmem:s20+$0x7E30] =	vst v0  }
0x2b3: {  	v0 =	vld [tilespmem:s22+$0xFFFFFEC0]  }
0x2b4: {  	v1 =	vld [tilespmem:s22+$0xFFFFFF00];
	_ =	sdelay $0x3  }
0x2b5: {  	v0 =	vadd.s32 $0x8000, v0  }
0x2b6: {  	v1 =	vadd.s32 $0x8000, v1  }
0x2b7: {  	v0 =	vshrl.u32 v0, $0x10;
	v1 =	vand.u32 $0xFFFF0000, v1  }
0x2b8: {  	s20 =	sshra.s32 s23, $0x2;
	v0 =	vor.u32 v0, v1  }
0x2b9: {  	[tilespmem:s20+$0x7D00] =	vst v0  }
0x2ba: {  	v0 =	vld [tilespmem:s22+$0xFFFFFED0]  }
0x2bb: {  	v1 =	vld [tilespmem:s22+$0xFFFFFF10];
	_ =	sdelay $0x3  }
0x2bc: {  	v0 =	vadd.s32 $0x8000, v0  }
0x2bd: {  	v0 =	vshrl.u32 v0, $0x10;
	v1 =	vadd.s32 $0x8000, v1  }
0x2be: {  	v1 =	vand.u32 $0xFFFF0000, v1  }
0x2bf: {  	v0 =	vor.u32 v0, v1  }
0x2c0: {  	[tilespmem:s20+$0x7D10] =	vst v0  }
0x2c1: {  	v0 =	vld [tilespmem:s22+$0xFFFFFEE0]  }
0x2c2: {  	v1 =	vld [tilespmem:s22+$0xFFFFFF20];
	_ =	sdelay $0x3  }
0x2c3: {  	v0 =	vadd.s32 $0x8000, v0  }
0x2c4: {  	v0 =	vshrl.u32 v0, $0x10;
	v1 =	vadd.s32 $0x8000, v1  }
0x2c5: {  	v1 =	vand.u32 $0xFFFF0000, v1  }
0x2c6: {  	v0 =	vor.u32 v0, v1  }
0x2c7: {  	[tilespmem:s20+$0x7D20] =	vst v0  }
0x2c8: {  	v0 =	vld [tilespmem:s22+$0xFFFFFEF0]  }
0x2c9: {  	v1 =	vld [tilespmem:s22+$0xFFFFFF30];
	_ =	sdelay $0x3  }
0x2ca: {  	v0 =	vadd.s32 $0x8000, v0  }
0x2cb: {  	v0 =	vshrl.u32 v0, $0x10;
	v1 =	vadd.s32 $0x8000, v1  }
0x2cc: {  	v1 =	vand.u32 $0xFFFF0000, v1  }
0x2cd: {  	v0 =	vor.u32 v0, v1  }
0x2ce: {  	[tilespmem:s20+$0x7D30] =	vst v0  }
0x2cf: {  	v0 =	vld [tilespmem:s22+$0xFFFFFF40]  }
0x2d0: {  	v1 =	vld [tilespmem:s22+$0xFFFFFF80];
	_ =	sdelay $0x3  }
0x2d1: {  	v0 =	vadd.s32 $0x8000, v0  }
0x2d2: {  	v0 =	vshrl.u32 v0, $0x10;
	v1 =	vadd.s32 $0x8000, v1  }
0x2d3: {  	v1 =	vand.u32 $0xFFFF0000, v1  }
0x2d4: {  	v0 =	vor.u32 v0, v1  }
0x2d5: {  	[tilespmem:s20+$0x7D40] =	vst v0  }
0x2d6: {  	v0 =	vld [tilespmem:s22+$0xFFFFFF50]  }
0x2d7: {  	v1 =	vld [tilespmem:s22+$0xFFFFFF90];
	_ =	sdelay $0x3  }
0x2d8: {  	v0 =	vadd.s32 $0x8000, v0  }
0x2d9: {  	v0 =	vshrl.u32 v0, $0x10;
	v1 =	vadd.s32 $0x8000, v1  }
0x2da: {  	v1 =	vand.u32 $0xFFFF0000, v1  }
0x2db: {  	v0 =	vor.u32 v0, v1  }
0x2dc: {  	[tilespmem:s20+$0x7D50] =	vst v0  }
0x2dd: {  	v0 =	vld [tilespmem:s22+$0xFFFFFF60]  }
0x2de: {  	v1 =	vld [tilespmem:s22+$0xFFFFFFA0];
	_ =	sdelay $0x3  }
0x2df: {  	v0 =	vadd.s32 $0x8000, v0  }
0x2e0: {  	v0 =	vshrl.u32 v0, $0x10;
	v1 =	vadd.s32 $0x8000, v1  }
0x2e1: {  	v1 =	vand.u32 $0xFFFF0000, v1  }
0x2e2: {  	v0 =	vor.u32 v0, v1  }
0x2e3: {  	[tilespmem:s20+$0x7D60] =	vst v0  }
0x2e4: {  	v0 =	vld [tilespmem:s22+$0xFFFFFF70]  }
0x2e5: {  	v1 =	vld [tilespmem:s22+$0xFFFFFFB0];
	_ =	sdelay $0x3  }
0x2e6: {  	v0 =	vadd.s32 $0x8000, v0  }
0x2e7: {  	v0 =	vshrl.u32 v0, $0x10;
	v1 =	vadd.s32 $0x8000, v1  }
0x2e8: {  	v1 =	vand.u32 $0xFFFF0000, v1  }
0x2e9: {  	v0 =	vor.u32 v0, v1  }
0x2ea: {  	[tilespmem:s20+$0x7D70] =	vst v0  }
0x2eb: {  	v0 =	vld [tilespmem:s22+$0xFFFFFFC0]  }
0x2ec: {  	v1 =	vld [tilespmem:s22+$0x0];
	_ =	sdelay $0x3  }
0x2ed: {  	v0 =	vadd.s32 $0x8000, v0  }
0x2ee: {  	v0 =	vshrl.u32 v0, $0x10;
	v1 =	vadd.s32 $0x8000, v1  }
0x2ef: {  	v1 =	vand.u32 $0xFFFF0000, v1  }
0x2f0: {  	v0 =	vor.u32 v0, v1  }
0x2f1: {  	[tilespmem:s20+$0x7D80] =	vst v0  }
0x2f2: {  	v0 =	vld [tilespmem:s22+$0xFFFFFFD0]  }
0x2f3: {  	v1 =	vld [tilespmem:s22+$0x10];
	_ =	sdelay $0x3  }
0x2f4: {  	v0 =	vadd.s32 $0x8000, v0  }
0x2f5: {  	v0 =	vshrl.u32 v0, $0x10;
	v1 =	vadd.s32 $0x8000, v1  }
0x2f6: {  	v1 =	vand.u32 $0xFFFF0000, v1  }
0x2f7: {  	v0 =	vor.u32 v0, v1  }
0x2f8: {  	[tilespmem:s20+$0x7D90] =	vst v0  }
0x2f9: {  	v0 =	vld [tilespmem:s22+$0xFFFFFFE0]  }
0x2fa: {  	v1 =	vld [tilespmem:s22+$0x20];
	_ =	sdelay $0x3  }
0x2fb: {  	v0 =	vadd.s32 $0x8000, v0  }
0x2fc: {  	v0 =	vshrl.u32 v0, $0x10;
	v1 =	vadd.s32 $0x8000, v1  }
0x2fd: {  	v1 =	vand.u32 $0xFFFF0000, v1  }
0x2fe: {  	v0 =	vor.u32 v0, v1  }
0x2ff: {  	[tilespmem:s20+$0x7DA0] =	vst v0  }
0x300: {  	v0 =	vld [tilespmem:s22+$0xFFFFFFF0]  }
0x301: {  	v1 =	vld [tilespmem:s22+$0x30];
	_ =	sdelay $0x3  }
0x302: {  	v0 =	vadd.s32 $0x8000, v0  }
0x303: {  	v0 =	vshrl.u32 v0, $0x10;
	v1 =	vadd.s32 $0x8000, v1  }
0x304: {  	v1 =	vand.u32 $0xFFFF0000, v1  }
0x305: {  	v0 =	vor.u32 v0, v1  }
0x306: {  	[tilespmem:s20+$0x7DB0] =	vst v0  }
0x307: {  	v0 =	vld [tilespmem:s22+$0x40]  }
0x308: {  	v1 =	vld [tilespmem:s22+$0x80];
	_ =	sdelay $0x3  }
0x309: {  	v0 =	vadd.s32 $0x8000, v0  }
0x30a: {  	v0 =	vshrl.u32 v0, $0x10;
	v1 =	vadd.s32 $0x8000, v1  }
0x30b: {  	v1 =	vand.u32 $0xFFFF0000, v1  }
0x30c: {  	v0 =	vor.u32 v0, v1  }
0x30d: {  	[tilespmem:s20+$0x7DC0] =	vst v0  }
0x30e: {  	v0 =	vld [tilespmem:s22+$0x50]  }
0x30f: {  	v1 =	vld [tilespmem:s22+$0x90];
	_ =	sdelay $0x3  }
0x310: {  	v0 =	vadd.s32 $0x8000, v0  }
0x311: {  	v0 =	vshrl.u32 v0, $0x10;
	v1 =	vadd.s32 $0x8000, v1  }
0x312: {  	v1 =	vand.u32 $0xFFFF0000, v1  }
0x313: {  	v0 =	vor.u32 v0, v1  }
0x314: {  	[tilespmem:s20+$0x7DD0] =	vst v0  }
0x315: {  	v0 =	vld [tilespmem:s22+$0x60]  }
0x316: {  	v1 =	vld [tilespmem:s22+$0xA0];
	_ =	sdelay $0x3  }
0x317: {  	v0 =	vadd.s32 $0x8000, v0  }
0x318: {  	v0 =	vshrl.u32 v0, $0x10;
	v1 =	vadd.s32 $0x8000, v1  }
0x319: {  	v1 =	vand.u32 $0xFFFF0000, v1  }
0x31a: {  	v0 =	vor.u32 v0, v1  }
0x31b: {  	[tilespmem:s20+$0x7DE0] =	vst v0  }
0x31c: {  	v0 =	vld [tilespmem:s22+$0x70]  }
0x31d: {  	v1 =	vld [tilespmem:s22+$0xB0];
	_ =	sdelay $0x3  }
0x31e: {  	v0 =	vadd.s32 $0x8000, v0  }
0x31f: {  	v0 =	vshrl.u32 v0, $0x10;
	v1 =	vadd.s32 $0x8000, v1  }
0x320: {  	v1 =	vand.u32 $0xFFFF0000, v1  }
0x321: {  	v0 =	vor.u32 v0, v1  }
0x322: {  	[tilespmem:s20+$0x7DF0] =	vst v0  }
0x323: {  	v0 =	vld [tilespmem:s22+$0xC0]  }
0x324: {  	v1 =	vld [tilespmem:s22+$0x100];
	_ =	sdelay $0x3  }
0x325: {  	v0 =	vadd.s32 $0x8000, v0  }
0x326: {  	v0 =	vshrl.u32 v0, $0x10;
	v1 =	vadd.s32 $0x8000, v1  }
0x327: {  	v1 =	vand.u32 $0xFFFF0000, v1  }
0x328: {  	v0 =	vor.u32 v0, v1  }
0x329: {  	[tilespmem:s20+$0x7E00] =	vst v0  }
0x32a: {  	v0 =	vld [tilespmem:s22+$0xD0]  }
0x32b: {  	v1 =	vld [tilespmem:s22+$0x110];
	_ =	sdelay $0x3  }
.Ltmp3:
0x32c: {  	v0 =	vadd.s32 $0x8000, v0;
	(pc) =	sbr.rel @p0 .LBB2_8-.Ltmp3, $4  }
0x32d: {  	v0 =	vshrl.u32 v0, $0x10;
	v1 =	vadd.s32 $0x8000, v1  }
0x32e: {  	v1 =	vand.u32 $0xFFFF0000, v1  }
0x32f: {  	v0 =	vor.u32 v0, v1  }
0x330: {  	[tilespmem:s20+$0x7E10] =	vst v0  }
0x331: {  	v0 =	vld [tilespmem:s19+$0xE0]  }
0x332: {  	v1 =	vld [tilespmem:s19+$0x120];
	_ =	sdelay $0x4  }
0x333: {  	v0 =	vadd.s32 $0x8000, v0;
	v1 =	vadd.s32 $0x8000, v1  }
0x334: {  	v0 =	vshrl.u32 v0, $0x10;
	v1 =	vand.u32 $0xFFFF0000, v1  }
0x335: {  	v0 =	vor.u32 v0, v1  }
0x336: {  	[tilespmem:s20+$0x7E20] =	vst v0  }
0x337: {  	v0 =	vld [tilespmem:s19+$0xF0]  }
0x338: {  	v63 =	vld [tilespmem:s19+$0x130];
	_ =	sdelay $0x4  }
0x339: {  	v0 =	vadd.s32 $0x8000, v0;
	v1 =	vadd.s32 $0x8000, v63  }
0x33a: {  	v0 =	vshrl.u32 v0, $0x10;
	v1 =	vand.u32 $0xFFFF0000, v1  }
0x33b: {  	v0 =	vor.u32 v0, v1  }
0x33c: {  	[tilespmem:s20+$0x7E30] =	vst v0  }
0x33d: {  	_ =	swait.ge [sflag:s16], $0x1F40  }
0x33e: {  	[sflag:s16] =	ssyncset.done $0x0  }
0x33f: {  	[sflag:s16] =	ssyncadd.s32 $0xFFFFE0C0  }
0x340: {  	s18 =	sadd.s32 $0x1, s18;
	_ =	swait.ge [sflag:s17], $0x1F40  }
0x341: {  	p0 =	sne.s32 s18, s9;
	[sflag:s17] =	ssyncset.done $0x0  }
.Ltmp4:
0x342: {  	[sflag:s17] =	ssyncadd.s32 $0xFFFFE0C0;
	(pc) =	sbr.rel @p0 .LBB2_1-.Ltmp4, $4  }
0x343: {  	[hbm4b:s8+s3] =	stream.linear.scatter [tilespmem:s13], [sflag:$0x3], $0x1F40, $0x38;
	[tilespmem:$0xBB80] =	vst v63  }
0x344: {  	_ =	swait.ge [sflag:s16], $0x1F40  }
0x345: {  	[sflag:s16] =	ssyncset.done $0x0  }
0x346: {  	[sflag:s16] =	ssyncadd.s32 $0xFFFFE0C0  }
0x347: {  	_ =	sfence.sel $0x180000  }
0x348: {  	[bflag:$0x0] =	sbarrier.arrive $0xFFFF  }
0x349: {  	p0 =	sne.s32 s1, $0x0;
	_ =	strace $0x90000047  }
0x34a: {  	s0 =	sadd.s32 @!p0 $0x100000, s0;
	[bflag:$0x2] =	sbarrier.arrive $0xFFFF  }
0x34b: {  	[sflag:s0] =	ssyncadd.tile.s32 @!p0 $0x1;
	_ =	shalt  }
.Lfunc_end2:
_tile_overlayer_lowered:
.L_overlay_start_2:
0x34c: {  	(tag) =	ssettag $0x2  }
0x34d: {  	s0 =	rddreg [dreg:$0x0];
	s2 =	stileid.u32  }
0x34e: {  	s1 =	rddreg [dreg:$0x1];
	p0 =	sne.s32 s2, $0x0  }
0x34f: {  	s3 =	rddreg [dreg:$0x2];
	[bflag:$0x3] =	sbarrier.arrive $0xFFFF;
	s2 =	simm.s32 @!p0 $0x1C05  }
0x350: {  	[timem:s3], [sflag:s2] =	dma.local @!p0 [hbm:s0], s1  }
0x351: {  	s0 =	simm.s32 @!p0 $0x5  }
0x352: {  	_ =	swait.ge @!p0 [sflag:s0], s1  }
0x353: {  	s1 =	ssub.s32 @!p0 $0x0, s1;
	[sflag:s0] =	ssyncset.done @!p0 $0x0  }
0x354: {  	[sflag:s0] =	ssyncadd.s32 @!p0 s1  }
0x355: {  	[bflag:$0x3] =	sbarrier.arrive $0xFFFF  }
0x356: {  	_ =	shalt  }

// kernel: kernel.8.cloned.1.call-start
scs
__scs_entry_jumppad:
0x0: {  	(pc) =	sbr.rel $0x88, $3  }
0x1: {  	(tag) =	ssettag $0x0;
	lr =	simm.s32 $0x1  }
0x2: {  	[smem:$0x3F9D] =	sst lr;
	_ =	strace $0xD0000000  }
0x3: {  	_ = 	snop  }
0x4: {  	_ = 	snop  }
0x5: {  	_ = 	snop  }
0x6: {  	_ = 	snop  }
0x7: {  	_ = 	snop  }
__scs_overlays_trampoline_lowered:
0x8: {  	[smem:$0x3FAC] =	sst s0  }
0x9: {  	[smem:$0x3FAD] =	sst s1  }
0xa: {  	[smem:$0x3FAE] =	sst s2  }
0xb: {  	[smem:$0x3FAF] =	sst s3  }
0xc: {  	[smem:$0x3FB0] =	sst s4  }
0xd: {  	[smem:$0x3FB1] =	sst s5  }
0xe: {  	[smem:$0x3FB2] =	sst s6  }
0xf: {  	[smem:$0x3FB3] =	sst s7  }
0x10: {  	[smem:$0x3FB4] =	sst s8  }
0x11: {  	[smem:$0x3FB5] =	sst s9;
	s0 =	simm.s32 @!p0 $0x0  }
0x12: {  	s1 =	sld [smem:$0x3F9B];
	s0 =	simm.s32 @p0 $0x1  }
0x13: {  	[smem:$0x3FB6] =	sst s0;
	s0 =	simm.s32 @!p1 $0x0  }
0x14: {  	s2 =	sld [smem:$0x3F9A];
	s0 =	simm.s32 @p1 $0x1  }
0x15: {  	[smem:$0x3FB7] =	sst s0;
	s0 =	simm.s32 @!p2 $0x0  }
0x16: {  	s3 =	sld [smem:$0x3FDB];
	s0 =	simm.s32 @p2 $0x1  }
0x17: {  	s4 =	simm.s32 $0x1BF5;
	[smem:$0x3FB9] =	sst s0  }
0x18: {  	s0 =	sld [smem:$0x3F9C];
	_ =	swait.ge [sflag:s4], $0x0  }
0x19: {  	s7 =	sld [smem:$0x3F9D]  }
0x1a: {  	s8 =	sadd.s32 $0xFFFFE003, lr  }
0x1b: {  	s9 =	sadd.s32 $0xFFFFFEF7, lr;
	s5 =	simm.s32 $0xFFFFFFFF;
	p2 =	slt.u32 s8, $0xFFFFF086  }
0x1c: {  	p1 =	slt.u32 s9, $0xF7A;
	s5 =	simm.s32 @!p2 $0x0  }
0x1d: {  	s5 =	simm.s32 @p1 $0x1;
	p0 =	seq.s32 s7, s2  }
0x1e: {  	s7 =	smul.u32 @!p0 $0xF7A, s2;
	p2 =	seq.s32 @!p0 s5, $0x0  }
0x1f: {  	s9 =	smul.u32 $0xF7A, s1;
	s8 =	simm.s32 @!p0 $0x1BF5;
	p2 =	por !p2, p0  }
0x20: {  	[sflag:s8] =	ssyncset.s32 @!p0 $0xFFFFF086;
	s6 =	sadd.s32 @!p0 s3, s7;
	s7 =	simm.s32 @!p0 $0x108  }
0x21: {  	s3 =	sadd.s32 s3, s9;
	s6 =	sadd.s32 @!p0 $0x88, s6;
	s7 =	simm.s32 @p2 $0x1082  }
0x22: {  	[simem:s7], [sflag:s8] =	dma.local @!p0 [hbm:s6], $0xF7A  }
0x23: {  	s9 =	sor.u32 $0xD0000000, s2;
	s6 =	simm.s32 $0x108;
	_ =	swait.ge @!p0 [sflag:s8], $0x0  }
0x24: {  	s3 =	sadd.s32 $0x88, s3;
	s6 =	simm.s32 @!p1 $0x1082;
	[sflag:s4] =	ssyncset.s32 $0xFFFFF086  }
0x25: {  	[simem:s6], [sflag:s4] =	dma.local [hbm:s3], $0xF7A  }
0x26: {  	[smem:$0x3F9D] =	sst s1;
	(tag) =	ssettag s2;
	_ =	strace s9  }
0x27: {  	s1 =	sld [smem:$0x3FAD]  }
0x28: {  	s2 =	sld [smem:$0x3FAE]  }
0x29: {  	s4 =	sld [smem:$0x3FB0]  }
0x2a: {  	p0 =	seq.s32 s5, $0x0;
	s5 =	sld [smem:$0x3FB1]  }
0x2b: {  	s6 =	sld [smem:$0x3FB2]  }
0x2c: {  	s7 =	sld [smem:$0x3FB3]  }
0x2d: {  	s3 =	simm.s32 $0x108;
	s8 =	sld [smem:$0x3FB4]  }
0x2e: {  	s3 =	simm.s32 @!p0 $0x1082;
	s9 =	sld [smem:$0x3FB5]  }
0x2f: {  	lr =	sadd.s32 s0, s3;
	s0 =	sld [smem:$0x3FAC]  }
0x30: {  	s3 =	sld [smem:$0x3FAF]  }
0x31: {  	[smem:$0x3FB8] =	sst s10  }
0x32: {  	s10 =	sld [smem:$0x3FB6];
	_ =	sdelay $0x3  }
0x33: {  	p0 =	seq.s32 s10, $0x1;
	s10 =	sld [smem:$0x3FB8];
	_ =	sdelay $0x3  }
0x34: {  	[smem:$0x3FB8] =	sst s10  }
0x35: {  	s10 =	sld [smem:$0x3FB7];
	_ =	sdelay $0x3  }
0x36: {  	p1 =	seq.s32 s10, $0x1;
	s10 =	sld [smem:$0x3FB8];
	_ =	sdelay $0x3  }
0x37: {  	[smem:$0x3FB8] =	sst s10  }
0x38: {  	s10 =	sld [smem:$0x3FB9]  }
0x39: {  	_ = 	snop;
	(pc) =	sbr.ind lr, $3  }
0x3a: {  	_ = 	snop  }
0x3b: {  	_ = 	snop  }
0x3c: {  	p2 =	seq.s32 s10, $0x1;
	s10 =	sld [smem:$0x3FB8]  }
0x3d: {  	_ =	shalt  }
0x3e: {  	_ =	shalt  }
0x3f: {  	_ =	shalt  }
0x40: {  	_ =	shalt  }
0x41: {  	_ =	shalt  }
0x42: {  	_ =	shalt  }
0x43: {  	_ =	shalt  }
0x44: {  	_ =	shalt  }
0x45: {  	_ =	shalt  }
0x46: {  	_ =	shalt  }
0x47: {  	_ =	shalt  }
0x48: {  	_ =	shalt  }
0x49: {  	_ =	shalt  }
0x4a: {  	_ =	shalt  }
0x4b: {  	_ =	shalt  }
0x4c: {  	_ =	shalt  }
0x4d: {  	_ =	shalt  }
0x4e: {  	_ =	shalt  }
0x4f: {  	_ =	shalt  }
0x50: {  	_ =	shalt  }
0x51: {  	_ =	shalt  }
0x52: {  	_ =	shalt  }
0x53: {  	_ =	shalt  }
0x54: {  	_ =	shalt  }
0x55: {  	_ =	shalt  }
0x56: {  	_ =	shalt  }
0x57: {  	_ =	shalt  }
0x58: {  	_ =	shalt  }
0x59: {  	_ =	shalt  }
0x5a: {  	_ =	shalt  }
0x5b: {  	_ =	shalt  }
0x5c: {  	_ =	shalt  }
0x5d: {  	_ =	shalt  }
0x5e: {  	_ =	shalt  }
0x5f: {  	_ =	shalt  }
0x60: {  	_ =	shalt  }
0x61: {  	_ =	shalt  }
0x62: {  	_ =	shalt  }
0x63: {  	_ =	shalt  }
0x64: {  	_ =	shalt  }
0x65: {  	_ =	shalt  }
0x66: {  	_ =	shalt  }
0x67: {  	_ =	shalt  }
0x68: {  	_ =	shalt  }
0x69: {  	_ =	shalt  }
0x6a: {  	_ =	shalt  }
0x6b: {  	_ =	shalt  }
0x6c: {  	_ =	shalt  }
0x6d: {  	_ =	shalt  }
0x6e: {  	_ =	shalt  }
0x6f: {  	_ =	shalt  }
0x70: {  	_ =	shalt  }
0x71: {  	_ =	shalt  }
0x72: {  	_ =	shalt  }
0x73: {  	_ =	shalt  }
0x74: {  	_ =	shalt  }
0x75: {  	_ =	shalt  }
0x76: {  	_ =	shalt  }
0x77: {  	_ =	shalt  }
0x78: {  	_ =	shalt  }
0x79: {  	_ =	shalt  }
0x7a: {  	_ =	shalt  }
0x7b: {  	_ =	shalt  }
0x7c: {  	_ =	shalt  }
0x7d: {  	_ =	shalt  }
0x7e: {  	_ =	shalt  }
0x7f: {  	_ =	shalt  }
0x80: {  	_ =	shalt  }
0x81: {  	_ =	shalt  }
0x82: {  	_ =	shalt  }
0x83: {  	_ =	shalt  }
0x84: {  	_ =	shalt  }
0x85: {  	_ =	shalt  }
0x86: {  	_ =	shalt  }
0x87: {  	_ =	shalt  }
.Lfunc_end0:
.L_simem_size_0:
called_computation.1_lowered:
.L_overlay_start_0:
0x88: {  	s2 =	sld [smem:$0x3FD9]  }
0x89: {  	s3 =	sld [smem:$0x3FFE];
	_ =	sdelay $0x1  }
0x8a: {  	s1 =	srdreg.scid  }
0x8b: {  	s0 =	sand.u32 $0x1, s1  }
0x8c: {  	s17 =	sshll.u32 s0, $0xA;
	s2 =	sadd.s32 s3, s2  }
0x8d: {  	s2 =	sadd.s32 s2, s17  }
0x8e: {  	[smem:$0x3FC4] =	sst s2  }
0x8f: {  	_ = 	snop  }
0x90: {  	s2 =	sld [smem:$0x3FD0];
	(tm) =	ssettm $0x1  }
0x91: {  	s18 =	sld [smem:$0x3FFB];
	_ =	sdelay $0x3  }
0x92: {  	_ =	strace s18  }
0x93: {  	s3 =	sld [smem:$0x3FFC];
	_ =	sdelay $0x3  }
0x94: {  	_ =	strace s3  }
0x95: {  	s3 =	sld [smem:$0x3FFD];
	_ =	sdelay $0x3  }
0x96: {  	_ =	strace s3  }
0x97: {  	_ =	strace $0x8FFFFFFF  }
0x98: {  	s19 =	sld [smem:$0x3FDB];
	_ =	sdelay $0x1  }
0x99: {  	s4 =	simm.s32 $_scs_section_size  }
0x9a: {  	s5 =	simm.s32 $_size__tile_overlayer_lowered;
	s6 =	simm.s32 $_tile_overlayer_lowered  }
0x9b: {  	s22 =	simm.s32 $0x1BFF;
	s21 =	sshll.u32 s6, $0x1;
	s3 =	sadd.s32 s4, s19  }
0x9c: {  	s7 =	simm.s32 $0x0;
	s20 =	sshll.u32 s5, $0x1;
	s5 =	sadd.s32 s21, s3  }
0x9d: {  	[timem:s7], [sflag:s22] =	dma.local [hbm:s5], s20  }
0x9e: {  	_ =	swait.ge [sflag:s22], s20  }
0x9f: {  	s4 =	ssub.s32 $0x0, s20;
	[sflag:s22] =	ssyncset.done $0x0  }
0xa0: {  	[sflag:s22] =	ssyncadd.s32 s4;
	_ =	sdelay $0x1  }
0xa1: {  	s23 =	simm.s32 $0x1B8B  }
0xa2: {  	_ =	swait.ge [sflag:s23], $0x1  }
0xa3: {  	[sflag:s23] =	ssyncset.done $0x0  }
0xa4: {  	s25 =	simm.s32 $0x1B8E;
	s24 =	sld [smem:$0x3FFE];
	[sflag:s23] =	ssyncadd.s32 $0xFFFFFFFF  }
0xa5: {  	s26 =	simm.s32 $execute0_lowered;
	[smem:$0x3FD2] =	sst s25  }
0xa6: {  	s5 =	sshll.u32 s26, $0x1;
	_ =	strace $0x80000049;
	[dreg:$0x1] =	wrdreg $0xFFFFFFFF  }
0xa7: {  	s28 =	simm.s32 $_size_execute0_lowered;
	s3 =	sadd.s32 s3, s5;
	[dreg:$0x0] =	wrdreg $0x0  }
0xa8: {  	s5 =	sshll.u32 s28, $0x1;
	[dreg:$0x2] =	wrdreg s3  }
0xa9: {  	[dreg:$0x3] =	wrdreg s5  }
0xaa: {  	[dreg:$0x4] =	wrdreg $0xC0  }
0xab: {  	_ =	task [dreg:s7], $0x5FFFF  }
0xac: {  	[dreg:$0x1] =	wrdreg $0xFFFFFFFF  }
0xad: {  	[dreg:$0x0] =	wrdreg $0x60  }
0xae: {  	[dreg:$0x2] =	wrdreg s24  }
0xaf: {  	[dreg:$0x3] =	wrdreg s2  }
0xb0: {  	[dreg:$0x4] =	wrdreg $0x9  }
0xb1: {  	_ =	task.clear_ibuf [dreg:s7], $0x5FFFF;
	_ =	strace $0x90000049  }
0xb2: {  	s29 =	simm.s32 $0x9;
	_ =	strace $0x8000004B  }
0xb3: {  	_ =	swait.ge [sflag:s29], $0x1  }
0xb4: {  	[sflag:s29] =	ssyncadd.s32 $0xFFFFFFFF  }
0xb5: {  	_ =	strace $0x9000004B  }
0xb6: {  	_ =	sfence  }
0xb7: {  	s30 =	sld [smem:$0x0];
	_ =	sdelay $0x2  }
0xb8: {  	s31 =	sshll.u32 s1, $0xD;
	s1 =	sshrl.u32 s1, $0x2  }
0xb9: {  	s3 =	sand.u32 $0x4000, s31;
	s1 =	sadd.s32 s1, s30  }
0xba: {  	s0 =	sor.u32 s3, s0;
	s1 =	sshll.u32 s1, $0x11  }
0xbb: {  	s0 =	sor.u32 s1, s0  }
0xbc: {  	s0 =	sadd.s32 $0x8F2B, s0  }
0xbd: {  	[sflag:s0] =	ssyncadd.remote.s32 $0x1  }
0xbe: {  	_ =	sfence.sel $0xFFFF  }
0xbf: {  	[dreg:$0x0] =	wrdreg $0xFFFFFFFF;
	(pc) =	sbr.abs _section_cstart, $3  }
0xc0: {  	[dreg:$0x1] =	wrdreg $0xFFFFFFFF  }
0xc1: {  	_ =	task.clear_ibuf [dreg:s7], $0x2FFFF;
	_ =	strace $0x9FFFFFFF  }
0xc2: {  	(tm) =	ssettm $0x7FFFFFFF  }
0xc3: {  	_ =	shalt  }
tec
execute0_lowered:
.L_overlay_start_1:
0x0: {  	(tag) =	ssettag $0x1  }
0x1: {  	s0 =	srdreg.scid;
	s1 =	rddreg [dreg:$0x0]  }
0x2: {  	s3 =	stileid.u32;
	s2 =	rddreg [dreg:$0x1];
	s9 =	simm.s32 $0x64  }
0x3: {  	s17 =	simm.s32 $0xCC00;
	s18 =	simm.s32 $0xE500;
	s19 =	simm.s32 $0xFE00  }
0x4: {  	s20 =	simm.s32 $0x11700;
	s21 =	simm.s32 $0x1;
	s22 =	simm.s32 $0x2  }
0x5: {  	s23 =	simm.s32 $0x13000;
	s24 =	simm.s32 $0x3;
	s25 =	simm.s32 $0x4  }
0x6: {  	s28 =	simm.s32 $0x5;
	s29 =	simm.s32 $0x6;
	s30 =	simm.s32 $0x13100  }
0x7: {  	s31 =	simm.s32 $0x7;
	s12 =	simm.s32 $0xB;
	s0 =	sand.u32 $0x1, s0  }
0x8: {  	s13 =	simm.s32 $0xC;
	s3 =	sshll.u32 s3, $0x8;
	s4 =	sshll.u32 s0, $0x7  }
0x9: {  	s0 =	ssub.s32 $0x2, s0;
	s3 =	sor.u32 s4, s3;
	s4 =	simm.s32 $0x0  }
0xa: {  	s6 =	sshrl.u32 s0, $0x1;
	s5 =	smul.u32 $0x1A, s3;
	[smem:$0x7FF] =	sst s4  }
0xb: {  	s14 =	simm.s32 $0x0;
	s0 =	ssub.s32 s0, s6;
	_ =	strace $0x8000004A  }
0xc: {  	s0 =	smax.u32 s0, $0x1;
	s7 =	sadd.s32 s5, s1;
	s5 =	sadd.s32 $0x1200, s1  }
0xd: {  	[dreg:$0x4] =	wrdreg s0;
	s1 =	simm.s32 $0x8;
	s26 =	sadd.s32 $0xC4800, s7  }
0xe: {  	s0 =	simm.s32 $0x13180;
	[dreg:$0x3] =	wrdreg s26;
	s26 =	simm.s32 $0x13080  }
.LBB2_1:
0xf: {  	s6 =	rddreg [dreg:$0x3];
	s16 =	simm.s32 $0xD  }
0x10: {  	[tilespmem:s4], [sflag:$0xD] =	stream.linear.gather [hbm4b:s6+s4], $0x6800, $0x38;
	[tilespmem:$0x13200] =	vst v63  }
0x11: {  	_ =	swait.ge [sflag:s16], $0x6800  }
0x12: {  	[sflag:s16] =	ssyncset.done $0x0  }
0x13: {  	s7 =	simm.s32 $0x6800;
	[sflag:s16] =	ssyncadd.s32 $0xFFFF9800  }
0x14: {  	[tilespmem:s7], [sflag:$0x1] =	stream.indirect.gather [hbm4b:s5+s9], $0x40, s4, s9, $0xb8;
	[tilespmem:$0x13200] =	vst v63  }
0x15: {  	s8 =	simm.s32 $0x68;
	s7 =	simm.s32 $0x8100  }
0x16: {  	[tilespmem:s7], [sflag:$0x2] =	stream.indirect.gather [hbm4b:s5+s9], $0x40, s8, s9, $0xb8;
	[tilespmem:$0x13200] =	vst v63  }
0x17: {  	s10 =	simm.s32 $0xD0;
	s11 =	simm.s32 $0x9A00  }
0x18: {  	[tilespmem:s11], [sflag:$0x3] =	stream.indirect.gather [hbm4b:s5+s9], $0x40, s10, s9, $0xb8;
	[tilespmem:$0x13200] =	vst v63  }
0x19: {  	s15 =	simm.s32 $0x138;
	s16 =	simm.s32 $0xB300  }
0x1a: {  	[tilespmem:s16], [sflag:$0x4] =	stream.indirect.gather [hbm4b:s5+s9], $0x40, s15, s9, $0xb8;
	[tilespmem:$0x13200] =	vst v63  }
0x1b: {  	s15 =	simm.s32 $0x0  }
.LBB2_2:
0x1c: {  	s7 =	sshll.u32 s15, $0x2  }
0x1d: {  	s6 =	sor.u32 $0x2, s7  }
0x1e: {  	s8 =	smul.u32 $0x340, s6;
	_ =	sdelay $0x1  }
0x1f: {  	s16 =	sshllo.u32 s15, $0x2;
	s8 =	sshra.s32 s8, $0x2  }
0x20: {  	[tilespmem:s17], [sflag:$0x5] =	stream.indirect.gather [hbm4b:s5+s9], $0x40, s8, s9, $0xb8;
	[tilespmem:$0x13200] =	vst v63  }
0x21: {  	s10 =	smul.u32 $0x340, s16;
	s8 =	sadd.s32 $0x68, s8  }
0x22: {  	[tilespmem:s18], [sflag:$0x6] =	stream.indirect.gather [hbm4b:s5+s9], $0x40, s8, s9, $0xb8;
	[tilespmem:$0x13200] =	vst v63  }
0x23: {  	s11 =	sshra.s32 s10, $0x2  }
0x24: {  	[tilespmem:s19], [sflag:$0x7] =	stream.indirect.gather [hbm4b:s5+s9], $0x40, s11, s9, $0xb8;
	[tilespmem:$0x13200] =	vst v63  }
0x25: {  	s8 =	sadd.s32 $0x68, s11  }
0x26: {  	[tilespmem:s20], [sflag:$0x8] =	stream.indirect.gather [hbm4b:s5+s9], $0x40, s8, s9, $0xb8;
	[tilespmem:$0x13200] =	vst v63  }
0x27: {  	_ =	swait.ge [sflag:s21], $0x1900  }
0x28: {  	[sflag:s21] =	ssyncset.done $0x0  }
0x29: {  	s8 =	simm.s32 $0x0;
	[sflag:s21] =	ssyncadd.s32 $0xFFFFE700  }
0x2a: {  	v0 =	vld [tilespmem:s8+$0x6840]  }
0x2b: {  	v1 =	vld [tilespmem:s8+$0x6850]  }
0x2c: {  	v2 =	vld [tilespmem:s8+$0x6860]  }
0x2d: {  	v17 =	vld [tilespmem:s8+$0x6800]  }
0x2e: {  	v5 =	vimm.f32 $0.0e+00;
	v14 =	vimm.f32 $0.0e+00;
	v16 =	vld [tilespmem:s8+$0x6810]  }
0x2f: {  	v7 =	vimm.f32 $0.0e+00;
	v12 =	vimm.f32 $0.0e+00;
	v9 =	vimm.f32 $0.0e+00  }
0x30: {  	v3 =	vimm.f32 $0.0e+00;
	v8 =	vimm.f32 $0.0e+00;
	v15 =	vld [tilespmem:s8+$0x6820];
	v6 =	vshll.u32 v0, $0x10  }
0x31: {  	v13 =	vand.u32 $0xFFFF0000, v0;
	v4 =	vshll.u32 v1, $0x10;
	v11 =	vand.u32 $0xFFFF0000, v1  }
0x32: {  	s10 =	simm.s32 $0x200;
	v10 =	vld [tilespmem:s8+$0x6830];
	v0 =	vshll.u32 v2, $0x10;
	v1 =	vand.u32 $0xFFFF0000, v2;
	v2 =	vimm.f32 $0.0e+00  }
.LBB2_3:
0x33: {  	p0 =	sne.s32 s10, $0x6200;
	v18 =	vshll.u32 v17, $0x10;
	v17 =	vand.u32 $0xFFFF0000, v17;
	v19 =	vshll.u32 v16, $0x10  }
0x34: {  	v16 =	vand.u32 $0xFFFF0000, v16;
	v5 =	vadd.f32 v18, v5;
	v14 =	vadd.f32 v17, v14;
	v18 =	vld [tilespmem:s8+$0x6870];
	s8 =	sshra.s32 s10, $0x2  }
0x35: {  	v7 =	vadd.f32 v19, v7;
	v12 =	vadd.f32 v16, v12;
	v20 =	vld [tilespmem:s8+$0x6840];
	v16 =	vshll.u32 v15, $0x10  }
0x36: {  	v15 =	vand.u32 $0xFFFF0000, v15;
	v19 =	vld [tilespmem:s8+$0x6850];
	v5 =	vadd.f32 v6, v5;
	v14 =	vadd.f32 v13, v14  }
0x37: {  	v7 =	vadd.f32 v4, v7;
	v12 =	vadd.f32 v11, v12;
	v21 =	vld [tilespmem:s8+$0x6860];
	v6 =	vshll.u32 v10, $0x10  }
0x38: {  	v2 =	vadd.f32 v16, v2;
	v4 =	vadd.f32 v15, v9;
	v9 =	vand.u32 $0xFFFF0000, v10;
	v17 =	vld [tilespmem:s8+$0x6800]  }
.Ltmp0:
0x39: {  	v3 =	vadd.f32 v6, v3;
	v6 =	vadd.f32 v9, v8;
	v16 =	vld [tilespmem:s8+$0x6810];
	v8 =	vshll.u32 v18, $0x10;
	(pc) =	sbr.rel @p0 .LBB2_3-.Ltmp0, $4  }
0x3a: {  	v2 =	vadd.f32 v0, v2;
	v9 =	vadd.f32 v1, v4;
	v0 =	vand.u32 $0xFFFF0000, v18  }
0x3b: {  	v3 =	vadd.f32 v8, v3;
	v8 =	vadd.f32 v0, v6;
	v15 =	vld [tilespmem:s8+$0x6820]  }
0x3c: {  	v6 =	vshll.u32 v20, $0x10;
	v13 =	vand.u32 $0xFFFF0000, v20;
	v4 =	vshll.u32 v19, $0x10  }
0x3d: {  	s10 =	sadd.s32 $0x200, s10;
	v11 =	vand.u32 $0xFFFF0000, v19;
	v0 =	vshll.u32 v21, $0x10;
	v1 =	vand.u32 $0xFFFF0000, v21;
	v10 =	vld [tilespmem:s8+$0x6830]  }
0x3e: {  	v18 =	vshll.u32 v17, $0x10;
	v19 =	vld [tilespmem:s8+$0x6870];
	v17 =	vand.u32 $0xFFFF0000, v17;
	_ =	swait.ge [sflag:s22], $0x1900  }
0x3f: {  	v5 =	vadd.f32 v18, v5;
	v18 =	vshll.u32 v16, $0x10;
	v14 =	vadd.f32 v17, v14;
	[sflag:s22] =	ssyncset.done $0x0  }
0x40: {  	s8 =	simm.s32 $0x0;
	v16 =	vand.u32 $0xFFFF0000, v16;
	v17 =	vadd.f32 v18, v7;
	[sflag:s22] =	ssyncadd.s32 $0xFFFFE700  }
0x41: {  	v12 =	vadd.f32 v16, v12;
	v7 =	vadd.f32 v13, v14;
	v13 =	vld [tilespmem:s8+$0x8140]  }
0x42: {  	v16 =	vshll.u32 v15, $0x10;
	v15 =	vand.u32 $0xFFFF0000, v15;
	v6 =	vadd.f32 v6, v5;
	v18 =	vld [tilespmem:s8+$0x8150]  }
0x43: {  	v2 =	vadd.f32 v16, v2;
	v9 =	vadd.f32 v15, v9;
	v20 =	vld [tilespmem:s8+$0x8160];
	v14 =	vshll.u32 v10, $0x10  }
0x44: {  	v16 =	vld [tilespmem:s8+$0x8110];
	v4 =	vadd.f32 v4, v17;
	v5 =	vadd.f32 v11, v12;
	v10 =	vand.u32 $0xFFFF0000, v10  }
0x45: {  	v17 =	vld [tilespmem:s8+$0x8100];
	v11 =	vadd.f32 v14, v3;
	v8 =	vadd.f32 v10, v8;
	v10 =	vshll.u32 v19, $0x10  }
0x46: {  	v2 =	vadd.f32 v0, v2;
	v3 =	vadd.f32 v1, v9;
	v0 =	vand.u32 $0xFFFF0000, v19  }
0x47: {  	v12 =	vld [tilespmem:s8+$0x8120];
	v1 =	vadd.f32 v10, v11;
	v0 =	vadd.f32 v0, v8  }
0x48: {  	v14 =	vshll.u32 v13, $0x10;
	v15 =	vand.u32 $0xFFFF0000, v13;
	v11 =	vshll.u32 v18, $0x10  }
0x49: {  	s10 =	simm.s32 $0x200;
	v10 =	vld [tilespmem:s8+$0x8130];
	v13 =	vand.u32 $0xFFFF0000, v18;
	v9 =	vshll.u32 v20, $0x10;
	v8 =	vand.u32 $0xFFFF0000, v20  }
.LBB2_5:
0x4a: {  	p0 =	sne.s32 s10, $0x6200;
	v18 =	vshll.u32 v17, $0x10;
	v17 =	vand.u32 $0xFFFF0000, v17;
	v19 =	vshll.u32 v16, $0x10  }
0x4b: {  	v16 =	vand.u32 $0xFFFF0000, v16;
	v6 =	vadd.f32 v18, v6;
	v7 =	vadd.f32 v17, v7;
	v18 =	vld [tilespmem:s8+$0x8170];
	s8 =	sshra.s32 s10, $0x2  }
0x4c: {  	v4 =	vadd.f32 v19, v4;
	v5 =	vadd.f32 v16, v5;
	v20 =	vld [tilespmem:s8+$0x8140];
	v16 =	vshll.u32 v12, $0x10  }
0x4d: {  	v12 =	vand.u32 $0xFFFF0000, v12;
	v19 =	vld [tilespmem:s8+$0x8150];
	v6 =	vadd.f32 v14, v6;
	v7 =	vadd.f32 v15, v7  }
0x4e: {  	v4 =	vadd.f32 v11, v4;
	v5 =	vadd.f32 v13, v5;
	v21 =	vld [tilespmem:s8+$0x8160];
	v14 =	vshll.u32 v10, $0x10  }
0x4f: {  	v2 =	vadd.f32 v16, v2;
	v3 =	vadd.f32 v12, v3;
	v10 =	vand.u32 $0xFFFF0000, v10;
	v17 =	vld [tilespmem:s8+$0x8100]  }
.Ltmp1:
0x50: {  	v1 =	vadd.f32 v14, v1;
	v0 =	vadd.f32 v10, v0;
	v16 =	vld [tilespmem:s8+$0x8110];
	v10 =	vshll.u32 v18, $0x10;
	(pc) =	sbr.rel @p0 .LBB2_5-.Ltmp1, $4  }
0x51: {  	v2 =	vadd.f32 v9, v2;
	v3 =	vadd.f32 v8, v3;
	v8 =	vand.u32 $0xFFFF0000, v18  }
0x52: {  	v1 =	vadd.f32 v10, v1;
	v0 =	vadd.f32 v8, v0;
	v12 =	vld [tilespmem:s8+$0x8120]  }
0x53: {  	v14 =	vshll.u32 v20, $0x10;
	v15 =	vand.u32 $0xFFFF0000, v20;
	v11 =	vshll.u32 v19, $0x10  }
0x54: {  	s10 =	sadd.s32 $0x200, s10;
	v13 =	vand.u32 $0xFFFF0000, v19;
	v9 =	vshll.u32 v21, $0x10;
	v8 =	vand.u32 $0xFFFF0000, v21;
	v10 =	vld [tilespmem:s8+$0x8130]  }
0x55: {  	v18 =	vshll.u32 v17, $0x10  }
0x56: {  	v17 =	vand.u32 $0xFFFF0000, v17;
	v19 =	vshll.u32 v16, $0x10;
	v6 =	vadd.f32 v18, v6  }
0x57: {  	v16 =	vand.u32 $0xFFFF0000, v16;
	v7 =	vadd.f32 v17, v7;
	v4 =	vadd.f32 v19, v4  }
0x58: {  	p0 =	seq.s32 s15, $0x0;
	v5 =	vadd.f32 v16, v5;
	v6 =	vadd.f32 v14, v6  }
0x59: {  	v17 =	vld [tilespmem:s8+$0x8170];
	s8 =	simm.s32 @!p0 $0x9;
	v16 =	vshll.u32 v12, $0x10;
	v7 =	vadd.f32 v15, v7;
	v4 =	vadd.f32 v11, v4  }
0x5a: {  	v12 =	vand.u32 $0xFFFF0000, v12;
	_ =	swait.ge @!p0 [sflag:s8], $0x80;
	v5 =	vadd.f32 v13, v5;
	v2 =	vadd.f32 v16, v2  }
0x5b: {  	v3 =	vadd.f32 v12, v3;
	[sflag:s8] =	ssyncset.done @!p0 $0x0;
	v14 =	vshll.u32 v10, $0x10;
	v6 =	vmul.f32 $4.999999890e-03, v6  }
0x5c: {  	v10 =	vand.u32 $0xFFFF0000, v10;
	[sflag:s8] =	ssyncadd.s32 @!p0 $0xFFFFFF80;
	v1 =	vadd.f32 v14, v1;
	v7 =	vmul.f32 $4.999999890e-03, v7  }
0x5d: {  	v0 =	vadd.f32 v10, v0;
	v2 =	vadd.f32 v9, v2;
	v4 =	vmul.f32 $4.999999890e-03, v4;
	[tilespmem:$0x13000] =	vst v6  }
0x5e: {  	v3 =	vadd.f32 v8, v3;
	v5 =	vmul.f32 $4.999999890e-03, v5;
	v6 =	vshll.u32 v17, $0x10;
	[tilespmem:$0x13010] =	vst v7  }
0x5f: {  	v7 =	vand.u32 $0xFFFF0000, v17;
	[tilespmem:$0x13020] =	vst v4;
	v2 =	vmul.f32 $4.999999890e-03, v2;
	v1 =	vadd.f32 v6, v1  }
0x60: {  	[tilespmem:$0x13030] =	vst v5;
	v3 =	vmul.f32 $4.999999890e-03, v3;
	v0 =	vadd.f32 v7, v0  }
0x61: {  	[tilespmem:$0x13040] =	vst v2;
	v1 =	vmul.f32 $4.999999890e-03, v1  }
0x62: {  	s11 =	sadd.s32 s3, s7;
	[tilespmem:$0x13050] =	vst v3;
	v0 =	vmul.f32 $4.999999890e-03, v0  }
0x63: {  	s8 =	sshll.u32 s11, $0x4;
	[tilespmem:$0x13060] =	vst v1  }
0x64: {  	s10 =	simm.s32 $0x0;
	s8 =	sadd.s32 s2, s8;
	[tilespmem:$0x13070] =	vst v0  }
0x65: {  	[hbm4b:s8+s10] =	stream.linear.scatter [tilespmem:s23], [sflag:$0x9], $0x80, $0x38;
	[tilespmem:$0x13200] =	vst v63  }
0x66: {  	_ =	swait.ge [sflag:s24], $0x1900  }
0x67: {  	[sflag:s24] =	ssyncset.done $0x0  }
0x68: {  	s8 =	simm.s32 $0x0;
	[sflag:s24] =	ssyncadd.s32 $0xFFFFE700  }
0x69: {  	v0 =	vld [tilespmem:s8+$0x9A40]  }
0x6a: {  	v1 =	vld [tilespmem:s8+$0x9A50]  }
0x6b: {  	v2 =	vld [tilespmem:s8+$0x9A60]  }
0x6c: {  	v17 =	vld [tilespmem:s8+$0x9A00]  }
0x6d: {  	v12 =	vimm.f32 $0.0e+00;
	v14 =	vimm.f32 $0.0e+00;
	v16 =	vld [tilespmem:s8+$0x9A10]  }
0x6e: {  	v9 =	vimm.f32 $0.0e+00;
	v8 =	vimm.f32 $0.0e+00;
	v5 =	vimm.f32 $0.0e+00  }
0x6f: {  	v7 =	vimm.f32 $0.0e+00;
	v3 =	vimm.f32 $0.0e+00;
	v15 =	vld [tilespmem:s8+$0x9A20];
	v6 =	vshll.u32 v0, $0x10  }
0x70: {  	v13 =	vand.u32 $0xFFFF0000, v0;
	v4 =	vshll.u32 v1, $0x10;
	v11 =	vand.u32 $0xFFFF0000, v1  }
0x71: {  	s10 =	simm.s32 $0x200;
	v10 =	vld [tilespmem:s8+$0x9A30];
	v0 =	vshll.u32 v2, $0x10;
	v1 =	vand.u32 $0xFFFF0000, v2;
	v2 =	vimm.f32 $0.0e+00  }
.LBB2_7:
0x72: {  	p1 =	sne.s32 s10, $0x6200;
	v18 =	vshll.u32 v17, $0x10;
	v17 =	vand.u32 $0xFFFF0000, v17;
	v19 =	vshll.u32 v16, $0x10  }
0x73: {  	v16 =	vand.u32 $0xFFFF0000, v16;
	v5 =	vadd.f32 v18, v5;
	v14 =	vadd.f32 v17, v14;
	v18 =	vld [tilespmem:s8+$0x9A70];
	s8 =	sshra.s32 s10, $0x2  }
0x74: {  	v7 =	vadd.f32 v19, v7;
	v12 =	vadd.f32 v16, v12;
	v20 =	vld [tilespmem:s8+$0x9A40];
	v16 =	vshll.u32 v15, $0x10  }
0x75: {  	v15 =	vand.u32 $0xFFFF0000, v15;
	v19 =	vld [tilespmem:s8+$0x9A50];
	v5 =	vadd.f32 v6, v5;
	v14 =	vadd.f32 v13, v14  }
0x76: {  	v7 =	vadd.f32 v4, v7;
	v12 =	vadd.f32 v11, v12;
	v21 =	vld [tilespmem:s8+$0x9A60];
	v6 =	vshll.u32 v10, $0x10  }
0x77: {  	v2 =	vadd.f32 v16, v2;
	v4 =	vadd.f32 v15, v9;
	v9 =	vand.u32 $0xFFFF0000, v10;
	v17 =	vld [tilespmem:s8+$0x9A00]  }
.Ltmp2:
0x78: {  	v3 =	vadd.f32 v6, v3;
	v6 =	vadd.f32 v9, v8;
	v16 =	vld [tilespmem:s8+$0x9A10];
	v8 =	vshll.u32 v18, $0x10;
	(pc) =	sbr.rel @p1 .LBB2_7-.Ltmp2, $4  }
0x79: {  	v2 =	vadd.f32 v0, v2;
	v9 =	vadd.f32 v1, v4;
	v0 =	vand.u32 $0xFFFF0000, v18  }
0x7a: {  	v3 =	vadd.f32 v8, v3;
	v8 =	vadd.f32 v0, v6;
	v15 =	vld [tilespmem:s8+$0x9A20]  }
0x7b: {  	v6 =	vshll.u32 v20, $0x10;
	v13 =	vand.u32 $0xFFFF0000, v20;
	v4 =	vshll.u32 v19, $0x10  }
0x7c: {  	s10 =	sadd.s32 $0x200, s10;
	v11 =	vand.u32 $0xFFFF0000, v19;
	v0 =	vshll.u32 v21, $0x10;
	v1 =	vand.u32 $0xFFFF0000, v21;
	v10 =	vld [tilespmem:s8+$0x9A30]  }
0x7d: {  	v18 =	vshll.u32 v17, $0x10;
	v19 =	vld [tilespmem:s8+$0x9A70];
	v17 =	vand.u32 $0xFFFF0000, v17;
	_ =	swait.ge [sflag:s25], $0x1900  }
0x7e: {  	v5 =	vadd.f32 v18, v5;
	v18 =	vshll.u32 v16, $0x10;
	v14 =	vadd.f32 v17, v14;
	[sflag:s25] =	ssyncset.done $0x0  }
0x7f: {  	s8 =	simm.s32 $0x0;
	v16 =	vand.u32 $0xFFFF0000, v16;
	v17 =	vadd.f32 v18, v7;
	[sflag:s25] =	ssyncadd.s32 $0xFFFFE700  }
0x80: {  	v12 =	vadd.f32 v16, v12;
	v7 =	vadd.f32 v13, v14;
	v13 =	vld [tilespmem:s8+$0xB340]  }
0x81: {  	v16 =	vshll.u32 v15, $0x10;
	v15 =	vand.u32 $0xFFFF0000, v15;
	v6 =	vadd.f32 v6, v5;
	v18 =	vld [tilespmem:s8+$0xB350]  }
0x82: {  	v2 =	vadd.f32 v16, v2;
	v9 =	vadd.f32 v15, v9;
	v20 =	vld [tilespmem:s8+$0xB360];
	v14 =	vshll.u32 v10, $0x10  }
0x83: {  	v16 =	vld [tilespmem:s8+$0xB310];
	v4 =	vadd.f32 v4, v17;
	v5 =	vadd.f32 v11, v12;
	v10 =	vand.u32 $0xFFFF0000, v10  }
0x84: {  	v17 =	vld [tilespmem:s8+$0xB300];
	v11 =	vadd.f32 v14, v3;
	v8 =	vadd.f32 v10, v8;
	v10 =	vshll.u32 v19, $0x10  }
0x85: {  	v2 =	vadd.f32 v0, v2;
	v3 =	vadd.f32 v1, v9;
	v0 =	vand.u32 $0xFFFF0000, v19  }
0x86: {  	v12 =	vld [tilespmem:s8+$0xB320];
	v1 =	vadd.f32 v10, v11;
	v0 =	vadd.f32 v0, v8  }
0x87: {  	v14 =	vshll.u32 v13, $0x10;
	v15 =	vand.u32 $0xFFFF0000, v13;
	v11 =	vshll.u32 v18, $0x10  }
0x88: {  	s10 =	simm.s32 $0x200;
	v10 =	vld [tilespmem:s8+$0xB330];
	v13 =	vand.u32 $0xFFFF0000, v18;
	v9 =	vshll.u32 v20, $0x10;
	v8 =	vand.u32 $0xFFFF0000, v20  }
.LBB2_9:
0x89: {  	p1 =	sne.s32 s10, $0x6200;
	v18 =	vshll.u32 v17, $0x10;
	v17 =	vand.u32 $0xFFFF0000, v17;
	v19 =	vshll.u32 v16, $0x10  }
0x8a: {  	v16 =	vand.u32 $0xFFFF0000, v16;
	v6 =	vadd.f32 v18, v6;
	v7 =	vadd.f32 v17, v7;
	v18 =	vld [tilespmem:s8+$0xB370];
	s8 =	sshra.s32 s10, $0x2  }
0x8b: {  	v4 =	vadd.f32 v19, v4;
	v5 =	vadd.f32 v16, v5;
	v20 =	vld [tilespmem:s8+$0xB340];
	v16 =	vshll.u32 v12, $0x10  }
0x8c: {  	v12 =	vand.u32 $0xFFFF0000, v12;
	v19 =	vld [tilespmem:s8+$0xB350];
	v6 =	vadd.f32 v14, v6;
	v7 =	vadd.f32 v15, v7  }
0x8d: {  	v4 =	vadd.f32 v11, v4;
	v5 =	vadd.f32 v13, v5;
	v21 =	vld [tilespmem:s8+$0xB360];
	v14 =	vshll.u32 v10, $0x10  }
0x8e: {  	v2 =	vadd.f32 v16, v2;
	v3 =	vadd.f32 v12, v3;
	v10 =	vand.u32 $0xFFFF0000, v10;
	v17 =	vld [tilespmem:s8+$0xB300]  }
.Ltmp3:
0x8f: {  	v1 =	vadd.f32 v14, v1;
	v0 =	vadd.f32 v10, v0;
	v16 =	vld [tilespmem:s8+$0xB310];
	v10 =	vshll.u32 v18, $0x10;
	(pc) =	sbr.rel @p1 .LBB2_9-.Ltmp3, $4  }
0x90: {  	v2 =	vadd.f32 v9, v2;
	v3 =	vadd.f32 v8, v3;
	v8 =	vand.u32 $0xFFFF0000, v18  }
0x91: {  	v1 =	vadd.f32 v10, v1;
	v0 =	vadd.f32 v8, v0;
	v12 =	vld [tilespmem:s8+$0xB320]  }
0x92: {  	v14 =	vshll.u32 v20, $0x10;
	v15 =	vand.u32 $0xFFFF0000, v20;
	v11 =	vshll.u32 v19, $0x10  }
0x93: {  	s10 =	sadd.s32 $0x200, s10;
	v13 =	vand.u32 $0xFFFF0000, v19;
	v9 =	vshll.u32 v21, $0x10;
	v8 =	vand.u32 $0xFFFF0000, v21;
	v10 =	vld [tilespmem:s8+$0xB330]  }
0x94: {  	v18 =	vshll.u32 v17, $0x10  }
0x95: {  	v17 =	vand.u32 $0xFFFF0000, v17;
	v19 =	vshll.u32 v16, $0x10;
	v6 =	vadd.f32 v18, v6  }
0x96: {  	v16 =	vand.u32 $0xFFFF0000, v16;
	v7 =	vadd.f32 v17, v7;
	v4 =	vadd.f32 v19, v4  }
0x97: {  	v5 =	vadd.f32 v16, v5;
	v6 =	vadd.f32 v14, v6  }
0x98: {  	v17 =	vld [tilespmem:s8+$0xB370];
	s8 =	simm.s32 @!p0 $0xA;
	v16 =	vshll.u32 v12, $0x10;
	v7 =	vadd.f32 v15, v7;
	v4 =	vadd.f32 v11, v4  }
0x99: {  	v12 =	vand.u32 $0xFFFF0000, v12;
	_ =	swait.ge @!p0 [sflag:s8], $0x80;
	v5 =	vadd.f32 v13, v5;
	v2 =	vadd.f32 v16, v2  }
0x9a: {  	v3 =	vadd.f32 v12, v3;
	[sflag:s8] =	ssyncset.done @!p0 $0x0;
	v14 =	vshll.u32 v10, $0x10;
	v6 =	vmul.f32 $4.999999890e-03, v6  }
0x9b: {  	v10 =	vand.u32 $0xFFFF0000, v10;
	[sflag:s8] =	ssyncadd.s32 @!p0 $0xFFFFFF80;
	v1 =	vadd.f32 v14, v1;
	v7 =	vmul.f32 $4.999999890e-03, v7  }
0x9c: {  	v0 =	vadd.f32 v10, v0;
	v2 =	vadd.f32 v9, v2;
	v4 =	vmul.f32 $4.999999890e-03, v4;
	[tilespmem:$0x13080] =	vst v6  }
0x9d: {  	v3 =	vadd.f32 v8, v3;
	v5 =	vmul.f32 $4.999999890e-03, v5;
	v6 =	vshll.u32 v17, $0x10;
	[tilespmem:$0x13090] =	vst v7  }
0x9e: {  	v7 =	vand.u32 $0xFFFF0000, v17;
	[tilespmem:$0x130A0] =	vst v4;
	v2 =	vmul.f32 $4.999999890e-03, v2;
	v1 =	vadd.f32 v6, v1  }
0x9f: {  	[tilespmem:$0x130B0] =	vst v5;
	v3 =	vmul.f32 $4.999999890e-03, v3;
	v0 =	vadd.f32 v7, v0  }
0xa0: {  	s7 =	sor.u32 $0x1, s7;
	[tilespmem:$0x130C0] =	vst v2;
	v1 =	vmul.f32 $4.999999890e-03, v1  }
0xa1: {  	s7 =	sadd.s32 s3, s7;
	[tilespmem:$0x130D0] =	vst v3;
	v0 =	vmul.f32 $4.999999890e-03, v0  }
0xa2: {  	p1 =	seq.s32 s15, $0x1F;
	s7 =	sshll.u32 s7, $0x4;
	[tilespmem:$0x130E0] =	vst v1  }
0xa3: {  	s7 =	sadd.s32 s2, s7;
	s8 =	smul.u32 @!p1 $0xD00, s15;
	[tilespmem:$0x130F0] =	vst v0  }
0xa4: {  	[hbm4b:s7+s4] =	stream.linear.scatter [tilespmem:s26], [sflag:$0xA], $0x80, $0x38;
	[tilespmem:$0x13200] =	vst v63  }
0xa5: {  	s7 =	sshra.s32 @!p1 s8, $0x2  }
0xa6: {  	s10 =	simm.s32 @!p1 $0x64;
	s11 =	simm.s32 @!p1 $0x6800;
	s8 =	sadd.s32 @!p1 $0x340, s7  }
0xa7: {  	[tilespmem:s11], [sflag:$0x1] =	stream.indirect.gather @!p1 [hbm4b:s5+s10], $0x40, s8, s10, $0xb8;
	[tilespmem:$0x13200] =	vst v63  }
0xa8: {  	s8 =	sadd.s32 @!p1 $0x3A8, s7;
	s11 =	simm.s32 @!p1 $0x8100  }
0xa9: {  	[tilespmem:s11], [sflag:$0x2] =	stream.indirect.gather @!p1 [hbm4b:s5+s10], $0x40, s8, s10, $0xb8;
	[tilespmem:$0x13200] =	vst v63  }
0xaa: {  	s8 =	sadd.s32 @!p1 $0x410, s7;
	s11 =	simm.s32 @!p1 $0x9A00  }
0xab: {  	[tilespmem:s11], [sflag:$0x3] =	stream.indirect.gather @!p1 [hbm4b:s5+s10], $0x40, s8, s10, $0xb8;
	[tilespmem:$0x13200] =	vst v63  }
0xac: {  	s7 =	sadd.s32 @!p1 $0x478, s7;
	s8 =	simm.s32 @!p1 $0xB300  }
0xad: {  	[tilespmem:s8], [sflag:$0x4] =	stream.indirect.gather @!p1 [hbm4b:s5+s10], $0x40, s7, s10, $0xb8;
	[tilespmem:$0x13200] =	vst v63  }
0xae: {  	_ =	swait.ge [sflag:s28], $0x1900  }
0xaf: {  	[sflag:s28] =	ssyncset.done $0x0  }
0xb0: {  	s7 =	simm.s32 $0x0;
	[sflag:s28] =	ssyncadd.s32 $0xFFFFE700  }
0xb1: {  	v0 =	vld [tilespmem:s7+$0xCC40]  }
0xb2: {  	v1 =	vld [tilespmem:s7+$0xCC50]  }
0xb3: {  	v2 =	vld [tilespmem:s7+$0xCC60]  }
0xb4: {  	v17 =	vld [tilespmem:s7+$0xCC00]  }
0xb5: {  	v12 =	vimm.f32 $0.0e+00;
	v14 =	vimm.f32 $0.0e+00;
	v16 =	vld [tilespmem:s7+$0xCC10]  }
0xb6: {  	v9 =	vimm.f32 $0.0e+00;
	v8 =	vimm.f32 $0.0e+00;
	v5 =	vimm.f32 $0.0e+00  }
0xb7: {  	v7 =	vimm.f32 $0.0e+00;
	v3 =	vimm.f32 $0.0e+00;
	v15 =	vld [tilespmem:s7+$0xCC20];
	v6 =	vshll.u32 v0, $0x10  }
0xb8: {  	v13 =	vand.u32 $0xFFFF0000, v0;
	v4 =	vshll.u32 v1, $0x10;
	v11 =	vand.u32 $0xFFFF0000, v1  }
0xb9: {  	s8 =	simm.s32 $0x200;
	v10 =	vld [tilespmem:s7+$0xCC30];
	v0 =	vshll.u32 v2, $0x10;
	v1 =	vand.u32 $0xFFFF0000, v2;
	v2 =	vimm.f32 $0.0e+00  }
.LBB2_11:
0xba: {  	p1 =	sne.s32 s8, $0x6200;
	v18 =	vshll.u32 v17, $0x10;
	v17 =	vand.u32 $0xFFFF0000, v17;
	v19 =	vshll.u32 v16, $0x10  }
0xbb: {  	v16 =	vand.u32 $0xFFFF0000, v16;
	v5 =	vadd.f32 v18, v5;
	v14 =	vadd.f32 v17, v14;
	v18 =	vld [tilespmem:s7+$0xCC70];
	s7 =	sshra.s32 s8, $0x2  }
0xbc: {  	v7 =	vadd.f32 v19, v7;
	v12 =	vadd.f32 v16, v12;
	v20 =	vld [tilespmem:s7+$0xCC40];
	v16 =	vshll.u32 v15, $0x10  }
0xbd: {  	v15 =	vand.u32 $0xFFFF0000, v15;
	v19 =	vld [tilespmem:s7+$0xCC50];
	v5 =	vadd.f32 v6, v5;
	v14 =	vadd.f32 v13, v14  }
0xbe: {  	v7 =	vadd.f32 v4, v7;
	v12 =	vadd.f32 v11, v12;
	v21 =	vld [tilespmem:s7+$0xCC60];
	v6 =	vshll.u32 v10, $0x10  }
0xbf: {  	v2 =	vadd.f32 v16, v2;
	v4 =	vadd.f32 v15, v9;
	v9 =	vand.u32 $0xFFFF0000, v10;
	v17 =	vld [tilespmem:s7+$0xCC00]  }
.Ltmp4:
0xc0: {  	v3 =	vadd.f32 v6, v3;
	v6 =	vadd.f32 v9, v8;
	v16 =	vld [tilespmem:s7+$0xCC10];
	v8 =	vshll.u32 v18, $0x10;
	(pc) =	sbr.rel @p1 .LBB2_11-.Ltmp4, $4  }
0xc1: {  	v2 =	vadd.f32 v0, v2;
	v9 =	vadd.f32 v1, v4;
	v0 =	vand.u32 $0xFFFF0000, v18  }
0xc2: {  	v3 =	vadd.f32 v8, v3;
	v8 =	vadd.f32 v0, v6;
	v15 =	vld [tilespmem:s7+$0xCC20]  }
0xc3: {  	v6 =	vshll.u32 v20, $0x10;
	v13 =	vand.u32 $0xFFFF0000, v20;
	v4 =	vshll.u32 v19, $0x10  }
0xc4: {  	s8 =	sadd.s32 $0x200, s8;
	v11 =	vand.u32 $0xFFFF0000, v19;
	v0 =	vshll.u32 v21, $0x10;
	v1 =	vand.u32 $0xFFFF0000, v21;
	v10 =	vld [tilespmem:s7+$0xCC30]  }
0xc5: {  	v18 =	vshll.u32 v17, $0x10;
	v19 =	vld [tilespmem:s7+$0xCC70];
	v17 =	vand.u32 $0xFFFF0000, v17;
	_ =	swait.ge [sflag:s29], $0x1900  }
0xc6: {  	v5 =	vadd.f32 v18, v5;
	v18 =	vshll.u32 v16, $0x10;
	v14 =	vadd.f32 v17, v14;
	[sflag:s29] =	ssyncset.done $0x0  }
0xc7: {  	s7 =	simm.s32 $0x0;
	v16 =	vand.u32 $0xFFFF0000, v16;
	v17 =	vadd.f32 v18, v7;
	[sflag:s29] =	ssyncadd.s32 $0xFFFFE700  }
0xc8: {  	v12 =	vadd.f32 v16, v12;
	v7 =	vadd.f32 v13, v14;
	v13 =	vld [tilespmem:s7+$0xE540]  }
0xc9: {  	v16 =	vshll.u32 v15, $0x10;
	v15 =	vand.u32 $0xFFFF0000, v15;
	v6 =	vadd.f32 v6, v5;
	v18 =	vld [tilespmem:s7+$0xE550]  }
0xca: {  	v2 =	vadd.f32 v16, v2;
	v9 =	vadd.f32 v15, v9;
	v20 =	vld [tilespmem:s7+$0xE560];
	v14 =	vshll.u32 v10, $0x10  }
0xcb: {  	v16 =	vld [tilespmem:s7+$0xE510];
	v4 =	vadd.f32 v4, v17;
	v5 =	vadd.f32 v11, v12;
	v10 =	vand.u32 $0xFFFF0000, v10  }
0xcc: {  	v17 =	vld [tilespmem:s7+$0xE500];
	v11 =	vadd.f32 v14, v3;
	v8 =	vadd.f32 v10, v8;
	v10 =	vshll.u32 v19, $0x10  }
0xcd: {  	v2 =	vadd.f32 v0, v2;
	v3 =	vadd.f32 v1, v9;
	v0 =	vand.u32 $0xFFFF0000, v19  }
0xce: {  	v12 =	vld [tilespmem:s7+$0xE520];
	v1 =	vadd.f32 v10, v11;
	v0 =	vadd.f32 v0, v8  }
0xcf: {  	v14 =	vshll.u32 v13, $0x10;
	v15 =	vand.u32 $0xFFFF0000, v13;
	v11 =	vshll.u32 v18, $0x10  }
0xd0: {  	s8 =	simm.s32 $0x200;
	v10 =	vld [tilespmem:s7+$0xE530];
	v13 =	vand.u32 $0xFFFF0000, v18;
	v9 =	vshll.u32 v20, $0x10;
	v8 =	vand.u32 $0xFFFF0000, v20  }
.LBB2_13:
0xd1: {  	p1 =	sne.s32 s8, $0x6200;
	v18 =	vshll.u32 v17, $0x10;
	v17 =	vand.u32 $0xFFFF0000, v17;
	v19 =	vshll.u32 v16, $0x10  }
0xd2: {  	v16 =	vand.u32 $0xFFFF0000, v16;
	v6 =	vadd.f32 v18, v6;
	v7 =	vadd.f32 v17, v7;
	v18 =	vld [tilespmem:s7+$0xE570];
	s7 =	sshra.s32 s8, $0x2  }
0xd3: {  	v4 =	vadd.f32 v19, v4;
	v5 =	vadd.f32 v16, v5;
	v20 =	vld [tilespmem:s7+$0xE540];
	v16 =	vshll.u32 v12, $0x10  }
0xd4: {  	v12 =	vand.u32 $0xFFFF0000, v12;
	v19 =	vld [tilespmem:s7+$0xE550];
	v6 =	vadd.f32 v14, v6;
	v7 =	vadd.f32 v15, v7  }
0xd5: {  	v4 =	vadd.f32 v11, v4;
	v5 =	vadd.f32 v13, v5;
	v21 =	vld [tilespmem:s7+$0xE560];
	v14 =	vshll.u32 v10, $0x10  }
0xd6: {  	v2 =	vadd.f32 v16, v2;
	v3 =	vadd.f32 v12, v3;
	v10 =	vand.u32 $0xFFFF0000, v10;
	v17 =	vld [tilespmem:s7+$0xE500]  }
.Ltmp5:
0xd7: {  	v1 =	vadd.f32 v14, v1;
	v0 =	vadd.f32 v10, v0;
	v16 =	vld [tilespmem:s7+$0xE510];
	v10 =	vshll.u32 v18, $0x10;
	(pc) =	sbr.rel @p1 .LBB2_13-.Ltmp5, $4  }
0xd8: {  	v2 =	vadd.f32 v9, v2;
	v3 =	vadd.f32 v8, v3;
	v8 =	vand.u32 $0xFFFF0000, v18  }
0xd9: {  	v1 =	vadd.f32 v10, v1;
	v0 =	vadd.f32 v8, v0;
	v12 =	vld [tilespmem:s7+$0xE520]  }
0xda: {  	v14 =	vshll.u32 v20, $0x10;
	v15 =	vand.u32 $0xFFFF0000, v20;
	v11 =	vshll.u32 v19, $0x10  }
0xdb: {  	s8 =	sadd.s32 $0x200, s8;
	v13 =	vand.u32 $0xFFFF0000, v19;
	v9 =	vshll.u32 v21, $0x10;
	v8 =	vand.u32 $0xFFFF0000, v21;
	v10 =	vld [tilespmem:s7+$0xE530]  }
0xdc: {  	v18 =	vshll.u32 v17, $0x10  }
0xdd: {  	v17 =	vand.u32 $0xFFFF0000, v17;
	v19 =	vshll.u32 v16, $0x10;
	v6 =	vadd.f32 v18, v6  }
0xde: {  	v16 =	vand.u32 $0xFFFF0000, v16;
	v7 =	vadd.f32 v17, v7;
	v4 =	vadd.f32 v19, v4  }
0xdf: {  	v5 =	vadd.f32 v16, v5;
	v6 =	vadd.f32 v14, v6  }
0xe0: {  	v17 =	vld [tilespmem:s7+$0xE570];
	s7 =	simm.s32 @!p0 $0xB;
	v16 =	vshll.u32 v12, $0x10;
	v7 =	vadd.f32 v15, v7;
	v4 =	vadd.f32 v11, v4  }
0xe1: {  	v12 =	vand.u32 $0xFFFF0000, v12;
	_ =	swait.ge @!p0 [sflag:s7], $0x80;
	v5 =	vadd.f32 v13, v5;
	v2 =	vadd.f32 v16, v2  }
0xe2: {  	v3 =	vadd.f32 v12, v3;
	[sflag:s7] =	ssyncset.done @!p0 $0x0;
	v14 =	vshll.u32 v10, $0x10;
	v6 =	vmul.f32 $4.999999890e-03, v6  }
0xe3: {  	v10 =	vand.u32 $0xFFFF0000, v10;
	[sflag:s7] =	ssyncadd.s32 @!p0 $0xFFFFFF80;
	v1 =	vadd.f32 v14, v1;
	v7 =	vmul.f32 $4.999999890e-03, v7  }
0xe4: {  	v0 =	vadd.f32 v10, v0;
	v2 =	vadd.f32 v9, v2;
	v4 =	vmul.f32 $4.999999890e-03, v4;
	[tilespmem:$0x13100] =	vst v6  }
0xe5: {  	v3 =	vadd.f32 v8, v3;
	v5 =	vmul.f32 $4.999999890e-03, v5;
	v6 =	vshll.u32 v17, $0x10;
	[tilespmem:$0x13110] =	vst v7  }
0xe6: {  	v7 =	vand.u32 $0xFFFF0000, v17;
	[tilespmem:$0x13120] =	vst v4;
	v2 =	vmul.f32 $4.999999890e-03, v2;
	v1 =	vadd.f32 v6, v1  }
0xe7: {  	[tilespmem:$0x13130] =	vst v5;
	v3 =	vmul.f32 $4.999999890e-03, v3;
	v0 =	vadd.f32 v7, v0  }
0xe8: {  	[tilespmem:$0x13140] =	vst v2;
	v1 =	vmul.f32 $4.999999890e-03, v1  }
0xe9: {  	s6 =	sadd.s32 s3, s6;
	[tilespmem:$0x13150] =	vst v3;
	v0 =	vmul.f32 $4.999999890e-03, v0  }
0xea: {  	s6 =	sshll.u32 s6, $0x4;
	[tilespmem:$0x13160] =	vst v1  }
0xeb: {  	s11 =	simm.s32 $0x0;
	s6 =	sadd.s32 s2, s6;
	[tilespmem:$0x13170] =	vst v0  }
0xec: {  	[hbm4b:s6+s11] =	stream.linear.scatter [tilespmem:s30], [sflag:$0xB], $0x80, $0x38;
	[tilespmem:$0x13200] =	vst v63  }
0xed: {  	_ =	swait.ge [sflag:s31], $0x1900  }
0xee: {  	[sflag:s31] =	ssyncset.done $0x0  }
0xef: {  	s6 =	simm.s32 $0x0;
	[sflag:s31] =	ssyncadd.s32 $0xFFFFE700  }
0xf0: {  	v0 =	vld [tilespmem:s6+$0xFE40]  }
0xf1: {  	v1 =	vld [tilespmem:s6+$0xFE50]  }
0xf2: {  	v2 =	vld [tilespmem:s6+$0xFE60]  }
0xf3: {  	v17 =	vld [tilespmem:s6+$0xFE00]  }
0xf4: {  	v12 =	vimm.f32 $0.0e+00;
	v14 =	vimm.f32 $0.0e+00;
	v16 =	vld [tilespmem:s6+$0xFE10]  }
0xf5: {  	v9 =	vimm.f32 $0.0e+00;
	v8 =	vimm.f32 $0.0e+00;
	v5 =	vimm.f32 $0.0e+00  }
0xf6: {  	v7 =	vimm.f32 $0.0e+00;
	v3 =	vimm.f32 $0.0e+00;
	v15 =	vld [tilespmem:s6+$0xFE20];
	v6 =	vshll.u32 v0, $0x10  }
0xf7: {  	v13 =	vand.u32 $0xFFFF0000, v0;
	v4 =	vshll.u32 v1, $0x10;
	v11 =	vand.u32 $0xFFFF0000, v1  }
0xf8: {  	s7 =	simm.s32 $0x200;
	v10 =	vld [tilespmem:s6+$0xFE30];
	v0 =	vshll.u32 v2, $0x10;
	v1 =	vand.u32 $0xFFFF0000, v2;
	v2 =	vimm.f32 $0.0e+00  }
.LBB2_15:
0xf9: {  	p1 =	sne.s32 s7, $0x6200;
	v18 =	vshll.u32 v17, $0x10;
	v17 =	vand.u32 $0xFFFF0000, v17;
	v19 =	vshll.u32 v16, $0x10  }
0xfa: {  	v16 =	vand.u32 $0xFFFF0000, v16;
	v5 =	vadd.f32 v18, v5;
	v14 =	vadd.f32 v17, v14;
	v18 =	vld [tilespmem:s6+$0xFE70];
	s6 =	sshra.s32 s7, $0x2  }
0xfb: {  	v7 =	vadd.f32 v19, v7;
	v12 =	vadd.f32 v16, v12;
	v20 =	vld [tilespmem:s6+$0xFE40];
	v16 =	vshll.u32 v15, $0x10  }
0xfc: {  	v15 =	vand.u32 $0xFFFF0000, v15;
	v19 =	vld [tilespmem:s6+$0xFE50];
	v5 =	vadd.f32 v6, v5;
	v14 =	vadd.f32 v13, v14  }
0xfd: {  	v7 =	vadd.f32 v4, v7;
	v12 =	vadd.f32 v11, v12;
	v21 =	vld [tilespmem:s6+$0xFE60];
	v6 =	vshll.u32 v10, $0x10  }
0xfe: {  	v2 =	vadd.f32 v16, v2;
	v4 =	vadd.f32 v15, v9;
	v9 =	vand.u32 $0xFFFF0000, v10;
	v17 =	vld [tilespmem:s6+$0xFE00]  }
.Ltmp6:
0xff: {  	v3 =	vadd.f32 v6, v3;
	v6 =	vadd.f32 v9, v8;
	v16 =	vld [tilespmem:s6+$0xFE10];
	v8 =	vshll.u32 v18, $0x10;
	(pc) =	sbr.rel @p1 .LBB2_15-.Ltmp6, $4  }
0x100: {  	v2 =	vadd.f32 v0, v2;
	v9 =	vadd.f32 v1, v4;
	v0 =	vand.u32 $0xFFFF0000, v18  }
0x101: {  	v3 =	vadd.f32 v8, v3;
	v8 =	vadd.f32 v0, v6;
	v15 =	vld [tilespmem:s6+$0xFE20]  }
0x102: {  	v6 =	vshll.u32 v20, $0x10;
	v13 =	vand.u32 $0xFFFF0000, v20;
	v4 =	vshll.u32 v19, $0x10  }
0x103: {  	s7 =	sadd.s32 $0x200, s7;
	v11 =	vand.u32 $0xFFFF0000, v19;
	v0 =	vshll.u32 v21, $0x10;
	v1 =	vand.u32 $0xFFFF0000, v21;
	v10 =	vld [tilespmem:s6+$0xFE30]  }
0x104: {  	v18 =	vshll.u32 v17, $0x10;
	v19 =	vld [tilespmem:s6+$0xFE70];
	v17 =	vand.u32 $0xFFFF0000, v17;
	_ =	swait.ge [sflag:s1], $0x1900  }
0x105: {  	v5 =	vadd.f32 v18, v5;
	v18 =	vshll.u32 v16, $0x10;
	v14 =	vadd.f32 v17, v14;
	[sflag:s1] =	ssyncset.done $0x0  }
0x106: {  	s6 =	simm.s32 $0x0;
	v16 =	vand.u32 $0xFFFF0000, v16;
	v17 =	vadd.f32 v18, v7;
	[sflag:s1] =	ssyncadd.s32 $0xFFFFE700  }
0x107: {  	v12 =	vadd.f32 v16, v12;
	v7 =	vadd.f32 v13, v14;
	v13 =	vld [tilespmem:s6+$0x11740]  }
0x108: {  	v16 =	vshll.u32 v15, $0x10;
	v15 =	vand.u32 $0xFFFF0000, v15;
	v6 =	vadd.f32 v6, v5;
	v18 =	vld [tilespmem:s6+$0x11750]  }
0x109: {  	v2 =	vadd.f32 v16, v2;
	v9 =	vadd.f32 v15, v9;
	v20 =	vld [tilespmem:s6+$0x11760];
	v14 =	vshll.u32 v10, $0x10  }
0x10a: {  	v16 =	vld [tilespmem:s6+$0x11710];
	v4 =	vadd.f32 v4, v17;
	v5 =	vadd.f32 v11, v12;
	v10 =	vand.u32 $0xFFFF0000, v10  }
0x10b: {  	v17 =	vld [tilespmem:s6+$0x11700];
	v11 =	vadd.f32 v14, v3;
	v8 =	vadd.f32 v10, v8;
	v10 =	vshll.u32 v19, $0x10  }
0x10c: {  	v2 =	vadd.f32 v0, v2;
	v3 =	vadd.f32 v1, v9;
	v0 =	vand.u32 $0xFFFF0000, v19  }
0x10d: {  	v12 =	vld [tilespmem:s6+$0x11720];
	v1 =	vadd.f32 v10, v11;
	v0 =	vadd.f32 v0, v8  }
0x10e: {  	v14 =	vshll.u32 v13, $0x10;
	v15 =	vand.u32 $0xFFFF0000, v13;
	v11 =	vshll.u32 v18, $0x10  }
0x10f: {  	s7 =	simm.s32 $0x200;
	v10 =	vld [tilespmem:s6+$0x11730];
	v13 =	vand.u32 $0xFFFF0000, v18;
	v9 =	vshll.u32 v20, $0x10;
	v8 =	vand.u32 $0xFFFF0000, v20  }
.LBB2_17:
0x110: {  	p1 =	sne.s32 s7, $0x6200;
	v18 =	vshll.u32 v17, $0x10;
	v17 =	vand.u32 $0xFFFF0000, v17;
	v19 =	vshll.u32 v16, $0x10  }
0x111: {  	v16 =	vand.u32 $0xFFFF0000, v16;
	v6 =	vadd.f32 v18, v6;
	v7 =	vadd.f32 v17, v7;
	v18 =	vld [tilespmem:s6+$0x11770];
	s6 =	sshra.s32 s7, $0x2  }
0x112: {  	v4 =	vadd.f32 v19, v4;
	v5 =	vadd.f32 v16, v5;
	v20 =	vld [tilespmem:s6+$0x11740];
	v16 =	vshll.u32 v12, $0x10  }
0x113: {  	v12 =	vand.u32 $0xFFFF0000, v12;
	v19 =	vld [tilespmem:s6+$0x11750];
	v6 =	vadd.f32 v14, v6;
	v7 =	vadd.f32 v15, v7  }
0x114: {  	v4 =	vadd.f32 v11, v4;
	v5 =	vadd.f32 v13, v5;
	v21 =	vld [tilespmem:s6+$0x11760];
	v14 =	vshll.u32 v10, $0x10  }
0x115: {  	v2 =	vadd.f32 v16, v2;
	v3 =	vadd.f32 v12, v3;
	v10 =	vand.u32 $0xFFFF0000, v10;
	v17 =	vld [tilespmem:s6+$0x11700]  }
.Ltmp7:
0x116: {  	v1 =	vadd.f32 v14, v1;
	v0 =	vadd.f32 v10, v0;
	v16 =	vld [tilespmem:s6+$0x11710];
	v10 =	vshll.u32 v18, $0x10;
	(pc) =	sbr.rel @p1 .LBB2_17-.Ltmp7, $4  }
0x117: {  	v2 =	vadd.f32 v9, v2;
	v3 =	vadd.f32 v8, v3;
	v8 =	vand.u32 $0xFFFF0000, v18  }
0x118: {  	v1 =	vadd.f32 v10, v1;
	v0 =	vadd.f32 v8, v0;
	v12 =	vld [tilespmem:s6+$0x11720]  }
0x119: {  	v14 =	vshll.u32 v20, $0x10;
	v15 =	vand.u32 $0xFFFF0000, v20;
	v11 =	vshll.u32 v19, $0x10  }
0x11a: {  	s7 =	sadd.s32 $0x200, s7;
	v13 =	vand.u32 $0xFFFF0000, v19;
	v9 =	vshll.u32 v21, $0x10;
	v8 =	vand.u32 $0xFFFF0000, v21;
	v10 =	vld [tilespmem:s6+$0x11730]  }
0x11b: {  	v18 =	vshll.u32 v17, $0x10  }
0x11c: {  	v55 =	vand.u32 $0xFFFF0000, v17;
	v19 =	vshll.u32 v16, $0x10;
	v6 =	vadd.f32 v18, v6  }
0x11d: {  	v56 =	vand.u32 $0xFFFF0000, v16;
	v7 =	vadd.f32 v55, v7;
	v4 =	vadd.f32 v19, v4  }
0x11e: {  	v5 =	vadd.f32 v56, v5;
	v6 =	vadd.f32 v14, v6  }
0x11f: {  	v58 =	vld [tilespmem:s6+$0x11770];
	s6 =	simm.s32 @!p0 $0xC;
	v57 =	vshll.u32 v12, $0x10;
	v7 =	vadd.f32 v15, v7;
	v4 =	vadd.f32 v11, v4  }
0x120: {  	_ =	swait.ge @!p0 [sflag:s6], $0x80;
	v59 =	vand.u32 $0xFFFF0000, v12;
	v5 =	vadd.f32 v13, v5;
	v2 =	vadd.f32 v57, v2  }
0x121: {  	[sflag:s6] =	ssyncset.done @!p0 $0x0;
	v3 =	vadd.f32 v59, v3;
	v60 =	vshll.u32 v10, $0x10;
	v6 =	vmul.f32 $4.999999890e-03, v6  }
0x122: {  	[sflag:s6] =	ssyncadd.s32 @!p0 $0xFFFFFF80;
	v61 =	vand.u32 $0xFFFF0000, v10;
	v1 =	vadd.f32 v60, v1;
	v7 =	vmul.f32 $4.999999890e-03, v7  }
0x123: {  	v0 =	vadd.f32 v61, v0;
	v2 =	vadd.f32 v9, v2;
	v4 =	vmul.f32 $4.999999890e-03, v4;
	[tilespmem:$0x13180] =	vst v6  }
0x124: {  	v62 =	vshll.u32 v58, $0x10;
	v3 =	vadd.f32 v8, v3;
	v5 =	vmul.f32 $4.999999890e-03, v5;
	[tilespmem:$0x13190] =	vst v7  }
0x125: {  	s15 =	sadd.s32 $0x1, s15;
	v63 =	vand.u32 $0xFFFF0000, v58;
	v1 =	vadd.f32 v62, v1;
	[tilespmem:$0x131A0] =	vst v4;
	v2 =	vmul.f32 $4.999999890e-03, v2  }
0x126: {  	p0 =	sne.s32 s15, $0x20;
	v0 =	vadd.f32 v63, v0;
	[tilespmem:$0x131B0] =	vst v5;
	v3 =	vmul.f32 $4.999999890e-03, v3  }
.Ltmp8:
0x127: {  	[tilespmem:$0x131C0] =	vst v2;
	v1 =	vmul.f32 $4.999999890e-03, v1;
	(pc) =	sbr.rel @p0 .LBB2_2-.Ltmp8, $4  }
0x128: {  	s16 =	sadd.s32 s3, s16;
	[tilespmem:$0x131D0] =	vst v3;
	v0 =	vmul.f32 $4.999999890e-03, v0  }
0x129: {  	s6 =	sshll.u32 s16, $0x4;
	[tilespmem:$0x131E0] =	vst v1  }
0x12a: {  	s6 =	sadd.s32 s2, s6;
	[tilespmem:$0x131F0] =	vst v0  }
0x12b: {  	[hbm4b:s6+s4] =	stream.linear.scatter [tilespmem:s0], [sflag:$0xC], $0x80, $0x38;
	[tilespmem:$0x13200] =	vst v63  }
0x12c: {  	s6 =	simm.s32 $0x9  }
0x12d: {  	_ =	swait.ge [sflag:s6], $0x80  }
0x12e: {  	[sflag:s6] =	ssyncset.done $0x0  }
0x12f: {  	s15 =	simm.s32 $0xA;
	[sflag:s6] =	ssyncadd.s32 $0xFFFFFF80  }
0x130: {  	_ =	swait.ge [sflag:s15], $0x80  }
0x131: {  	[sflag:s15] =	ssyncset.done $0x0  }
0x132: {  	[sflag:s15] =	ssyncadd.s32 $0xFFFFFF80  }
0x133: {  	_ =	swait.ge [sflag:s12], $0x80  }
0x134: {  	[sflag:s12] =	ssyncset.done $0x0  }
0x135: {  	[sflag:s12] =	ssyncadd.s32 $0xFFFFFF80  }
0x136: {  	_ =	swait.ge [sflag:s13], $0x80  }
0x137: {  	s14 =	sadd.s32 $0x1, s14;
	s16 =	rddreg [dreg:$0x4]  }
0x138: {  	p0 =	sne.s32 s14, s16  }
.Ltmp9:
0x139: {  	_ = 	snop;
	(pc) =	sbr.rel @p0 .LBB2_1-.Ltmp9, $3  }
0x13a: {  	_ =	sdelay $0x1  }
0x13b: {  	[sflag:s13] =	ssyncset.done $0x0  }
0x13c: {  	[sflag:s13] =	ssyncadd.s32 $0xFFFFFF80  }
0x13d: {  	_ =	sfence.sel $0x180000  }
0x13e: {  	[bflag:$0x0] =	sbarrier.arrive $0xFFFF  }
0x13f: {  	_ =	strace $0x9000004A  }
0x140: {  	s0 =	stileid.u32;
	[bflag:$0x2] =	sbarrier.arrive $0xFFFF  }
0x141: {  	p0 =	sne.s32 s0, $0x0;
	s0 =	rddreg [dreg:$0x2]  }
0x142: {  	s0 =	sadd.s32 @!p0 $0x100000, s0  }
0x143: {  	[sflag:s0] =	ssyncadd.tile.s32 @!p0 $0x1;
	_ =	shalt  }
.Lfunc_end2:
_tile_overlayer_lowered:
.L_overlay_start_2:
0x144: {  	(tag) =	ssettag $0x2  }
0x145: {  	s0 =	rddreg [dreg:$0x0];
	s2 =	stileid.u32  }
0x146: {  	s1 =	rddreg [dreg:$0x1];
	p0 =	sne.s32 s2, $0x0  }
0x147: {  	s3 =	rddreg [dreg:$0x2];
	[bflag:$0x3] =	sbarrier.arrive $0xFFFF;
	s2 =	simm.s32 @!p0 $0x1C0D  }
0x148: {  	[timem:s3], [sflag:s2] =	dma.local @!p0 [hbm:s0], s1  }
0x149: {  	s0 =	simm.s32 @!p0 $0xD  }
0x14a: {  	_ =	swait.ge @!p0 [sflag:s0], s1  }
0x14b: {  	s1 =	ssub.s32 @!p0 $0x0, s1;
	[sflag:s0] =	ssyncset.done @!p0 $0x0  }
0x14c: {  	[sflag:s0] =	ssyncadd.s32 @!p0 s1  }
0x14d: {  	[bflag:$0x3] =	sbarrier.arrive $0xFFFF  }
0x14e: {  	_ =	shalt  }

</sc_bundles>
